<compile_context>
chip_gen: v7x
topology: tpu7x:2x2x1
jax: 0.10.2.dev20260603
libtpu: 0.0.44.dev20260713+nightly
codegen_flags: <defaults>
</compile_context>

<pallas_src>
import functools

import jax
import jax.numpy as jnp
from jax import lax
from jax.experimental import pallas as pl
from jax.experimental.pallas import tpu as pltpu
from jax.experimental.pallas import tpu_sc as plsc

_THRESH = 0.5
_B = 64
_N = 32768
_L = 16
_CHUNKS = _N // _L
_G = 16
_SEG = 16384
_NSEG = _N // _SEG
_SGRP = _SEG // _L // _G
_FILL_TOP = _CHUNKS - 11 * _SGRP


def _tec_body(probs_hbm, out_hbm, ring0, ring1, ov0, ov1,
              sin0, sin1, sout0, sout1):
    cid = lax.axis_index("c")
    sid = lax.axis_index("s")
    wid = sid * 2 + cid
    neg1 = jnp.full((_L,), -1, jnp.int32)
    zeros = jnp.zeros((_L,), jnp.int32)
    lane = lax.iota(jnp.int32, _L)
    nsplat = jnp.full((_L,), _N, jnp.int32)

    rows = [wid * 2, wid * 2 + 1]
    rings = [ring0, ring1]
    sins = [sin0, sin1]
    ovs = [ov0, ov1]
    souts = [sout0, sout1]

    def in_copy(q):
        r = rows[q // _NSEG]
        s = q % _NSEG
        return pltpu.make_async_copy(
            probs_hbm.at[r, pl.ds(s * _SEG, _SEG)],
            rings[q % 2], sins[q % 2])

    def compact_segment(buf, ov, carry, fill):
        def cbody(it, carry):
            blane, idxs = carry
            i0 = it * _G
            if fill:
                for k in range(11):
                    fc = (_CHUNKS - 1) - 11 * it - k
                    ov[pl.ds(fc * _L, _L)] = neg1
            vs = [buf[pl.ds((i0 + g) * _L, _L)] for g in range(_G)]
            ms = [v >= _THRESH for v in vs]
            cands = [
                plsc.bitcast(
                    jnp.where(m,
                              idxs + jnp.full((_L,), g * _L, jnp.int32),
                              neg1),
                    jnp.uint32)
                for g, m in enumerate(ms)
            ]
            sorted_vals = [plsc.bitcast(lax.sort(c, dimension=0), jnp.int32)
                           for c in cands]
            cnts = [plsc.all_reduce_population_count(m) for m in ms]
            blanes = [blane]
            for g in range(_G):
                blanes.append(blanes[g] + cnts[g])
            for g in range(_G):
                plsc.store_scatter(ov, [blanes[g]], sorted_vals[g])
            return (blanes[_G], idxs + jnp.full((_L,), _G * _L, jnp.int32))

        return lax.fori_loop(0, _SGRP, cbody, carry)

    def tail_fill(ov, count_splat):
        start = count_splat & jnp.full((_L,), ~(_L - 1), jnp.int32)
        tpos = start + lane
        tmask = jnp.logical_and(tpos >= count_splat, tpos < nsplat)
        plsc.store_scatter(ov, [tpos], neg1, mask=tmask)
        count = count_splat[0]
        kc1 = count // _L + 1
        sg = (kc1 + 15) // 16
        for k in range(15):
            ppos = (kc1 + k) * _L + lane
            pmask = jnp.logical_and(ppos < sg * 16 * _L, ppos < nsplat)
            plsc.store_scatter(ov, [ppos], neg1, mask=pmask)

        def fbody(j, carry):
            for k in range(16):
                ov[pl.ds((j * 16 + k) * _L, _L)] = neg1
            return carry

        lax.fori_loop(sg, _FILL_TOP // 16, fbody, 0)

    handles = {}
    for q in range(2):
        handles[q] = in_copy(q)
        handles[q].start()
    out_handles = []
    for ri in range(2):
        carry = (lane, lane)
        for s in range(_NSEG):
            q = ri * _NSEG + s
            handles[q].wait()
            carry = compact_segment(rings[q % 2], ovs[ri], carry, s == 0)
            if q + 2 < 2 * _NSEG:
                handles[q + 2] = in_copy(q + 2)
                handles[q + 2].start()
        tail_fill(ovs[ri], carry[0] - lane)
        h = pltpu.make_async_copy(ovs[ri], out_hbm.at[rows[ri]], souts[ri])
        h.start()
        out_handles.append(h)
    for h in out_handles:
        h.wait()


_fn_cache = []


def _get_fn():
    if not _fn_cache:
        mesh = plsc.VectorSubcoreMesh(core_axis_name="c",
                                      subcore_axis_name="s")
        fn = functools.partial(
            pl.kernel,
            out_type=jax.ShapeDtypeStruct((_B, _N), jnp.int32),
            mesh=mesh,
            scratch_types=[
                pltpu.VMEM((_SEG,), jnp.float32),
                pltpu.VMEM((_SEG,), jnp.float32),
                pltpu.VMEM((_N,), jnp.int32),
                pltpu.VMEM((_N,), jnp.int32),
                pltpu.SemaphoreType.DMA,
                pltpu.SemaphoreType.DMA,
                pltpu.SemaphoreType.DMA,
                pltpu.SemaphoreType.DMA,
            ],
            compiler_params=pltpu.CompilerParams(needs_layout_passes=False),
        )(_tec_body)
        _fn_cache.append(fn)
    return _fn_cache[0]


def kernel(probs):
    return _get_fn()(probs)

# --- scband reference (transcript-rebuilt; emitter-appended) ---
"""Pipeline reference for scband-probs-to-indices-58746562674731 (READ-ONLY COPY).

The authoritative reference and input builder live on the scoring server;
editing this copy changes nothing except your own understanding.
"""

import jax, jax.numpy as jnp
import numpy as np

THRESHOLD = 0.5


def setup_inputs(seed: int = 0) -> dict:
    key = jax.random.key(seed)
    probs = jax.random.uniform(key, (64, 32768), dtype=jnp.float32)
    return {"probs": probs}


def reference(probs):
    # probs_to_indices: for each row, return the column indices whose
    # probability meets/exceeds the threshold. Ragged List[List[int]] is
    # represented as a dense [B, N] int32 array where selected indices are
    # compacted to the front (ascending) and remaining slots are padded with -1.
    B, N = probs.shape
    mask = probs >= THRESHOLD
    col = jnp.broadcast_to(jnp.arange(N, dtype=jnp.int32), (B, N))
    # unselected positions get sentinel N so they sort to the back
    idx = jnp.where(mask, col, jnp.int32(N))
    idx_sorted = jnp.sort(idx, axis=-1)
    padded = jnp.where(idx_sorted == N, jnp.int32(-1), idx_sorted)
    return padded

if __name__ == "__main__":
    import jax
    _d = setup_inputs()
    print(jax.jit(kernel)(*tuple(_d.values())))

</pallas_src>

<mosaic_0001>
#map = affine_map<(d0, d1) -> (0, 0)>
module attributes {stable_mosaic.version = 14 : i64} {
  func.func @_tec_body(%arg0: i32, %arg1: i32, %arg2: memref<64x32768xf32, #tpu.memory_space<hbm>>, %arg3: memref<64x32768xi32, #tpu.memory_space<hbm>>, %arg4: memref<16384xf32, #tpu.memory_space<vmem>>, %arg5: memref<16384xf32, #tpu.memory_space<vmem>>, %arg6: memref<32768xi32, #tpu.memory_space<vmem>>, %arg7: memref<32768xi32, #tpu.memory_space<vmem>>, %arg8: memref<!tpu.dma_semaphore, #tpu.memory_space<semaphore_mem>>, %arg9: memref<!tpu.dma_semaphore, #tpu.memory_space<semaphore_mem>>, %arg10: memref<!tpu.dma_semaphore, #tpu.memory_space<semaphore_mem>>, %arg11: memref<!tpu.dma_semaphore, #tpu.memory_space<semaphore_mem>>) attributes {dimension_semantics = [#tpu.dimension_semantics<core_parallel>, #tpu.dimension_semantics<subcore_parallel>], iteration_bounds = array<i64: 2, 16>, scalar_prefetch = 0 : i64, scratch_operands = 8 : i64, tpu.core_type = #tpu.core_type<sc_vector_subcore>, window_params = [{transform_indices = #map}, {transform_indices = #map}]} {
    %mul3A = arith.constant 2 : i32
    %mul3A_0 = arith.muli %arg1, %mul3A : i32
    %add3A = arith.addi %mul3A_0, %arg0 : i32
    %broadcast_in_dim3A = arith.constant -1 : i32
    %broadcast_in_dim3A_1 = vector.broadcast %broadcast_in_dim3A : i32 to vector<16xi32>
    %broadcast_in_dim3A_2 = arith.constant 0 : i32
    %broadcast_in_dim3A_3 = vector.broadcast %broadcast_in_dim3A_2 : i32 to vector<16xi32>
    %iota3A = tpu.iota {dimensions = array<i32: 0>} : vector<16xi32>
    %broadcast_in_dim3A_4 = arith.constant 32768 : i32
    %broadcast_in_dim3A_5 = vector.broadcast %broadcast_in_dim3A_4 : i32 to vector<16xi32>
    %mul3A_6 = arith.constant 2 : i32
    %mul3A_7 = arith.muli %add3A, %mul3A_6 : i32
    %mul3A_8 = arith.constant 2 : i32
    %mul3A_9 = arith.muli %add3A, %mul3A_8 : i32
    %add3A_10 = arith.constant 1 : i32
    %add3A_11 = arith.addi %mul3A_9, %add3A_10 : i32
    %dma_start3A = arith.constant 0 : i32
    %dma_start3A_12 = tpu.memref_slice %arg2[%mul3A_7, %dma_start3A] : memref<64x32768xf32, #tpu.memory_space<hbm>> -> memref<1x16384xf32, #tpu.memory_space<hbm>>
    %dma_start3A_13 = tpu.memref_squeeze %dma_start3A_12 : memref<1x16384xf32, #tpu.memory_space<hbm>> -> memref<16384xf32, #tpu.memory_space<hbm>>
    %dma_start3A_14 = arith.constant 0 : i32
    %dma_start3A_15 = tpu.memref_slice %arg2[%mul3A_7, %dma_start3A_14] : memref<64x32768xf32, #tpu.memory_space<hbm>> -> memref<1x16384xf32, #tpu.memory_space<hbm>>
    %dma_start3A_16 = tpu.memref_squeeze %dma_start3A_15 : memref<1x16384xf32, #tpu.memory_space<hbm>> -> memref<16384xf32, #tpu.memory_space<hbm>>
    tpu.enqueue_dma source(%dma_start3A_16 : memref<16384xf32, #tpu.memory_space<hbm>>) target(%arg4 : memref<16384xf32, #tpu.memory_space<vmem>>) target_semaphore(%arg8 : memref<!tpu.dma_semaphore, #tpu.memory_space<semaphore_mem>>)
    %dma_start3A_17 = arith.constant 16384 : i32
    %dma_start3A_18 = tpu.memref_slice %arg2[%mul3A_7, %dma_start3A_17] : memref<64x32768xf32, #tpu.memory_space<hbm>> -> memref<1x16384xf32, #tpu.memory_space<hbm>>
    %dma_start3A_19 = tpu.memref_squeeze %dma_start3A_18 : memref<1x16384xf32, #tpu.memory_space<hbm>> -> memref<16384xf32, #tpu.memory_space<hbm>>
    %dma_start3A_20 = arith.constant 16384 : i32
    %dma_start3A_21 = tpu.memref_slice %arg2[%mul3A_7, %dma_start3A_20] : memref<64x32768xf32, #tpu.memory_space<hbm>> -> memref<1x16384xf32, #tpu.memory_space<hbm>>
    %dma_start3A_22 = tpu.memref_squeeze %dma_start3A_21 : memref<1x16384xf32, #tpu.memory_space<hbm>> -> memref<16384xf32, #tpu.memory_space<hbm>>
    tpu.enqueue_dma source(%dma_start3A_22 : memref<16384xf32, #tpu.memory_space<hbm>>) target(%arg5 : memref<16384xf32, #tpu.memory_space<vmem>>) target_semaphore(%arg9 : memref<!tpu.dma_semaphore, #tpu.memory_space<semaphore_mem>>)
    %dma_wait3A = arith.constant 0 : i32
    %dma_wait3A_23 = tpu.memref_slice %arg2[%mul3A_7, %dma_wait3A] : memref<64x32768xf32, #tpu.memory_space<hbm>> -> memref<1x16384xf32, #tpu.memory_space<hbm>>
    %dma_wait3A_24 = tpu.memref_squeeze %dma_wait3A_23 : memref<1x16384xf32, #tpu.memory_space<hbm>> -> memref<16384xf32, #tpu.memory_space<hbm>>
    %dma_wait3A_25 = arith.constant 0 : i32
    %dma_wait3A_26 = tpu.memref_slice %arg2[%mul3A_7, %dma_wait3A_25] : memref<64x32768xf32, #tpu.memory_space<hbm>> -> memref<1x16384xf32, #tpu.memory_space<hbm>>
    %dma_wait3A_27 = tpu.memref_squeeze %dma_wait3A_26 : memref<1x16384xf32, #tpu.memory_space<hbm>> -> memref<16384xf32, #tpu.memory_space<hbm>>
    tpu.wait_dma2 semaphore(%arg8 : memref<!tpu.dma_semaphore, #tpu.memory_space<semaphore_mem>>) src(%dma_wait3A_27 : memref<16384xf32, #tpu.memory_space<hbm>>) dst(%arg4 : memref<16384xf32, #tpu.memory_space<vmem>>)
    %scan3A = arith.constant 0 : i32
    %scan3A_28 = arith.constant 64 : i32
    %scan3A_29 = arith.addi %scan3A, %scan3A_28 : i32
    %scan3A_30 = arith.constant 1 : i32
    %scan3A_31:2 = scf.for %scan3A_656 = %scan3A to %scan3A_29 step %scan3A_30 iter_args(%scan3A_657 = %iota3A, %scan3A_658 = %iota3A) -> (vector<16xi32>, vector<16xi32>)  : i32 {
      %mul3A_659 = arith.constant 16 : i32
      %mul3A_660 = arith.muli %scan3A_656, %mul3A_659 : i32
      %mul3A_661 = arith.constant 11 : i32
      %mul3A_662 = arith.muli %mul3A_661, %scan3A_656 : i32
      %sub3A_663 = arith.constant 2047 : i32
      %sub3A_664 = arith.subi %sub3A_663, %mul3A_662 : i32
      %sub3A_665 = arith.constant 0 : i32
      %sub3A_666 = arith.subi %sub3A_664, %sub3A_665 : i32
      %mul3A_667 = arith.constant 16 : i32
      %mul3A_668 = arith.muli %sub3A_666, %mul3A_667 : i32
      %swap3A = arith.index_cast %mul3A_668 : i32 to index
      %swap3A_669 = tpu.vector_load %arg6[%swap3A] {strides = array<i32>} : memref<32768xi32, #tpu.memory_space<vmem>>, vector<16xi32>,
      tpu.vector_store %arg6[%swap3A], %broadcast_in_dim3A_1 {strides = array<i32>} : memref<32768xi32, #tpu.memory_space<vmem>>, vector<16xi32>,
      %mul3A_670 = arith.constant 11 : i32
      %mul3A_671 = arith.muli %mul3A_670, %scan3A_656 : i32
      %sub3A_672 = arith.constant 2047 : i32
      %sub3A_673 = arith.subi %sub3A_672, %mul3A_671 : i32
      %sub3A_674 = arith.constant 1 : i32
      %sub3A_675 = arith.subi %sub3A_673, %sub3A_674 : i32
      %mul3A_676 = arith.constant 16 : i32
      %mul3A_677 = arith.muli %sub3A_675, %mul3A_676 : i32
      %swap3A_678 = arith.index_cast %mul3A_677 : i32 to index
      %swap3A_679 = tpu.vector_load %arg6[%swap3A_678] {strides = array<i32>} : memref<32768xi32, #tpu.memory_space<vmem>>, vector<16xi32>,
      tpu.vector_store %arg6[%swap3A_678], %broadcast_in_dim3A_1 {strides = array<i32>} : memref<32768xi32, #tpu.memory_space<vmem>>, vector<16xi32>,
      %mul3A_680 = arith.constant 11 : i32
      %mul3A_681 = arith.muli %mul3A_680, %scan3A_656 : i32
      %sub3A_682 = arith.constant 2047 : i32
      %sub3A_683 = arith.subi %sub3A_682, %mul3A_681 : i32
      %sub3A_684 = arith.constant 2 : i32
      %sub3A_685 = arith.subi %sub3A_683, %sub3A_684 : i32
      %mul3A_686 = arith.constant 16 : i32
      %mul3A_687 = arith.muli %sub3A_685, %mul3A_686 : i32
      %swap3A_688 = arith.index_cast %mul3A_687 : i32 to index
      %swap3A_689 = tpu.vector_load %arg6[%swap3A_688] {strides = array<i32>} : memref<32768xi32, #tpu.memory_space<vmem>>, vector<16xi32>,
      tpu.vector_store %arg6[%swap3A_688], %broadcast_in_dim3A_1 {strides = array<i32>} : memref<32768xi32, #tpu.memory_space<vmem>>, vector<16xi32>,
      %mul3A_690 = arith.constant 11 : i32
      %mul3A_691 = arith.muli %mul3A_690, %scan3A_656 : i32
      %sub3A_692 = arith.constant 2047 : i32
      %sub3A_693 = arith.subi %sub3A_692, %mul3A_691 : i32
      %sub3A_694 = arith.constant 3 : i32
      %sub3A_695 = arith.subi %sub3A_693, %sub3A_694 : i32
      %mul3A_696 = arith.constant 16 : i32
      %mul3A_697 = arith.muli %sub3A_695, %mul3A_696 : i32
      %swap3A_698 = arith.index_cast %mul3A_697 : i32 to index
      %swap3A_699 = tpu.vector_load %arg6[%swap3A_698] {strides = array<i32>} : memref<32768xi32, #tpu.memory_space<vmem>>, vector<16xi32>,
      tpu.vector_store %arg6[%swap3A_698], %broadcast_in_dim3A_1 {strides = array<i32>} : memref<32768xi32, #tpu.memory_space<vmem>>, vector<16xi32>,
      %mul3A_700 = arith.constant 11 : i32
      %mul3A_701 = arith.muli %mul3A_700, %scan3A_656 : i32
      %sub3A_702 = arith.constant 2047 : i32
      %sub3A_703 = arith.subi %sub3A_702, %mul3A_701 : i32
      %sub3A_704 = arith.constant 4 : i32
      %sub3A_705 = arith.subi %sub3A_703, %sub3A_704 : i32
      %mul3A_706 = arith.constant 16 : i32
      %mul3A_707 = arith.muli %sub3A_705, %mul3A_706 : i32
      %swap3A_708 = arith.index_cast %mul3A_707 : i32 to index
      %swap3A_709 = tpu.vector_load %arg6[%swap3A_708] {strides = array<i32>} : memref<32768xi32, #tpu.memory_space<vmem>>, vector<16xi32>,
      tpu.vector_store %arg6[%swap3A_708], %broadcast_in_dim3A_1 {strides = array<i32>} : memref<32768xi32, #tpu.memory_space<vmem>>, vector<16xi32>,
      %mul3A_710 = arith.constant 11 : i32
      %mul3A_711 = arith.muli %mul3A_710, %scan3A_656 : i32
      %sub3A_712 = arith.constant 2047 : i32
      %sub3A_713 = arith.subi %sub3A_712, %mul3A_711 : i32
      %sub3A_714 = arith.constant 5 : i32
      %sub3A_715 = arith.subi %sub3A_713, %sub3A_714 : i32
      %mul3A_716 = arith.constant 16 : i32
      %mul3A_717 = arith.muli %sub3A_715, %mul3A_716 : i32
      %swap3A_718 = arith.index_cast %mul3A_717 : i32 to index
      %swap3A_719 = tpu.vector_load %arg6[%swap3A_718] {strides = array<i32>} : memref<32768xi32, #tpu.memory_space<vmem>>, vector<16xi32>,
      tpu.vector_store %arg6[%swap3A_718], %broadcast_in_dim3A_1 {strides = array<i32>} : memref<32768xi32, #tpu.memory_space<vmem>>, vector<16xi32>,
      %mul3A_720 = arith.constant 11 : i32
      %mul3A_721 = arith.muli %mul3A_720, %scan3A_656 : i32
      %sub3A_722 = arith.constant 2047 : i32
      %sub3A_723 = arith.subi %sub3A_722, %mul3A_721 : i32
      %sub3A_724 = arith.constant 6 : i32
      %sub3A_725 = arith.subi %sub3A_723, %sub3A_724 : i32
      %mul3A_726 = arith.constant 16 : i32
      %mul3A_727 = arith.muli %sub3A_725, %mul3A_726 : i32
      %swap3A_728 = arith.index_cast %mul3A_727 : i32 to index
      %swap3A_729 = tpu.vector_load %arg6[%swap3A_728] {strides = array<i32>} : memref<32768xi32, #tpu.memory_space<vmem>>, vector<16xi32>,
      tpu.vector_store %arg6[%swap3A_728], %broadcast_in_dim3A_1 {strides = array<i32>} : memref<32768xi32, #tpu.memory_space<vmem>>, vector<16xi32>,
      %mul3A_730 = arith.constant 11 : i32
      %mul3A_731 = arith.muli %mul3A_730, %scan3A_656 : i32
      %sub3A_732 = arith.constant 2047 : i32
      %sub3A_733 = arith.subi %sub3A_732, %mul3A_731 : i32
      %sub3A_734 = arith.constant 7 : i32
      %sub3A_735 = arith.subi %sub3A_733, %sub3A_734 : i32
      %mul3A_736 = arith.constant 16 : i32
      %mul3A_737 = arith.muli %sub3A_735, %mul3A_736 : i32
      %swap3A_738 = arith.index_cast %mul3A_737 : i32 to index
      %swap3A_739 = tpu.vector_load %arg6[%swap3A_738] {strides = array<i32>} : memref<32768xi32, #tpu.memory_space<vmem>>, vector<16xi32>,
      tpu.vector_store %arg6[%swap3A_738], %broadcast_in_dim3A_1 {strides = array<i32>} : memref<32768xi32, #tpu.memory_space<vmem>>, vector<16xi32>,
      %mul3A_740 = arith.constant 11 : i32
      %mul3A_741 = arith.muli %mul3A_740, %scan3A_656 : i32
      %sub3A_742 = arith.constant 2047 : i32
      %sub3A_743 = arith.subi %sub3A_742, %mul3A_741 : i32
      %sub3A_744 = arith.constant 8 : i32
      %sub3A_745 = arith.subi %sub3A_743, %sub3A_744 : i32
      %mul3A_746 = arith.constant 16 : i32
      %mul3A_747 = arith.muli %sub3A_745, %mul3A_746 : i32
      %swap3A_748 = arith.index_cast %mul3A_747 : i32 to index
      %swap3A_749 = tpu.vector_load %arg6[%swap3A_748] {strides = array<i32>} : memref<32768xi32, #tpu.memory_space<vmem>>, vector<16xi32>,
      tpu.vector_store %arg6[%swap3A_748], %broadcast_in_dim3A_1 {strides = array<i32>} : memref<32768xi32, #tpu.memory_space<vmem>>, vector<16xi32>,
      %mul3A_750 = arith.constant 11 : i32
      %mul3A_751 = arith.muli %mul3A_750, %scan3A_656 : i32
      %sub3A_752 = arith.constant 2047 : i32
      %sub3A_753 = arith.subi %sub3A_752, %mul3A_751 : i32
      %sub3A_754 = arith.constant 9 : i32
      %sub3A_755 = arith.subi %sub3A_753, %sub3A_754 : i32
      %mul3A_756 = arith.constant 16 : i32
      %mul3A_757 = arith.muli %sub3A_755, %mul3A_756 : i32
      %swap3A_758 = arith.index_cast %mul3A_757 : i32 to index
      %swap3A_759 = tpu.vector_load %arg6[%swap3A_758] {strides = array<i32>} : memref<32768xi32, #tpu.memory_space<vmem>>, vector<16xi32>,
      tpu.vector_store %arg6[%swap3A_758], %broadcast_in_dim3A_1 {strides = array<i32>} : memref<32768xi32, #tpu.memory_space<vmem>>, vector<16xi32>,
      %mul3A_760 = arith.constant 11 : i32
      %mul3A_761 = arith.muli %mul3A_760, %scan3A_656 : i32
      %sub3A_762 = arith.constant 2047 : i32
      %sub3A_763 = arith.subi %sub3A_762, %mul3A_761 : i32
      %sub3A_764 = arith.constant 10 : i32
      %sub3A_765 = arith.subi %sub3A_763, %sub3A_764 : i32
      %mul3A_766 = arith.constant 16 : i32
      %mul3A_767 = arith.muli %sub3A_765, %mul3A_766 : i32
      %swap3A_768 = arith.index_cast %mul3A_767 : i32 to index
      %swap3A_769 = tpu.vector_load %arg6[%swap3A_768] {strides = array<i32>} : memref<32768xi32, #tpu.memory_space<vmem>>, vector<16xi32>,
      tpu.vector_store %arg6[%swap3A_768], %broadcast_in_dim3A_1 {strides = array<i32>} : memref<32768xi32, #tpu.memory_space<vmem>>, vector<16xi32>,
      %add3A_770 = arith.constant 0 : i32
      %add3A_771 = arith.addi %mul3A_660, %add3A_770 : i32
      %mul3A_772 = arith.constant 16 : i32
      %mul3A_773 = arith.muli %add3A_771, %mul3A_772 : i32
      %get3A = arith.index_cast %mul3A_773 : i32 to index
      %get3A_774 = tpu.vector_load %arg4[%get3A] {strides = array<i32>} : memref<16384xf32, #tpu.memory_space<vmem>>, vector<16xf32>,
      %add3A_775 = arith.constant 1 : i32
      %add3A_776 = arith.addi %mul3A_660, %add3A_775 : i32
      %mul3A_777 = arith.constant 16 : i32
      %mul3A_778 = arith.muli %add3A_776, %mul3A_777 : i32
      %get3A_779 = arith.index_cast %mul3A_778 : i32 to index
      %get3A_780 = tpu.vector_load %arg4[%get3A_779] {strides = array<i32>} : memref<16384xf32, #tpu.memory_space<vmem>>, vector<16xf32>,
      %add3A_781 = arith.constant 2 : i32
      %add3A_782 = arith.addi %mul3A_660, %add3A_781 : i32
      %mul3A_783 = arith.constant 16 : i32
      %mul3A_784 = arith.muli %add3A_782, %mul3A_783 : i32
      %get3A_785 = arith.index_cast %mul3A_784 : i32 to index
      %get3A_786 = tpu.vector_load %arg4[%get3A_785] {strides = array<i32>} : memref<16384xf32, #tpu.memory_space<vmem>>, vector<16xf32>,
      %add3A_787 = arith.constant 3 : i32
      %add3A_788 = arith.addi %mul3A_660, %add3A_787 : i32
      %mul3A_789 = arith.constant 16 : i32
      %mul3A_790 = arith.muli %add3A_788, %mul3A_789 : i32
      %get3A_791 = arith.index_cast %mul3A_790 : i32 to index
      %get3A_792 = tpu.vector_load %arg4[%get3A_791] {strides = array<i32>} : memref<16384xf32, #tpu.memory_space<vmem>>, vector<16xf32>,
      %add3A_793 = arith.constant 4 : i32
      %add3A_794 = arith.addi %mul3A_660, %add3A_793 : i32
      %mul3A_795 = arith.constant 16 : i32
      %mul3A_796 = arith.muli %add3A_794, %mul3A_795 : i32
      %get3A_797 = arith.index_cast %mul3A_796 : i32 to index
      %get3A_798 = tpu.vector_load %arg4[%get3A_797] {strides = array<i32>} : memref<16384xf32, #tpu.memory_space<vmem>>, vector<16xf32>,
      %add3A_799 = arith.constant 5 : i32
      %add3A_800 = arith.addi %mul3A_660, %add3A_799 : i32
      %mul3A_801 = arith.constant 16 : i32
      %mul3A_802 = arith.muli %add3A_800, %mul3A_801 : i32
      %get3A_803 = arith.index_cast %mul3A_802 : i32 to index
      %get3A_804 = tpu.vector_load %arg4[%get3A_803] {strides = array<i32>} : memref<16384xf32, #tpu.memory_space<vmem>>, vector<16xf32>,
      %add3A_805 = arith.constant 6 : i32
      %add3A_806 = arith.addi %mul3A_660, %add3A_805 : i32
      %mul3A_807 = arith.constant 16 : i32
      %mul3A_808 = arith.muli %add3A_806, %mul3A_807 : i32
      %get3A_809 = arith.index_cast %mul3A_808 : i32 to index
      %get3A_810 = tpu.vector_load %arg4[%get3A_809] {strides = array<i32>} : memref<16384xf32, #tpu.memory_space<vmem>>, vector<16xf32>,
      %add3A_811 = arith.constant 7 : i32
      %add3A_812 = arith.addi %mul3A_660, %add3A_811 : i32
      %mul3A_813 = arith.constant 16 : i32
      %mul3A_814 = arith.muli %add3A_812, %mul3A_813 : i32
      %get3A_815 = arith.index_cast %mul3A_814 : i32 to index
      %get3A_816 = tpu.vector_load %arg4[%get3A_815] {strides = array<i32>} : memref<16384xf32, #tpu.memory_space<vmem>>, vector<16xf32>,
      %add3A_817 = arith.constant 8 : i32
      %add3A_818 = arith.addi %mul3A_660, %add3A_817 : i32
      %mul3A_819 = arith.constant 16 : i32
      %mul3A_820 = arith.muli %add3A_818, %mul3A_819 : i32
      %get3A_821 = arith.index_cast %mul3A_820 : i32 to index
      %get3A_822 = tpu.vector_load %arg4[%get3A_821] {strides = array<i32>} : memref<16384xf32, #tpu.memory_space<vmem>>, vector<16xf32>,
      %add3A_823 = arith.constant 9 : i32
      %add3A_824 = arith.addi %mul3A_660, %add3A_823 : i32
      %mul3A_825 = arith.constant 16 : i32
      %mul3A_826 = arith.muli %add3A_824, %mul3A_825 : i32
      %get3A_827 = arith.index_cast %mul3A_826 : i32 to index
      %get3A_828 = tpu.vector_load %arg4[%get3A_827] {strides = array<i32>} : memref<16384xf32, #tpu.memory_space<vmem>>, vector<16xf32>,
      %add3A_829 = arith.constant 10 : i32
      %add3A_830 = arith.addi %mul3A_660, %add3A_829 : i32
      %mul3A_831 = arith.constant 16 : i32
      %mul3A_832 = arith.muli %add3A_830, %mul3A_831 : i32
      %get3A_833 = arith.index_cast %mul3A_832 : i32 to index
      %get3A_834 = tpu.vector_load %arg4[%get3A_833] {strides = array<i32>} : memref<16384xf32, #tpu.memory_space<vmem>>, vector<16xf32>,
      %add3A_835 = arith.constant 11 : i32
      %add3A_836 = arith.addi %mul3A_660, %add3A_835 : i32
      %mul3A_837 = arith.constant 16 : i32
      %mul3A_838 = arith.muli %add3A_836, %mul3A_837 : i32
      %get3A_839 = arith.index_cast %mul3A_838 : i32 to index
      %get3A_840 = tpu.vector_load %arg4[%get3A_839] {strides = array<i32>} : memref<16384xf32, #tpu.memory_space<vmem>>, vector<16xf32>,
      %add3A_841 = arith.constant 12 : i32
      %add3A_842 = arith.addi %mul3A_660, %add3A_841 : i32
      %mul3A_843 = arith.constant 16 : i32
      %mul3A_844 = arith.muli %add3A_842, %mul3A_843 : i32
      %get3A_845 = arith.index_cast %mul3A_844 : i32 to index
      %get3A_846 = tpu.vector_load %arg4[%get3A_845] {strides = array<i32>} : memref<16384xf32, #tpu.memory_space<vmem>>, vector<16xf32>,
      %add3A_847 = arith.constant 13 : i32
      %add3A_848 = arith.addi %mul3A_660, %add3A_847 : i32
      %mul3A_849 = arith.constant 16 : i32
      %mul3A_850 = arith.muli %add3A_848, %mul3A_849 : i32
      %get3A_851 = arith.index_cast %mul3A_850 : i32 to index
      %get3A_852 = tpu.vector_load %arg4[%get3A_851] {strides = array<i32>} : memref<16384xf32, #tpu.memory_space<vmem>>, vector<16xf32>,
      %add3A_853 = arith.constant 14 : i32
      %add3A_854 = arith.addi %mul3A_660, %add3A_853 : i32
      %mul3A_855 = arith.constant 16 : i32
      %mul3A_856 = arith.muli %add3A_854, %mul3A_855 : i32
      %get3A_857 = arith.index_cast %mul3A_856 : i32 to index
      %get3A_858 = tpu.vector_load %arg4[%get3A_857] {strides = array<i32>} : memref<16384xf32, #tpu.memory_space<vmem>>, vector<16xf32>,
      %add3A_859 = arith.constant 15 : i32
      %add3A_860 = arith.addi %mul3A_660, %add3A_859 : i32
      %mul3A_861 = arith.constant 16 : i32
      %mul3A_862 = arith.muli %add3A_860, %mul3A_861 : i32
      %get3A_863 = arith.index_cast %mul3A_862 : i32 to index
      %get3A_864 = tpu.vector_load %arg4[%get3A_863] {strides = array<i32>} : memref<16384xf32, #tpu.memory_space<vmem>>, vector<16xf32>,
      %ge3A_865 = arith.constant 5.000000e-01 : f32
      %ge3A_866 = vector.broadcast %ge3A_865 : f32 to vector<16xf32>
      %ge3A_867 = arith.cmpf oge, %get3A_774, %ge3A_866 : vector<16xf32>
      %ge3A_868 = arith.constant 5.000000e-01 : f32
      %ge3A_869 = vector.broadcast %ge3A_868 : f32 to vector<16xf32>
      %ge3A_870 = arith.cmpf oge, %get3A_780, %ge3A_869 : vector<16xf32>
      %ge3A_871 = arith.constant 5.000000e-01 : f32
      %ge3A_872 = vector.broadcast %ge3A_871 : f32 to vector<16xf32>
      %ge3A_873 = arith.cmpf oge, %get3A_786, %ge3A_872 : vector<16xf32>
      %ge3A_874 = arith.constant 5.000000e-01 : f32
      %ge3A_875 = vector.broadcast %ge3A_874 : f32 to vector<16xf32>
      %ge3A_876 = arith.cmpf oge, %get3A_792, %ge3A_875 : vector<16xf32>
      %ge3A_877 = arith.constant 5.000000e-01 : f32
      %ge3A_878 = vector.broadcast %ge3A_877 : f32 to vector<16xf32>
      %ge3A_879 = arith.cmpf oge, %get3A_798, %ge3A_878 : vector<16xf32>
      %ge3A_880 = arith.constant 5.000000e-01 : f32
      %ge3A_881 = vector.broadcast %ge3A_880 : f32 to vector<16xf32>
      %ge3A_882 = arith.cmpf oge, %get3A_804, %ge3A_881 : vector<16xf32>
      %ge3A_883 = arith.constant 5.000000e-01 : f32
      %ge3A_884 = vector.broadcast %ge3A_883 : f32 to vector<16xf32>
      %ge3A_885 = arith.cmpf oge, %get3A_810, %ge3A_884 : vector<16xf32>
      %ge3A_886 = arith.constant 5.000000e-01 : f32
      %ge3A_887 = vector.broadcast %ge3A_886 : f32 to vector<16xf32>
      %ge3A_888 = arith.cmpf oge, %get3A_816, %ge3A_887 : vector<16xf32>
      %ge3A_889 = arith.constant 5.000000e-01 : f32
      %ge3A_890 = vector.broadcast %ge3A_889 : f32 to vector<16xf32>
      %ge3A_891 = arith.cmpf oge, %get3A_822, %ge3A_890 : vector<16xf32>
      %ge3A_892 = arith.constant 5.000000e-01 : f32
      %ge3A_893 = vector.broadcast %ge3A_892 : f32 to vector<16xf32>
      %ge3A_894 = arith.cmpf oge, %get3A_828, %ge3A_893 : vector<16xf32>
      %ge3A_895 = arith.constant 5.000000e-01 : f32
      %ge3A_896 = vector.broadcast %ge3A_895 : f32 to vector<16xf32>
      %ge3A_897 = arith.cmpf oge, %get3A_834, %ge3A_896 : vector<16xf32>
      %ge3A_898 = arith.constant 5.000000e-01 : f32
      %ge3A_899 = vector.broadcast %ge3A_898 : f32 to vector<16xf32>
      %ge3A_900 = arith.cmpf oge, %get3A_840, %ge3A_899 : vector<16xf32>
      %ge3A_901 = arith.constant 5.000000e-01 : f32
      %ge3A_902 = vector.broadcast %ge3A_901 : f32 to vector<16xf32>
      %ge3A_903 = arith.cmpf oge, %get3A_846, %ge3A_902 : vector<16xf32>
      %ge3A_904 = arith.constant 5.000000e-01 : f32
      %ge3A_905 = vector.broadcast %ge3A_904 : f32 to vector<16xf32>
      %ge3A_906 = arith.cmpf oge, %get3A_852, %ge3A_905 : vector<16xf32>
      %ge3A_907 = arith.constant 5.000000e-01 : f32
      %ge3A_908 = vector.broadcast %ge3A_907 : f32 to vector<16xf32>
      %ge3A_909 = arith.cmpf oge, %get3A_858, %ge3A_908 : vector<16xf32>
      %ge3A_910 = arith.constant 5.000000e-01 : f32
      %ge3A_911 = vector.broadcast %ge3A_910 : f32 to vector<16xf32>
      %ge3A_912 = arith.cmpf oge, %get3A_864, %ge3A_911 : vector<16xf32>
      %broadcast_in_dim3A_913 = arith.constant 0 : i32
      %broadcast_in_dim3A_914 = vector.broadcast %broadcast_in_dim3A_913 : i32 to vector<16xi32>
      %add3A_915 = arith.addi %scan3A_658, %broadcast_in_dim3A_914 : vector<16xi32>
      %select_n3A_916 = arith.select %ge3A_867, %add3A_915, %broadcast_in_dim3A_1 : vector<16xi1>, vector<16xi32>
      %bitcast3A = vector.bitcast %select_n3A_916 : vector<16xi32> to vector<16xi32>
      %broadcast_in_dim3A_917 = arith.constant 16 : i32
      %broadcast_in_dim3A_918 = vector.broadcast %broadcast_in_dim3A_917 : i32 to vector<16xi32>
      %add3A_919 = arith.addi %scan3A_658, %broadcast_in_dim3A_918 : vector<16xi32>
      %select_n3A_920 = arith.select %ge3A_870, %add3A_919, %broadcast_in_dim3A_1 : vector<16xi1>, vector<16xi32>
      %bitcast3A_921 = vector.bitcast %select_n3A_920 : vector<16xi32> to vector<16xi32>
      %broadcast_in_dim3A_922 = arith.constant 32 : i32
      %broadcast_in_dim3A_923 = vector.broadcast %broadcast_in_dim3A_922 : i32 to vector<16xi32>
      %add3A_924 = arith.addi %scan3A_658, %broadcast_in_dim3A_923 : vector<16xi32>
      %select_n3A_925 = arith.select %ge3A_873, %add3A_924, %broadcast_in_dim3A_1 : vector<16xi1>, vector<16xi32>
      %bitcast3A_926 = vector.bitcast %select_n3A_925 : vector<16xi32> to vector<16xi32>
      %broadcast_in_dim3A_927 = arith.constant 48 : i32
      %broadcast_in_dim3A_928 = vector.broadcast %broadcast_in_dim3A_927 : i32 to vector<16xi32>
      %add3A_929 = arith.addi %scan3A_658, %broadcast_in_dim3A_928 : vector<16xi32>
      %select_n3A_930 = arith.select %ge3A_876, %add3A_929, %broadcast_in_dim3A_1 : vector<16xi1>, vector<16xi32>
      %bitcast3A_931 = vector.bitcast %select_n3A_930 : vector<16xi32> to vector<16xi32>
      %broadcast_in_dim3A_932 = arith.constant 64 : i32
      %broadcast_in_dim3A_933 = vector.broadcast %broadcast_in_dim3A_932 : i32 to vector<16xi32>
      %add3A_934 = arith.addi %scan3A_658, %broadcast_in_dim3A_933 : vector<16xi32>
      %select_n3A_935 = arith.select %ge3A_879, %add3A_934, %broadcast_in_dim3A_1 : vector<16xi1>, vector<16xi32>
      %bitcast3A_936 = vector.bitcast %select_n3A_935 : vector<16xi32> to vector<16xi32>
      %broadcast_in_dim3A_937 = arith.constant 80 : i32
      %broadcast_in_dim3A_938 = vector.broadcast %broadcast_in_dim3A_937 : i32 to vector<16xi32>
      %add3A_939 = arith.addi %scan3A_658, %broadcast_in_dim3A_938 : vector<16xi32>
      %select_n3A_940 = arith.select %ge3A_882, %add3A_939, %broadcast_in_dim3A_1 : vector<16xi1>, vector<16xi32>
      %bitcast3A_941 = vector.bitcast %select_n3A_940 : vector<16xi32> to vector<16xi32>
      %broadcast_in_dim3A_942 = arith.constant 96 : i32
      %broadcast_in_dim3A_943 = vector.broadcast %broadcast_in_dim3A_942 : i32 to vector<16xi32>
      %add3A_944 = arith.addi %scan3A_658, %broadcast_in_dim3A_943 : vector<16xi32>
      %select_n3A_945 = arith.select %ge3A_885, %add3A_944, %broadcast_in_dim3A_1 : vector<16xi1>, vector<16xi32>
      %bitcast3A_946 = vector.bitcast %select_n3A_945 : vector<16xi32> to vector<16xi32>
      %broadcast_in_dim3A_947 = arith.constant 112 : i32
      %broadcast_in_dim3A_948 = vector.broadcast %broadcast_in_dim3A_947 : i32 to vector<16xi32>
      %add3A_949 = arith.addi %scan3A_658, %broadcast_in_dim3A_948 : vector<16xi32>
      %select_n3A_950 = arith.select %ge3A_888, %add3A_949, %broadcast_in_dim3A_1 : vector<16xi1>, vector<16xi32>
      %bitcast3A_951 = vector.bitcast %select_n3A_950 : vector<16xi32> to vector<16xi32>
      %broadcast_in_dim3A_952 = arith.constant 128 : i32
      %broadcast_in_dim3A_953 = vector.broadcast %broadcast_in_dim3A_952 : i32 to vector<16xi32>
      %add3A_954 = arith.addi %scan3A_658, %broadcast_in_dim3A_953 : vector<16xi32>
      %select_n3A_955 = arith.select %ge3A_891, %add3A_954, %broadcast_in_dim3A_1 : vector<16xi1>, vector<16xi32>
      %bitcast3A_956 = vector.bitcast %select_n3A_955 : vector<16xi32> to vector<16xi32>
      %broadcast_in_dim3A_957 = arith.constant 144 : i32
      %broadcast_in_dim3A_958 = vector.broadcast %broadcast_in_dim3A_957 : i32 to vector<16xi32>
      %add3A_959 = arith.addi %scan3A_658, %broadcast_in_dim3A_958 : vector<16xi32>
      %select_n3A_960 = arith.select %ge3A_894, %add3A_959, %broadcast_in_dim3A_1 : vector<16xi1>, vector<16xi32>
      %bitcast3A_961 = vector.bitcast %select_n3A_960 : vector<16xi32> to vector<16xi32>
      %broadcast_in_dim3A_962 = arith.constant 160 : i32
      %broadcast_in_dim3A_963 = vector.broadcast %broadcast_in_dim3A_962 : i32 to vector<16xi32>
      %add3A_964 = arith.addi %scan3A_658, %broadcast_in_dim3A_963 : vector<16xi32>
      %select_n3A_965 = arith.select %ge3A_897, %add3A_964, %broadcast_in_dim3A_1 : vector<16xi1>, vector<16xi32>
      %bitcast3A_966 = vector.bitcast %select_n3A_965 : vector<16xi32> to vector<16xi32>
      %broadcast_in_dim3A_967 = arith.constant 176 : i32
      %broadcast_in_dim3A_968 = vector.broadcast %broadcast_in_dim3A_967 : i32 to vector<16xi32>
      %add3A_969 = arith.addi %scan3A_658, %broadcast_in_dim3A_968 : vector<16xi32>
      %select_n3A_970 = arith.select %ge3A_900, %add3A_969, %broadcast_in_dim3A_1 : vector<16xi1>, vector<16xi32>
      %bitcast3A_971 = vector.bitcast %select_n3A_970 : vector<16xi32> to vector<16xi32>
      %broadcast_in_dim3A_972 = arith.constant 192 : i32
      %broadcast_in_dim3A_973 = vector.broadcast %broadcast_in_dim3A_972 : i32 to vector<16xi32>
      %add3A_974 = arith.addi %scan3A_658, %broadcast_in_dim3A_973 : vector<16xi32>
      %select_n3A_975 = arith.select %ge3A_903, %add3A_974, %broadcast_in_dim3A_1 : vector<16xi1>, vector<16xi32>
      %bitcast3A_976 = vector.bitcast %select_n3A_975 : vector<16xi32> to vector<16xi32>
      %broadcast_in_dim3A_977 = arith.constant 208 : i32
      %broadcast_in_dim3A_978 = vector.broadcast %broadcast_in_dim3A_977 : i32 to vector<16xi32>
      %add3A_979 = arith.addi %scan3A_658, %broadcast_in_dim3A_978 : vector<16xi32>
      %select_n3A_980 = arith.select %ge3A_906, %add3A_979, %broadcast_in_dim3A_1 : vector<16xi1>, vector<16xi32>
      %bitcast3A_981 = vector.bitcast %select_n3A_980 : vector<16xi32> to vector<16xi32>
      %broadcast_in_dim3A_982 = arith.constant 224 : i32
      %broadcast_in_dim3A_983 = vector.broadcast %broadcast_in_dim3A_982 : i32 to vector<16xi32>
      %add3A_984 = arith.addi %scan3A_658, %broadcast_in_dim3A_983 : vector<16xi32>
      %select_n3A_985 = arith.select %ge3A_909, %add3A_984, %broadcast_in_dim3A_1 : vector<16xi1>, vector<16xi32>
      %bitcast3A_986 = vector.bitcast %select_n3A_985 : vector<16xi32> to vector<16xi32>
      %broadcast_in_dim3A_987 = arith.constant 240 : i32
      %broadcast_in_dim3A_988 = vector.broadcast %broadcast_in_dim3A_987 : i32 to vector<16xi32>
      %add3A_989 = arith.addi %scan3A_658, %broadcast_in_dim3A_988 : vector<16xi32>
      %select_n3A_990 = arith.select %ge3A_912, %add3A_989, %broadcast_in_dim3A_1 : vector<16xi1>, vector<16xi32>
      %bitcast3A_991 = vector.bitcast %select_n3A_990 : vector<16xi32> to vector<16xi32>
      %sort3A = arith.constant dense<true> : vector<16xi1>
      %sort3A_992, %sort3A_993, %sort3A_994 = tpu.sort %bitcast3A, %bitcast3A masked %sort3A : (vector<16xi32>, vector<16xi32>, vector<16xi1>) -> (vector<16xi1>, vector<16xi32>, vector<16xi32>)
      %bitcast3A_995 = vector.bitcast %sort3A_993 : vector<16xi32> to vector<16xi32>
      %sort3A_996 = arith.constant dense<true> : vector<16xi1>
      %sort3A_997, %sort3A_998, %sort3A_999 = tpu.sort %bitcast3A_921, %bitcast3A_921 masked %sort3A_996 : (vector<16xi32>, vector<16xi32>, vector<16xi1>) -> (vector<16xi1>, vector<16xi32>, vector<16xi32>)
      %bitcast3A_1000 = vector.bitcast %sort3A_998 : vector<16xi32> to vector<16xi32>
      %sort3A_1001 = arith.constant dense<true> : vector<16xi1>
      %sort3A_1002, %sort3A_1003, %sort3A_1004 = tpu.sort %bitcast3A_926, %bitcast3A_926 masked %sort3A_1001 : (vector<16xi32>, vector<16xi32>, vector<16xi1>) -> (vector<16xi1>, vector<16xi32>, vector<16xi32>)
      %bitcast3A_1005 = vector.bitcast %sort3A_1003 : vector<16xi32> to vector<16xi32>
      %sort3A_1006 = arith.constant dense<true> : vector<16xi1>
      %sort3A_1007, %sort3A_1008, %sort3A_1009 = tpu.sort %bitcast3A_931, %bitcast3A_931 masked %sort3A_1006 : (vector<16xi32>, vector<16xi32>, vector<16xi1>) -> (vector<16xi1>, vector<16xi32>, vector<16xi32>)
      %bitcast3A_1010 = vector.bitcast %sort3A_1008 : vector<16xi32> to vector<16xi32>
      %sort3A_1011 = arith.constant dense<true> : vector<16xi1>
      %sort3A_1012, %sort3A_1013, %sort3A_1014 = tpu.sort %bitcast3A_936, %bitcast3A_936 masked %sort3A_1011 : (vector<16xi32>, vector<16xi32>, vector<16xi1>) -> (vector<16xi1>, vector<16xi32>, vector<16xi32>)
      %bitcast3A_1015 = vector.bitcast %sort3A_1013 : vector<16xi32> to vector<16xi32>
      %sort3A_1016 = arith.constant dense<true> : vector<16xi1>
      %sort3A_1017, %sort3A_1018, %sort3A_1019 = tpu.sort %bitcast3A_941, %bitcast3A_941 masked %sort3A_1016 : (vector<16xi32>, vector<16xi32>, vector<16xi1>) -> (vector<16xi1>, vector<16xi32>, vector<16xi32>)
      %bitcast3A_1020 = vector.bitcast %sort3A_1018 : vector<16xi32> to vector<16xi32>
      %sort3A_1021 = arith.constant dense<true> : vector<16xi1>
      %sort3A_1022, %sort3A_1023, %sort3A_1024 = tpu.sort %bitcast3A_946, %bitcast3A_946 masked %sort3A_1021 : (vector<16xi32>, vector<16xi32>, vector<16xi1>) -> (vector<16xi1>, vector<16xi32>, vector<16xi32>)
      %bitcast3A_1025 = vector.bitcast %sort3A_1023 : vector<16xi32> to vector<16xi32>
      %sort3A_1026 = arith.constant dense<true> : vector<16xi1>
      %sort3A_1027, %sort3A_1028, %sort3A_1029 = tpu.sort %bitcast3A_951, %bitcast3A_951 masked %sort3A_1026 : (vector<16xi32>, vector<16xi32>, vector<16xi1>) -> (vector<16xi1>, vector<16xi32>, vector<16xi32>)
      %bitcast3A_1030 = vector.bitcast %sort3A_1028 : vector<16xi32> to vector<16xi32>
      %sort3A_1031 = arith.constant dense<true> : vector<16xi1>
      %sort3A_1032, %sort3A_1033, %sort3A_1034 = tpu.sort %bitcast3A_956, %bitcast3A_956 masked %sort3A_1031 : (vector<16xi32>, vector<16xi32>, vector<16xi1>) -> (vector<16xi1>, vector<16xi32>, vector<16xi32>)
      %bitcast3A_1035 = vector.bitcast %sort3A_1033 : vector<16xi32> to vector<16xi32>
      %sort3A_1036 = arith.constant dense<true> : vector<16xi1>
      %sort3A_1037, %sort3A_1038, %sort3A_1039 = tpu.sort %bitcast3A_961, %bitcast3A_961 masked %sort3A_1036 : (vector<16xi32>, vector<16xi32>, vector<16xi1>) -> (vector<16xi1>, vector<16xi32>, vector<16xi32>)
      %bitcast3A_1040 = vector.bitcast %sort3A_1038 : vector<16xi32> to vector<16xi32>
      %sort3A_1041 = arith.constant dense<true> : vector<16xi1>
      %sort3A_1042, %sort3A_1043, %sort3A_1044 = tpu.sort %bitcast3A_966, %bitcast3A_966 masked %sort3A_1041 : (vector<16xi32>, vector<16xi32>, vector<16xi1>) -> (vector<16xi1>, vector<16xi32>, vector<16xi32>)
      %bitcast3A_1045 = vector.bitcast %sort3A_1043 : vector<16xi32> to vector<16xi32>
      %sort3A_1046 = arith.constant dense<true> : vector<16xi1>
      %sort3A_1047, %sort3A_1048, %sort3A_1049 = tpu.sort %bitcast3A_971, %bitcast3A_971 masked %sort3A_1046 : (vector<16xi32>, vector<16xi32>, vector<16xi1>) -> (vector<16xi1>, vector<16xi32>, vector<16xi32>)
      %bitcast3A_1050 = vector.bitcast %sort3A_1048 : vector<16xi32> to vector<16xi32>
      %sort3A_1051 = arith.constant dense<true> : vector<16xi1>
      %sort3A_1052, %sort3A_1053, %sort3A_1054 = tpu.sort %bitcast3A_976, %bitcast3A_976 masked %sort3A_1051 : (vector<16xi32>, vector<16xi32>, vector<16xi1>) -> (vector<16xi1>, vector<16xi32>, vector<16xi32>)
      %bitcast3A_1055 = vector.bitcast %sort3A_1053 : vector<16xi32> to vector<16xi32>
      %sort3A_1056 = arith.constant dense<true> : vector<16xi1>
      %sort3A_1057, %sort3A_1058, %sort3A_1059 = tpu.sort %bitcast3A_981, %bitcast3A_981 masked %sort3A_1056 : (vector<16xi32>, vector<16xi32>, vector<16xi1>) -> (vector<16xi1>, vector<16xi32>, vector<16xi32>)
      %bitcast3A_1060 = vector.bitcast %sort3A_1058 : vector<16xi32> to vector<16xi32>
      %sort3A_1061 = arith.constant dense<true> : vector<16xi1>
      %sort3A_1062, %sort3A_1063, %sort3A_1064 = tpu.sort %bitcast3A_986, %bitcast3A_986 masked %sort3A_1061 : (vector<16xi32>, vector<16xi32>, vector<16xi1>) -> (vector<16xi1>, vector<16xi32>, vector<16xi32>)
      %bitcast3A_1065 = vector.bitcast %sort3A_1063 : vector<16xi32> to vector<16xi32>
      %sort3A_1066 = arith.constant dense<true> : vector<16xi1>
      %sort3A_1067, %sort3A_1068, %sort3A_1069 = tpu.sort %bitcast3A_991, %bitcast3A_991 masked %sort3A_1066 : (vector<16xi32>, vector<16xi32>, vector<16xi1>) -> (vector<16xi1>, vector<16xi32>, vector<16xi32>)
      %bitcast3A_1070 = vector.bitcast %sort3A_1068 : vector<16xi32> to vector<16xi32>
      %all_reduce_population_count3A = tpu.all_reduce %ge3A_867 {dim = 0 : i64, kind = #tpu.reduction_kind<sum>} : vector<16xi1> -> vector<16xi32>
      %all_reduce_population_count3A_1071 = tpu.all_reduce %ge3A_870 {dim = 0 : i64, kind = #tpu.reduction_kind<sum>} : vector<16xi1> -> vector<16xi32>
      %all_reduce_population_count3A_1072 = tpu.all_reduce %ge3A_873 {dim = 0 : i64, kind = #tpu.reduction_kind<sum>} : vector<16xi1> -> vector<16xi32>
      %all_reduce_population_count3A_1073 = tpu.all_reduce %ge3A_876 {dim = 0 : i64, kind = #tpu.reduction_kind<sum>} : vector<16xi1> -> vector<16xi32>
      %all_reduce_population_count3A_1074 = tpu.all_reduce %ge3A_879 {dim = 0 : i64, kind = #tpu.reduction_kind<sum>} : vector<16xi1> -> vector<16xi32>
      %all_reduce_population_count3A_1075 = tpu.all_reduce %ge3A_882 {dim = 0 : i64, kind = #tpu.reduction_kind<sum>} : vector<16xi1> -> vector<16xi32>
      %all_reduce_population_count3A_1076 = tpu.all_reduce %ge3A_885 {dim = 0 : i64, kind = #tpu.reduction_kind<sum>} : vector<16xi1> -> vector<16xi32>
      %all_reduce_population_count3A_1077 = tpu.all_reduce %ge3A_888 {dim = 0 : i64, kind = #tpu.reduction_kind<sum>} : vector<16xi1> -> vector<16xi32>
      %all_reduce_population_count3A_1078 = tpu.all_reduce %ge3A_891 {dim = 0 : i64, kind = #tpu.reduction_kind<sum>} : vector<16xi1> -> vector<16xi32>
      %all_reduce_population_count3A_1079 = tpu.all_reduce %ge3A_894 {dim = 0 : i64, kind = #tpu.reduction_kind<sum>} : vector<16xi1> -> vector<16xi32>
      %all_reduce_population_count3A_1080 = tpu.all_reduce %ge3A_897 {dim = 0 : i64, kind = #tpu.reduction_kind<sum>} : vector<16xi1> -> vector<16xi32>
      %all_reduce_population_count3A_1081 = tpu.all_reduce %ge3A_900 {dim = 0 : i64, kind = #tpu.reduction_kind<sum>} : vector<16xi1> -> vector<16xi32>
      %all_reduce_population_count3A_1082 = tpu.all_reduce %ge3A_903 {dim = 0 : i64, kind = #tpu.reduction_kind<sum>} : vector<16xi1> -> vector<16xi32>
      %all_reduce_population_count3A_1083 = tpu.all_reduce %ge3A_906 {dim = 0 : i64, kind = #tpu.reduction_kind<sum>} : vector<16xi1> -> vector<16xi32>
      %all_reduce_population_count3A_1084 = tpu.all_reduce %ge3A_909 {dim = 0 : i64, kind = #tpu.reduction_kind<sum>} : vector<16xi1> -> vector<16xi32>
      %all_reduce_population_count3A_1085 = tpu.all_reduce %ge3A_912 {dim = 0 : i64, kind = #tpu.reduction_kind<sum>} : vector<16xi1> -> vector<16xi32>
      %add3A_1086 = arith.addi %scan3A_657, %all_reduce_population_count3A : vector<16xi32>
      %add3A_1087 = arith.addi %add3A_1086, %all_reduce_population_count3A_1071 : vector<16xi32>
      %add3A_1088 = arith.addi %add3A_1087, %all_reduce_population_count3A_1072 : vector<16xi32>
      %add3A_1089 = arith.addi %add3A_1088, %all_reduce_population_count3A_1073 : vector<16xi32>
      %add3A_1090 = arith.addi %add3A_1089, %all_reduce_population_count3A_1074 : vector<16xi32>
      %add3A_1091 = arith.addi %add3A_1090, %all_reduce_population_count3A_1075 : vector<16xi32>
      %add3A_1092 = arith.addi %add3A_1091, %all_reduce_population_count3A_1076 : vector<16xi32>
      %add3A_1093 = arith.addi %add3A_1092, %all_reduce_population_count3A_1077 : vector<16xi32>
      %add3A_1094 = arith.addi %add3A_1093, %all_reduce_population_count3A_1078 : vector<16xi32>
      %add3A_1095 = arith.addi %add3A_1094, %all_reduce_population_count3A_1079 : vector<16xi32>
      %add3A_1096 = arith.addi %add3A_1095, %all_reduce_population_count3A_1080 : vector<16xi32>
      %add3A_1097 = arith.addi %add3A_1096, %all_reduce_population_count3A_1081 : vector<16xi32>
      %add3A_1098 = arith.addi %add3A_1097, %all_reduce_population_count3A_1082 : vector<16xi32>
      %add3A_1099 = arith.addi %add3A_1098, %all_reduce_population_count3A_1083 : vector<16xi32>
      %add3A_1100 = arith.addi %add3A_1099, %all_reduce_population_count3A_1084 : vector<16xi32>
      %add3A_1101 = arith.addi %add3A_1100, %all_reduce_population_count3A_1085 : vector<16xi32>
      tpu.vector_store_idx %arg6[%scan3A_657], %bitcast3A_995 : memref<32768xi32, #tpu.memory_space<vmem>>[vector<16xi32>], vector<16xi32>,
      tpu.vector_store_idx %arg6[%add3A_1086], %bitcast3A_1000 : memref<32768xi32, #tpu.memory_space<vmem>>[vector<16xi32>], vector<16xi32>,
      tpu.vector_store_idx %arg6[%add3A_1087], %bitcast3A_1005 : memref<32768xi32, #tpu.memory_space<vmem>>[vector<16xi32>], vector<16xi32>,
      tpu.vector_store_idx %arg6[%add3A_1088], %bitcast3A_1010 : memref<32768xi32, #tpu.memory_space<vmem>>[vector<16xi32>], vector<16xi32>,
      tpu.vector_store_idx %arg6[%add3A_1089], %bitcast3A_1015 : memref<32768xi32, #tpu.memory_space<vmem>>[vector<16xi32>], vector<16xi32>,
      tpu.vector_store_idx %arg6[%add3A_1090], %bitcast3A_1020 : memref<32768xi32, #tpu.memory_space<vmem>>[vector<16xi32>], vector<16xi32>,
      tpu.vector_store_idx %arg6[%add3A_1091], %bitcast3A_1025 : memref<32768xi32, #tpu.memory_space<vmem>>[vector<16xi32>], vector<16xi32>,
      tpu.vector_store_idx %arg6[%add3A_1092], %bitcast3A_1030 : memref<32768xi32, #tpu.memory_space<vmem>>[vector<16xi32>], vector<16xi32>,
      tpu.vector_store_idx %arg6[%add3A_1093], %bitcast3A_1035 : memref<32768xi32, #tpu.memory_space<vmem>>[vector<16xi32>], vector<16xi32>,
      tpu.vector_store_idx %arg6[%add3A_1094], %bitcast3A_1040 : memref<32768xi32, #tpu.memory_space<vmem>>[vector<16xi32>], vector<16xi32>,
      tpu.vector_store_idx %arg6[%add3A_1095], %bitcast3A_1045 : memref<32768xi32, #tpu.memory_space<vmem>>[vector<16xi32>], vector<16xi32>,
      tpu.vector_store_idx %arg6[%add3A_1096], %bitcast3A_1050 : memref<32768xi32, #tpu.memory_space<vmem>>[vector<16xi32>], vector<16xi32>,
      tpu.vector_store_idx %arg6[%add3A_1097], %bitcast3A_1055 : memref<32768xi32, #tpu.memory_space<vmem>>[vector<16xi32>], vector<16xi32>,
      tpu.vector_store_idx %arg6[%add3A_1098], %bitcast3A_1060 : memref<32768xi32, #tpu.memory_space<vmem>>[vector<16xi32>], vector<16xi32>,
      tpu.vector_store_idx %arg6[%add3A_1099], %bitcast3A_1065 : memref<32768xi32, #tpu.memory_space<vmem>>[vector<16xi32>], vector<16xi32>,
      tpu.vector_store_idx %arg6[%add3A_1100], %bitcast3A_1070 : memref<32768xi32, #tpu.memory_space<vmem>>[vector<16xi32>], vector<16xi32>,
      %broadcast_in_dim3A_1102 = arith.constant 256 : i32
      %broadcast_in_dim3A_1103 = vector.broadcast %broadcast_in_dim3A_1102 : i32 to vector<16xi32>
      %add3A_1104 = arith.addi %scan3A_658, %broadcast_in_dim3A_1103 : vector<16xi32>
      scf.yield %add3A_1101, %add3A_1104 : vector<16xi32>, vector<16xi32>
    }
    %scan3A_32 = arith.constant 64 : i32
    %dma_start3A_33 = arith.constant 0 : i32
    %dma_start3A_34 = tpu.memref_slice %arg2[%add3A_11, %dma_start3A_33] : memref<64x32768xf32, #tpu.memory_space<hbm>> -> memref<1x16384xf32, #tpu.memory_space<hbm>>
    %dma_start3A_35 = tpu.memref_squeeze %dma_start3A_34 : memref<1x16384xf32, #tpu.memory_space<hbm>> -> memref<16384xf32, #tpu.memory_space<hbm>>
    %dma_start3A_36 = arith.constant 0 : i32
    %dma_start3A_37 = tpu.memref_slice %arg2[%add3A_11, %dma_start3A_36] : memref<64x32768xf32, #tpu.memory_space<hbm>> -> memref<1x16384xf32, #tpu.memory_space<hbm>>
    %dma_start3A_38 = tpu.memref_squeeze %dma_start3A_37 : memref<1x16384xf32, #tpu.memory_space<hbm>> -> memref<16384xf32, #tpu.memory_space<hbm>>
    tpu.enqueue_dma source(%dma_start3A_38 : memref<16384xf32, #tpu.memory_space<hbm>>) target(%arg4 : memref<16384xf32, #tpu.memory_space<vmem>>) target_semaphore(%arg8 : memref<!tpu.dma_semaphore, #tpu.memory_space<semaphore_mem>>)
    %dma_wait3A_39 = arith.constant 16384 : i32
    %dma_wait3A_40 = tpu.memref_slice %arg2[%mul3A_7, %dma_wait3A_39] : memref<64x32768xf32, #tpu.memory_space<hbm>> -> memref<1x16384xf32, #tpu.memory_space<hbm>>
    %dma_wait3A_41 = tpu.memref_squeeze %dma_wait3A_40 : memref<1x16384xf32, #tpu.memory_space<hbm>> -> memref<16384xf32, #tpu.memory_space<hbm>>
    %dma_wait3A_42 = arith.constant 16384 : i32
    %dma_wait3A_43 = tpu.memref_slice %arg2[%mul3A_7, %dma_wait3A_42] : memref<64x32768xf32, #tpu.memory_space<hbm>> -> memref<1x16384xf32, #tpu.memory_space<hbm>>
    %dma_wait3A_44 = tpu.memref_squeeze %dma_wait3A_43 : memref<1x16384xf32, #tpu.memory_space<hbm>> -> memref<16384xf32, #tpu.memory_space<hbm>>
    tpu.wait_dma2 semaphore(%arg9 : memref<!tpu.dma_semaphore, #tpu.memory_space<semaphore_mem>>) src(%dma_wait3A_44 : memref<16384xf32, #tpu.memory_space<hbm>>) dst(%arg5 : memref<16384xf32, #tpu.memory_space<vmem>>)
    %scan3A_45 = arith.constant 0 : i32
    %scan3A_46 = arith.constant 64 : i32
    %scan3A_47 = arith.addi %scan3A_45, %scan3A_46 : i32
    %scan3A_48 = arith.constant 1 : i32
    %scan3A_49:2 = scf.for %scan3A_656 = %scan3A_45 to %scan3A_47 step %scan3A_48 iter_args(%scan3A_657 = %scan3A_31#0, %scan3A_658 = %scan3A_31#1) -> (vector<16xi32>, vector<16xi32>)  : i32 {
      %mul3A_659 = arith.constant 16 : i32
      %mul3A_660 = arith.muli %scan3A_656, %mul3A_659 : i32
      %add3A_661 = arith.constant 0 : i32
      %add3A_662 = arith.addi %mul3A_660, %add3A_661 : i32
      %mul3A_663 = arith.constant 16 : i32
      %mul3A_664 = arith.muli %add3A_662, %mul3A_663 : i32
      %get3A = arith.index_cast %mul3A_664 : i32 to index
      %get3A_665 = tpu.vector_load %arg5[%get3A] {strides = array<i32>} : memref<16384xf32, #tpu.memory_space<vmem>>, vector<16xf32>,
      %add3A_666 = arith.constant 1 : i32
      %add3A_667 = arith.addi %mul3A_660, %add3A_666 : i32
      %mul3A_668 = arith.constant 16 : i32
      %mul3A_669 = arith.muli %add3A_667, %mul3A_668 : i32
      %get3A_670 = arith.index_cast %mul3A_669 : i32 to index
      %get3A_671 = tpu.vector_load %arg5[%get3A_670] {strides = array<i32>} : memref<16384xf32, #tpu.memory_space<vmem>>, vector<16xf32>,
      %add3A_672 = arith.constant 2 : i32
      %add3A_673 = arith.addi %mul3A_660, %add3A_672 : i32
      %mul3A_674 = arith.constant 16 : i32
      %mul3A_675 = arith.muli %add3A_673, %mul3A_674 : i32
      %get3A_676 = arith.index_cast %mul3A_675 : i32 to index
      %get3A_677 = tpu.vector_load %arg5[%get3A_676] {strides = array<i32>} : memref<16384xf32, #tpu.memory_space<vmem>>, vector<16xf32>,
      %add3A_678 = arith.constant 3 : i32
      %add3A_679 = arith.addi %mul3A_660, %add3A_678 : i32
      %mul3A_680 = arith.constant 16 : i32
      %mul3A_681 = arith.muli %add3A_679, %mul3A_680 : i32
      %get3A_682 = arith.index_cast %mul3A_681 : i32 to index
      %get3A_683 = tpu.vector_load %arg5[%get3A_682] {strides = array<i32>} : memref<16384xf32, #tpu.memory_space<vmem>>, vector<16xf32>,
      %add3A_684 = arith.constant 4 : i32
      %add3A_685 = arith.addi %mul3A_660, %add3A_684 : i32
      %mul3A_686 = arith.constant 16 : i32
      %mul3A_687 = arith.muli %add3A_685, %mul3A_686 : i32
      %get3A_688 = arith.index_cast %mul3A_687 : i32 to index
      %get3A_689 = tpu.vector_load %arg5[%get3A_688] {strides = array<i32>} : memref<16384xf32, #tpu.memory_space<vmem>>, vector<16xf32>,
      %add3A_690 = arith.constant 5 : i32
      %add3A_691 = arith.addi %mul3A_660, %add3A_690 : i32
      %mul3A_692 = arith.constant 16 : i32
      %mul3A_693 = arith.muli %add3A_691, %mul3A_692 : i32
      %get3A_694 = arith.index_cast %mul3A_693 : i32 to index
      %get3A_695 = tpu.vector_load %arg5[%get3A_694] {strides = array<i32>} : memref<16384xf32, #tpu.memory_space<vmem>>, vector<16xf32>,
      %add3A_696 = arith.constant 6 : i32
      %add3A_697 = arith.addi %mul3A_660, %add3A_696 : i32
      %mul3A_698 = arith.constant 16 : i32
      %mul3A_699 = arith.muli %add3A_697, %mul3A_698 : i32
      %get3A_700 = arith.index_cast %mul3A_699 : i32 to index
      %get3A_701 = tpu.vector_load %arg5[%get3A_700] {strides = array<i32>} : memref<16384xf32, #tpu.memory_space<vmem>>, vector<16xf32>,
      %add3A_702 = arith.constant 7 : i32
      %add3A_703 = arith.addi %mul3A_660, %add3A_702 : i32
      %mul3A_704 = arith.constant 16 : i32
      %mul3A_705 = arith.muli %add3A_703, %mul3A_704 : i32
      %get3A_706 = arith.index_cast %mul3A_705 : i32 to index
      %get3A_707 = tpu.vector_load %arg5[%get3A_706] {strides = array<i32>} : memref<16384xf32, #tpu.memory_space<vmem>>, vector<16xf32>,
      %add3A_708 = arith.constant 8 : i32
      %add3A_709 = arith.addi %mul3A_660, %add3A_708 : i32
      %mul3A_710 = arith.constant 16 : i32
      %mul3A_711 = arith.muli %add3A_709, %mul3A_710 : i32
      %get3A_712 = arith.index_cast %mul3A_711 : i32 to index
      %get3A_713 = tpu.vector_load %arg5[%get3A_712] {strides = array<i32>} : memref<16384xf32, #tpu.memory_space<vmem>>, vector<16xf32>,
      %add3A_714 = arith.constant 9 : i32
      %add3A_715 = arith.addi %mul3A_660, %add3A_714 : i32
      %mul3A_716 = arith.constant 16 : i32
      %mul3A_717 = arith.muli %add3A_715, %mul3A_716 : i32
      %get3A_718 = arith.index_cast %mul3A_717 : i32 to index
      %get3A_719 = tpu.vector_load %arg5[%get3A_718] {strides = array<i32>} : memref<16384xf32, #tpu.memory_space<vmem>>, vector<16xf32>,
      %add3A_720 = arith.constant 10 : i32
      %add3A_721 = arith.addi %mul3A_660, %add3A_720 : i32
      %mul3A_722 = arith.constant 16 : i32
      %mul3A_723 = arith.muli %add3A_721, %mul3A_722 : i32
      %get3A_724 = arith.index_cast %mul3A_723 : i32 to index
      %get3A_725 = tpu.vector_load %arg5[%get3A_724] {strides = array<i32>} : memref<16384xf32, #tpu.memory_space<vmem>>, vector<16xf32>,
      %add3A_726 = arith.constant 11 : i32
      %add3A_727 = arith.addi %mul3A_660, %add3A_726 : i32
      %mul3A_728 = arith.constant 16 : i32
      %mul3A_729 = arith.muli %add3A_727, %mul3A_728 : i32
      %get3A_730 = arith.index_cast %mul3A_729 : i32 to index
      %get3A_731 = tpu.vector_load %arg5[%get3A_730] {strides = array<i32>} : memref<16384xf32, #tpu.memory_space<vmem>>, vector<16xf32>,
      %add3A_732 = arith.constant 12 : i32
      %add3A_733 = arith.addi %mul3A_660, %add3A_732 : i32
      %mul3A_734 = arith.constant 16 : i32
      %mul3A_735 = arith.muli %add3A_733, %mul3A_734 : i32
      %get3A_736 = arith.index_cast %mul3A_735 : i32 to index
      %get3A_737 = tpu.vector_load %arg5[%get3A_736] {strides = array<i32>} : memref<16384xf32, #tpu.memory_space<vmem>>, vector<16xf32>,
      %add3A_738 = arith.constant 13 : i32
      %add3A_739 = arith.addi %mul3A_660, %add3A_738 : i32
      %mul3A_740 = arith.constant 16 : i32
      %mul3A_741 = arith.muli %add3A_739, %mul3A_740 : i32
      %get3A_742 = arith.index_cast %mul3A_741 : i32 to index
      %get3A_743 = tpu.vector_load %arg5[%get3A_742] {strides = array<i32>} : memref<16384xf32, #tpu.memory_space<vmem>>, vector<16xf32>,
      %add3A_744 = arith.constant 14 : i32
      %add3A_745 = arith.addi %mul3A_660, %add3A_744 : i32
      %mul3A_746 = arith.constant 16 : i32
      %mul3A_747 = arith.muli %add3A_745, %mul3A_746 : i32
      %get3A_748 = arith.index_cast %mul3A_747 : i32 to index
      %get3A_749 = tpu.vector_load %arg5[%get3A_748] {strides = array<i32>} : memref<16384xf32, #tpu.memory_space<vmem>>, vector<16xf32>,
      %add3A_750 = arith.constant 15 : i32
      %add3A_751 = arith.addi %mul3A_660, %add3A_750 : i32
      %mul3A_752 = arith.constant 16 : i32
      %mul3A_753 = arith.muli %add3A_751, %mul3A_752 : i32
      %get3A_754 = arith.index_cast %mul3A_753 : i32 to index
      %get3A_755 = tpu.vector_load %arg5[%get3A_754] {strides = array<i32>} : memref<16384xf32, #tpu.memory_space<vmem>>, vector<16xf32>,
      %ge3A_756 = arith.constant 5.000000e-01 : f32
      %ge3A_757 = vector.broadcast %ge3A_756 : f32 to vector<16xf32>
      %ge3A_758 = arith.cmpf oge, %get3A_665, %ge3A_757 : vector<16xf32>
      %ge3A_759 = arith.constant 5.000000e-01 : f32
      %ge3A_760 = vector.broadcast %ge3A_759 : f32 to vector<16xf32>
      %ge3A_761 = arith.cmpf oge, %get3A_671, %ge3A_760 : vector<16xf32>
      %ge3A_762 = arith.constant 5.000000e-01 : f32
      %ge3A_763 = vector.broadcast %ge3A_762 : f32 to vector<16xf32>
      %ge3A_764 = arith.cmpf oge, %get3A_677, %ge3A_763 : vector<16xf32>
      %ge3A_765 = arith.constant 5.000000e-01 : f32
      %ge3A_766 = vector.broadcast %ge3A_765 : f32 to vector<16xf32>
      %ge3A_767 = arith.cmpf oge, %get3A_683, %ge3A_766 : vector<16xf32>
      %ge3A_768 = arith.constant 5.000000e-01 : f32
      %ge3A_769 = vector.broadcast %ge3A_768 : f32 to vector<16xf32>
      %ge3A_770 = arith.cmpf oge, %get3A_689, %ge3A_769 : vector<16xf32>
      %ge3A_771 = arith.constant 5.000000e-01 : f32
      %ge3A_772 = vector.broadcast %ge3A_771 : f32 to vector<16xf32>
      %ge3A_773 = arith.cmpf oge, %get3A_695, %ge3A_772 : vector<16xf32>
      %ge3A_774 = arith.constant 5.000000e-01 : f32
      %ge3A_775 = vector.broadcast %ge3A_774 : f32 to vector<16xf32>
      %ge3A_776 = arith.cmpf oge, %get3A_701, %ge3A_775 : vector<16xf32>
      %ge3A_777 = arith.constant 5.000000e-01 : f32
      %ge3A_778 = vector.broadcast %ge3A_777 : f32 to vector<16xf32>
      %ge3A_779 = arith.cmpf oge, %get3A_707, %ge3A_778 : vector<16xf32>
      %ge3A_780 = arith.constant 5.000000e-01 : f32
      %ge3A_781 = vector.broadcast %ge3A_780 : f32 to vector<16xf32>
      %ge3A_782 = arith.cmpf oge, %get3A_713, %ge3A_781 : vector<16xf32>
      %ge3A_783 = arith.constant 5.000000e-01 : f32
      %ge3A_784 = vector.broadcast %ge3A_783 : f32 to vector<16xf32>
      %ge3A_785 = arith.cmpf oge, %get3A_719, %ge3A_784 : vector<16xf32>
      %ge3A_786 = arith.constant 5.000000e-01 : f32
      %ge3A_787 = vector.broadcast %ge3A_786 : f32 to vector<16xf32>
      %ge3A_788 = arith.cmpf oge, %get3A_725, %ge3A_787 : vector<16xf32>
      %ge3A_789 = arith.constant 5.000000e-01 : f32
      %ge3A_790 = vector.broadcast %ge3A_789 : f32 to vector<16xf32>
      %ge3A_791 = arith.cmpf oge, %get3A_731, %ge3A_790 : vector<16xf32>
      %ge3A_792 = arith.constant 5.000000e-01 : f32
      %ge3A_793 = vector.broadcast %ge3A_792 : f32 to vector<16xf32>
      %ge3A_794 = arith.cmpf oge, %get3A_737, %ge3A_793 : vector<16xf32>
      %ge3A_795 = arith.constant 5.000000e-01 : f32
      %ge3A_796 = vector.broadcast %ge3A_795 : f32 to vector<16xf32>
      %ge3A_797 = arith.cmpf oge, %get3A_743, %ge3A_796 : vector<16xf32>
      %ge3A_798 = arith.constant 5.000000e-01 : f32
      %ge3A_799 = vector.broadcast %ge3A_798 : f32 to vector<16xf32>
      %ge3A_800 = arith.cmpf oge, %get3A_749, %ge3A_799 : vector<16xf32>
      %ge3A_801 = arith.constant 5.000000e-01 : f32
      %ge3A_802 = vector.broadcast %ge3A_801 : f32 to vector<16xf32>
      %ge3A_803 = arith.cmpf oge, %get3A_755, %ge3A_802 : vector<16xf32>
      %broadcast_in_dim3A_804 = arith.constant 0 : i32
      %broadcast_in_dim3A_805 = vector.broadcast %broadcast_in_dim3A_804 : i32 to vector<16xi32>
      %add3A_806 = arith.addi %scan3A_658, %broadcast_in_dim3A_805 : vector<16xi32>
      %select_n3A_807 = arith.select %ge3A_758, %add3A_806, %broadcast_in_dim3A_1 : vector<16xi1>, vector<16xi32>
      %bitcast3A = vector.bitcast %select_n3A_807 : vector<16xi32> to vector<16xi32>
      %broadcast_in_dim3A_808 = arith.constant 16 : i32
      %broadcast_in_dim3A_809 = vector.broadcast %broadcast_in_dim3A_808 : i32 to vector<16xi32>
      %add3A_810 = arith.addi %scan3A_658, %broadcast_in_dim3A_809 : vector<16xi32>
      %select_n3A_811 = arith.select %ge3A_761, %add3A_810, %broadcast_in_dim3A_1 : vector<16xi1>, vector<16xi32>
      %bitcast3A_812 = vector.bitcast %select_n3A_811 : vector<16xi32> to vector<16xi32>
      %broadcast_in_dim3A_813 = arith.constant 32 : i32
      %broadcast_in_dim3A_814 = vector.broadcast %broadcast_in_dim3A_813 : i32 to vector<16xi32>
      %add3A_815 = arith.addi %scan3A_658, %broadcast_in_dim3A_814 : vector<16xi32>
      %select_n3A_816 = arith.select %ge3A_764, %add3A_815, %broadcast_in_dim3A_1 : vector<16xi1>, vector<16xi32>
      %bitcast3A_817 = vector.bitcast %select_n3A_816 : vector<16xi32> to vector<16xi32>
      %broadcast_in_dim3A_818 = arith.constant 48 : i32
      %broadcast_in_dim3A_819 = vector.broadcast %broadcast_in_dim3A_818 : i32 to vector<16xi32>
      %add3A_820 = arith.addi %scan3A_658, %broadcast_in_dim3A_819 : vector<16xi32>
      %select_n3A_821 = arith.select %ge3A_767, %add3A_820, %broadcast_in_dim3A_1 : vector<16xi1>, vector<16xi32>
      %bitcast3A_822 = vector.bitcast %select_n3A_821 : vector<16xi32> to vector<16xi32>
      %broadcast_in_dim3A_823 = arith.constant 64 : i32
      %broadcast_in_dim3A_824 = vector.broadcast %broadcast_in_dim3A_823 : i32 to vector<16xi32>
      %add3A_825 = arith.addi %scan3A_658, %broadcast_in_dim3A_824 : vector<16xi32>
      %select_n3A_826 = arith.select %ge3A_770, %add3A_825, %broadcast_in_dim3A_1 : vector<16xi1>, vector<16xi32>
      %bitcast3A_827 = vector.bitcast %select_n3A_826 : vector<16xi32> to vector<16xi32>
      %broadcast_in_dim3A_828 = arith.constant 80 : i32
      %broadcast_in_dim3A_829 = vector.broadcast %broadcast_in_dim3A_828 : i32 to vector<16xi32>
      %add3A_830 = arith.addi %scan3A_658, %broadcast_in_dim3A_829 : vector<16xi32>
      %select_n3A_831 = arith.select %ge3A_773, %add3A_830, %broadcast_in_dim3A_1 : vector<16xi1>, vector<16xi32>
      %bitcast3A_832 = vector.bitcast %select_n3A_831 : vector<16xi32> to vector<16xi32>
      %broadcast_in_dim3A_833 = arith.constant 96 : i32
      %broadcast_in_dim3A_834 = vector.broadcast %broadcast_in_dim3A_833 : i32 to vector<16xi32>
      %add3A_835 = arith.addi %scan3A_658, %broadcast_in_dim3A_834 : vector<16xi32>
      %select_n3A_836 = arith.select %ge3A_776, %add3A_835, %broadcast_in_dim3A_1 : vector<16xi1>, vector<16xi32>
      %bitcast3A_837 = vector.bitcast %select_n3A_836 : vector<16xi32> to vector<16xi32>
      %broadcast_in_dim3A_838 = arith.constant 112 : i32
      %broadcast_in_dim3A_839 = vector.broadcast %broadcast_in_dim3A_838 : i32 to vector<16xi32>
      %add3A_840 = arith.addi %scan3A_658, %broadcast_in_dim3A_839 : vector<16xi32>
      %select_n3A_841 = arith.select %ge3A_779, %add3A_840, %broadcast_in_dim3A_1 : vector<16xi1>, vector<16xi32>
      %bitcast3A_842 = vector.bitcast %select_n3A_841 : vector<16xi32> to vector<16xi32>
      %broadcast_in_dim3A_843 = arith.constant 128 : i32
      %broadcast_in_dim3A_844 = vector.broadcast %broadcast_in_dim3A_843 : i32 to vector<16xi32>
      %add3A_845 = arith.addi %scan3A_658, %broadcast_in_dim3A_844 : vector<16xi32>
      %select_n3A_846 = arith.select %ge3A_782, %add3A_845, %broadcast_in_dim3A_1 : vector<16xi1>, vector<16xi32>
      %bitcast3A_847 = vector.bitcast %select_n3A_846 : vector<16xi32> to vector<16xi32>
      %broadcast_in_dim3A_848 = arith.constant 144 : i32
      %broadcast_in_dim3A_849 = vector.broadcast %broadcast_in_dim3A_848 : i32 to vector<16xi32>
      %add3A_850 = arith.addi %scan3A_658, %broadcast_in_dim3A_849 : vector<16xi32>
      %select_n3A_851 = arith.select %ge3A_785, %add3A_850, %broadcast_in_dim3A_1 : vector<16xi1>, vector<16xi32>
      %bitcast3A_852 = vector.bitcast %select_n3A_851 : vector<16xi32> to vector<16xi32>
      %broadcast_in_dim3A_853 = arith.constant 160 : i32
      %broadcast_in_dim3A_854 = vector.broadcast %broadcast_in_dim3A_853 : i32 to vector<16xi32>
      %add3A_855 = arith.addi %scan3A_658, %broadcast_in_dim3A_854 : vector<16xi32>
      %select_n3A_856 = arith.select %ge3A_788, %add3A_855, %broadcast_in_dim3A_1 : vector<16xi1>, vector<16xi32>
      %bitcast3A_857 = vector.bitcast %select_n3A_856 : vector<16xi32> to vector<16xi32>
      %broadcast_in_dim3A_858 = arith.constant 176 : i32
      %broadcast_in_dim3A_859 = vector.broadcast %broadcast_in_dim3A_858 : i32 to vector<16xi32>
      %add3A_860 = arith.addi %scan3A_658, %broadcast_in_dim3A_859 : vector<16xi32>
      %select_n3A_861 = arith.select %ge3A_791, %add3A_860, %broadcast_in_dim3A_1 : vector<16xi1>, vector<16xi32>
      %bitcast3A_862 = vector.bitcast %select_n3A_861 : vector<16xi32> to vector<16xi32>
      %broadcast_in_dim3A_863 = arith.constant 192 : i32
      %broadcast_in_dim3A_864 = vector.broadcast %broadcast_in_dim3A_863 : i32 to vector<16xi32>
      %add3A_865 = arith.addi %scan3A_658, %broadcast_in_dim3A_864 : vector<16xi32>
      %select_n3A_866 = arith.select %ge3A_794, %add3A_865, %broadcast_in_dim3A_1 : vector<16xi1>, vector<16xi32>
      %bitcast3A_867 = vector.bitcast %select_n3A_866 : vector<16xi32> to vector<16xi32>
      %broadcast_in_dim3A_868 = arith.constant 208 : i32
      %broadcast_in_dim3A_869 = vector.broadcast %broadcast_in_dim3A_868 : i32 to vector<16xi32>
      %add3A_870 = arith.addi %scan3A_658, %broadcast_in_dim3A_869 : vector<16xi32>
      %select_n3A_871 = arith.select %ge3A_797, %add3A_870, %broadcast_in_dim3A_1 : vector<16xi1>, vector<16xi32>
      %bitcast3A_872 = vector.bitcast %select_n3A_871 : vector<16xi32> to vector<16xi32>
      %broadcast_in_dim3A_873 = arith.constant 224 : i32
      %broadcast_in_dim3A_874 = vector.broadcast %broadcast_in_dim3A_873 : i32 to vector<16xi32>
      %add3A_875 = arith.addi %scan3A_658, %broadcast_in_dim3A_874 : vector<16xi32>
      %select_n3A_876 = arith.select %ge3A_800, %add3A_875, %broadcast_in_dim3A_1 : vector<16xi1>, vector<16xi32>
      %bitcast3A_877 = vector.bitcast %select_n3A_876 : vector<16xi32> to vector<16xi32>
      %broadcast_in_dim3A_878 = arith.constant 240 : i32
      %broadcast_in_dim3A_879 = vector.broadcast %broadcast_in_dim3A_878 : i32 to vector<16xi32>
      %add3A_880 = arith.addi %scan3A_658, %broadcast_in_dim3A_879 : vector<16xi32>
      %select_n3A_881 = arith.select %ge3A_803, %add3A_880, %broadcast_in_dim3A_1 : vector<16xi1>, vector<16xi32>
      %bitcast3A_882 = vector.bitcast %select_n3A_881 : vector<16xi32> to vector<16xi32>
      %sort3A = arith.constant dense<true> : vector<16xi1>
      %sort3A_883, %sort3A_884, %sort3A_885 = tpu.sort %bitcast3A, %bitcast3A masked %sort3A : (vector<16xi32>, vector<16xi32>, vector<16xi1>) -> (vector<16xi1>, vector<16xi32>, vector<16xi32>)
      %bitcast3A_886 = vector.bitcast %sort3A_884 : vector<16xi32> to vector<16xi32>
      %sort3A_887 = arith.constant dense<true> : vector<16xi1>
      %sort3A_888, %sort3A_889, %sort3A_890 = tpu.sort %bitcast3A_812, %bitcast3A_812 masked %sort3A_887 : (vector<16xi32>, vector<16xi32>, vector<16xi1>) -> (vector<16xi1>, vector<16xi32>, vector<16xi32>)
      %bitcast3A_891 = vector.bitcast %sort3A_889 : vector<16xi32> to vector<16xi32>
      %sort3A_892 = arith.constant dense<true> : vector<16xi1>
      %sort3A_893, %sort3A_894, %sort3A_895 = tpu.sort %bitcast3A_817, %bitcast3A_817 masked %sort3A_892 : (vector<16xi32>, vector<16xi32>, vector<16xi1>) -> (vector<16xi1>, vector<16xi32>, vector<16xi32>)
      %bitcast3A_896 = vector.bitcast %sort3A_894 : vector<16xi32> to vector<16xi32>
      %sort3A_897 = arith.constant dense<true> : vector<16xi1>
      %sort3A_898, %sort3A_899, %sort3A_900 = tpu.sort %bitcast3A_822, %bitcast3A_822 masked %sort3A_897 : (vector<16xi32>, vector<16xi32>, vector<16xi1>) -> (vector<16xi1>, vector<16xi32>, vector<16xi32>)
      %bitcast3A_901 = vector.bitcast %sort3A_899 : vector<16xi32> to vector<16xi32>
      %sort3A_902 = arith.constant dense<true> : vector<16xi1>
      %sort3A_903, %sort3A_904, %sort3A_905 = tpu.sort %bitcast3A_827, %bitcast3A_827 masked %sort3A_902 : (vector<16xi32>, vector<16xi32>, vector<16xi1>) -> (vector<16xi1>, vector<16xi32>, vector<16xi32>)
      %bitcast3A_906 = vector.bitcast %sort3A_904 : vector<16xi32> to vector<16xi32>
      %sort3A_907 = arith.constant dense<true> : vector<16xi1>
      %sort3A_908, %sort3A_909, %sort3A_910 = tpu.sort %bitcast3A_832, %bitcast3A_832 masked %sort3A_907 : (vector<16xi32>, vector<16xi32>, vector<16xi1>) -> (vector<16xi1>, vector<16xi32>, vector<16xi32>)
      %bitcast3A_911 = vector.bitcast %sort3A_909 : vector<16xi32> to vector<16xi32>
      %sort3A_912 = arith.constant dense<true> : vector<16xi1>
      %sort3A_913, %sort3A_914, %sort3A_915 = tpu.sort %bitcast3A_837, %bitcast3A_837 masked %sort3A_912 : (vector<16xi32>, vector<16xi32>, vector<16xi1>) -> (vector<16xi1>, vector<16xi32>, vector<16xi32>)
      %bitcast3A_916 = vector.bitcast %sort3A_914 : vector<16xi32> to vector<16xi32>
      %sort3A_917 = arith.constant dense<true> : vector<16xi1>
      %sort3A_918, %sort3A_919, %sort3A_920 = tpu.sort %bitcast3A_842, %bitcast3A_842 masked %sort3A_917 : (vector<16xi32>, vector<16xi32>, vector<16xi1>) -> (vector<16xi1>, vector<16xi32>, vector<16xi32>)
      %bitcast3A_921 = vector.bitcast %sort3A_919 : vector<16xi32> to vector<16xi32>
      %sort3A_922 = arith.constant dense<true> : vector<16xi1>
      %sort3A_923, %sort3A_924, %sort3A_925 = tpu.sort %bitcast3A_847, %bitcast3A_847 masked %sort3A_922 : (vector<16xi32>, vector<16xi32>, vector<16xi1>) -> (vector<16xi1>, vector<16xi32>, vector<16xi32>)
      %bitcast3A_926 = vector.bitcast %sort3A_924 : vector<16xi32> to vector<16xi32>
      %sort3A_927 = arith.constant dense<true> : vector<16xi1>
      %sort3A_928, %sort3A_929, %sort3A_930 = tpu.sort %bitcast3A_852, %bitcast3A_852 masked %sort3A_927 : (vector<16xi32>, vector<16xi32>, vector<16xi1>) -> (vector<16xi1>, vector<16xi32>, vector<16xi32>)
      %bitcast3A_931 = vector.bitcast %sort3A_929 : vector<16xi32> to vector<16xi32>
      %sort3A_932 = arith.constant dense<true> : vector<16xi1>
      %sort3A_933, %sort3A_934, %sort3A_935 = tpu.sort %bitcast3A_857, %bitcast3A_857 masked %sort3A_932 : (vector<16xi32>, vector<16xi32>, vector<16xi1>) -> (vector<16xi1>, vector<16xi32>, vector<16xi32>)
      %bitcast3A_936 = vector.bitcast %sort3A_934 : vector<16xi32> to vector<16xi32>
      %sort3A_937 = arith.constant dense<true> : vector<16xi1>
      %sort3A_938, %sort3A_939, %sort3A_940 = tpu.sort %bitcast3A_862, %bitcast3A_862 masked %sort3A_937 : (vector<16xi32>, vector<16xi32>, vector<16xi1>) -> (vector<16xi1>, vector<16xi32>, vector<16xi32>)
      %bitcast3A_941 = vector.bitcast %sort3A_939 : vector<16xi32> to vector<16xi32>
      %sort3A_942 = arith.constant dense<true> : vector<16xi1>
      %sort3A_943, %sort3A_944, %sort3A_945 = tpu.sort %bitcast3A_867, %bitcast3A_867 masked %sort3A_942 : (vector<16xi32>, vector<16xi32>, vector<16xi1>) -> (vector<16xi1>, vector<16xi32>, vector<16xi32>)
      %bitcast3A_946 = vector.bitcast %sort3A_944 : vector<16xi32> to vector<16xi32>
      %sort3A_947 = arith.constant dense<true> : vector<16xi1>
      %sort3A_948, %sort3A_949, %sort3A_950 = tpu.sort %bitcast3A_872, %bitcast3A_872 masked %sort3A_947 : (vector<16xi32>, vector<16xi32>, vector<16xi1>) -> (vector<16xi1>, vector<16xi32>, vector<16xi32>)
      %bitcast3A_951 = vector.bitcast %sort3A_949 : vector<16xi32> to vector<16xi32>
      %sort3A_952 = arith.constant dense<true> : vector<16xi1>
      %sort3A_953, %sort3A_954, %sort3A_955 = tpu.sort %bitcast3A_877, %bitcast3A_877 masked %sort3A_952 : (vector<16xi32>, vector<16xi32>, vector<16xi1>) -> (vector<16xi1>, vector<16xi32>, vector<16xi32>)
      %bitcast3A_956 = vector.bitcast %sort3A_954 : vector<16xi32> to vector<16xi32>
      %sort3A_957 = arith.constant dense<true> : vector<16xi1>
      %sort3A_958, %sort3A_959, %sort3A_960 = tpu.sort %bitcast3A_882, %bitcast3A_882 masked %sort3A_957 : (vector<16xi32>, vector<16xi32>, vector<16xi1>) -> (vector<16xi1>, vector<16xi32>, vector<16xi32>)
      %bitcast3A_961 = vector.bitcast %sort3A_959 : vector<16xi32> to vector<16xi32>
      %all_reduce_population_count3A = tpu.all_reduce %ge3A_758 {dim = 0 : i64, kind = #tpu.reduction_kind<sum>} : vector<16xi1> -> vector<16xi32>
      %all_reduce_population_count3A_962 = tpu.all_reduce %ge3A_761 {dim = 0 : i64, kind = #tpu.reduction_kind<sum>} : vector<16xi1> -> vector<16xi32>
      %all_reduce_population_count3A_963 = tpu.all_reduce %ge3A_764 {dim = 0 : i64, kind = #tpu.reduction_kind<sum>} : vector<16xi1> -> vector<16xi32>
      %all_reduce_population_count3A_964 = tpu.all_reduce %ge3A_767 {dim = 0 : i64, kind = #tpu.reduction_kind<sum>} : vector<16xi1> -> vector<16xi32>
      %all_reduce_population_count3A_965 = tpu.all_reduce %ge3A_770 {dim = 0 : i64, kind = #tpu.reduction_kind<sum>} : vector<16xi1> -> vector<16xi32>
      %all_reduce_population_count3A_966 = tpu.all_reduce %ge3A_773 {dim = 0 : i64, kind = #tpu.reduction_kind<sum>} : vector<16xi1> -> vector<16xi32>
      %all_reduce_population_count3A_967 = tpu.all_reduce %ge3A_776 {dim = 0 : i64, kind = #tpu.reduction_kind<sum>} : vector<16xi1> -> vector<16xi32>
      %all_reduce_population_count3A_968 = tpu.all_reduce %ge3A_779 {dim = 0 : i64, kind = #tpu.reduction_kind<sum>} : vector<16xi1> -> vector<16xi32>
      %all_reduce_population_count3A_969 = tpu.all_reduce %ge3A_782 {dim = 0 : i64, kind = #tpu.reduction_kind<sum>} : vector<16xi1> -> vector<16xi32>
      %all_reduce_population_count3A_970 = tpu.all_reduce %ge3A_785 {dim = 0 : i64, kind = #tpu.reduction_kind<sum>} : vector<16xi1> -> vector<16xi32>
      %all_reduce_population_count3A_971 = tpu.all_reduce %ge3A_788 {dim = 0 : i64, kind = #tpu.reduction_kind<sum>} : vector<16xi1> -> vector<16xi32>
      %all_reduce_population_count3A_972 = tpu.all_reduce %ge3A_791 {dim = 0 : i64, kind = #tpu.reduction_kind<sum>} : vector<16xi1> -> vector<16xi32>
      %all_reduce_population_count3A_973 = tpu.all_reduce %ge3A_794 {dim = 0 : i64, kind = #tpu.reduction_kind<sum>} : vector<16xi1> -> vector<16xi32>
      %all_reduce_population_count3A_974 = tpu.all_reduce %ge3A_797 {dim = 0 : i64, kind = #tpu.reduction_kind<sum>} : vector<16xi1> -> vector<16xi32>
      %all_reduce_population_count3A_975 = tpu.all_reduce %ge3A_800 {dim = 0 : i64, kind = #tpu.reduction_kind<sum>} : vector<16xi1> -> vector<16xi32>
      %all_reduce_population_count3A_976 = tpu.all_reduce %ge3A_803 {dim = 0 : i64, kind = #tpu.reduction_kind<sum>} : vector<16xi1> -> vector<16xi32>
      %add3A_977 = arith.addi %scan3A_657, %all_reduce_population_count3A : vector<16xi32>
      %add3A_978 = arith.addi %add3A_977, %all_reduce_population_count3A_962 : vector<16xi32>
      %add3A_979 = arith.addi %add3A_978, %all_reduce_population_count3A_963 : vector<16xi32>
      %add3A_980 = arith.addi %add3A_979, %all_reduce_population_count3A_964 : vector<16xi32>
      %add3A_981 = arith.addi %add3A_980, %all_reduce_population_count3A_965 : vector<16xi32>
      %add3A_982 = arith.addi %add3A_981, %all_reduce_population_count3A_966 : vector<16xi32>
      %add3A_983 = arith.addi %add3A_982, %all_reduce_population_count3A_967 : vector<16xi32>
      %add3A_984 = arith.addi %add3A_983, %all_reduce_population_count3A_968 : vector<16xi32>
      %add3A_985 = arith.addi %add3A_984, %all_reduce_population_count3A_969 : vector<16xi32>
      %add3A_986 = arith.addi %add3A_985, %all_reduce_population_count3A_970 : vector<16xi32>
      %add3A_987 = arith.addi %add3A_986, %all_reduce_population_count3A_971 : vector<16xi32>
      %add3A_988 = arith.addi %add3A_987, %all_reduce_population_count3A_972 : vector<16xi32>
      %add3A_989 = arith.addi %add3A_988, %all_reduce_population_count3A_973 : vector<16xi32>
      %add3A_990 = arith.addi %add3A_989, %all_reduce_population_count3A_974 : vector<16xi32>
      %add3A_991 = arith.addi %add3A_990, %all_reduce_population_count3A_975 : vector<16xi32>
      %add3A_992 = arith.addi %add3A_991, %all_reduce_population_count3A_976 : vector<16xi32>
      tpu.vector_store_idx %arg6[%scan3A_657], %bitcast3A_886 : memref<32768xi32, #tpu.memory_space<vmem>>[vector<16xi32>], vector<16xi32>,
      tpu.vector_store_idx %arg6[%add3A_977], %bitcast3A_891 : memref<32768xi32, #tpu.memory_space<vmem>>[vector<16xi32>], vector<16xi32>,
      tpu.vector_store_idx %arg6[%add3A_978], %bitcast3A_896 : memref<32768xi32, #tpu.memory_space<vmem>>[vector<16xi32>], vector<16xi32>,
      tpu.vector_store_idx %arg6[%add3A_979], %bitcast3A_901 : memref<32768xi32, #tpu.memory_space<vmem>>[vector<16xi32>], vector<16xi32>,
      tpu.vector_store_idx %arg6[%add3A_980], %bitcast3A_906 : memref<32768xi32, #tpu.memory_space<vmem>>[vector<16xi32>], vector<16xi32>,
      tpu.vector_store_idx %arg6[%add3A_981], %bitcast3A_911 : memref<32768xi32, #tpu.memory_space<vmem>>[vector<16xi32>], vector<16xi32>,
      tpu.vector_store_idx %arg6[%add3A_982], %bitcast3A_916 : memref<32768xi32, #tpu.memory_space<vmem>>[vector<16xi32>], vector<16xi32>,
      tpu.vector_store_idx %arg6[%add3A_983], %bitcast3A_921 : memref<32768xi32, #tpu.memory_space<vmem>>[vector<16xi32>], vector<16xi32>,
      tpu.vector_store_idx %arg6[%add3A_984], %bitcast3A_926 : memref<32768xi32, #tpu.memory_space<vmem>>[vector<16xi32>], vector<16xi32>,
      tpu.vector_store_idx %arg6[%add3A_985], %bitcast3A_931 : memref<32768xi32, #tpu.memory_space<vmem>>[vector<16xi32>], vector<16xi32>,
      tpu.vector_store_idx %arg6[%add3A_986], %bitcast3A_936 : memref<32768xi32, #tpu.memory_space<vmem>>[vector<16xi32>], vector<16xi32>,
      tpu.vector_store_idx %arg6[%add3A_987], %bitcast3A_941 : memref<32768xi32, #tpu.memory_space<vmem>>[vector<16xi32>], vector<16xi32>,
      tpu.vector_store_idx %arg6[%add3A_988], %bitcast3A_946 : memref<32768xi32, #tpu.memory_space<vmem>>[vector<16xi32>], vector<16xi32>,
      tpu.vector_store_idx %arg6[%add3A_989], %bitcast3A_951 : memref<32768xi32, #tpu.memory_space<vmem>>[vector<16xi32>], vector<16xi32>,
      tpu.vector_store_idx %arg6[%add3A_990], %bitcast3A_956 : memref<32768xi32, #tpu.memory_space<vmem>>[vector<16xi32>], vector<16xi32>,
      tpu.vector_store_idx %arg6[%add3A_991], %bitcast3A_961 : memref<32768xi32, #tpu.memory_space<vmem>>[vector<16xi32>], vector<16xi32>,
      %broadcast_in_dim3A_993 = arith.constant 256 : i32
      %broadcast_in_dim3A_994 = vector.broadcast %broadcast_in_dim3A_993 : i32 to vector<16xi32>
      %add3A_995 = arith.addi %scan3A_658, %broadcast_in_dim3A_994 : vector<16xi32>
      scf.yield %add3A_992, %add3A_995 : vector<16xi32>, vector<16xi32>
    }
    %scan3A_50 = arith.constant 64 : i32
    %dma_start3A_51 = arith.constant 16384 : i32
    %dma_start3A_52 = tpu.memref_slice %arg2[%add3A_11, %dma_start3A_51] : memref<64x32768xf32, #tpu.memory_space<hbm>> -> memref<1x16384xf32, #tpu.memory_space<hbm>>
    %dma_start3A_53 = tpu.memref_squeeze %dma_start3A_52 : memref<1x16384xf32, #tpu.memory_space<hbm>> -> memref<16384xf32, #tpu.memory_space<hbm>>
    %dma_start3A_54 = arith.constant 16384 : i32
    %dma_start3A_55 = tpu.memref_slice %arg2[%add3A_11, %dma_start3A_54] : memref<64x32768xf32, #tpu.memory_space<hbm>> -> memref<1x16384xf32, #tpu.memory_space<hbm>>
    %dma_start3A_56 = tpu.memref_squeeze %dma_start3A_55 : memref<1x16384xf32, #tpu.memory_space<hbm>> -> memref<16384xf32, #tpu.memory_space<hbm>>
    tpu.enqueue_dma source(%dma_start3A_56 : memref<16384xf32, #tpu.memory_space<hbm>>) target(%arg5 : memref<16384xf32, #tpu.memory_space<vmem>>) target_semaphore(%arg9 : memref<!tpu.dma_semaphore, #tpu.memory_space<semaphore_mem>>)
    %sub3A = arith.subi %scan3A_49#0, %iota3A : vector<16xi32>
    %broadcast_in_dim3A_57 = arith.constant -16 : i32
    %broadcast_in_dim3A_58 = vector.broadcast %broadcast_in_dim3A_57 : i32 to vector<16xi32>
    %and3A = arith.andi %sub3A, %broadcast_in_dim3A_58 : vector<16xi32>
    %add3A_59 = arith.addi %and3A, %iota3A : vector<16xi32>
    %ge3A = arith.cmpi sge, %add3A_59, %sub3A : vector<16xi32>
    %lt3A = arith.cmpi slt, %add3A_59, %broadcast_in_dim3A_5 : vector<16xi32>
    %and3A_60 = arith.andi %ge3A, %lt3A : vector<16xi1>
    tpu.vector_store_idx %arg6[%add3A_59], %broadcast_in_dim3A_1 masked %and3A_60 : memref<32768xi32, #tpu.memory_space<vmem>>[vector<16xi32>], vector<16xi32>, vector<16xi1>
    %slice3A = vector.extract_strided_slice %sub3A {offsets = [0], sizes = [1], strides = [1]} : vector<16xi32> to vector<1xi32>
    %squeeze3A = vector.extract %slice3A[0] : i32 from vector<1xi32>
    %jit3A = arith.constant 16 : i32
    %div3A = arith.divsi %squeeze3A, %jit3A : i32
    %sign3A = arith.constant 0 : i32
    %sign3A_61 = arith.cmpi sgt, %squeeze3A, %sign3A : i32
    %sign3A_62 = arith.extui %sign3A_61 : i1 to i32
    %sign3A_63 = arith.constant 0 : i32
    %sign3A_64 = arith.cmpi slt, %squeeze3A, %sign3A_63 : i32
    %sign3A_65 = arith.extui %sign3A_64 : i1 to i32
    %sign3A_66 = arith.subi %sign3A_62, %sign3A_65 : i32
    %sign3A_67 = arith.constant 0 : i32
    %sign3A_68 = arith.cmpi sgt, %jit3A, %sign3A_67 : i32
    %sign3A_69 = arith.extui %sign3A_68 : i1 to i32
    %sign3A_70 = arith.constant 0 : i32
    %sign3A_71 = arith.cmpi slt, %jit3A, %sign3A_70 : i32
    %sign3A_72 = arith.extui %sign3A_71 : i1 to i32
    %sign3A_73 = arith.subi %sign3A_69, %sign3A_72 : i32
    %ne3A = arith.cmpi ne, %sign3A_66, %sign3A_73 : i32
    %rem3A = arith.remsi %squeeze3A, %jit3A : i32
    %ne3A_74 = arith.constant 0 : i32
    %ne3A_75 = arith.cmpi ne, %rem3A, %ne3A_74 : i32
    %and3A_76 = arith.andi %ne3A, %ne3A_75 : i1
    %sub3A_77 = arith.constant 1 : i32
    %sub3A_78 = arith.subi %div3A, %sub3A_77 : i32
    %select_n3A = arith.select %and3A_76, %sub3A_78, %div3A : i32
    %add3A_79 = arith.constant 1 : i32
    %add3A_80 = arith.addi %select_n3A, %add3A_79 : i32
    %add3A_81 = arith.constant 15 : i32
    %add3A_82 = arith.addi %add3A_80, %add3A_81 : i32
    %jit3A_83 = arith.constant 16 : i32
    %div3A_84 = arith.divsi %add3A_82, %jit3A_83 : i32
    %sign3A_85 = arith.constant 0 : i32
    %sign3A_86 = arith.cmpi sgt, %add3A_82, %sign3A_85 : i32
    %sign3A_87 = arith.extui %sign3A_86 : i1 to i32
    %sign3A_88 = arith.constant 0 : i32
    %sign3A_89 = arith.cmpi slt, %add3A_82, %sign3A_88 : i32
    %sign3A_90 = arith.extui %sign3A_89 : i1 to i32
    %sign3A_91 = arith.subi %sign3A_87, %sign3A_90 : i32
    %sign3A_92 = arith.constant 0 : i32
    %sign3A_93 = arith.cmpi sgt, %jit3A_83, %sign3A_92 : i32
    %sign3A_94 = arith.extui %sign3A_93 : i1 to i32
    %sign3A_95 = arith.constant 0 : i32
    %sign3A_96 = arith.cmpi slt, %jit3A_83, %sign3A_95 : i32
    %sign3A_97 = arith.extui %sign3A_96 : i1 to i32
    %sign3A_98 = arith.subi %sign3A_94, %sign3A_97 : i32
    %ne3A_99 = arith.cmpi ne, %sign3A_91, %sign3A_98 : i32
    %rem3A_100 = arith.remsi %add3A_82, %jit3A_83 : i32
    %ne3A_101 = arith.constant 0 : i32
    %ne3A_102 = arith.cmpi ne, %rem3A_100, %ne3A_101 : i32
    %and3A_103 = arith.andi %ne3A_99, %ne3A_102 : i1
    %sub3A_104 = arith.constant 1 : i32
    %sub3A_105 = arith.subi %div3A_84, %sub3A_104 : i32
    %select_n3A_106 = arith.select %and3A_103, %sub3A_105, %div3A_84 : i32
    %add3A_107 = arith.constant 0 : i32
    %add3A_108 = arith.addi %add3A_80, %add3A_107 : i32
    %mul3A_109 = arith.constant 16 : i32
    %mul3A_110 = arith.muli %add3A_108, %mul3A_109 : i32
    %add3A_111 = vector.broadcast %mul3A_110 : i32 to vector<16xi32>
    %add3A_112 = arith.addi %add3A_111, %iota3A : vector<16xi32>
    %mul3A_113 = arith.constant 16 : i32
    %mul3A_114 = arith.muli %select_n3A_106, %mul3A_113 : i32
    %mul3A_115 = arith.constant 16 : i32
    %mul3A_116 = arith.muli %mul3A_114, %mul3A_115 : i32
    %lt3A_117 = vector.broadcast %mul3A_116 : i32 to vector<16xi32>
    %lt3A_118 = arith.cmpi slt, %add3A_112, %lt3A_117 : vector<16xi32>
    %lt3A_119 = arith.cmpi slt, %add3A_112, %broadcast_in_dim3A_5 : vector<16xi32>
    %and3A_120 = arith.andi %lt3A_118, %lt3A_119 : vector<16xi1>
    tpu.vector_store_idx %arg6[%add3A_112], %broadcast_in_dim3A_1 masked %and3A_120 : memref<32768xi32, #tpu.memory_space<vmem>>[vector<16xi32>], vector<16xi32>, vector<16xi1>
    %add3A_121 = arith.constant 1 : i32
    %add3A_122 = arith.addi %add3A_80, %add3A_121 : i32
    %mul3A_123 = arith.constant 16 : i32
    %mul3A_124 = arith.muli %add3A_122, %mul3A_123 : i32
    %add3A_125 = vector.broadcast %mul3A_124 : i32 to vector<16xi32>
    %add3A_126 = arith.addi %add3A_125, %iota3A : vector<16xi32>
    %mul3A_127 = arith.constant 16 : i32
    %mul3A_128 = arith.muli %select_n3A_106, %mul3A_127 : i32
    %mul3A_129 = arith.constant 16 : i32
    %mul3A_130 = arith.muli %mul3A_128, %mul3A_129 : i32
    %lt3A_131 = vector.broadcast %mul3A_130 : i32 to vector<16xi32>
    %lt3A_132 = arith.cmpi slt, %add3A_126, %lt3A_131 : vector<16xi32>
    %lt3A_133 = arith.cmpi slt, %add3A_126, %broadcast_in_dim3A_5 : vector<16xi32>
    %and3A_134 = arith.andi %lt3A_132, %lt3A_133 : vector<16xi1>
    tpu.vector_store_idx %arg6[%add3A_126], %broadcast_in_dim3A_1 masked %and3A_134 : memref<32768xi32, #tpu.memory_space<vmem>>[vector<16xi32>], vector<16xi32>, vector<16xi1>
    %add3A_135 = arith.constant 2 : i32
    %add3A_136 = arith.addi %add3A_80, %add3A_135 : i32
    %mul3A_137 = arith.constant 16 : i32
    %mul3A_138 = arith.muli %add3A_136, %mul3A_137 : i32
    %add3A_139 = vector.broadcast %mul3A_138 : i32 to vector<16xi32>
    %add3A_140 = arith.addi %add3A_139, %iota3A : vector<16xi32>
    %mul3A_141 = arith.constant 16 : i32
    %mul3A_142 = arith.muli %select_n3A_106, %mul3A_141 : i32
    %mul3A_143 = arith.constant 16 : i32
    %mul3A_144 = arith.muli %mul3A_142, %mul3A_143 : i32
    %lt3A_145 = vector.broadcast %mul3A_144 : i32 to vector<16xi32>
    %lt3A_146 = arith.cmpi slt, %add3A_140, %lt3A_145 : vector<16xi32>
    %lt3A_147 = arith.cmpi slt, %add3A_140, %broadcast_in_dim3A_5 : vector<16xi32>
    %and3A_148 = arith.andi %lt3A_146, %lt3A_147 : vector<16xi1>
    tpu.vector_store_idx %arg6[%add3A_140], %broadcast_in_dim3A_1 masked %and3A_148 : memref<32768xi32, #tpu.memory_space<vmem>>[vector<16xi32>], vector<16xi32>, vector<16xi1>
    %add3A_149 = arith.constant 3 : i32
    %add3A_150 = arith.addi %add3A_80, %add3A_149 : i32
    %mul3A_151 = arith.constant 16 : i32
    %mul3A_152 = arith.muli %add3A_150, %mul3A_151 : i32
    %add3A_153 = vector.broadcast %mul3A_152 : i32 to vector<16xi32>
    %add3A_154 = arith.addi %add3A_153, %iota3A : vector<16xi32>
    %mul3A_155 = arith.constant 16 : i32
    %mul3A_156 = arith.muli %select_n3A_106, %mul3A_155 : i32
    %mul3A_157 = arith.constant 16 : i32
    %mul3A_158 = arith.muli %mul3A_156, %mul3A_157 : i32
    %lt3A_159 = vector.broadcast %mul3A_158 : i32 to vector<16xi32>
    %lt3A_160 = arith.cmpi slt, %add3A_154, %lt3A_159 : vector<16xi32>
    %lt3A_161 = arith.cmpi slt, %add3A_154, %broadcast_in_dim3A_5 : vector<16xi32>
    %and3A_162 = arith.andi %lt3A_160, %lt3A_161 : vector<16xi1>
    tpu.vector_store_idx %arg6[%add3A_154], %broadcast_in_dim3A_1 masked %and3A_162 : memref<32768xi32, #tpu.memory_space<vmem>>[vector<16xi32>], vector<16xi32>, vector<16xi1>
    %add3A_163 = arith.constant 4 : i32
    %add3A_164 = arith.addi %add3A_80, %add3A_163 : i32
    %mul3A_165 = arith.constant 16 : i32
    %mul3A_166 = arith.muli %add3A_164, %mul3A_165 : i32
    %add3A_167 = vector.broadcast %mul3A_166 : i32 to vector<16xi32>
    %add3A_168 = arith.addi %add3A_167, %iota3A : vector<16xi32>
    %mul3A_169 = arith.constant 16 : i32
    %mul3A_170 = arith.muli %select_n3A_106, %mul3A_169 : i32
    %mul3A_171 = arith.constant 16 : i32
    %mul3A_172 = arith.muli %mul3A_170, %mul3A_171 : i32
    %lt3A_173 = vector.broadcast %mul3A_172 : i32 to vector<16xi32>
    %lt3A_174 = arith.cmpi slt, %add3A_168, %lt3A_173 : vector<16xi32>
    %lt3A_175 = arith.cmpi slt, %add3A_168, %broadcast_in_dim3A_5 : vector<16xi32>
    %and3A_176 = arith.andi %lt3A_174, %lt3A_175 : vector<16xi1>
    tpu.vector_store_idx %arg6[%add3A_168], %broadcast_in_dim3A_1 masked %and3A_176 : memref<32768xi32, #tpu.memory_space<vmem>>[vector<16xi32>], vector<16xi32>, vector<16xi1>
    %add3A_177 = arith.constant 5 : i32
    %add3A_178 = arith.addi %add3A_80, %add3A_177 : i32
    %mul3A_179 = arith.constant 16 : i32
    %mul3A_180 = arith.muli %add3A_178, %mul3A_179 : i32
    %add3A_181 = vector.broadcast %mul3A_180 : i32 to vector<16xi32>
    %add3A_182 = arith.addi %add3A_181, %iota3A : vector<16xi32>
    %mul3A_183 = arith.constant 16 : i32
    %mul3A_184 = arith.muli %select_n3A_106, %mul3A_183 : i32
    %mul3A_185 = arith.constant 16 : i32
    %mul3A_186 = arith.muli %mul3A_184, %mul3A_185 : i32
    %lt3A_187 = vector.broadcast %mul3A_186 : i32 to vector<16xi32>
    %lt3A_188 = arith.cmpi slt, %add3A_182, %lt3A_187 : vector<16xi32>
    %lt3A_189 = arith.cmpi slt, %add3A_182, %broadcast_in_dim3A_5 : vector<16xi32>
    %and3A_190 = arith.andi %lt3A_188, %lt3A_189 : vector<16xi1>
    tpu.vector_store_idx %arg6[%add3A_182], %broadcast_in_dim3A_1 masked %and3A_190 : memref<32768xi32, #tpu.memory_space<vmem>>[vector<16xi32>], vector<16xi32>, vector<16xi1>
    %add3A_191 = arith.constant 6 : i32
    %add3A_192 = arith.addi %add3A_80, %add3A_191 : i32
    %mul3A_193 = arith.constant 16 : i32
    %mul3A_194 = arith.muli %add3A_192, %mul3A_193 : i32
    %add3A_195 = vector.broadcast %mul3A_194 : i32 to vector<16xi32>
    %add3A_196 = arith.addi %add3A_195, %iota3A : vector<16xi32>
    %mul3A_197 = arith.constant 16 : i32
    %mul3A_198 = arith.muli %select_n3A_106, %mul3A_197 : i32
    %mul3A_199 = arith.constant 16 : i32
    %mul3A_200 = arith.muli %mul3A_198, %mul3A_199 : i32
    %lt3A_201 = vector.broadcast %mul3A_200 : i32 to vector<16xi32>
    %lt3A_202 = arith.cmpi slt, %add3A_196, %lt3A_201 : vector<16xi32>
    %lt3A_203 = arith.cmpi slt, %add3A_196, %broadcast_in_dim3A_5 : vector<16xi32>
    %and3A_204 = arith.andi %lt3A_202, %lt3A_203 : vector<16xi1>
    tpu.vector_store_idx %arg6[%add3A_196], %broadcast_in_dim3A_1 masked %and3A_204 : memref<32768xi32, #tpu.memory_space<vmem>>[vector<16xi32>], vector<16xi32>, vector<16xi1>
    %add3A_205 = arith.constant 7 : i32
    %add3A_206 = arith.addi %add3A_80, %add3A_205 : i32
    %mul3A_207 = arith.constant 16 : i32
    %mul3A_208 = arith.muli %add3A_206, %mul3A_207 : i32
    %add3A_209 = vector.broadcast %mul3A_208 : i32 to vector<16xi32>
    %add3A_210 = arith.addi %add3A_209, %iota3A : vector<16xi32>
    %mul3A_211 = arith.constant 16 : i32
    %mul3A_212 = arith.muli %select_n3A_106, %mul3A_211 : i32
    %mul3A_213 = arith.constant 16 : i32
    %mul3A_214 = arith.muli %mul3A_212, %mul3A_213 : i32
    %lt3A_215 = vector.broadcast %mul3A_214 : i32 to vector<16xi32>
    %lt3A_216 = arith.cmpi slt, %add3A_210, %lt3A_215 : vector<16xi32>
    %lt3A_217 = arith.cmpi slt, %add3A_210, %broadcast_in_dim3A_5 : vector<16xi32>
    %and3A_218 = arith.andi %lt3A_216, %lt3A_217 : vector<16xi1>
    tpu.vector_store_idx %arg6[%add3A_210], %broadcast_in_dim3A_1 masked %and3A_218 : memref<32768xi32, #tpu.memory_space<vmem>>[vector<16xi32>], vector<16xi32>, vector<16xi1>
    %add3A_219 = arith.constant 8 : i32
    %add3A_220 = arith.addi %add3A_80, %add3A_219 : i32
    %mul3A_221 = arith.constant 16 : i32
    %mul3A_222 = arith.muli %add3A_220, %mul3A_221 : i32
    %add3A_223 = vector.broadcast %mul3A_222 : i32 to vector<16xi32>
    %add3A_224 = arith.addi %add3A_223, %iota3A : vector<16xi32>
    %mul3A_225 = arith.constant 16 : i32
    %mul3A_226 = arith.muli %select_n3A_106, %mul3A_225 : i32
    %mul3A_227 = arith.constant 16 : i32
    %mul3A_228 = arith.muli %mul3A_226, %mul3A_227 : i32
    %lt3A_229 = vector.broadcast %mul3A_228 : i32 to vector<16xi32>
    %lt3A_230 = arith.cmpi slt, %add3A_224, %lt3A_229 : vector<16xi32>
    %lt3A_231 = arith.cmpi slt, %add3A_224, %broadcast_in_dim3A_5 : vector<16xi32>
    %and3A_232 = arith.andi %lt3A_230, %lt3A_231 : vector<16xi1>
    tpu.vector_store_idx %arg6[%add3A_224], %broadcast_in_dim3A_1 masked %and3A_232 : memref<32768xi32, #tpu.memory_space<vmem>>[vector<16xi32>], vector<16xi32>, vector<16xi1>
    %add3A_233 = arith.constant 9 : i32
    %add3A_234 = arith.addi %add3A_80, %add3A_233 : i32
    %mul3A_235 = arith.constant 16 : i32
    %mul3A_236 = arith.muli %add3A_234, %mul3A_235 : i32
    %add3A_237 = vector.broadcast %mul3A_236 : i32 to vector<16xi32>
    %add3A_238 = arith.addi %add3A_237, %iota3A : vector<16xi32>
    %mul3A_239 = arith.constant 16 : i32
    %mul3A_240 = arith.muli %select_n3A_106, %mul3A_239 : i32
    %mul3A_241 = arith.constant 16 : i32
    %mul3A_242 = arith.muli %mul3A_240, %mul3A_241 : i32
    %lt3A_243 = vector.broadcast %mul3A_242 : i32 to vector<16xi32>
    %lt3A_244 = arith.cmpi slt, %add3A_238, %lt3A_243 : vector<16xi32>
    %lt3A_245 = arith.cmpi slt, %add3A_238, %broadcast_in_dim3A_5 : vector<16xi32>
    %and3A_246 = arith.andi %lt3A_244, %lt3A_245 : vector<16xi1>
    tpu.vector_store_idx %arg6[%add3A_238], %broadcast_in_dim3A_1 masked %and3A_246 : memref<32768xi32, #tpu.memory_space<vmem>>[vector<16xi32>], vector<16xi32>, vector<16xi1>
    %add3A_247 = arith.constant 10 : i32
    %add3A_248 = arith.addi %add3A_80, %add3A_247 : i32
    %mul3A_249 = arith.constant 16 : i32
    %mul3A_250 = arith.muli %add3A_248, %mul3A_249 : i32
    %add3A_251 = vector.broadcast %mul3A_250 : i32 to vector<16xi32>
    %add3A_252 = arith.addi %add3A_251, %iota3A : vector<16xi32>
    %mul3A_253 = arith.constant 16 : i32
    %mul3A_254 = arith.muli %select_n3A_106, %mul3A_253 : i32
    %mul3A_255 = arith.constant 16 : i32
    %mul3A_256 = arith.muli %mul3A_254, %mul3A_255 : i32
    %lt3A_257 = vector.broadcast %mul3A_256 : i32 to vector<16xi32>
    %lt3A_258 = arith.cmpi slt, %add3A_252, %lt3A_257 : vector<16xi32>
    %lt3A_259 = arith.cmpi slt, %add3A_252, %broadcast_in_dim3A_5 : vector<16xi32>
    %and3A_260 = arith.andi %lt3A_258, %lt3A_259 : vector<16xi1>
    tpu.vector_store_idx %arg6[%add3A_252], %broadcast_in_dim3A_1 masked %and3A_260 : memref<32768xi32, #tpu.memory_space<vmem>>[vector<16xi32>], vector<16xi32>, vector<16xi1>
    %add3A_261 = arith.constant 11 : i32
    %add3A_262 = arith.addi %add3A_80, %add3A_261 : i32
    %mul3A_263 = arith.constant 16 : i32
    %mul3A_264 = arith.muli %add3A_262, %mul3A_263 : i32
    %add3A_265 = vector.broadcast %mul3A_264 : i32 to vector<16xi32>
    %add3A_266 = arith.addi %add3A_265, %iota3A : vector<16xi32>
    %mul3A_267 = arith.constant 16 : i32
    %mul3A_268 = arith.muli %select_n3A_106, %mul3A_267 : i32
    %mul3A_269 = arith.constant 16 : i32
    %mul3A_270 = arith.muli %mul3A_268, %mul3A_269 : i32
    %lt3A_271 = vector.broadcast %mul3A_270 : i32 to vector<16xi32>
    %lt3A_272 = arith.cmpi slt, %add3A_266, %lt3A_271 : vector<16xi32>
    %lt3A_273 = arith.cmpi slt, %add3A_266, %broadcast_in_dim3A_5 : vector<16xi32>
    %and3A_274 = arith.andi %lt3A_272, %lt3A_273 : vector<16xi1>
    tpu.vector_store_idx %arg6[%add3A_266], %broadcast_in_dim3A_1 masked %and3A_274 : memref<32768xi32, #tpu.memory_space<vmem>>[vector<16xi32>], vector<16xi32>, vector<16xi1>
    %add3A_275 = arith.constant 12 : i32
    %add3A_276 = arith.addi %add3A_80, %add3A_275 : i32
    %mul3A_277 = arith.constant 16 : i32
    %mul3A_278 = arith.muli %add3A_276, %mul3A_277 : i32
    %add3A_279 = vector.broadcast %mul3A_278 : i32 to vector<16xi32>
    %add3A_280 = arith.addi %add3A_279, %iota3A : vector<16xi32>
    %mul3A_281 = arith.constant 16 : i32
    %mul3A_282 = arith.muli %select_n3A_106, %mul3A_281 : i32
    %mul3A_283 = arith.constant 16 : i32
    %mul3A_284 = arith.muli %mul3A_282, %mul3A_283 : i32
    %lt3A_285 = vector.broadcast %mul3A_284 : i32 to vector<16xi32>
    %lt3A_286 = arith.cmpi slt, %add3A_280, %lt3A_285 : vector<16xi32>
    %lt3A_287 = arith.cmpi slt, %add3A_280, %broadcast_in_dim3A_5 : vector<16xi32>
    %and3A_288 = arith.andi %lt3A_286, %lt3A_287 : vector<16xi1>
    tpu.vector_store_idx %arg6[%add3A_280], %broadcast_in_dim3A_1 masked %and3A_288 : memref<32768xi32, #tpu.memory_space<vmem>>[vector<16xi32>], vector<16xi32>, vector<16xi1>
    %add3A_289 = arith.constant 13 : i32
    %add3A_290 = arith.addi %add3A_80, %add3A_289 : i32
    %mul3A_291 = arith.constant 16 : i32
    %mul3A_292 = arith.muli %add3A_290, %mul3A_291 : i32
    %add3A_293 = vector.broadcast %mul3A_292 : i32 to vector<16xi32>
    %add3A_294 = arith.addi %add3A_293, %iota3A : vector<16xi32>
    %mul3A_295 = arith.constant 16 : i32
    %mul3A_296 = arith.muli %select_n3A_106, %mul3A_295 : i32
    %mul3A_297 = arith.constant 16 : i32
    %mul3A_298 = arith.muli %mul3A_296, %mul3A_297 : i32
    %lt3A_299 = vector.broadcast %mul3A_298 : i32 to vector<16xi32>
    %lt3A_300 = arith.cmpi slt, %add3A_294, %lt3A_299 : vector<16xi32>
    %lt3A_301 = arith.cmpi slt, %add3A_294, %broadcast_in_dim3A_5 : vector<16xi32>
    %and3A_302 = arith.andi %lt3A_300, %lt3A_301 : vector<16xi1>
    tpu.vector_store_idx %arg6[%add3A_294], %broadcast_in_dim3A_1 masked %and3A_302 : memref<32768xi32, #tpu.memory_space<vmem>>[vector<16xi32>], vector<16xi32>, vector<16xi1>
    %add3A_303 = arith.constant 14 : i32
    %add3A_304 = arith.addi %add3A_80, %add3A_303 : i32
    %mul3A_305 = arith.constant 16 : i32
    %mul3A_306 = arith.muli %add3A_304, %mul3A_305 : i32
    %add3A_307 = vector.broadcast %mul3A_306 : i32 to vector<16xi32>
    %add3A_308 = arith.addi %add3A_307, %iota3A : vector<16xi32>
    %mul3A_309 = arith.constant 16 : i32
    %mul3A_310 = arith.muli %select_n3A_106, %mul3A_309 : i32
    %mul3A_311 = arith.constant 16 : i32
    %mul3A_312 = arith.muli %mul3A_310, %mul3A_311 : i32
    %lt3A_313 = vector.broadcast %mul3A_312 : i32 to vector<16xi32>
    %lt3A_314 = arith.cmpi slt, %add3A_308, %lt3A_313 : vector<16xi32>
    %lt3A_315 = arith.cmpi slt, %add3A_308, %broadcast_in_dim3A_5 : vector<16xi32>
    %and3A_316 = arith.andi %lt3A_314, %lt3A_315 : vector<16xi1>
    tpu.vector_store_idx %arg6[%add3A_308], %broadcast_in_dim3A_1 masked %and3A_316 : memref<32768xi32, #tpu.memory_space<vmem>>[vector<16xi32>], vector<16xi32>, vector<16xi1>
    %while3A = arith.constant 0 : i32
    %while3A_317 = arith.constant 84 : i32
    %while3A_318 = arith.subi %while3A_317, %select_n3A_106 : i32
    %while3A_319 = arith.addi %select_n3A_106, %while3A_318 : i32
    %while3A_320 = arith.constant 1 : i32
    %while3A_321 = arith.divsi %while3A_318, %while3A_320 : i32
    %while3A_322 = arith.muli %while3A_321, %while3A_320 : i32
    %while3A_323 = arith.addi %select_n3A_106, %while3A_322 : i32
    %while3A_324 = arith.constant 1 : i32
    scf.for %while3A_656 = %select_n3A_106 to %while3A_323 step %while3A_324  : i32 {
      %mul3A_657 = arith.constant 16 : i32
      %mul3A_658 = arith.muli %while3A_656, %mul3A_657 : i32
      %add3A_659 = arith.constant 0 : i32
      %add3A_660 = arith.addi %mul3A_658, %add3A_659 : i32
      %mul3A_661 = arith.constant 16 : i32
      %mul3A_662 = arith.muli %add3A_660, %mul3A_661 : i32
      %swap3A = arith.index_cast %mul3A_662 : i32 to index
      %swap3A_663 = tpu.vector_load %arg6[%swap3A] {strides = array<i32>} : memref<32768xi32, #tpu.memory_space<vmem>>, vector<16xi32>,
      tpu.vector_store %arg6[%swap3A], %broadcast_in_dim3A_1 {strides = array<i32>} : memref<32768xi32, #tpu.memory_space<vmem>>, vector<16xi32>,
      %mul3A_664 = arith.constant 16 : i32
      %mul3A_665 = arith.muli %while3A_656, %mul3A_664 : i32
      %add3A_666 = arith.constant 1 : i32
      %add3A_667 = arith.addi %mul3A_665, %add3A_666 : i32
      %mul3A_668 = arith.constant 16 : i32
      %mul3A_669 = arith.muli %add3A_667, %mul3A_668 : i32
      %swap3A_670 = arith.index_cast %mul3A_669 : i32 to index
      %swap3A_671 = tpu.vector_load %arg6[%swap3A_670] {strides = array<i32>} : memref<32768xi32, #tpu.memory_space<vmem>>, vector<16xi32>,
      tpu.vector_store %arg6[%swap3A_670], %broadcast_in_dim3A_1 {strides = array<i32>} : memref<32768xi32, #tpu.memory_space<vmem>>, vector<16xi32>,
      %mul3A_672 = arith.constant 16 : i32
      %mul3A_673 = arith.muli %while3A_656, %mul3A_672 : i32
      %add3A_674 = arith.constant 2 : i32
      %add3A_675 = arith.addi %mul3A_673, %add3A_674 : i32
      %mul3A_676 = arith.constant 16 : i32
      %mul3A_677 = arith.muli %add3A_675, %mul3A_676 : i32
      %swap3A_678 = arith.index_cast %mul3A_677 : i32 to index
      %swap3A_679 = tpu.vector_load %arg6[%swap3A_678] {strides = array<i32>} : memref<32768xi32, #tpu.memory_space<vmem>>, vector<16xi32>,
      tpu.vector_store %arg6[%swap3A_678], %broadcast_in_dim3A_1 {strides = array<i32>} : memref<32768xi32, #tpu.memory_space<vmem>>, vector<16xi32>,
      %mul3A_680 = arith.constant 16 : i32
      %mul3A_681 = arith.muli %while3A_656, %mul3A_680 : i32
      %add3A_682 = arith.constant 3 : i32
      %add3A_683 = arith.addi %mul3A_681, %add3A_682 : i32
      %mul3A_684 = arith.constant 16 : i32
      %mul3A_685 = arith.muli %add3A_683, %mul3A_684 : i32
      %swap3A_686 = arith.index_cast %mul3A_685 : i32 to index
      %swap3A_687 = tpu.vector_load %arg6[%swap3A_686] {strides = array<i32>} : memref<32768xi32, #tpu.memory_space<vmem>>, vector<16xi32>,
      tpu.vector_store %arg6[%swap3A_686], %broadcast_in_dim3A_1 {strides = array<i32>} : memref<32768xi32, #tpu.memory_space<vmem>>, vector<16xi32>,
      %mul3A_688 = arith.constant 16 : i32
      %mul3A_689 = arith.muli %while3A_656, %mul3A_688 : i32
      %add3A_690 = arith.constant 4 : i32
      %add3A_691 = arith.addi %mul3A_689, %add3A_690 : i32
      %mul3A_692 = arith.constant 16 : i32
      %mul3A_693 = arith.muli %add3A_691, %mul3A_692 : i32
      %swap3A_694 = arith.index_cast %mul3A_693 : i32 to index
      %swap3A_695 = tpu.vector_load %arg6[%swap3A_694] {strides = array<i32>} : memref<32768xi32, #tpu.memory_space<vmem>>, vector<16xi32>,
      tpu.vector_store %arg6[%swap3A_694], %broadcast_in_dim3A_1 {strides = array<i32>} : memref<32768xi32, #tpu.memory_space<vmem>>, vector<16xi32>,
      %mul3A_696 = arith.constant 16 : i32
      %mul3A_697 = arith.muli %while3A_656, %mul3A_696 : i32
      %add3A_698 = arith.constant 5 : i32
      %add3A_699 = arith.addi %mul3A_697, %add3A_698 : i32
      %mul3A_700 = arith.constant 16 : i32
      %mul3A_701 = arith.muli %add3A_699, %mul3A_700 : i32
      %swap3A_702 = arith.index_cast %mul3A_701 : i32 to index
      %swap3A_703 = tpu.vector_load %arg6[%swap3A_702] {strides = array<i32>} : memref<32768xi32, #tpu.memory_space<vmem>>, vector<16xi32>,
      tpu.vector_store %arg6[%swap3A_702], %broadcast_in_dim3A_1 {strides = array<i32>} : memref<32768xi32, #tpu.memory_space<vmem>>, vector<16xi32>,
      %mul3A_704 = arith.constant 16 : i32
      %mul3A_705 = arith.muli %while3A_656, %mul3A_704 : i32
      %add3A_706 = arith.constant 6 : i32
      %add3A_707 = arith.addi %mul3A_705, %add3A_706 : i32
      %mul3A_708 = arith.constant 16 : i32
      %mul3A_709 = arith.muli %add3A_707, %mul3A_708 : i32
      %swap3A_710 = arith.index_cast %mul3A_709 : i32 to index
      %swap3A_711 = tpu.vector_load %arg6[%swap3A_710] {strides = array<i32>} : memref<32768xi32, #tpu.memory_space<vmem>>, vector<16xi32>,
      tpu.vector_store %arg6[%swap3A_710], %broadcast_in_dim3A_1 {strides = array<i32>} : memref<32768xi32, #tpu.memory_space<vmem>>, vector<16xi32>,
      %mul3A_712 = arith.constant 16 : i32
      %mul3A_713 = arith.muli %while3A_656, %mul3A_712 : i32
      %add3A_714 = arith.constant 7 : i32
      %add3A_715 = arith.addi %mul3A_713, %add3A_714 : i32
      %mul3A_716 = arith.constant 16 : i32
      %mul3A_717 = arith.muli %add3A_715, %mul3A_716 : i32
      %swap3A_718 = arith.index_cast %mul3A_717 : i32 to index
      %swap3A_719 = tpu.vector_load %arg6[%swap3A_718] {strides = array<i32>} : memref<32768xi32, #tpu.memory_space<vmem>>, vector<16xi32>,
      tpu.vector_store %arg6[%swap3A_718], %broadcast_in_dim3A_1 {strides = array<i32>} : memref<32768xi32, #tpu.memory_space<vmem>>, vector<16xi32>,
      %mul3A_720 = arith.constant 16 : i32
      %mul3A_721 = arith.muli %while3A_656, %mul3A_720 : i32
      %add3A_722 = arith.constant 8 : i32
      %add3A_723 = arith.addi %mul3A_721, %add3A_722 : i32
      %mul3A_724 = arith.constant 16 : i32
      %mul3A_725 = arith.muli %add3A_723, %mul3A_724 : i32
      %swap3A_726 = arith.index_cast %mul3A_725 : i32 to index
      %swap3A_727 = tpu.vector_load %arg6[%swap3A_726] {strides = array<i32>} : memref<32768xi32, #tpu.memory_space<vmem>>, vector<16xi32>,
      tpu.vector_store %arg6[%swap3A_726], %broadcast_in_dim3A_1 {strides = array<i32>} : memref<32768xi32, #tpu.memory_space<vmem>>, vector<16xi32>,
      %mul3A_728 = arith.constant 16 : i32
      %mul3A_729 = arith.muli %while3A_656, %mul3A_728 : i32
      %add3A_730 = arith.constant 9 : i32
      %add3A_731 = arith.addi %mul3A_729, %add3A_730 : i32
      %mul3A_732 = arith.constant 16 : i32
      %mul3A_733 = arith.muli %add3A_731, %mul3A_732 : i32
      %swap3A_734 = arith.index_cast %mul3A_733 : i32 to index
      %swap3A_735 = tpu.vector_load %arg6[%swap3A_734] {strides = array<i32>} : memref<32768xi32, #tpu.memory_space<vmem>>, vector<16xi32>,
      tpu.vector_store %arg6[%swap3A_734], %broadcast_in_dim3A_1 {strides = array<i32>} : memref<32768xi32, #tpu.memory_space<vmem>>, vector<16xi32>,
      %mul3A_736 = arith.constant 16 : i32
      %mul3A_737 = arith.muli %while3A_656, %mul3A_736 : i32
      %add3A_738 = arith.constant 10 : i32
      %add3A_739 = arith.addi %mul3A_737, %add3A_738 : i32
      %mul3A_740 = arith.constant 16 : i32
      %mul3A_741 = arith.muli %add3A_739, %mul3A_740 : i32
      %swap3A_742 = arith.index_cast %mul3A_741 : i32 to index
      %swap3A_743 = tpu.vector_load %arg6[%swap3A_742] {strides = array<i32>} : memref<32768xi32, #tpu.memory_space<vmem>>, vector<16xi32>,
      tpu.vector_store %arg6[%swap3A_742], %broadcast_in_dim3A_1 {strides = array<i32>} : memref<32768xi32, #tpu.memory_space<vmem>>, vector<16xi32>,
      %mul3A_744 = arith.constant 16 : i32
      %mul3A_745 = arith.muli %while3A_656, %mul3A_744 : i32
      %add3A_746 = arith.constant 11 : i32
      %add3A_747 = arith.addi %mul3A_745, %add3A_746 : i32
      %mul3A_748 = arith.constant 16 : i32
      %mul3A_749 = arith.muli %add3A_747, %mul3A_748 : i32
      %swap3A_750 = arith.index_cast %mul3A_749 : i32 to index
      %swap3A_751 = tpu.vector_load %arg6[%swap3A_750] {strides = array<i32>} : memref<32768xi32, #tpu.memory_space<vmem>>, vector<16xi32>,
      tpu.vector_store %arg6[%swap3A_750], %broadcast_in_dim3A_1 {strides = array<i32>} : memref<32768xi32, #tpu.memory_space<vmem>>, vector<16xi32>,
      %mul3A_752 = arith.constant 16 : i32
      %mul3A_753 = arith.muli %while3A_656, %mul3A_752 : i32
      %add3A_754 = arith.constant 12 : i32
      %add3A_755 = arith.addi %mul3A_753, %add3A_754 : i32
      %mul3A_756 = arith.constant 16 : i32
      %mul3A_757 = arith.muli %add3A_755, %mul3A_756 : i32
      %swap3A_758 = arith.index_cast %mul3A_757 : i32 to index
      %swap3A_759 = tpu.vector_load %arg6[%swap3A_758] {strides = array<i32>} : memref<32768xi32, #tpu.memory_space<vmem>>, vector<16xi32>,
      tpu.vector_store %arg6[%swap3A_758], %broadcast_in_dim3A_1 {strides = array<i32>} : memref<32768xi32, #tpu.memory_space<vmem>>, vector<16xi32>,
      %mul3A_760 = arith.constant 16 : i32
      %mul3A_761 = arith.muli %while3A_656, %mul3A_760 : i32
      %add3A_762 = arith.constant 13 : i32
      %add3A_763 = arith.addi %mul3A_761, %add3A_762 : i32
      %mul3A_764 = arith.constant 16 : i32
      %mul3A_765 = arith.muli %add3A_763, %mul3A_764 : i32
      %swap3A_766 = arith.index_cast %mul3A_765 : i32 to index
      %swap3A_767 = tpu.vector_load %arg6[%swap3A_766] {strides = array<i32>} : memref<32768xi32, #tpu.memory_space<vmem>>, vector<16xi32>,
      tpu.vector_store %arg6[%swap3A_766], %broadcast_in_dim3A_1 {strides = array<i32>} : memref<32768xi32, #tpu.memory_space<vmem>>, vector<16xi32>,
      %mul3A_768 = arith.constant 16 : i32
      %mul3A_769 = arith.muli %while3A_656, %mul3A_768 : i32
      %add3A_770 = arith.constant 14 : i32
      %add3A_771 = arith.addi %mul3A_769, %add3A_770 : i32
      %mul3A_772 = arith.constant 16 : i32
      %mul3A_773 = arith.muli %add3A_771, %mul3A_772 : i32
      %swap3A_774 = arith.index_cast %mul3A_773 : i32 to index
      %swap3A_775 = tpu.vector_load %arg6[%swap3A_774] {strides = array<i32>} : memref<32768xi32, #tpu.memory_space<vmem>>, vector<16xi32>,
      tpu.vector_store %arg6[%swap3A_774], %broadcast_in_dim3A_1 {strides = array<i32>} : memref<32768xi32, #tpu.memory_space<vmem>>, vector<16xi32>,
      %mul3A_776 = arith.constant 16 : i32
      %mul3A_777 = arith.muli %while3A_656, %mul3A_776 : i32
      %add3A_778 = arith.constant 15 : i32
      %add3A_779 = arith.addi %mul3A_777, %add3A_778 : i32
      %mul3A_780 = arith.constant 16 : i32
      %mul3A_781 = arith.muli %add3A_779, %mul3A_780 : i32
      %swap3A_782 = arith.index_cast %mul3A_781 : i32 to index
      %swap3A_783 = tpu.vector_load %arg6[%swap3A_782] {strides = array<i32>} : memref<32768xi32, #tpu.memory_space<vmem>>, vector<16xi32>,
      tpu.vector_store %arg6[%swap3A_782], %broadcast_in_dim3A_1 {strides = array<i32>} : memref<32768xi32, #tpu.memory_space<vmem>>, vector<16xi32>,
    }
    %while3A_325 = arith.constant 1 : i32
    scf.for %while3A_656 = %while3A_323 to %while3A_319 step %while3A_325  : i32 {
      %mul3A_657 = arith.constant 16 : i32
      %mul3A_658 = arith.muli %while3A_656, %mul3A_657 : i32
      %add3A_659 = arith.constant 0 : i32
      %add3A_660 = arith.addi %mul3A_658, %add3A_659 : i32
      %mul3A_661 = arith.constant 16 : i32
      %mul3A_662 = arith.muli %add3A_660, %mul3A_661 : i32
      %swap3A = arith.index_cast %mul3A_662 : i32 to index
      %swap3A_663 = tpu.vector_load %arg6[%swap3A] {strides = array<i32>} : memref<32768xi32, #tpu.memory_space<vmem>>, vector<16xi32>,
      tpu.vector_store %arg6[%swap3A], %broadcast_in_dim3A_1 {strides = array<i32>} : memref<32768xi32, #tpu.memory_space<vmem>>, vector<16xi32>,
      %mul3A_664 = arith.constant 16 : i32
      %mul3A_665 = arith.muli %while3A_656, %mul3A_664 : i32
      %add3A_666 = arith.constant 1 : i32
      %add3A_667 = arith.addi %mul3A_665, %add3A_666 : i32
      %mul3A_668 = arith.constant 16 : i32
      %mul3A_669 = arith.muli %add3A_667, %mul3A_668 : i32
      %swap3A_670 = arith.index_cast %mul3A_669 : i32 to index
      %swap3A_671 = tpu.vector_load %arg6[%swap3A_670] {strides = array<i32>} : memref<32768xi32, #tpu.memory_space<vmem>>, vector<16xi32>,
      tpu.vector_store %arg6[%swap3A_670], %broadcast_in_dim3A_1 {strides = array<i32>} : memref<32768xi32, #tpu.memory_space<vmem>>, vector<16xi32>,
      %mul3A_672 = arith.constant 16 : i32
      %mul3A_673 = arith.muli %while3A_656, %mul3A_672 : i32
      %add3A_674 = arith.constant 2 : i32
      %add3A_675 = arith.addi %mul3A_673, %add3A_674 : i32
      %mul3A_676 = arith.constant 16 : i32
      %mul3A_677 = arith.muli %add3A_675, %mul3A_676 : i32
      %swap3A_678 = arith.index_cast %mul3A_677 : i32 to index
      %swap3A_679 = tpu.vector_load %arg6[%swap3A_678] {strides = array<i32>} : memref<32768xi32, #tpu.memory_space<vmem>>, vector<16xi32>,
      tpu.vector_store %arg6[%swap3A_678], %broadcast_in_dim3A_1 {strides = array<i32>} : memref<32768xi32, #tpu.memory_space<vmem>>, vector<16xi32>,
      %mul3A_680 = arith.constant 16 : i32
      %mul3A_681 = arith.muli %while3A_656, %mul3A_680 : i32
      %add3A_682 = arith.constant 3 : i32
      %add3A_683 = arith.addi %mul3A_681, %add3A_682 : i32
      %mul3A_684 = arith.constant 16 : i32
      %mul3A_685 = arith.muli %add3A_683, %mul3A_684 : i32
      %swap3A_686 = arith.index_cast %mul3A_685 : i32 to index
      %swap3A_687 = tpu.vector_load %arg6[%swap3A_686] {strides = array<i32>} : memref<32768xi32, #tpu.memory_space<vmem>>, vector<16xi32>,
      tpu.vector_store %arg6[%swap3A_686], %broadcast_in_dim3A_1 {strides = array<i32>} : memref<32768xi32, #tpu.memory_space<vmem>>, vector<16xi32>,
      %mul3A_688 = arith.constant 16 : i32
      %mul3A_689 = arith.muli %while3A_656, %mul3A_688 : i32
      %add3A_690 = arith.constant 4 : i32
      %add3A_691 = arith.addi %mul3A_689, %add3A_690 : i32
      %mul3A_692 = arith.constant 16 : i32
      %mul3A_693 = arith.muli %add3A_691, %mul3A_692 : i32
      %swap3A_694 = arith.index_cast %mul3A_693 : i32 to index
      %swap3A_695 = tpu.vector_load %arg6[%swap3A_694] {strides = array<i32>} : memref<32768xi32, #tpu.memory_space<vmem>>, vector<16xi32>,
      tpu.vector_store %arg6[%swap3A_694], %broadcast_in_dim3A_1 {strides = array<i32>} : memref<32768xi32, #tpu.memory_space<vmem>>, vector<16xi32>,
      %mul3A_696 = arith.constant 16 : i32
      %mul3A_697 = arith.muli %while3A_656, %mul3A_696 : i32
      %add3A_698 = arith.constant 5 : i32
      %add3A_699 = arith.addi %mul3A_697, %add3A_698 : i32
      %mul3A_700 = arith.constant 16 : i32
      %mul3A_701 = arith.muli %add3A_699, %mul3A_700 : i32
      %swap3A_702 = arith.index_cast %mul3A_701 : i32 to index
      %swap3A_703 = tpu.vector_load %arg6[%swap3A_702] {strides = array<i32>} : memref<32768xi32, #tpu.memory_space<vmem>>, vector<16xi32>,
      tpu.vector_store %arg6[%swap3A_702], %broadcast_in_dim3A_1 {strides = array<i32>} : memref<32768xi32, #tpu.memory_space<vmem>>, vector<16xi32>,
      %mul3A_704 = arith.constant 16 : i32
      %mul3A_705 = arith.muli %while3A_656, %mul3A_704 : i32
      %add3A_706 = arith.constant 6 : i32
      %add3A_707 = arith.addi %mul3A_705, %add3A_706 : i32
      %mul3A_708 = arith.constant 16 : i32
      %mul3A_709 = arith.muli %add3A_707, %mul3A_708 : i32
      %swap3A_710 = arith.index_cast %mul3A_709 : i32 to index
      %swap3A_711 = tpu.vector_load %arg6[%swap3A_710] {strides = array<i32>} : memref<32768xi32, #tpu.memory_space<vmem>>, vector<16xi32>,
      tpu.vector_store %arg6[%swap3A_710], %broadcast_in_dim3A_1 {strides = array<i32>} : memref<32768xi32, #tpu.memory_space<vmem>>, vector<16xi32>,
      %mul3A_712 = arith.constant 16 : i32
      %mul3A_713 = arith.muli %while3A_656, %mul3A_712 : i32
      %add3A_714 = arith.constant 7 : i32
      %add3A_715 = arith.addi %mul3A_713, %add3A_714 : i32
      %mul3A_716 = arith.constant 16 : i32
      %mul3A_717 = arith.muli %add3A_715, %mul3A_716 : i32
      %swap3A_718 = arith.index_cast %mul3A_717 : i32 to index
      %swap3A_719 = tpu.vector_load %arg6[%swap3A_718] {strides = array<i32>} : memref<32768xi32, #tpu.memory_space<vmem>>, vector<16xi32>,
      tpu.vector_store %arg6[%swap3A_718], %broadcast_in_dim3A_1 {strides = array<i32>} : memref<32768xi32, #tpu.memory_space<vmem>>, vector<16xi32>,
      %mul3A_720 = arith.constant 16 : i32
      %mul3A_721 = arith.muli %while3A_656, %mul3A_720 : i32
      %add3A_722 = arith.constant 8 : i32
      %add3A_723 = arith.addi %mul3A_721, %add3A_722 : i32
      %mul3A_724 = arith.constant 16 : i32
      %mul3A_725 = arith.muli %add3A_723, %mul3A_724 : i32
      %swap3A_726 = arith.index_cast %mul3A_725 : i32 to index
      %swap3A_727 = tpu.vector_load %arg6[%swap3A_726] {strides = array<i32>} : memref<32768xi32, #tpu.memory_space<vmem>>, vector<16xi32>,
      tpu.vector_store %arg6[%swap3A_726], %broadcast_in_dim3A_1 {strides = array<i32>} : memref<32768xi32, #tpu.memory_space<vmem>>, vector<16xi32>,
      %mul3A_728 = arith.constant 16 : i32
      %mul3A_729 = arith.muli %while3A_656, %mul3A_728 : i32
      %add3A_730 = arith.constant 9 : i32
      %add3A_731 = arith.addi %mul3A_729, %add3A_730 : i32
      %mul3A_732 = arith.constant 16 : i32
      %mul3A_733 = arith.muli %add3A_731, %mul3A_732 : i32
      %swap3A_734 = arith.index_cast %mul3A_733 : i32 to index
      %swap3A_735 = tpu.vector_load %arg6[%swap3A_734] {strides = array<i32>} : memref<32768xi32, #tpu.memory_space<vmem>>, vector<16xi32>,
      tpu.vector_store %arg6[%swap3A_734], %broadcast_in_dim3A_1 {strides = array<i32>} : memref<32768xi32, #tpu.memory_space<vmem>>, vector<16xi32>,
      %mul3A_736 = arith.constant 16 : i32
      %mul3A_737 = arith.muli %while3A_656, %mul3A_736 : i32
      %add3A_738 = arith.constant 10 : i32
      %add3A_739 = arith.addi %mul3A_737, %add3A_738 : i32
      %mul3A_740 = arith.constant 16 : i32
      %mul3A_741 = arith.muli %add3A_739, %mul3A_740 : i32
      %swap3A_742 = arith.index_cast %mul3A_741 : i32 to index
      %swap3A_743 = tpu.vector_load %arg6[%swap3A_742] {strides = array<i32>} : memref<32768xi32, #tpu.memory_space<vmem>>, vector<16xi32>,
      tpu.vector_store %arg6[%swap3A_742], %broadcast_in_dim3A_1 {strides = array<i32>} : memref<32768xi32, #tpu.memory_space<vmem>>, vector<16xi32>,
      %mul3A_744 = arith.constant 16 : i32
      %mul3A_745 = arith.muli %while3A_656, %mul3A_744 : i32
      %add3A_746 = arith.constant 11 : i32
      %add3A_747 = arith.addi %mul3A_745, %add3A_746 : i32
      %mul3A_748 = arith.constant 16 : i32
      %mul3A_749 = arith.muli %add3A_747, %mul3A_748 : i32
      %swap3A_750 = arith.index_cast %mul3A_749 : i32 to index
      %swap3A_751 = tpu.vector_load %arg6[%swap3A_750] {strides = array<i32>} : memref<32768xi32, #tpu.memory_space<vmem>>, vector<16xi32>,
      tpu.vector_store %arg6[%swap3A_750], %broadcast_in_dim3A_1 {strides = array<i32>} : memref<32768xi32, #tpu.memory_space<vmem>>, vector<16xi32>,
      %mul3A_752 = arith.constant 16 : i32
      %mul3A_753 = arith.muli %while3A_656, %mul3A_752 : i32
      %add3A_754 = arith.constant 12 : i32
      %add3A_755 = arith.addi %mul3A_753, %add3A_754 : i32
      %mul3A_756 = arith.constant 16 : i32
      %mul3A_757 = arith.muli %add3A_755, %mul3A_756 : i32
      %swap3A_758 = arith.index_cast %mul3A_757 : i32 to index
      %swap3A_759 = tpu.vector_load %arg6[%swap3A_758] {strides = array<i32>} : memref<32768xi32, #tpu.memory_space<vmem>>, vector<16xi32>,
      tpu.vector_store %arg6[%swap3A_758], %broadcast_in_dim3A_1 {strides = array<i32>} : memref<32768xi32, #tpu.memory_space<vmem>>, vector<16xi32>,
      %mul3A_760 = arith.constant 16 : i32
      %mul3A_761 = arith.muli %while3A_656, %mul3A_760 : i32
      %add3A_762 = arith.constant 13 : i32
      %add3A_763 = arith.addi %mul3A_761, %add3A_762 : i32
      %mul3A_764 = arith.constant 16 : i32
      %mul3A_765 = arith.muli %add3A_763, %mul3A_764 : i32
      %swap3A_766 = arith.index_cast %mul3A_765 : i32 to index
      %swap3A_767 = tpu.vector_load %arg6[%swap3A_766] {strides = array<i32>} : memref<32768xi32, #tpu.memory_space<vmem>>, vector<16xi32>,
      tpu.vector_store %arg6[%swap3A_766], %broadcast_in_dim3A_1 {strides = array<i32>} : memref<32768xi32, #tpu.memory_space<vmem>>, vector<16xi32>,
      %mul3A_768 = arith.constant 16 : i32
      %mul3A_769 = arith.muli %while3A_656, %mul3A_768 : i32
      %add3A_770 = arith.constant 14 : i32
      %add3A_771 = arith.addi %mul3A_769, %add3A_770 : i32
      %mul3A_772 = arith.constant 16 : i32
      %mul3A_773 = arith.muli %add3A_771, %mul3A_772 : i32
      %swap3A_774 = arith.index_cast %mul3A_773 : i32 to index
      %swap3A_775 = tpu.vector_load %arg6[%swap3A_774] {strides = array<i32>} : memref<32768xi32, #tpu.memory_space<vmem>>, vector<16xi32>,
      tpu.vector_store %arg6[%swap3A_774], %broadcast_in_dim3A_1 {strides = array<i32>} : memref<32768xi32, #tpu.memory_space<vmem>>, vector<16xi32>,
      %mul3A_776 = arith.constant 16 : i32
      %mul3A_777 = arith.muli %while3A_656, %mul3A_776 : i32
      %add3A_778 = arith.constant 15 : i32
      %add3A_779 = arith.addi %mul3A_777, %add3A_778 : i32
      %mul3A_780 = arith.constant 16 : i32
      %mul3A_781 = arith.muli %add3A_779, %mul3A_780 : i32
      %swap3A_782 = arith.index_cast %mul3A_781 : i32 to index
      %swap3A_783 = tpu.vector_load %arg6[%swap3A_782] {strides = array<i32>} : memref<32768xi32, #tpu.memory_space<vmem>>, vector<16xi32>,
      tpu.vector_store %arg6[%swap3A_782], %broadcast_in_dim3A_1 {strides = array<i32>} : memref<32768xi32, #tpu.memory_space<vmem>>, vector<16xi32>,
    }
    %dma_start3A_326 = arith.constant 0 : i32
    %dma_start3A_327 = tpu.memref_slice %arg3[%mul3A_7, %dma_start3A_326] : memref<64x32768xi32, #tpu.memory_space<hbm>> -> memref<1x32768xi32, #tpu.memory_space<hbm>>
    %dma_start3A_328 = tpu.memref_squeeze %dma_start3A_327 : memref<1x32768xi32, #tpu.memory_space<hbm>> -> memref<32768xi32, #tpu.memory_space<hbm>>
    %dma_start3A_329 = arith.constant 0 : i32
    %dma_start3A_330 = tpu.memref_slice %arg3[%mul3A_7, %dma_start3A_329] : memref<64x32768xi32, #tpu.memory_space<hbm>> -> memref<1x32768xi32, #tpu.memory_space<hbm>>
    %dma_start3A_331 = tpu.memref_squeeze %dma_start3A_330 : memref<1x32768xi32, #tpu.memory_space<hbm>> -> memref<32768xi32, #tpu.memory_space<hbm>>
    tpu.enqueue_dma source(%arg6 : memref<32768xi32, #tpu.memory_space<vmem>>) target(%dma_start3A_331 : memref<32768xi32, #tpu.memory_space<hbm>>) target_semaphore(%arg10 : memref<!tpu.dma_semaphore, #tpu.memory_space<semaphore_mem>>)
    %dma_wait3A_332 = arith.constant 0 : i32
    %dma_wait3A_333 = tpu.memref_slice %arg2[%add3A_11, %dma_wait3A_332] : memref<64x32768xf32, #tpu.memory_space<hbm>> -> memref<1x16384xf32, #tpu.memory_space<hbm>>
    %dma_wait3A_334 = tpu.memref_squeeze %dma_wait3A_333 : memref<1x16384xf32, #tpu.memory_space<hbm>> -> memref<16384xf32, #tpu.memory_space<hbm>>
    %dma_wait3A_335 = arith.constant 0 : i32
    %dma_wait3A_336 = tpu.memref_slice %arg2[%add3A_11, %dma_wait3A_335] : memref<64x32768xf32, #tpu.memory_space<hbm>> -> memref<1x16384xf32, #tpu.memory_space<hbm>>
    %dma_wait3A_337 = tpu.memref_squeeze %dma_wait3A_336 : memref<1x16384xf32, #tpu.memory_space<hbm>> -> memref<16384xf32, #tpu.memory_space<hbm>>
    tpu.wait_dma2 semaphore(%arg8 : memref<!tpu.dma_semaphore, #tpu.memory_space<semaphore_mem>>) src(%dma_wait3A_337 : memref<16384xf32, #tpu.memory_space<hbm>>) dst(%arg4 : memref<16384xf32, #tpu.memory_space<vmem>>)
    %scan3A_338 = arith.constant 0 : i32
    %scan3A_339 = arith.constant 64 : i32
    %scan3A_340 = arith.addi %scan3A_338, %scan3A_339 : i32
    %scan3A_341 = arith.constant 1 : i32
    %scan3A_342:2 = scf.for %scan3A_656 = %scan3A_338 to %scan3A_340 step %scan3A_341 iter_args(%scan3A_657 = %iota3A, %scan3A_658 = %iota3A) -> (vector<16xi32>, vector<16xi32>)  : i32 {
      %mul3A_659 = arith.constant 16 : i32
      %mul3A_660 = arith.muli %scan3A_656, %mul3A_659 : i32
      %mul3A_661 = arith.constant 11 : i32
      %mul3A_662 = arith.muli %mul3A_661, %scan3A_656 : i32
      %sub3A_663 = arith.constant 2047 : i32
      %sub3A_664 = arith.subi %sub3A_663, %mul3A_662 : i32
      %sub3A_665 = arith.constant 0 : i32
      %sub3A_666 = arith.subi %sub3A_664, %sub3A_665 : i32
      %mul3A_667 = arith.constant 16 : i32
      %mul3A_668 = arith.muli %sub3A_666, %mul3A_667 : i32
      %swap3A = arith.index_cast %mul3A_668 : i32 to index
      %swap3A_669 = tpu.vector_load %arg7[%swap3A] {strides = array<i32>} : memref<32768xi32, #tpu.memory_space<vmem>>, vector<16xi32>,
      tpu.vector_store %arg7[%swap3A], %broadcast_in_dim3A_1 {strides = array<i32>} : memref<32768xi32, #tpu.memory_space<vmem>>, vector<16xi32>,
      %mul3A_670 = arith.constant 11 : i32
      %mul3A_671 = arith.muli %mul3A_670, %scan3A_656 : i32
      %sub3A_672 = arith.constant 2047 : i32
      %sub3A_673 = arith.subi %sub3A_672, %mul3A_671 : i32
      %sub3A_674 = arith.constant 1 : i32
      %sub3A_675 = arith.subi %sub3A_673, %sub3A_674 : i32
      %mul3A_676 = arith.constant 16 : i32
      %mul3A_677 = arith.muli %sub3A_675, %mul3A_676 : i32
      %swap3A_678 = arith.index_cast %mul3A_677 : i32 to index
      %swap3A_679 = tpu.vector_load %arg7[%swap3A_678] {strides = array<i32>} : memref<32768xi32, #tpu.memory_space<vmem>>, vector<16xi32>,
      tpu.vector_store %arg7[%swap3A_678], %broadcast_in_dim3A_1 {strides = array<i32>} : memref<32768xi32, #tpu.memory_space<vmem>>, vector<16xi32>,
      %mul3A_680 = arith.constant 11 : i32
      %mul3A_681 = arith.muli %mul3A_680, %scan3A_656 : i32
      %sub3A_682 = arith.constant 2047 : i32
      %sub3A_683 = arith.subi %sub3A_682, %mul3A_681 : i32
      %sub3A_684 = arith.constant 2 : i32
      %sub3A_685 = arith.subi %sub3A_683, %sub3A_684 : i32
      %mul3A_686 = arith.constant 16 : i32
      %mul3A_687 = arith.muli %sub3A_685, %mul3A_686 : i32
      %swap3A_688 = arith.index_cast %mul3A_687 : i32 to index
      %swap3A_689 = tpu.vector_load %arg7[%swap3A_688] {strides = array<i32>} : memref<32768xi32, #tpu.memory_space<vmem>>, vector<16xi32>,
      tpu.vector_store %arg7[%swap3A_688], %broadcast_in_dim3A_1 {strides = array<i32>} : memref<32768xi32, #tpu.memory_space<vmem>>, vector<16xi32>,
      %mul3A_690 = arith.constant 11 : i32
      %mul3A_691 = arith.muli %mul3A_690, %scan3A_656 : i32
      %sub3A_692 = arith.constant 2047 : i32
      %sub3A_693 = arith.subi %sub3A_692, %mul3A_691 : i32
      %sub3A_694 = arith.constant 3 : i32
      %sub3A_695 = arith.subi %sub3A_693, %sub3A_694 : i32
      %mul3A_696 = arith.constant 16 : i32
      %mul3A_697 = arith.muli %sub3A_695, %mul3A_696 : i32
      %swap3A_698 = arith.index_cast %mul3A_697 : i32 to index
      %swap3A_699 = tpu.vector_load %arg7[%swap3A_698] {strides = array<i32>} : memref<32768xi32, #tpu.memory_space<vmem>>, vector<16xi32>,
      tpu.vector_store %arg7[%swap3A_698], %broadcast_in_dim3A_1 {strides = array<i32>} : memref<32768xi32, #tpu.memory_space<vmem>>, vector<16xi32>,
      %mul3A_700 = arith.constant 11 : i32
      %mul3A_701 = arith.muli %mul3A_700, %scan3A_656 : i32
      %sub3A_702 = arith.constant 2047 : i32
      %sub3A_703 = arith.subi %sub3A_702, %mul3A_701 : i32
      %sub3A_704 = arith.constant 4 : i32
      %sub3A_705 = arith.subi %sub3A_703, %sub3A_704 : i32
      %mul3A_706 = arith.constant 16 : i32
      %mul3A_707 = arith.muli %sub3A_705, %mul3A_706 : i32
      %swap3A_708 = arith.index_cast %mul3A_707 : i32 to index
      %swap3A_709 = tpu.vector_load %arg7[%swap3A_708] {strides = array<i32>} : memref<32768xi32, #tpu.memory_space<vmem>>, vector<16xi32>,
      tpu.vector_store %arg7[%swap3A_708], %broadcast_in_dim3A_1 {strides = array<i32>} : memref<32768xi32, #tpu.memory_space<vmem>>, vector<16xi32>,
      %mul3A_710 = arith.constant 11 : i32
      %mul3A_711 = arith.muli %mul3A_710, %scan3A_656 : i32
      %sub3A_712 = arith.constant 2047 : i32
      %sub3A_713 = arith.subi %sub3A_712, %mul3A_711 : i32
      %sub3A_714 = arith.constant 5 : i32
      %sub3A_715 = arith.subi %sub3A_713, %sub3A_714 : i32
      %mul3A_716 = arith.constant 16 : i32
      %mul3A_717 = arith.muli %sub3A_715, %mul3A_716 : i32
      %swap3A_718 = arith.index_cast %mul3A_717 : i32 to index
      %swap3A_719 = tpu.vector_load %arg7[%swap3A_718] {strides = array<i32>} : memref<32768xi32, #tpu.memory_space<vmem>>, vector<16xi32>,
      tpu.vector_store %arg7[%swap3A_718], %broadcast_in_dim3A_1 {strides = array<i32>} : memref<32768xi32, #tpu.memory_space<vmem>>, vector<16xi32>,
      %mul3A_720 = arith.constant 11 : i32
      %mul3A_721 = arith.muli %mul3A_720, %scan3A_656 : i32
      %sub3A_722 = arith.constant 2047 : i32
      %sub3A_723 = arith.subi %sub3A_722, %mul3A_721 : i32
      %sub3A_724 = arith.constant 6 : i32
      %sub3A_725 = arith.subi %sub3A_723, %sub3A_724 : i32
      %mul3A_726 = arith.constant 16 : i32
      %mul3A_727 = arith.muli %sub3A_725, %mul3A_726 : i32
      %swap3A_728 = arith.index_cast %mul3A_727 : i32 to index
      %swap3A_729 = tpu.vector_load %arg7[%swap3A_728] {strides = array<i32>} : memref<32768xi32, #tpu.memory_space<vmem>>, vector<16xi32>,
      tpu.vector_store %arg7[%swap3A_728], %broadcast_in_dim3A_1 {strides = array<i32>} : memref<32768xi32, #tpu.memory_space<vmem>>, vector<16xi32>,
      %mul3A_730 = arith.constant 11 : i32
      %mul3A_731 = arith.muli %mul3A_730, %scan3A_656 : i32
      %sub3A_732 = arith.constant 2047 : i32
      %sub3A_733 = arith.subi %sub3A_732, %mul3A_731 : i32
      %sub3A_734 = arith.constant 7 : i32
      %sub3A_735 = arith.subi %sub3A_733, %sub3A_734 : i32
      %mul3A_736 = arith.constant 16 : i32
      %mul3A_737 = arith.muli %sub3A_735, %mul3A_736 : i32
      %swap3A_738 = arith.index_cast %mul3A_737 : i32 to index
      %swap3A_739 = tpu.vector_load %arg7[%swap3A_738] {strides = array<i32>} : memref<32768xi32, #tpu.memory_space<vmem>>, vector<16xi32>,
      tpu.vector_store %arg7[%swap3A_738], %broadcast_in_dim3A_1 {strides = array<i32>} : memref<32768xi32, #tpu.memory_space<vmem>>, vector<16xi32>,
      %mul3A_740 = arith.constant 11 : i32
      %mul3A_741 = arith.muli %mul3A_740, %scan3A_656 : i32
      %sub3A_742 = arith.constant 2047 : i32
      %sub3A_743 = arith.subi %sub3A_742, %mul3A_741 : i32
      %sub3A_744 = arith.constant 8 : i32
      %sub3A_745 = arith.subi %sub3A_743, %sub3A_744 : i32
      %mul3A_746 = arith.constant 16 : i32
      %mul3A_747 = arith.muli %sub3A_745, %mul3A_746 : i32
      %swap3A_748 = arith.index_cast %mul3A_747 : i32 to index
      %swap3A_749 = tpu.vector_load %arg7[%swap3A_748] {strides = array<i32>} : memref<32768xi32, #tpu.memory_space<vmem>>, vector<16xi32>,
      tpu.vector_store %arg7[%swap3A_748], %broadcast_in_dim3A_1 {strides = array<i32>} : memref<32768xi32, #tpu.memory_space<vmem>>, vector<16xi32>,
      %mul3A_750 = arith.constant 11 : i32
      %mul3A_751 = arith.muli %mul3A_750, %scan3A_656 : i32
      %sub3A_752 = arith.constant 2047 : i32
      %sub3A_753 = arith.subi %sub3A_752, %mul3A_751 : i32
      %sub3A_754 = arith.constant 9 : i32
      %sub3A_755 = arith.subi %sub3A_753, %sub3A_754 : i32
      %mul3A_756 = arith.constant 16 : i32
      %mul3A_757 = arith.muli %sub3A_755, %mul3A_756 : i32
      %swap3A_758 = arith.index_cast %mul3A_757 : i32 to index
      %swap3A_759 = tpu.vector_load %arg7[%swap3A_758] {strides = array<i32>} : memref<32768xi32, #tpu.memory_space<vmem>>, vector<16xi32>,
      tpu.vector_store %arg7[%swap3A_758], %broadcast_in_dim3A_1 {strides = array<i32>} : memref<32768xi32, #tpu.memory_space<vmem>>, vector<16xi32>,
      %mul3A_760 = arith.constant 11 : i32
      %mul3A_761 = arith.muli %mul3A_760, %scan3A_656 : i32
      %sub3A_762 = arith.constant 2047 : i32
      %sub3A_763 = arith.subi %sub3A_762, %mul3A_761 : i32
      %sub3A_764 = arith.constant 10 : i32
      %sub3A_765 = arith.subi %sub3A_763, %sub3A_764 : i32
      %mul3A_766 = arith.constant 16 : i32
      %mul3A_767 = arith.muli %sub3A_765, %mul3A_766 : i32
      %swap3A_768 = arith.index_cast %mul3A_767 : i32 to index
      %swap3A_769 = tpu.vector_load %arg7[%swap3A_768] {strides = array<i32>} : memref<32768xi32, #tpu.memory_space<vmem>>, vector<16xi32>,
      tpu.vector_store %arg7[%swap3A_768], %broadcast_in_dim3A_1 {strides = array<i32>} : memref<32768xi32, #tpu.memory_space<vmem>>, vector<16xi32>,
      %add3A_770 = arith.constant 0 : i32
      %add3A_771 = arith.addi %mul3A_660, %add3A_770 : i32
      %mul3A_772 = arith.constant 16 : i32
      %mul3A_773 = arith.muli %add3A_771, %mul3A_772 : i32
      %get3A = arith.index_cast %mul3A_773 : i32 to index
      %get3A_774 = tpu.vector_load %arg4[%get3A] {strides = array<i32>} : memref<16384xf32, #tpu.memory_space<vmem>>, vector<16xf32>,
      %add3A_775 = arith.constant 1 : i32
      %add3A_776 = arith.addi %mul3A_660, %add3A_775 : i32
      %mul3A_777 = arith.constant 16 : i32
      %mul3A_778 = arith.muli %add3A_776, %mul3A_777 : i32
      %get3A_779 = arith.index_cast %mul3A_778 : i32 to index
      %get3A_780 = tpu.vector_load %arg4[%get3A_779] {strides = array<i32>} : memref<16384xf32, #tpu.memory_space<vmem>>, vector<16xf32>,
      %add3A_781 = arith.constant 2 : i32
      %add3A_782 = arith.addi %mul3A_660, %add3A_781 : i32
      %mul3A_783 = arith.constant 16 : i32
      %mul3A_784 = arith.muli %add3A_782, %mul3A_783 : i32
      %get3A_785 = arith.index_cast %mul3A_784 : i32 to index
      %get3A_786 = tpu.vector_load %arg4[%get3A_785] {strides = array<i32>} : memref<16384xf32, #tpu.memory_space<vmem>>, vector<16xf32>,
      %add3A_787 = arith.constant 3 : i32
      %add3A_788 = arith.addi %mul3A_660, %add3A_787 : i32
      %mul3A_789 = arith.constant 16 : i32
      %mul3A_790 = arith.muli %add3A_788, %mul3A_789 : i32
      %get3A_791 = arith.index_cast %mul3A_790 : i32 to index
      %get3A_792 = tpu.vector_load %arg4[%get3A_791] {strides = array<i32>} : memref<16384xf32, #tpu.memory_space<vmem>>, vector<16xf32>,
      %add3A_793 = arith.constant 4 : i32
      %add3A_794 = arith.addi %mul3A_660, %add3A_793 : i32
      %mul3A_795 = arith.constant 16 : i32
      %mul3A_796 = arith.muli %add3A_794, %mul3A_795 : i32
      %get3A_797 = arith.index_cast %mul3A_796 : i32 to index
      %get3A_798 = tpu.vector_load %arg4[%get3A_797] {strides = array<i32>} : memref<16384xf32, #tpu.memory_space<vmem>>, vector<16xf32>,
      %add3A_799 = arith.constant 5 : i32
      %add3A_800 = arith.addi %mul3A_660, %add3A_799 : i32
      %mul3A_801 = arith.constant 16 : i32
      %mul3A_802 = arith.muli %add3A_800, %mul3A_801 : i32
      %get3A_803 = arith.index_cast %mul3A_802 : i32 to index
      %get3A_804 = tpu.vector_load %arg4[%get3A_803] {strides = array<i32>} : memref<16384xf32, #tpu.memory_space<vmem>>, vector<16xf32>,
      %add3A_805 = arith.constant 6 : i32
      %add3A_806 = arith.addi %mul3A_660, %add3A_805 : i32
      %mul3A_807 = arith.constant 16 : i32
      %mul3A_808 = arith.muli %add3A_806, %mul3A_807 : i32
      %get3A_809 = arith.index_cast %mul3A_808 : i32 to index
      %get3A_810 = tpu.vector_load %arg4[%get3A_809] {strides = array<i32>} : memref<16384xf32, #tpu.memory_space<vmem>>, vector<16xf32>,
      %add3A_811 = arith.constant 7 : i32
      %add3A_812 = arith.addi %mul3A_660, %add3A_811 : i32
      %mul3A_813 = arith.constant 16 : i32
      %mul3A_814 = arith.muli %add3A_812, %mul3A_813 : i32
      %get3A_815 = arith.index_cast %mul3A_814 : i32 to index
      %get3A_816 = tpu.vector_load %arg4[%get3A_815] {strides = array<i32>} : memref<16384xf32, #tpu.memory_space<vmem>>, vector<16xf32>,
      %add3A_817 = arith.constant 8 : i32
      %add3A_818 = arith.addi %mul3A_660, %add3A_817 : i32
      %mul3A_819 = arith.constant 16 : i32
      %mul3A_820 = arith.muli %add3A_818, %mul3A_819 : i32
      %get3A_821 = arith.index_cast %mul3A_820 : i32 to index
      %get3A_822 = tpu.vector_load %arg4[%get3A_821] {strides = array<i32>} : memref<16384xf32, #tpu.memory_space<vmem>>, vector<16xf32>,
      %add3A_823 = arith.constant 9 : i32
      %add3A_824 = arith.addi %mul3A_660, %add3A_823 : i32
      %mul3A_825 = arith.constant 16 : i32
      %mul3A_826 = arith.muli %add3A_824, %mul3A_825 : i32
      %get3A_827 = arith.index_cast %mul3A_826 : i32 to index
      %get3A_828 = tpu.vector_load %arg4[%get3A_827] {strides = array<i32>} : memref<16384xf32, #tpu.memory_space<vmem>>, vector<16xf32>,
      %add3A_829 = arith.constant 10 : i32
      %add3A_830 = arith.addi %mul3A_660, %add3A_829 : i32
      %mul3A_831 = arith.constant 16 : i32
      %mul3A_832 = arith.muli %add3A_830, %mul3A_831 : i32
      %get3A_833 = arith.index_cast %mul3A_832 : i32 to index
      %get3A_834 = tpu.vector_load %arg4[%get3A_833] {strides = array<i32>} : memref<16384xf32, #tpu.memory_space<vmem>>, vector<16xf32>,
      %add3A_835 = arith.constant 11 : i32
      %add3A_836 = arith.addi %mul3A_660, %add3A_835 : i32
      %mul3A_837 = arith.constant 16 : i32
      %mul3A_838 = arith.muli %add3A_836, %mul3A_837 : i32
      %get3A_839 = arith.index_cast %mul3A_838 : i32 to index
      %get3A_840 = tpu.vector_load %arg4[%get3A_839] {strides = array<i32>} : memref<16384xf32, #tpu.memory_space<vmem>>, vector<16xf32>,
      %add3A_841 = arith.constant 12 : i32
      %add3A_842 = arith.addi %mul3A_660, %add3A_841 : i32
      %mul3A_843 = arith.constant 16 : i32
      %mul3A_844 = arith.muli %add3A_842, %mul3A_843 : i32
      %get3A_845 = arith.index_cast %mul3A_844 : i32 to index
      %get3A_846 = tpu.vector_load %arg4[%get3A_845] {strides = array<i32>} : memref<16384xf32, #tpu.memory_space<vmem>>, vector<16xf32>,
      %add3A_847 = arith.constant 13 : i32
      %add3A_848 = arith.addi %mul3A_660, %add3A_847 : i32
      %mul3A_849 = arith.constant 16 : i32
      %mul3A_850 = arith.muli %add3A_848, %mul3A_849 : i32
      %get3A_851 = arith.index_cast %mul3A_850 : i32 to index
      %get3A_852 = tpu.vector_load %arg4[%get3A_851] {strides = array<i32>} : memref<16384xf32, #tpu.memory_space<vmem>>, vector<16xf32>,
      %add3A_853 = arith.constant 14 : i32
      %add3A_854 = arith.addi %mul3A_660, %add3A_853 : i32
      %mul3A_855 = arith.constant 16 : i32
      %mul3A_856 = arith.muli %add3A_854, %mul3A_855 : i32
      %get3A_857 = arith.index_cast %mul3A_856 : i32 to index
      %get3A_858 = tpu.vector_load %arg4[%get3A_857] {strides = array<i32>} : memref<16384xf32, #tpu.memory_space<vmem>>, vector<16xf32>,
      %add3A_859 = arith.constant 15 : i32
      %add3A_860 = arith.addi %mul3A_660, %add3A_859 : i32
      %mul3A_861 = arith.constant 16 : i32
      %mul3A_862 = arith.muli %add3A_860, %mul3A_861 : i32
      %get3A_863 = arith.index_cast %mul3A_862 : i32 to index
      %get3A_864 = tpu.vector_load %arg4[%get3A_863] {strides = array<i32>} : memref<16384xf32, #tpu.memory_space<vmem>>, vector<16xf32>,
      %ge3A_865 = arith.constant 5.000000e-01 : f32
      %ge3A_866 = vector.broadcast %ge3A_865 : f32 to vector<16xf32>
      %ge3A_867 = arith.cmpf oge, %get3A_774, %ge3A_866 : vector<16xf32>
      %ge3A_868 = arith.constant 5.000000e-01 : f32
      %ge3A_869 = vector.broadcast %ge3A_868 : f32 to vector<16xf32>
      %ge3A_870 = arith.cmpf oge, %get3A_780, %ge3A_869 : vector<16xf32>
      %ge3A_871 = arith.constant 5.000000e-01 : f32
      %ge3A_872 = vector.broadcast %ge3A_871 : f32 to vector<16xf32>
      %ge3A_873 = arith.cmpf oge, %get3A_786, %ge3A_872 : vector<16xf32>
      %ge3A_874 = arith.constant 5.000000e-01 : f32
      %ge3A_875 = vector.broadcast %ge3A_874 : f32 to vector<16xf32>
      %ge3A_876 = arith.cmpf oge, %get3A_792, %ge3A_875 : vector<16xf32>
      %ge3A_877 = arith.constant 5.000000e-01 : f32
      %ge3A_878 = vector.broadcast %ge3A_877 : f32 to vector<16xf32>
      %ge3A_879 = arith.cmpf oge, %get3A_798, %ge3A_878 : vector<16xf32>
      %ge3A_880 = arith.constant 5.000000e-01 : f32
      %ge3A_881 = vector.broadcast %ge3A_880 : f32 to vector<16xf32>
      %ge3A_882 = arith.cmpf oge, %get3A_804, %ge3A_881 : vector<16xf32>
      %ge3A_883 = arith.constant 5.000000e-01 : f32
      %ge3A_884 = vector.broadcast %ge3A_883 : f32 to vector<16xf32>
      %ge3A_885 = arith.cmpf oge, %get3A_810, %ge3A_884 : vector<16xf32>
      %ge3A_886 = arith.constant 5.000000e-01 : f32
      %ge3A_887 = vector.broadcast %ge3A_886 : f32 to vector<16xf32>
      %ge3A_888 = arith.cmpf oge, %get3A_816, %ge3A_887 : vector<16xf32>
      %ge3A_889 = arith.constant 5.000000e-01 : f32
      %ge3A_890 = vector.broadcast %ge3A_889 : f32 to vector<16xf32>
      %ge3A_891 = arith.cmpf oge, %get3A_822, %ge3A_890 : vector<16xf32>
      %ge3A_892 = arith.constant 5.000000e-01 : f32
      %ge3A_893 = vector.broadcast %ge3A_892 : f32 to vector<16xf32>
      %ge3A_894 = arith.cmpf oge, %get3A_828, %ge3A_893 : vector<16xf32>
      %ge3A_895 = arith.constant 5.000000e-01 : f32
      %ge3A_896 = vector.broadcast %ge3A_895 : f32 to vector<16xf32>
      %ge3A_897 = arith.cmpf oge, %get3A_834, %ge3A_896 : vector<16xf32>
      %ge3A_898 = arith.constant 5.000000e-01 : f32
      %ge3A_899 = vector.broadcast %ge3A_898 : f32 to vector<16xf32>
      %ge3A_900 = arith.cmpf oge, %get3A_840, %ge3A_899 : vector<16xf32>
      %ge3A_901 = arith.constant 5.000000e-01 : f32
      %ge3A_902 = vector.broadcast %ge3A_901 : f32 to vector<16xf32>
      %ge3A_903 = arith.cmpf oge, %get3A_846, %ge3A_902 : vector<16xf32>
      %ge3A_904 = arith.constant 5.000000e-01 : f32
      %ge3A_905 = vector.broadcast %ge3A_904 : f32 to vector<16xf32>
      %ge3A_906 = arith.cmpf oge, %get3A_852, %ge3A_905 : vector<16xf32>
      %ge3A_907 = arith.constant 5.000000e-01 : f32
      %ge3A_908 = vector.broadcast %ge3A_907 : f32 to vector<16xf32>
      %ge3A_909 = arith.cmpf oge, %get3A_858, %ge3A_908 : vector<16xf32>
      %ge3A_910 = arith.constant 5.000000e-01 : f32
      %ge3A_911 = vector.broadcast %ge3A_910 : f32 to vector<16xf32>
      %ge3A_912 = arith.cmpf oge, %get3A_864, %ge3A_911 : vector<16xf32>
      %broadcast_in_dim3A_913 = arith.constant 0 : i32
      %broadcast_in_dim3A_914 = vector.broadcast %broadcast_in_dim3A_913 : i32 to vector<16xi32>
      %add3A_915 = arith.addi %scan3A_658, %broadcast_in_dim3A_914 : vector<16xi32>
      %select_n3A_916 = arith.select %ge3A_867, %add3A_915, %broadcast_in_dim3A_1 : vector<16xi1>, vector<16xi32>
      %bitcast3A = vector.bitcast %select_n3A_916 : vector<16xi32> to vector<16xi32>
      %broadcast_in_dim3A_917 = arith.constant 16 : i32
      %broadcast_in_dim3A_918 = vector.broadcast %broadcast_in_dim3A_917 : i32 to vector<16xi32>
      %add3A_919 = arith.addi %scan3A_658, %broadcast_in_dim3A_918 : vector<16xi32>
      %select_n3A_920 = arith.select %ge3A_870, %add3A_919, %broadcast_in_dim3A_1 : vector<16xi1>, vector<16xi32>
      %bitcast3A_921 = vector.bitcast %select_n3A_920 : vector<16xi32> to vector<16xi32>
      %broadcast_in_dim3A_922 = arith.constant 32 : i32
      %broadcast_in_dim3A_923 = vector.broadcast %broadcast_in_dim3A_922 : i32 to vector<16xi32>
      %add3A_924 = arith.addi %scan3A_658, %broadcast_in_dim3A_923 : vector<16xi32>
      %select_n3A_925 = arith.select %ge3A_873, %add3A_924, %broadcast_in_dim3A_1 : vector<16xi1>, vector<16xi32>
      %bitcast3A_926 = vector.bitcast %select_n3A_925 : vector<16xi32> to vector<16xi32>
      %broadcast_in_dim3A_927 = arith.constant 48 : i32
      %broadcast_in_dim3A_928 = vector.broadcast %broadcast_in_dim3A_927 : i32 to vector<16xi32>
      %add3A_929 = arith.addi %scan3A_658, %broadcast_in_dim3A_928 : vector<16xi32>
      %select_n3A_930 = arith.select %ge3A_876, %add3A_929, %broadcast_in_dim3A_1 : vector<16xi1>, vector<16xi32>
      %bitcast3A_931 = vector.bitcast %select_n3A_930 : vector<16xi32> to vector<16xi32>
      %broadcast_in_dim3A_932 = arith.constant 64 : i32
      %broadcast_in_dim3A_933 = vector.broadcast %broadcast_in_dim3A_932 : i32 to vector<16xi32>
      %add3A_934 = arith.addi %scan3A_658, %broadcast_in_dim3A_933 : vector<16xi32>
      %select_n3A_935 = arith.select %ge3A_879, %add3A_934, %broadcast_in_dim3A_1 : vector<16xi1>, vector<16xi32>
      %bitcast3A_936 = vector.bitcast %select_n3A_935 : vector<16xi32> to vector<16xi32>
      %broadcast_in_dim3A_937 = arith.constant 80 : i32
      %broadcast_in_dim3A_938 = vector.broadcast %broadcast_in_dim3A_937 : i32 to vector<16xi32>
      %add3A_939 = arith.addi %scan3A_658, %broadcast_in_dim3A_938 : vector<16xi32>
      %select_n3A_940 = arith.select %ge3A_882, %add3A_939, %broadcast_in_dim3A_1 : vector<16xi1>, vector<16xi32>
      %bitcast3A_941 = vector.bitcast %select_n3A_940 : vector<16xi32> to vector<16xi32>
      %broadcast_in_dim3A_942 = arith.constant 96 : i32
      %broadcast_in_dim3A_943 = vector.broadcast %broadcast_in_dim3A_942 : i32 to vector<16xi32>
      %add3A_944 = arith.addi %scan3A_658, %broadcast_in_dim3A_943 : vector<16xi32>
      %select_n3A_945 = arith.select %ge3A_885, %add3A_944, %broadcast_in_dim3A_1 : vector<16xi1>, vector<16xi32>
      %bitcast3A_946 = vector.bitcast %select_n3A_945 : vector<16xi32> to vector<16xi32>
      %broadcast_in_dim3A_947 = arith.constant 112 : i32
      %broadcast_in_dim3A_948 = vector.broadcast %broadcast_in_dim3A_947 : i32 to vector<16xi32>
      %add3A_949 = arith.addi %scan3A_658, %broadcast_in_dim3A_948 : vector<16xi32>
      %select_n3A_950 = arith.select %ge3A_888, %add3A_949, %broadcast_in_dim3A_1 : vector<16xi1>, vector<16xi32>
      %bitcast3A_951 = vector.bitcast %select_n3A_950 : vector<16xi32> to vector<16xi32>
      %broadcast_in_dim3A_952 = arith.constant 128 : i32
      %broadcast_in_dim3A_953 = vector.broadcast %broadcast_in_dim3A_952 : i32 to vector<16xi32>
      %add3A_954 = arith.addi %scan3A_658, %broadcast_in_dim3A_953 : vector<16xi32>
      %select_n3A_955 = arith.select %ge3A_891, %add3A_954, %broadcast_in_dim3A_1 : vector<16xi1>, vector<16xi32>
      %bitcast3A_956 = vector.bitcast %select_n3A_955 : vector<16xi32> to vector<16xi32>
      %broadcast_in_dim3A_957 = arith.constant 144 : i32
      %broadcast_in_dim3A_958 = vector.broadcast %broadcast_in_dim3A_957 : i32 to vector<16xi32>
      %add3A_959 = arith.addi %scan3A_658, %broadcast_in_dim3A_958 : vector<16xi32>
      %select_n3A_960 = arith.select %ge3A_894, %add3A_959, %broadcast_in_dim3A_1 : vector<16xi1>, vector<16xi32>
      %bitcast3A_961 = vector.bitcast %select_n3A_960 : vector<16xi32> to vector<16xi32>
      %broadcast_in_dim3A_962 = arith.constant 160 : i32
      %broadcast_in_dim3A_963 = vector.broadcast %broadcast_in_dim3A_962 : i32 to vector<16xi32>
      %add3A_964 = arith.addi %scan3A_658, %broadcast_in_dim3A_963 : vector<16xi32>
      %select_n3A_965 = arith.select %ge3A_897, %add3A_964, %broadcast_in_dim3A_1 : vector<16xi1>, vector<16xi32>
      %bitcast3A_966 = vector.bitcast %select_n3A_965 : vector<16xi32> to vector<16xi32>
      %broadcast_in_dim3A_967 = arith.constant 176 : i32
      %broadcast_in_dim3A_968 = vector.broadcast %broadcast_in_dim3A_967 : i32 to vector<16xi32>
      %add3A_969 = arith.addi %scan3A_658, %broadcast_in_dim3A_968 : vector<16xi32>
      %select_n3A_970 = arith.select %ge3A_900, %add3A_969, %broadcast_in_dim3A_1 : vector<16xi1>, vector<16xi32>
      %bitcast3A_971 = vector.bitcast %select_n3A_970 : vector<16xi32> to vector<16xi32>
      %broadcast_in_dim3A_972 = arith.constant 192 : i32
      %broadcast_in_dim3A_973 = vector.broadcast %broadcast_in_dim3A_972 : i32 to vector<16xi32>
      %add3A_974 = arith.addi %scan3A_658, %broadcast_in_dim3A_973 : vector<16xi32>
      %select_n3A_975 = arith.select %ge3A_903, %add3A_974, %broadcast_in_dim3A_1 : vector<16xi1>, vector<16xi32>
      %bitcast3A_976 = vector.bitcast %select_n3A_975 : vector<16xi32> to vector<16xi32>
      %broadcast_in_dim3A_977 = arith.constant 208 : i32
      %broadcast_in_dim3A_978 = vector.broadcast %broadcast_in_dim3A_977 : i32 to vector<16xi32>
      %add3A_979 = arith.addi %scan3A_658, %broadcast_in_dim3A_978 : vector<16xi32>
      %select_n3A_980 = arith.select %ge3A_906, %add3A_979, %broadcast_in_dim3A_1 : vector<16xi1>, vector<16xi32>
      %bitcast3A_981 = vector.bitcast %select_n3A_980 : vector<16xi32> to vector<16xi32>
      %broadcast_in_dim3A_982 = arith.constant 224 : i32
      %broadcast_in_dim3A_983 = vector.broadcast %broadcast_in_dim3A_982 : i32 to vector<16xi32>
      %add3A_984 = arith.addi %scan3A_658, %broadcast_in_dim3A_983 : vector<16xi32>
      %select_n3A_985 = arith.select %ge3A_909, %add3A_984, %broadcast_in_dim3A_1 : vector<16xi1>, vector<16xi32>
      %bitcast3A_986 = vector.bitcast %select_n3A_985 : vector<16xi32> to vector<16xi32>
      %broadcast_in_dim3A_987 = arith.constant 240 : i32
      %broadcast_in_dim3A_988 = vector.broadcast %broadcast_in_dim3A_987 : i32 to vector<16xi32>
      %add3A_989 = arith.addi %scan3A_658, %broadcast_in_dim3A_988 : vector<16xi32>
      %select_n3A_990 = arith.select %ge3A_912, %add3A_989, %broadcast_in_dim3A_1 : vector<16xi1>, vector<16xi32>
      %bitcast3A_991 = vector.bitcast %select_n3A_990 : vector<16xi32> to vector<16xi32>
      %sort3A = arith.constant dense<true> : vector<16xi1>
      %sort3A_992, %sort3A_993, %sort3A_994 = tpu.sort %bitcast3A, %bitcast3A masked %sort3A : (vector<16xi32>, vector<16xi32>, vector<16xi1>) -> (vector<16xi1>, vector<16xi32>, vector<16xi32>)
      %bitcast3A_995 = vector.bitcast %sort3A_993 : vector<16xi32> to vector<16xi32>
      %sort3A_996 = arith.constant dense<true> : vector<16xi1>
      %sort3A_997, %sort3A_998, %sort3A_999 = tpu.sort %bitcast3A_921, %bitcast3A_921 masked %sort3A_996 : (vector<16xi32>, vector<16xi32>, vector<16xi1>) -> (vector<16xi1>, vector<16xi32>, vector<16xi32>)
      %bitcast3A_1000 = vector.bitcast %sort3A_998 : vector<16xi32> to vector<16xi32>
      %sort3A_1001 = arith.constant dense<true> : vector<16xi1>
      %sort3A_1002, %sort3A_1003, %sort3A_1004 = tpu.sort %bitcast3A_926, %bitcast3A_926 masked %sort3A_1001 : (vector<16xi32>, vector<16xi32>, vector<16xi1>) -> (vector<16xi1>, vector<16xi32>, vector<16xi32>)
      %bitcast3A_1005 = vector.bitcast %sort3A_1003 : vector<16xi32> to vector<16xi32>
      %sort3A_1006 = arith.constant dense<true> : vector<16xi1>
      %sort3A_1007, %sort3A_1008, %sort3A_1009 = tpu.sort %bitcast3A_931, %bitcast3A_931 masked %sort3A_1006 : (vector<16xi32>, vector<16xi32>, vector<16xi1>) -> (vector<16xi1>, vector<16xi32>, vector<16xi32>)
      %bitcast3A_1010 = vector.bitcast %sort3A_1008 : vector<16xi32> to vector<16xi32>
      %sort3A_1011 = arith.constant dense<true> : vector<16xi1>
      %sort3A_1012, %sort3A_1013, %sort3A_1014 = tpu.sort %bitcast3A_936, %bitcast3A_936 masked %sort3A_1011 : (vector<16xi32>, vector<16xi32>, vector<16xi1>) -> (vector<16xi1>, vector<16xi32>, vector<16xi32>)
      %bitcast3A_1015 = vector.bitcast %sort3A_1013 : vector<16xi32> to vector<16xi32>
      %sort3A_1016 = arith.constant dense<true> : vector<16xi1>
      %sort3A_1017, %sort3A_1018, %sort3A_1019 = tpu.sort %bitcast3A_941, %bitcast3A_941 masked %sort3A_1016 : (vector<16xi32>, vector<16xi32>, vector<16xi1>) -> (vector<16xi1>, vector<16xi32>, vector<16xi32>)
      %bitcast3A_1020 = vector.bitcast %sort3A_1018 : vector<16xi32> to vector<16xi32>
      %sort3A_1021 = arith.constant dense<true> : vector<16xi1>
      %sort3A_1022, %sort3A_1023, %sort3A_1024 = tpu.sort %bitcast3A_946, %bitcast3A_946 masked %sort3A_1021 : (vector<16xi32>, vector<16xi32>, vector<16xi1>) -> (vector<16xi1>, vector<16xi32>, vector<16xi32>)
      %bitcast3A_1025 = vector.bitcast %sort3A_1023 : vector<16xi32> to vector<16xi32>
      %sort3A_1026 = arith.constant dense<true> : vector<16xi1>
      %sort3A_1027, %sort3A_1028, %sort3A_1029 = tpu.sort %bitcast3A_951, %bitcast3A_951 masked %sort3A_1026 : (vector<16xi32>, vector<16xi32>, vector<16xi1>) -> (vector<16xi1>, vector<16xi32>, vector<16xi32>)
      %bitcast3A_1030 = vector.bitcast %sort3A_1028 : vector<16xi32> to vector<16xi32>
      %sort3A_1031 = arith.constant dense<true> : vector<16xi1>
      %sort3A_1032, %sort3A_1033, %sort3A_1034 = tpu.sort %bitcast3A_956, %bitcast3A_956 masked %sort3A_1031 : (vector<16xi32>, vector<16xi32>, vector<16xi1>) -> (vector<16xi1>, vector<16xi32>, vector<16xi32>)
      %bitcast3A_1035 = vector.bitcast %sort3A_1033 : vector<16xi32> to vector<16xi32>
      %sort3A_1036 = arith.constant dense<true> : vector<16xi1>
      %sort3A_1037, %sort3A_1038, %sort3A_1039 = tpu.sort %bitcast3A_961, %bitcast3A_961 masked %sort3A_1036 : (vector<16xi32>, vector<16xi32>, vector<16xi1>) -> (vector<16xi1>, vector<16xi32>, vector<16xi32>)
      %bitcast3A_1040 = vector.bitcast %sort3A_1038 : vector<16xi32> to vector<16xi32>
      %sort3A_1041 = arith.constant dense<true> : vector<16xi1>
      %sort3A_1042, %sort3A_1043, %sort3A_1044 = tpu.sort %bitcast3A_966, %bitcast3A_966 masked %sort3A_1041 : (vector<16xi32>, vector<16xi32>, vector<16xi1>) -> (vector<16xi1>, vector<16xi32>, vector<16xi32>)
      %bitcast3A_1045 = vector.bitcast %sort3A_1043 : vector<16xi32> to vector<16xi32>
      %sort3A_1046 = arith.constant dense<true> : vector<16xi1>
      %sort3A_1047, %sort3A_1048, %sort3A_1049 = tpu.sort %bitcast3A_971, %bitcast3A_971 masked %sort3A_1046 : (vector<16xi32>, vector<16xi32>, vector<16xi1>) -> (vector<16xi1>, vector<16xi32>, vector<16xi32>)
      %bitcast3A_1050 = vector.bitcast %sort3A_1048 : vector<16xi32> to vector<16xi32>
      %sort3A_1051 = arith.constant dense<true> : vector<16xi1>
      %sort3A_1052, %sort3A_1053, %sort3A_1054 = tpu.sort %bitcast3A_976, %bitcast3A_976 masked %sort3A_1051 : (vector<16xi32>, vector<16xi32>, vector<16xi1>) -> (vector<16xi1>, vector<16xi32>, vector<16xi32>)
      %bitcast3A_1055 = vector.bitcast %sort3A_1053 : vector<16xi32> to vector<16xi32>
      %sort3A_1056 = arith.constant dense<true> : vector<16xi1>
      %sort3A_1057, %sort3A_1058, %sort3A_1059 = tpu.sort %bitcast3A_981, %bitcast3A_981 masked %sort3A_1056 : (vector<16xi32>, vector<16xi32>, vector<16xi1>) -> (vector<16xi1>, vector<16xi32>, vector<16xi32>)
      %bitcast3A_1060 = vector.bitcast %sort3A_1058 : vector<16xi32> to vector<16xi32>
      %sort3A_1061 = arith.constant dense<true> : vector<16xi1>
      %sort3A_1062, %sort3A_1063, %sort3A_1064 = tpu.sort %bitcast3A_986, %bitcast3A_986 masked %sort3A_1061 : (vector<16xi32>, vector<16xi32>, vector<16xi1>) -> (vector<16xi1>, vector<16xi32>, vector<16xi32>)
      %bitcast3A_1065 = vector.bitcast %sort3A_1063 : vector<16xi32> to vector<16xi32>
      %sort3A_1066 = arith.constant dense<true> : vector<16xi1>
      %sort3A_1067, %sort3A_1068, %sort3A_1069 = tpu.sort %bitcast3A_991, %bitcast3A_991 masked %sort3A_1066 : (vector<16xi32>, vector<16xi32>, vector<16xi1>) -> (vector<16xi1>, vector<16xi32>, vector<16xi32>)
      %bitcast3A_1070 = vector.bitcast %sort3A_1068 : vector<16xi32> to vector<16xi32>
      %all_reduce_population_count3A = tpu.all_reduce %ge3A_867 {dim = 0 : i64, kind = #tpu.reduction_kind<sum>} : vector<16xi1> -> vector<16xi32>
      %all_reduce_population_count3A_1071 = tpu.all_reduce %ge3A_870 {dim = 0 : i64, kind = #tpu.reduction_kind<sum>} : vector<16xi1> -> vector<16xi32>
      %all_reduce_population_count3A_1072 = tpu.all_reduce %ge3A_873 {dim = 0 : i64, kind = #tpu.reduction_kind<sum>} : vector<16xi1> -> vector<16xi32>
      %all_reduce_population_count3A_1073 = tpu.all_reduce %ge3A_876 {dim = 0 : i64, kind = #tpu.reduction_kind<sum>} : vector<16xi1> -> vector<16xi32>
      %all_reduce_population_count3A_1074 = tpu.all_reduce %ge3A_879 {dim = 0 : i64, kind = #tpu.reduction_kind<sum>} : vector<16xi1> -> vector<16xi32>
      %all_reduce_population_count3A_1075 = tpu.all_reduce %ge3A_882 {dim = 0 : i64, kind = #tpu.reduction_kind<sum>} : vector<16xi1> -> vector<16xi32>
      %all_reduce_population_count3A_1076 = tpu.all_reduce %ge3A_885 {dim = 0 : i64, kind = #tpu.reduction_kind<sum>} : vector<16xi1> -> vector<16xi32>
      %all_reduce_population_count3A_1077 = tpu.all_reduce %ge3A_888 {dim = 0 : i64, kind = #tpu.reduction_kind<sum>} : vector<16xi1> -> vector<16xi32>
      %all_reduce_population_count3A_1078 = tpu.all_reduce %ge3A_891 {dim = 0 : i64, kind = #tpu.reduction_kind<sum>} : vector<16xi1> -> vector<16xi32>
      %all_reduce_population_count3A_1079 = tpu.all_reduce %ge3A_894 {dim = 0 : i64, kind = #tpu.reduction_kind<sum>} : vector<16xi1> -> vector<16xi32>
      %all_reduce_population_count3A_1080 = tpu.all_reduce %ge3A_897 {dim = 0 : i64, kind = #tpu.reduction_kind<sum>} : vector<16xi1> -> vector<16xi32>
      %all_reduce_population_count3A_1081 = tpu.all_reduce %ge3A_900 {dim = 0 : i64, kind = #tpu.reduction_kind<sum>} : vector<16xi1> -> vector<16xi32>
      %all_reduce_population_count3A_1082 = tpu.all_reduce %ge3A_903 {dim = 0 : i64, kind = #tpu.reduction_kind<sum>} : vector<16xi1> -> vector<16xi32>
      %all_reduce_population_count3A_1083 = tpu.all_reduce %ge3A_906 {dim = 0 : i64, kind = #tpu.reduction_kind<sum>} : vector<16xi1> -> vector<16xi32>
      %all_reduce_population_count3A_1084 = tpu.all_reduce %ge3A_909 {dim = 0 : i64, kind = #tpu.reduction_kind<sum>} : vector<16xi1> -> vector<16xi32>
      %all_reduce_population_count3A_1085 = tpu.all_reduce %ge3A_912 {dim = 0 : i64, kind = #tpu.reduction_kind<sum>} : vector<16xi1> -> vector<16xi32>
      %add3A_1086 = arith.addi %scan3A_657, %all_reduce_population_count3A : vector<16xi32>
      %add3A_1087 = arith.addi %add3A_1086, %all_reduce_population_count3A_1071 : vector<16xi32>
      %add3A_1088 = arith.addi %add3A_1087, %all_reduce_population_count3A_1072 : vector<16xi32>
      %add3A_1089 = arith.addi %add3A_1088, %all_reduce_population_count3A_1073 : vector<16xi32>
      %add3A_1090 = arith.addi %add3A_1089, %all_reduce_population_count3A_1074 : vector<16xi32>
      %add3A_1091 = arith.addi %add3A_1090, %all_reduce_population_count3A_1075 : vector<16xi32>
      %add3A_1092 = arith.addi %add3A_1091, %all_reduce_population_count3A_1076 : vector<16xi32>
      %add3A_1093 = arith.addi %add3A_1092, %all_reduce_population_count3A_1077 : vector<16xi32>
      %add3A_1094 = arith.addi %add3A_1093, %all_reduce_population_count3A_1078 : vector<16xi32>
      %add3A_1095 = arith.addi %add3A_1094, %all_reduce_population_count3A_1079 : vector<16xi32>
      %add3A_1096 = arith.addi %add3A_1095, %all_reduce_population_count3A_1080 : vector<16xi32>
      %add3A_1097 = arith.addi %add3A_1096, %all_reduce_population_count3A_1081 : vector<16xi32>
      %add3A_1098 = arith.addi %add3A_1097, %all_reduce_population_count3A_1082 : vector<16xi32>
      %add3A_1099 = arith.addi %add3A_1098, %all_reduce_population_count3A_1083 : vector<16xi32>
      %add3A_1100 = arith.addi %add3A_1099, %all_reduce_population_count3A_1084 : vector<16xi32>
      %add3A_1101 = arith.addi %add3A_1100, %all_reduce_population_count3A_1085 : vector<16xi32>
      tpu.vector_store_idx %arg7[%scan3A_657], %bitcast3A_995 : memref<32768xi32, #tpu.memory_space<vmem>>[vector<16xi32>], vector<16xi32>,
      tpu.vector_store_idx %arg7[%add3A_1086], %bitcast3A_1000 : memref<32768xi32, #tpu.memory_space<vmem>>[vector<16xi32>], vector<16xi32>,
      tpu.vector_store_idx %arg7[%add3A_1087], %bitcast3A_1005 : memref<32768xi32, #tpu.memory_space<vmem>>[vector<16xi32>], vector<16xi32>,
      tpu.vector_store_idx %arg7[%add3A_1088], %bitcast3A_1010 : memref<32768xi32, #tpu.memory_space<vmem>>[vector<16xi32>], vector<16xi32>,
      tpu.vector_store_idx %arg7[%add3A_1089], %bitcast3A_1015 : memref<32768xi32, #tpu.memory_space<vmem>>[vector<16xi32>], vector<16xi32>,
      tpu.vector_store_idx %arg7[%add3A_1090], %bitcast3A_1020 : memref<32768xi32, #tpu.memory_space<vmem>>[vector<16xi32>], vector<16xi32>,
      tpu.vector_store_idx %arg7[%add3A_1091], %bitcast3A_1025 : memref<32768xi32, #tpu.memory_space<vmem>>[vector<16xi32>], vector<16xi32>,
      tpu.vector_store_idx %arg7[%add3A_1092], %bitcast3A_1030 : memref<32768xi32, #tpu.memory_space<vmem>>[vector<16xi32>], vector<16xi32>,
      tpu.vector_store_idx %arg7[%add3A_1093], %bitcast3A_1035 : memref<32768xi32, #tpu.memory_space<vmem>>[vector<16xi32>], vector<16xi32>,
      tpu.vector_store_idx %arg7[%add3A_1094], %bitcast3A_1040 : memref<32768xi32, #tpu.memory_space<vmem>>[vector<16xi32>], vector<16xi32>,
      tpu.vector_store_idx %arg7[%add3A_1095], %bitcast3A_1045 : memref<32768xi32, #tpu.memory_space<vmem>>[vector<16xi32>], vector<16xi32>,
      tpu.vector_store_idx %arg7[%add3A_1096], %bitcast3A_1050 : memref<32768xi32, #tpu.memory_space<vmem>>[vector<16xi32>], vector<16xi32>,
      tpu.vector_store_idx %arg7[%add3A_1097], %bitcast3A_1055 : memref<32768xi32, #tpu.memory_space<vmem>>[vector<16xi32>], vector<16xi32>,
      tpu.vector_store_idx %arg7[%add3A_1098], %bitcast3A_1060 : memref<32768xi32, #tpu.memory_space<vmem>>[vector<16xi32>], vector<16xi32>,
      tpu.vector_store_idx %arg7[%add3A_1099], %bitcast3A_1065 : memref<32768xi32, #tpu.memory_space<vmem>>[vector<16xi32>], vector<16xi32>,
      tpu.vector_store_idx %arg7[%add3A_1100], %bitcast3A_1070 : memref<32768xi32, #tpu.memory_space<vmem>>[vector<16xi32>], vector<16xi32>,
      %broadcast_in_dim3A_1102 = arith.constant 256 : i32
      %broadcast_in_dim3A_1103 = vector.broadcast %broadcast_in_dim3A_1102 : i32 to vector<16xi32>
      %add3A_1104 = arith.addi %scan3A_658, %broadcast_in_dim3A_1103 : vector<16xi32>
      scf.yield %add3A_1101, %add3A_1104 : vector<16xi32>, vector<16xi32>
    }
    %scan3A_343 = arith.constant 64 : i32
    %dma_wait3A_344 = arith.constant 16384 : i32
    %dma_wait3A_345 = tpu.memref_slice %arg2[%add3A_11, %dma_wait3A_344] : memref<64x32768xf32, #tpu.memory_space<hbm>> -> memref<1x16384xf32, #tpu.memory_space<hbm>>
    %dma_wait3A_346 = tpu.memref_squeeze %dma_wait3A_345 : memref<1x16384xf32, #tpu.memory_space<hbm>> -> memref<16384xf32, #tpu.memory_space<hbm>>
    %dma_wait3A_347 = arith.constant 16384 : i32
    %dma_wait3A_348 = tpu.memref_slice %arg2[%add3A_11, %dma_wait3A_347] : memref<64x32768xf32, #tpu.memory_space<hbm>> -> memref<1x16384xf32, #tpu.memory_space<hbm>>
    %dma_wait3A_349 = tpu.memref_squeeze %dma_wait3A_348 : memref<1x16384xf32, #tpu.memory_space<hbm>> -> memref<16384xf32, #tpu.memory_space<hbm>>
    tpu.wait_dma2 semaphore(%arg9 : memref<!tpu.dma_semaphore, #tpu.memory_space<semaphore_mem>>) src(%dma_wait3A_349 : memref<16384xf32, #tpu.memory_space<hbm>>) dst(%arg5 : memref<16384xf32, #tpu.memory_space<vmem>>)
    %scan3A_350 = arith.constant 0 : i32
    %scan3A_351 = arith.constant 64 : i32
    %scan3A_352 = arith.addi %scan3A_350, %scan3A_351 : i32
    %scan3A_353 = arith.constant 1 : i32
    %scan3A_354:2 = scf.for %scan3A_656 = %scan3A_350 to %scan3A_352 step %scan3A_353 iter_args(%scan3A_657 = %scan3A_342#0, %scan3A_658 = %scan3A_342#1) -> (vector<16xi32>, vector<16xi32>)  : i32 {
      %mul3A_659 = arith.constant 16 : i32
      %mul3A_660 = arith.muli %scan3A_656, %mul3A_659 : i32
      %add3A_661 = arith.constant 0 : i32
      %add3A_662 = arith.addi %mul3A_660, %add3A_661 : i32
      %mul3A_663 = arith.constant 16 : i32
      %mul3A_664 = arith.muli %add3A_662, %mul3A_663 : i32
      %get3A = arith.index_cast %mul3A_664 : i32 to index
      %get3A_665 = tpu.vector_load %arg5[%get3A] {strides = array<i32>} : memref<16384xf32, #tpu.memory_space<vmem>>, vector<16xf32>,
      %add3A_666 = arith.constant 1 : i32
      %add3A_667 = arith.addi %mul3A_660, %add3A_666 : i32
      %mul3A_668 = arith.constant 16 : i32
      %mul3A_669 = arith.muli %add3A_667, %mul3A_668 : i32
      %get3A_670 = arith.index_cast %mul3A_669 : i32 to index
      %get3A_671 = tpu.vector_load %arg5[%get3A_670] {strides = array<i32>} : memref<16384xf32, #tpu.memory_space<vmem>>, vector<16xf32>,
      %add3A_672 = arith.constant 2 : i32
      %add3A_673 = arith.addi %mul3A_660, %add3A_672 : i32
      %mul3A_674 = arith.constant 16 : i32
      %mul3A_675 = arith.muli %add3A_673, %mul3A_674 : i32
      %get3A_676 = arith.index_cast %mul3A_675 : i32 to index
      %get3A_677 = tpu.vector_load %arg5[%get3A_676] {strides = array<i32>} : memref<16384xf32, #tpu.memory_space<vmem>>, vector<16xf32>,
      %add3A_678 = arith.constant 3 : i32
      %add3A_679 = arith.addi %mul3A_660, %add3A_678 : i32
      %mul3A_680 = arith.constant 16 : i32
      %mul3A_681 = arith.muli %add3A_679, %mul3A_680 : i32
      %get3A_682 = arith.index_cast %mul3A_681 : i32 to index
      %get3A_683 = tpu.vector_load %arg5[%get3A_682] {strides = array<i32>} : memref<16384xf32, #tpu.memory_space<vmem>>, vector<16xf32>,
      %add3A_684 = arith.constant 4 : i32
      %add3A_685 = arith.addi %mul3A_660, %add3A_684 : i32
      %mul3A_686 = arith.constant 16 : i32
      %mul3A_687 = arith.muli %add3A_685, %mul3A_686 : i32
      %get3A_688 = arith.index_cast %mul3A_687 : i32 to index
      %get3A_689 = tpu.vector_load %arg5[%get3A_688] {strides = array<i32>} : memref<16384xf32, #tpu.memory_space<vmem>>, vector<16xf32>,
      %add3A_690 = arith.constant 5 : i32
      %add3A_691 = arith.addi %mul3A_660, %add3A_690 : i32
      %mul3A_692 = arith.constant 16 : i32
      %mul3A_693 = arith.muli %add3A_691, %mul3A_692 : i32
      %get3A_694 = arith.index_cast %mul3A_693 : i32 to index
      %get3A_695 = tpu.vector_load %arg5[%get3A_694] {strides = array<i32>} : memref<16384xf32, #tpu.memory_space<vmem>>, vector<16xf32>,
      %add3A_696 = arith.constant 6 : i32
      %add3A_697 = arith.addi %mul3A_660, %add3A_696 : i32
      %mul3A_698 = arith.constant 16 : i32
      %mul3A_699 = arith.muli %add3A_697, %mul3A_698 : i32
      %get3A_700 = arith.index_cast %mul3A_699 : i32 to index
      %get3A_701 = tpu.vector_load %arg5[%get3A_700] {strides = array<i32>} : memref<16384xf32, #tpu.memory_space<vmem>>, vector<16xf32>,
      %add3A_702 = arith.constant 7 : i32
      %add3A_703 = arith.addi %mul3A_660, %add3A_702 : i32
      %mul3A_704 = arith.constant 16 : i32
      %mul3A_705 = arith.muli %add3A_703, %mul3A_704 : i32
      %get3A_706 = arith.index_cast %mul3A_705 : i32 to index
      %get3A_707 = tpu.vector_load %arg5[%get3A_706] {strides = array<i32>} : memref<16384xf32, #tpu.memory_space<vmem>>, vector<16xf32>,
      %add3A_708 = arith.constant 8 : i32
      %add3A_709 = arith.addi %mul3A_660, %add3A_708 : i32
      %mul3A_710 = arith.constant 16 : i32
      %mul3A_711 = arith.muli %add3A_709, %mul3A_710 : i32
      %get3A_712 = arith.index_cast %mul3A_711 : i32 to index
      %get3A_713 = tpu.vector_load %arg5[%get3A_712] {strides = array<i32>} : memref<16384xf32, #tpu.memory_space<vmem>>, vector<16xf32>,
      %add3A_714 = arith.constant 9 : i32
      %add3A_715 = arith.addi %mul3A_660, %add3A_714 : i32
      %mul3A_716 = arith.constant 16 : i32
      %mul3A_717 = arith.muli %add3A_715, %mul3A_716 : i32
      %get3A_718 = arith.index_cast %mul3A_717 : i32 to index
      %get3A_719 = tpu.vector_load %arg5[%get3A_718] {strides = array<i32>} : memref<16384xf32, #tpu.memory_space<vmem>>, vector<16xf32>,
      %add3A_720 = arith.constant 10 : i32
      %add3A_721 = arith.addi %mul3A_660, %add3A_720 : i32
      %mul3A_722 = arith.constant 16 : i32
      %mul3A_723 = arith.muli %add3A_721, %mul3A_722 : i32
      %get3A_724 = arith.index_cast %mul3A_723 : i32 to index
      %get3A_725 = tpu.vector_load %arg5[%get3A_724] {strides = array<i32>} : memref<16384xf32, #tpu.memory_space<vmem>>, vector<16xf32>,
      %add3A_726 = arith.constant 11 : i32
      %add3A_727 = arith.addi %mul3A_660, %add3A_726 : i32
      %mul3A_728 = arith.constant 16 : i32
      %mul3A_729 = arith.muli %add3A_727, %mul3A_728 : i32
      %get3A_730 = arith.index_cast %mul3A_729 : i32 to index
      %get3A_731 = tpu.vector_load %arg5[%get3A_730] {strides = array<i32>} : memref<16384xf32, #tpu.memory_space<vmem>>, vector<16xf32>,
      %add3A_732 = arith.constant 12 : i32
      %add3A_733 = arith.addi %mul3A_660, %add3A_732 : i32
      %mul3A_734 = arith.constant 16 : i32
      %mul3A_735 = arith.muli %add3A_733, %mul3A_734 : i32
      %get3A_736 = arith.index_cast %mul3A_735 : i32 to index
      %get3A_737 = tpu.vector_load %arg5[%get3A_736] {strides = array<i32>} : memref<16384xf32, #tpu.memory_space<vmem>>, vector<16xf32>,
      %add3A_738 = arith.constant 13 : i32
      %add3A_739 = arith.addi %mul3A_660, %add3A_738 : i32
      %mul3A_740 = arith.constant 16 : i32
      %mul3A_741 = arith.muli %add3A_739, %mul3A_740 : i32
      %get3A_742 = arith.index_cast %mul3A_741 : i32 to index
      %get3A_743 = tpu.vector_load %arg5[%get3A_742] {strides = array<i32>} : memref<16384xf32, #tpu.memory_space<vmem>>, vector<16xf32>,
      %add3A_744 = arith.constant 14 : i32
      %add3A_745 = arith.addi %mul3A_660, %add3A_744 : i32
      %mul3A_746 = arith.constant 16 : i32
      %mul3A_747 = arith.muli %add3A_745, %mul3A_746 : i32
      %get3A_748 = arith.index_cast %mul3A_747 : i32 to index
      %get3A_749 = tpu.vector_load %arg5[%get3A_748] {strides = array<i32>} : memref<16384xf32, #tpu.memory_space<vmem>>, vector<16xf32>,
      %add3A_750 = arith.constant 15 : i32
      %add3A_751 = arith.addi %mul3A_660, %add3A_750 : i32
      %mul3A_752 = arith.constant 16 : i32
      %mul3A_753 = arith.muli %add3A_751, %mul3A_752 : i32
      %get3A_754 = arith.index_cast %mul3A_753 : i32 to index
      %get3A_755 = tpu.vector_load %arg5[%get3A_754] {strides = array<i32>} : memref<16384xf32, #tpu.memory_space<vmem>>, vector<16xf32>,
      %ge3A_756 = arith.constant 5.000000e-01 : f32
      %ge3A_757 = vector.broadcast %ge3A_756 : f32 to vector<16xf32>
      %ge3A_758 = arith.cmpf oge, %get3A_665, %ge3A_757 : vector<16xf32>
      %ge3A_759 = arith.constant 5.000000e-01 : f32
      %ge3A_760 = vector.broadcast %ge3A_759 : f32 to vector<16xf32>
      %ge3A_761 = arith.cmpf oge, %get3A_671, %ge3A_760 : vector<16xf32>
      %ge3A_762 = arith.constant 5.000000e-01 : f32
      %ge3A_763 = vector.broadcast %ge3A_762 : f32 to vector<16xf32>
      %ge3A_764 = arith.cmpf oge, %get3A_677, %ge3A_763 : vector<16xf32>
      %ge3A_765 = arith.constant 5.000000e-01 : f32
      %ge3A_766 = vector.broadcast %ge3A_765 : f32 to vector<16xf32>
      %ge3A_767 = arith.cmpf oge, %get3A_683, %ge3A_766 : vector<16xf32>
      %ge3A_768 = arith.constant 5.000000e-01 : f32
      %ge3A_769 = vector.broadcast %ge3A_768 : f32 to vector<16xf32>
      %ge3A_770 = arith.cmpf oge, %get3A_689, %ge3A_769 : vector<16xf32>
      %ge3A_771 = arith.constant 5.000000e-01 : f32
      %ge3A_772 = vector.broadcast %ge3A_771 : f32 to vector<16xf32>
      %ge3A_773 = arith.cmpf oge, %get3A_695, %ge3A_772 : vector<16xf32>
      %ge3A_774 = arith.constant 5.000000e-01 : f32
      %ge3A_775 = vector.broadcast %ge3A_774 : f32 to vector<16xf32>
      %ge3A_776 = arith.cmpf oge, %get3A_701, %ge3A_775 : vector<16xf32>
      %ge3A_777 = arith.constant 5.000000e-01 : f32
      %ge3A_778 = vector.broadcast %ge3A_777 : f32 to vector<16xf32>
      %ge3A_779 = arith.cmpf oge, %get3A_707, %ge3A_778 : vector<16xf32>
      %ge3A_780 = arith.constant 5.000000e-01 : f32
      %ge3A_781 = vector.broadcast %ge3A_780 : f32 to vector<16xf32>
      %ge3A_782 = arith.cmpf oge, %get3A_713, %ge3A_781 : vector<16xf32>
      %ge3A_783 = arith.constant 5.000000e-01 : f32
      %ge3A_784 = vector.broadcast %ge3A_783 : f32 to vector<16xf32>
      %ge3A_785 = arith.cmpf oge, %get3A_719, %ge3A_784 : vector<16xf32>
      %ge3A_786 = arith.constant 5.000000e-01 : f32
      %ge3A_787 = vector.broadcast %ge3A_786 : f32 to vector<16xf32>
      %ge3A_788 = arith.cmpf oge, %get3A_725, %ge3A_787 : vector<16xf32>
      %ge3A_789 = arith.constant 5.000000e-01 : f32
      %ge3A_790 = vector.broadcast %ge3A_789 : f32 to vector<16xf32>
      %ge3A_791 = arith.cmpf oge, %get3A_731, %ge3A_790 : vector<16xf32>
      %ge3A_792 = arith.constant 5.000000e-01 : f32
      %ge3A_793 = vector.broadcast %ge3A_792 : f32 to vector<16xf32>
      %ge3A_794 = arith.cmpf oge, %get3A_737, %ge3A_793 : vector<16xf32>
      %ge3A_795 = arith.constant 5.000000e-01 : f32
      %ge3A_796 = vector.broadcast %ge3A_795 : f32 to vector<16xf32>
      %ge3A_797 = arith.cmpf oge, %get3A_743, %ge3A_796 : vector<16xf32>
      %ge3A_798 = arith.constant 5.000000e-01 : f32
      %ge3A_799 = vector.broadcast %ge3A_798 : f32 to vector<16xf32>
      %ge3A_800 = arith.cmpf oge, %get3A_749, %ge3A_799 : vector<16xf32>
      %ge3A_801 = arith.constant 5.000000e-01 : f32
      %ge3A_802 = vector.broadcast %ge3A_801 : f32 to vector<16xf32>
      %ge3A_803 = arith.cmpf oge, %get3A_755, %ge3A_802 : vector<16xf32>
      %broadcast_in_dim3A_804 = arith.constant 0 : i32
      %broadcast_in_dim3A_805 = vector.broadcast %broadcast_in_dim3A_804 : i32 to vector<16xi32>
      %add3A_806 = arith.addi %scan3A_658, %broadcast_in_dim3A_805 : vector<16xi32>
      %select_n3A_807 = arith.select %ge3A_758, %add3A_806, %broadcast_in_dim3A_1 : vector<16xi1>, vector<16xi32>
      %bitcast3A = vector.bitcast %select_n3A_807 : vector<16xi32> to vector<16xi32>
      %broadcast_in_dim3A_808 = arith.constant 16 : i32
      %broadcast_in_dim3A_809 = vector.broadcast %broadcast_in_dim3A_808 : i32 to vector<16xi32>
      %add3A_810 = arith.addi %scan3A_658, %broadcast_in_dim3A_809 : vector<16xi32>
      %select_n3A_811 = arith.select %ge3A_761, %add3A_810, %broadcast_in_dim3A_1 : vector<16xi1>, vector<16xi32>
      %bitcast3A_812 = vector.bitcast %select_n3A_811 : vector<16xi32> to vector<16xi32>
      %broadcast_in_dim3A_813 = arith.constant 32 : i32
      %broadcast_in_dim3A_814 = vector.broadcast %broadcast_in_dim3A_813 : i32 to vector<16xi32>
      %add3A_815 = arith.addi %scan3A_658, %broadcast_in_dim3A_814 : vector<16xi32>
      %select_n3A_816 = arith.select %ge3A_764, %add3A_815, %broadcast_in_dim3A_1 : vector<16xi1>, vector<16xi32>
      %bitcast3A_817 = vector.bitcast %select_n3A_816 : vector<16xi32> to vector<16xi32>
      %broadcast_in_dim3A_818 = arith.constant 48 : i32
      %broadcast_in_dim3A_819 = vector.broadcast %broadcast_in_dim3A_818 : i32 to vector<16xi32>
      %add3A_820 = arith.addi %scan3A_658, %broadcast_in_dim3A_819 : vector<16xi32>
      %select_n3A_821 = arith.select %ge3A_767, %add3A_820, %broadcast_in_dim3A_1 : vector<16xi1>, vector<16xi32>
      %bitcast3A_822 = vector.bitcast %select_n3A_821 : vector<16xi32> to vector<16xi32>
      %broadcast_in_dim3A_823 = arith.constant 64 : i32
      %broadcast_in_dim3A_824 = vector.broadcast %broadcast_in_dim3A_823 : i32 to vector<16xi32>
      %add3A_825 = arith.addi %scan3A_658, %broadcast_in_dim3A_824 : vector<16xi32>
      %select_n3A_826 = arith.select %ge3A_770, %add3A_825, %broadcast_in_dim3A_1 : vector<16xi1>, vector<16xi32>
      %bitcast3A_827 = vector.bitcast %select_n3A_826 : vector<16xi32> to vector<16xi32>
      %broadcast_in_dim3A_828 = arith.constant 80 : i32
      %broadcast_in_dim3A_829 = vector.broadcast %broadcast_in_dim3A_828 : i32 to vector<16xi32>
      %add3A_830 = arith.addi %scan3A_658, %broadcast_in_dim3A_829 : vector<16xi32>
      %select_n3A_831 = arith.select %ge3A_773, %add3A_830, %broadcast_in_dim3A_1 : vector<16xi1>, vector<16xi32>
      %bitcast3A_832 = vector.bitcast %select_n3A_831 : vector<16xi32> to vector<16xi32>
      %broadcast_in_dim3A_833 = arith.constant 96 : i32
      %broadcast_in_dim3A_834 = vector.broadcast %broadcast_in_dim3A_833 : i32 to vector<16xi32>
      %add3A_835 = arith.addi %scan3A_658, %broadcast_in_dim3A_834 : vector<16xi32>
      %select_n3A_836 = arith.select %ge3A_776, %add3A_835, %broadcast_in_dim3A_1 : vector<16xi1>, vector<16xi32>
      %bitcast3A_837 = vector.bitcast %select_n3A_836 : vector<16xi32> to vector<16xi32>
      %broadcast_in_dim3A_838 = arith.constant 112 : i32
      %broadcast_in_dim3A_839 = vector.broadcast %broadcast_in_dim3A_838 : i32 to vector<16xi32>
      %add3A_840 = arith.addi %scan3A_658, %broadcast_in_dim3A_839 : vector<16xi32>
      %select_n3A_841 = arith.select %ge3A_779, %add3A_840, %broadcast_in_dim3A_1 : vector<16xi1>, vector<16xi32>
      %bitcast3A_842 = vector.bitcast %select_n3A_841 : vector<16xi32> to vector<16xi32>
      %broadcast_in_dim3A_843 = arith.constant 128 : i32
      %broadcast_in_dim3A_844 = vector.broadcast %broadcast_in_dim3A_843 : i32 to vector<16xi32>
      %add3A_845 = arith.addi %scan3A_658, %broadcast_in_dim3A_844 : vector<16xi32>
      %select_n3A_846 = arith.select %ge3A_782, %add3A_845, %broadcast_in_dim3A_1 : vector<16xi1>, vector<16xi32>
      %bitcast3A_847 = vector.bitcast %select_n3A_846 : vector<16xi32> to vector<16xi32>
      %broadcast_in_dim3A_848 = arith.constant 144 : i32
      %broadcast_in_dim3A_849 = vector.broadcast %broadcast_in_dim3A_848 : i32 to vector<16xi32>
      %add3A_850 = arith.addi %scan3A_658, %broadcast_in_dim3A_849 : vector<16xi32>
      %select_n3A_851 = arith.select %ge3A_785, %add3A_850, %broadcast_in_dim3A_1 : vector<16xi1>, vector<16xi32>
      %bitcast3A_852 = vector.bitcast %select_n3A_851 : vector<16xi32> to vector<16xi32>
      %broadcast_in_dim3A_853 = arith.constant 160 : i32
      %broadcast_in_dim3A_854 = vector.broadcast %broadcast_in_dim3A_853 : i32 to vector<16xi32>
      %add3A_855 = arith.addi %scan3A_658, %broadcast_in_dim3A_854 : vector<16xi32>
      %select_n3A_856 = arith.select %ge3A_788, %add3A_855, %broadcast_in_dim3A_1 : vector<16xi1>, vector<16xi32>
      %bitcast3A_857 = vector.bitcast %select_n3A_856 : vector<16xi32> to vector<16xi32>
      %broadcast_in_dim3A_858 = arith.constant 176 : i32
      %broadcast_in_dim3A_859 = vector.broadcast %broadcast_in_dim3A_858 : i32 to vector<16xi32>
      %add3A_860 = arith.addi %scan3A_658, %broadcast_in_dim3A_859 : vector<16xi32>
      %select_n3A_861 = arith.select %ge3A_791, %add3A_860, %broadcast_in_dim3A_1 : vector<16xi1>, vector<16xi32>
      %bitcast3A_862 = vector.bitcast %select_n3A_861 : vector<16xi32> to vector<16xi32>
      %broadcast_in_dim3A_863 = arith.constant 192 : i32
      %broadcast_in_dim3A_864 = vector.broadcast %broadcast_in_dim3A_863 : i32 to vector<16xi32>
      %add3A_865 = arith.addi %scan3A_658, %broadcast_in_dim3A_864 : vector<16xi32>
      %select_n3A_866 = arith.select %ge3A_794, %add3A_865, %broadcast_in_dim3A_1 : vector<16xi1>, vector<16xi32>
      %bitcast3A_867 = vector.bitcast %select_n3A_866 : vector<16xi32> to vector<16xi32>
      %broadcast_in_dim3A_868 = arith.constant 208 : i32
      %broadcast_in_dim3A_869 = vector.broadcast %broadcast_in_dim3A_868 : i32 to vector<16xi32>
      %add3A_870 = arith.addi %scan3A_658, %broadcast_in_dim3A_869 : vector<16xi32>
      %select_n3A_871 = arith.select %ge3A_797, %add3A_870, %broadcast_in_dim3A_1 : vector<16xi1>, vector<16xi32>
      %bitcast3A_872 = vector.bitcast %select_n3A_871 : vector<16xi32> to vector<16xi32>
      %broadcast_in_dim3A_873 = arith.constant 224 : i32
      %broadcast_in_dim3A_874 = vector.broadcast %broadcast_in_dim3A_873 : i32 to vector<16xi32>
      %add3A_875 = arith.addi %scan3A_658, %broadcast_in_dim3A_874 : vector<16xi32>
      %select_n3A_876 = arith.select %ge3A_800, %add3A_875, %broadcast_in_dim3A_1 : vector<16xi1>, vector<16xi32>
      %bitcast3A_877 = vector.bitcast %select_n3A_876 : vector<16xi32> to vector<16xi32>
      %broadcast_in_dim3A_878 = arith.constant 240 : i32
      %broadcast_in_dim3A_879 = vector.broadcast %broadcast_in_dim3A_878 : i32 to vector<16xi32>
      %add3A_880 = arith.addi %scan3A_658, %broadcast_in_dim3A_879 : vector<16xi32>
      %select_n3A_881 = arith.select %ge3A_803, %add3A_880, %broadcast_in_dim3A_1 : vector<16xi1>, vector<16xi32>
      %bitcast3A_882 = vector.bitcast %select_n3A_881 : vector<16xi32> to vector<16xi32>
      %sort3A = arith.constant dense<true> : vector<16xi1>
      %sort3A_883, %sort3A_884, %sort3A_885 = tpu.sort %bitcast3A, %bitcast3A masked %sort3A : (vector<16xi32>, vector<16xi32>, vector<16xi1>) -> (vector<16xi1>, vector<16xi32>, vector<16xi32>)
      %bitcast3A_886 = vector.bitcast %sort3A_884 : vector<16xi32> to vector<16xi32>
      %sort3A_887 = arith.constant dense<true> : vector<16xi1>
      %sort3A_888, %sort3A_889, %sort3A_890 = tpu.sort %bitcast3A_812, %bitcast3A_812 masked %sort3A_887 : (vector<16xi32>, vector<16xi32>, vector<16xi1>) -> (vector<16xi1>, vector<16xi32>, vector<16xi32>)
      %bitcast3A_891 = vector.bitcast %sort3A_889 : vector<16xi32> to vector<16xi32>
      %sort3A_892 = arith.constant dense<true> : vector<16xi1>
      %sort3A_893, %sort3A_894, %sort3A_895 = tpu.sort %bitcast3A_817, %bitcast3A_817 masked %sort3A_892 : (vector<16xi32>, vector<16xi32>, vector<16xi1>) -> (vector<16xi1>, vector<16xi32>, vector<16xi32>)
      %bitcast3A_896 = vector.bitcast %sort3A_894 : vector<16xi32> to vector<16xi32>
      %sort3A_897 = arith.constant dense<true> : vector<16xi1>
      %sort3A_898, %sort3A_899, %sort3A_900 = tpu.sort %bitcast3A_822, %bitcast3A_822 masked %sort3A_897 : (vector<16xi32>, vector<16xi32>, vector<16xi1>) -> (vector<16xi1>, vector<16xi32>, vector<16xi32>)
      %bitcast3A_901 = vector.bitcast %sort3A_899 : vector<16xi32> to vector<16xi32>
      %sort3A_902 = arith.constant dense<true> : vector<16xi1>
      %sort3A_903, %sort3A_904, %sort3A_905 = tpu.sort %bitcast3A_827, %bitcast3A_827 masked %sort3A_902 : (vector<16xi32>, vector<16xi32>, vector<16xi1>) -> (vector<16xi1>, vector<16xi32>, vector<16xi32>)
      %bitcast3A_906 = vector.bitcast %sort3A_904 : vector<16xi32> to vector<16xi32>
      %sort3A_907 = arith.constant dense<true> : vector<16xi1>
      %sort3A_908, %sort3A_909, %sort3A_910 = tpu.sort %bitcast3A_832, %bitcast3A_832 masked %sort3A_907 : (vector<16xi32>, vector<16xi32>, vector<16xi1>) -> (vector<16xi1>, vector<16xi32>, vector<16xi32>)
      %bitcast3A_911 = vector.bitcast %sort3A_909 : vector<16xi32> to vector<16xi32>
      %sort3A_912 = arith.constant dense<true> : vector<16xi1>
      %sort3A_913, %sort3A_914, %sort3A_915 = tpu.sort %bitcast3A_837, %bitcast3A_837 masked %sort3A_912 : (vector<16xi32>, vector<16xi32>, vector<16xi1>) -> (vector<16xi1>, vector<16xi32>, vector<16xi32>)
      %bitcast3A_916 = vector.bitcast %sort3A_914 : vector<16xi32> to vector<16xi32>
      %sort3A_917 = arith.constant dense<true> : vector<16xi1>
      %sort3A_918, %sort3A_919, %sort3A_920 = tpu.sort %bitcast3A_842, %bitcast3A_842 masked %sort3A_917 : (vector<16xi32>, vector<16xi32>, vector<16xi1>) -> (vector<16xi1>, vector<16xi32>, vector<16xi32>)
      %bitcast3A_921 = vector.bitcast %sort3A_919 : vector<16xi32> to vector<16xi32>
      %sort3A_922 = arith.constant dense<true> : vector<16xi1>
      %sort3A_923, %sort3A_924, %sort3A_925 = tpu.sort %bitcast3A_847, %bitcast3A_847 masked %sort3A_922 : (vector<16xi32>, vector<16xi32>, vector<16xi1>) -> (vector<16xi1>, vector<16xi32>, vector<16xi32>)
      %bitcast3A_926 = vector.bitcast %sort3A_924 : vector<16xi32> to vector<16xi32>
      %sort3A_927 = arith.constant dense<true> : vector<16xi1>
      %sort3A_928, %sort3A_929, %sort3A_930 = tpu.sort %bitcast3A_852, %bitcast3A_852 masked %sort3A_927 : (vector<16xi32>, vector<16xi32>, vector<16xi1>) -> (vector<16xi1>, vector<16xi32>, vector<16xi32>)
      %bitcast3A_931 = vector.bitcast %sort3A_929 : vector<16xi32> to vector<16xi32>
      %sort3A_932 = arith.constant dense<true> : vector<16xi1>
      %sort3A_933, %sort3A_934, %sort3A_935 = tpu.sort %bitcast3A_857, %bitcast3A_857 masked %sort3A_932 : (vector<16xi32>, vector<16xi32>, vector<16xi1>) -> (vector<16xi1>, vector<16xi32>, vector<16xi32>)
      %bitcast3A_936 = vector.bitcast %sort3A_934 : vector<16xi32> to vector<16xi32>
      %sort3A_937 = arith.constant dense<true> : vector<16xi1>
      %sort3A_938, %sort3A_939, %sort3A_940 = tpu.sort %bitcast3A_862, %bitcast3A_862 masked %sort3A_937 : (vector<16xi32>, vector<16xi32>, vector<16xi1>) -> (vector<16xi1>, vector<16xi32>, vector<16xi32>)
      %bitcast3A_941 = vector.bitcast %sort3A_939 : vector<16xi32> to vector<16xi32>
      %sort3A_942 = arith.constant dense<true> : vector<16xi1>
      %sort3A_943, %sort3A_944, %sort3A_945 = tpu.sort %bitcast3A_867, %bitcast3A_867 masked %sort3A_942 : (vector<16xi32>, vector<16xi32>, vector<16xi1>) -> (vector<16xi1>, vector<16xi32>, vector<16xi32>)
      %bitcast3A_946 = vector.bitcast %sort3A_944 : vector<16xi32> to vector<16xi32>
      %sort3A_947 = arith.constant dense<true> : vector<16xi1>
      %sort3A_948, %sort3A_949, %sort3A_950 = tpu.sort %bitcast3A_872, %bitcast3A_872 masked %sort3A_947 : (vector<16xi32>, vector<16xi32>, vector<16xi1>) -> (vector<16xi1>, vector<16xi32>, vector<16xi32>)
      %bitcast3A_951 = vector.bitcast %sort3A_949 : vector<16xi32> to vector<16xi32>
      %sort3A_952 = arith.constant dense<true> : vector<16xi1>
      %sort3A_953, %sort3A_954, %sort3A_955 = tpu.sort %bitcast3A_877, %bitcast3A_877 masked %sort3A_952 : (vector<16xi32>, vector<16xi32>, vector<16xi1>) -> (vector<16xi1>, vector<16xi32>, vector<16xi32>)
      %bitcast3A_956 = vector.bitcast %sort3A_954 : vector<16xi32> to vector<16xi32>
      %sort3A_957 = arith.constant dense<true> : vector<16xi1>
      %sort3A_958, %sort3A_959, %sort3A_960 = tpu.sort %bitcast3A_882, %bitcast3A_882 masked %sort3A_957 : (vector<16xi32>, vector<16xi32>, vector<16xi1>) -> (vector<16xi1>, vector<16xi32>, vector<16xi32>)
      %bitcast3A_961 = vector.bitcast %sort3A_959 : vector<16xi32> to vector<16xi32>
      %all_reduce_population_count3A = tpu.all_reduce %ge3A_758 {dim = 0 : i64, kind = #tpu.reduction_kind<sum>} : vector<16xi1> -> vector<16xi32>
      %all_reduce_population_count3A_962 = tpu.all_reduce %ge3A_761 {dim = 0 : i64, kind = #tpu.reduction_kind<sum>} : vector<16xi1> -> vector<16xi32>
      %all_reduce_population_count3A_963 = tpu.all_reduce %ge3A_764 {dim = 0 : i64, kind = #tpu.reduction_kind<sum>} : vector<16xi1> -> vector<16xi32>
      %all_reduce_population_count3A_964 = tpu.all_reduce %ge3A_767 {dim = 0 : i64, kind = #tpu.reduction_kind<sum>} : vector<16xi1> -> vector<16xi32>
      %all_reduce_population_count3A_965 = tpu.all_reduce %ge3A_770 {dim = 0 : i64, kind = #tpu.reduction_kind<sum>} : vector<16xi1> -> vector<16xi32>
      %all_reduce_population_count3A_966 = tpu.all_reduce %ge3A_773 {dim = 0 : i64, kind = #tpu.reduction_kind<sum>} : vector<16xi1> -> vector<16xi32>
      %all_reduce_population_count3A_967 = tpu.all_reduce %ge3A_776 {dim = 0 : i64, kind = #tpu.reduction_kind<sum>} : vector<16xi1> -> vector<16xi32>
      %all_reduce_population_count3A_968 = tpu.all_reduce %ge3A_779 {dim = 0 : i64, kind = #tpu.reduction_kind<sum>} : vector<16xi1> -> vector<16xi32>
      %all_reduce_population_count3A_969 = tpu.all_reduce %ge3A_782 {dim = 0 : i64, kind = #tpu.reduction_kind<sum>} : vector<16xi1> -> vector<16xi32>
      %all_reduce_population_count3A_970 = tpu.all_reduce %ge3A_785 {dim = 0 : i64, kind = #tpu.reduction_kind<sum>} : vector<16xi1> -> vector<16xi32>
      %all_reduce_population_count3A_971 = tpu.all_reduce %ge3A_788 {dim = 0 : i64, kind = #tpu.reduction_kind<sum>} : vector<16xi1> -> vector<16xi32>
      %all_reduce_population_count3A_972 = tpu.all_reduce %ge3A_791 {dim = 0 : i64, kind = #tpu.reduction_kind<sum>} : vector<16xi1> -> vector<16xi32>
      %all_reduce_population_count3A_973 = tpu.all_reduce %ge3A_794 {dim = 0 : i64, kind = #tpu.reduction_kind<sum>} : vector<16xi1> -> vector<16xi32>
      %all_reduce_population_count3A_974 = tpu.all_reduce %ge3A_797 {dim = 0 : i64, kind = #tpu.reduction_kind<sum>} : vector<16xi1> -> vector<16xi32>
      %all_reduce_population_count3A_975 = tpu.all_reduce %ge3A_800 {dim = 0 : i64, kind = #tpu.reduction_kind<sum>} : vector<16xi1> -> vector<16xi32>
      %all_reduce_population_count3A_976 = tpu.all_reduce %ge3A_803 {dim = 0 : i64, kind = #tpu.reduction_kind<sum>} : vector<16xi1> -> vector<16xi32>
      %add3A_977 = arith.addi %scan3A_657, %all_reduce_population_count3A : vector<16xi32>
      %add3A_978 = arith.addi %add3A_977, %all_reduce_population_count3A_962 : vector<16xi32>
      %add3A_979 = arith.addi %add3A_978, %all_reduce_population_count3A_963 : vector<16xi32>
      %add3A_980 = arith.addi %add3A_979, %all_reduce_population_count3A_964 : vector<16xi32>
      %add3A_981 = arith.addi %add3A_980, %all_reduce_population_count3A_965 : vector<16xi32>
      %add3A_982 = arith.addi %add3A_981, %all_reduce_population_count3A_966 : vector<16xi32>
      %add3A_983 = arith.addi %add3A_982, %all_reduce_population_count3A_967 : vector<16xi32>
      %add3A_984 = arith.addi %add3A_983, %all_reduce_population_count3A_968 : vector<16xi32>
      %add3A_985 = arith.addi %add3A_984, %all_reduce_population_count3A_969 : vector<16xi32>
      %add3A_986 = arith.addi %add3A_985, %all_reduce_population_count3A_970 : vector<16xi32>
      %add3A_987 = arith.addi %add3A_986, %all_reduce_population_count3A_971 : vector<16xi32>
      %add3A_988 = arith.addi %add3A_987, %all_reduce_population_count3A_972 : vector<16xi32>
      %add3A_989 = arith.addi %add3A_988, %all_reduce_population_count3A_973 : vector<16xi32>
      %add3A_990 = arith.addi %add3A_989, %all_reduce_population_count3A_974 : vector<16xi32>
      %add3A_991 = arith.addi %add3A_990, %all_reduce_population_count3A_975 : vector<16xi32>
      %add3A_992 = arith.addi %add3A_991, %all_reduce_population_count3A_976 : vector<16xi32>
      tpu.vector_store_idx %arg7[%scan3A_657], %bitcast3A_886 : memref<32768xi32, #tpu.memory_space<vmem>>[vector<16xi32>], vector<16xi32>,
      tpu.vector_store_idx %arg7[%add3A_977], %bitcast3A_891 : memref<32768xi32, #tpu.memory_space<vmem>>[vector<16xi32>], vector<16xi32>,
      tpu.vector_store_idx %arg7[%add3A_978], %bitcast3A_896 : memref<32768xi32, #tpu.memory_space<vmem>>[vector<16xi32>], vector<16xi32>,
      tpu.vector_store_idx %arg7[%add3A_979], %bitcast3A_901 : memref<32768xi32, #tpu.memory_space<vmem>>[vector<16xi32>], vector<16xi32>,
      tpu.vector_store_idx %arg7[%add3A_980], %bitcast3A_906 : memref<32768xi32, #tpu.memory_space<vmem>>[vector<16xi32>], vector<16xi32>,
      tpu.vector_store_idx %arg7[%add3A_981], %bitcast3A_911 : memref<32768xi32, #tpu.memory_space<vmem>>[vector<16xi32>], vector<16xi32>,
      tpu.vector_store_idx %arg7[%add3A_982], %bitcast3A_916 : memref<32768xi32, #tpu.memory_space<vmem>>[vector<16xi32>], vector<16xi32>,
      tpu.vector_store_idx %arg7[%add3A_983], %bitcast3A_921 : memref<32768xi32, #tpu.memory_space<vmem>>[vector<16xi32>], vector<16xi32>,
      tpu.vector_store_idx %arg7[%add3A_984], %bitcast3A_926 : memref<32768xi32, #tpu.memory_space<vmem>>[vector<16xi32>], vector<16xi32>,
      tpu.vector_store_idx %arg7[%add3A_985], %bitcast3A_931 : memref<32768xi32, #tpu.memory_space<vmem>>[vector<16xi32>], vector<16xi32>,
      tpu.vector_store_idx %arg7[%add3A_986], %bitcast3A_936 : memref<32768xi32, #tpu.memory_space<vmem>>[vector<16xi32>], vector<16xi32>,
      tpu.vector_store_idx %arg7[%add3A_987], %bitcast3A_941 : memref<32768xi32, #tpu.memory_space<vmem>>[vector<16xi32>], vector<16xi32>,
      tpu.vector_store_idx %arg7[%add3A_988], %bitcast3A_946 : memref<32768xi32, #tpu.memory_space<vmem>>[vector<16xi32>], vector<16xi32>,
      tpu.vector_store_idx %arg7[%add3A_989], %bitcast3A_951 : memref<32768xi32, #tpu.memory_space<vmem>>[vector<16xi32>], vector<16xi32>,
      tpu.vector_store_idx %arg7[%add3A_990], %bitcast3A_956 : memref<32768xi32, #tpu.memory_space<vmem>>[vector<16xi32>], vector<16xi32>,
      tpu.vector_store_idx %arg7[%add3A_991], %bitcast3A_961 : memref<32768xi32, #tpu.memory_space<vmem>>[vector<16xi32>], vector<16xi32>,
      %broadcast_in_dim3A_993 = arith.constant 256 : i32
      %broadcast_in_dim3A_994 = vector.broadcast %broadcast_in_dim3A_993 : i32 to vector<16xi32>
      %add3A_995 = arith.addi %scan3A_658, %broadcast_in_dim3A_994 : vector<16xi32>
      scf.yield %add3A_992, %add3A_995 : vector<16xi32>, vector<16xi32>
    }
    %scan3A_355 = arith.constant 64 : i32
    %sub3A_356 = arith.subi %scan3A_354#0, %iota3A : vector<16xi32>
    %broadcast_in_dim3A_357 = arith.constant -16 : i32
    %broadcast_in_dim3A_358 = vector.broadcast %broadcast_in_dim3A_357 : i32 to vector<16xi32>
    %and3A_359 = arith.andi %sub3A_356, %broadcast_in_dim3A_358 : vector<16xi32>
    %add3A_360 = arith.addi %and3A_359, %iota3A : vector<16xi32>
    %ge3A_361 = arith.cmpi sge, %add3A_360, %sub3A_356 : vector<16xi32>
    %lt3A_362 = arith.cmpi slt, %add3A_360, %broadcast_in_dim3A_5 : vector<16xi32>
    %and3A_363 = arith.andi %ge3A_361, %lt3A_362 : vector<16xi1>
    tpu.vector_store_idx %arg7[%add3A_360], %broadcast_in_dim3A_1 masked %and3A_363 : memref<32768xi32, #tpu.memory_space<vmem>>[vector<16xi32>], vector<16xi32>, vector<16xi1>
    %slice3A_364 = vector.extract_strided_slice %sub3A_356 {offsets = [0], sizes = [1], strides = [1]} : vector<16xi32> to vector<1xi32>
    %squeeze3A_365 = vector.extract %slice3A_364[0] : i32 from vector<1xi32>
    %jit3A_366 = arith.constant 16 : i32
    %div3A_367 = arith.divsi %squeeze3A_365, %jit3A_366 : i32
    %sign3A_368 = arith.constant 0 : i32
    %sign3A_369 = arith.cmpi sgt, %squeeze3A_365, %sign3A_368 : i32
    %sign3A_370 = arith.extui %sign3A_369 : i1 to i32
    %sign3A_371 = arith.constant 0 : i32
    %sign3A_372 = arith.cmpi slt, %squeeze3A_365, %sign3A_371 : i32
    %sign3A_373 = arith.extui %sign3A_372 : i1 to i32
    %sign3A_374 = arith.subi %sign3A_370, %sign3A_373 : i32
    %sign3A_375 = arith.constant 0 : i32
    %sign3A_376 = arith.cmpi sgt, %jit3A_366, %sign3A_375 : i32
    %sign3A_377 = arith.extui %sign3A_376 : i1 to i32
    %sign3A_378 = arith.constant 0 : i32
    %sign3A_379 = arith.cmpi slt, %jit3A_366, %sign3A_378 : i32
    %sign3A_380 = arith.extui %sign3A_379 : i1 to i32
    %sign3A_381 = arith.subi %sign3A_377, %sign3A_380 : i32
    %ne3A_382 = arith.cmpi ne, %sign3A_374, %sign3A_381 : i32
    %rem3A_383 = arith.remsi %squeeze3A_365, %jit3A_366 : i32
    %ne3A_384 = arith.constant 0 : i32
    %ne3A_385 = arith.cmpi ne, %rem3A_383, %ne3A_384 : i32
    %and3A_386 = arith.andi %ne3A_382, %ne3A_385 : i1
    %sub3A_387 = arith.constant 1 : i32
    %sub3A_388 = arith.subi %div3A_367, %sub3A_387 : i32
    %select_n3A_389 = arith.select %and3A_386, %sub3A_388, %div3A_367 : i32
    %add3A_390 = arith.constant 1 : i32
    %add3A_391 = arith.addi %select_n3A_389, %add3A_390 : i32
    %add3A_392 = arith.constant 15 : i32
    %add3A_393 = arith.addi %add3A_391, %add3A_392 : i32
    %jit3A_394 = arith.constant 16 : i32
    %div3A_395 = arith.divsi %add3A_393, %jit3A_394 : i32
    %sign3A_396 = arith.constant 0 : i32
    %sign3A_397 = arith.cmpi sgt, %add3A_393, %sign3A_396 : i32
    %sign3A_398 = arith.extui %sign3A_397 : i1 to i32
    %sign3A_399 = arith.constant 0 : i32
    %sign3A_400 = arith.cmpi slt, %add3A_393, %sign3A_399 : i32
    %sign3A_401 = arith.extui %sign3A_400 : i1 to i32
    %sign3A_402 = arith.subi %sign3A_398, %sign3A_401 : i32
    %sign3A_403 = arith.constant 0 : i32
    %sign3A_404 = arith.cmpi sgt, %jit3A_394, %sign3A_403 : i32
    %sign3A_405 = arith.extui %sign3A_404 : i1 to i32
    %sign3A_406 = arith.constant 0 : i32
    %sign3A_407 = arith.cmpi slt, %jit3A_394, %sign3A_406 : i32
    %sign3A_408 = arith.extui %sign3A_407 : i1 to i32
    %sign3A_409 = arith.subi %sign3A_405, %sign3A_408 : i32
    %ne3A_410 = arith.cmpi ne, %sign3A_402, %sign3A_409 : i32
    %rem3A_411 = arith.remsi %add3A_393, %jit3A_394 : i32
    %ne3A_412 = arith.constant 0 : i32
    %ne3A_413 = arith.cmpi ne, %rem3A_411, %ne3A_412 : i32
    %and3A_414 = arith.andi %ne3A_410, %ne3A_413 : i1
    %sub3A_415 = arith.constant 1 : i32
    %sub3A_416 = arith.subi %div3A_395, %sub3A_415 : i32
    %select_n3A_417 = arith.select %and3A_414, %sub3A_416, %div3A_395 : i32
    %add3A_418 = arith.constant 0 : i32
    %add3A_419 = arith.addi %add3A_391, %add3A_418 : i32
    %mul3A_420 = arith.constant 16 : i32
    %mul3A_421 = arith.muli %add3A_419, %mul3A_420 : i32
    %add3A_422 = vector.broadcast %mul3A_421 : i32 to vector<16xi32>
    %add3A_423 = arith.addi %add3A_422, %iota3A : vector<16xi32>
    %mul3A_424 = arith.constant 16 : i32
    %mul3A_425 = arith.muli %select_n3A_417, %mul3A_424 : i32
    %mul3A_426 = arith.constant 16 : i32
    %mul3A_427 = arith.muli %mul3A_425, %mul3A_426 : i32
    %lt3A_428 = vector.broadcast %mul3A_427 : i32 to vector<16xi32>
    %lt3A_429 = arith.cmpi slt, %add3A_423, %lt3A_428 : vector<16xi32>
    %lt3A_430 = arith.cmpi slt, %add3A_423, %broadcast_in_dim3A_5 : vector<16xi32>
    %and3A_431 = arith.andi %lt3A_429, %lt3A_430 : vector<16xi1>
    tpu.vector_store_idx %arg7[%add3A_423], %broadcast_in_dim3A_1 masked %and3A_431 : memref<32768xi32, #tpu.memory_space<vmem>>[vector<16xi32>], vector<16xi32>, vector<16xi1>
    %add3A_432 = arith.constant 1 : i32
    %add3A_433 = arith.addi %add3A_391, %add3A_432 : i32
    %mul3A_434 = arith.constant 16 : i32
    %mul3A_435 = arith.muli %add3A_433, %mul3A_434 : i32
    %add3A_436 = vector.broadcast %mul3A_435 : i32 to vector<16xi32>
    %add3A_437 = arith.addi %add3A_436, %iota3A : vector<16xi32>
    %mul3A_438 = arith.constant 16 : i32
    %mul3A_439 = arith.muli %select_n3A_417, %mul3A_438 : i32
    %mul3A_440 = arith.constant 16 : i32
    %mul3A_441 = arith.muli %mul3A_439, %mul3A_440 : i32
    %lt3A_442 = vector.broadcast %mul3A_441 : i32 to vector<16xi32>
    %lt3A_443 = arith.cmpi slt, %add3A_437, %lt3A_442 : vector<16xi32>
    %lt3A_444 = arith.cmpi slt, %add3A_437, %broadcast_in_dim3A_5 : vector<16xi32>
    %and3A_445 = arith.andi %lt3A_443, %lt3A_444 : vector<16xi1>
    tpu.vector_store_idx %arg7[%add3A_437], %broadcast_in_dim3A_1 masked %and3A_445 : memref<32768xi32, #tpu.memory_space<vmem>>[vector<16xi32>], vector<16xi32>, vector<16xi1>
    %add3A_446 = arith.constant 2 : i32
    %add3A_447 = arith.addi %add3A_391, %add3A_446 : i32
    %mul3A_448 = arith.constant 16 : i32
    %mul3A_449 = arith.muli %add3A_447, %mul3A_448 : i32
    %add3A_450 = vector.broadcast %mul3A_449 : i32 to vector<16xi32>
    %add3A_451 = arith.addi %add3A_450, %iota3A : vector<16xi32>
    %mul3A_452 = arith.constant 16 : i32
    %mul3A_453 = arith.muli %select_n3A_417, %mul3A_452 : i32
    %mul3A_454 = arith.constant 16 : i32
    %mul3A_455 = arith.muli %mul3A_453, %mul3A_454 : i32
    %lt3A_456 = vector.broadcast %mul3A_455 : i32 to vector<16xi32>
    %lt3A_457 = arith.cmpi slt, %add3A_451, %lt3A_456 : vector<16xi32>
    %lt3A_458 = arith.cmpi slt, %add3A_451, %broadcast_in_dim3A_5 : vector<16xi32>
    %and3A_459 = arith.andi %lt3A_457, %lt3A_458 : vector<16xi1>
    tpu.vector_store_idx %arg7[%add3A_451], %broadcast_in_dim3A_1 masked %and3A_459 : memref<32768xi32, #tpu.memory_space<vmem>>[vector<16xi32>], vector<16xi32>, vector<16xi1>
    %add3A_460 = arith.constant 3 : i32
    %add3A_461 = arith.addi %add3A_391, %add3A_460 : i32
    %mul3A_462 = arith.constant 16 : i32
    %mul3A_463 = arith.muli %add3A_461, %mul3A_462 : i32
    %add3A_464 = vector.broadcast %mul3A_463 : i32 to vector<16xi32>
    %add3A_465 = arith.addi %add3A_464, %iota3A : vector<16xi32>
    %mul3A_466 = arith.constant 16 : i32
    %mul3A_467 = arith.muli %select_n3A_417, %mul3A_466 : i32
    %mul3A_468 = arith.constant 16 : i32
    %mul3A_469 = arith.muli %mul3A_467, %mul3A_468 : i32
    %lt3A_470 = vector.broadcast %mul3A_469 : i32 to vector<16xi32>
    %lt3A_471 = arith.cmpi slt, %add3A_465, %lt3A_470 : vector<16xi32>
    %lt3A_472 = arith.cmpi slt, %add3A_465, %broadcast_in_dim3A_5 : vector<16xi32>
    %and3A_473 = arith.andi %lt3A_471, %lt3A_472 : vector<16xi1>
    tpu.vector_store_idx %arg7[%add3A_465], %broadcast_in_dim3A_1 masked %and3A_473 : memref<32768xi32, #tpu.memory_space<vmem>>[vector<16xi32>], vector<16xi32>, vector<16xi1>
    %add3A_474 = arith.constant 4 : i32
    %add3A_475 = arith.addi %add3A_391, %add3A_474 : i32
    %mul3A_476 = arith.constant 16 : i32
    %mul3A_477 = arith.muli %add3A_475, %mul3A_476 : i32
    %add3A_478 = vector.broadcast %mul3A_477 : i32 to vector<16xi32>
    %add3A_479 = arith.addi %add3A_478, %iota3A : vector<16xi32>
    %mul3A_480 = arith.constant 16 : i32
    %mul3A_481 = arith.muli %select_n3A_417, %mul3A_480 : i32
    %mul3A_482 = arith.constant 16 : i32
    %mul3A_483 = arith.muli %mul3A_481, %mul3A_482 : i32
    %lt3A_484 = vector.broadcast %mul3A_483 : i32 to vector<16xi32>
    %lt3A_485 = arith.cmpi slt, %add3A_479, %lt3A_484 : vector<16xi32>
    %lt3A_486 = arith.cmpi slt, %add3A_479, %broadcast_in_dim3A_5 : vector<16xi32>
    %and3A_487 = arith.andi %lt3A_485, %lt3A_486 : vector<16xi1>
    tpu.vector_store_idx %arg7[%add3A_479], %broadcast_in_dim3A_1 masked %and3A_487 : memref<32768xi32, #tpu.memory_space<vmem>>[vector<16xi32>], vector<16xi32>, vector<16xi1>
    %add3A_488 = arith.constant 5 : i32
    %add3A_489 = arith.addi %add3A_391, %add3A_488 : i32
    %mul3A_490 = arith.constant 16 : i32
    %mul3A_491 = arith.muli %add3A_489, %mul3A_490 : i32
    %add3A_492 = vector.broadcast %mul3A_491 : i32 to vector<16xi32>
    %add3A_493 = arith.addi %add3A_492, %iota3A : vector<16xi32>
    %mul3A_494 = arith.constant 16 : i32
    %mul3A_495 = arith.muli %select_n3A_417, %mul3A_494 : i32
    %mul3A_496 = arith.constant 16 : i32
    %mul3A_497 = arith.muli %mul3A_495, %mul3A_496 : i32
    %lt3A_498 = vector.broadcast %mul3A_497 : i32 to vector<16xi32>
    %lt3A_499 = arith.cmpi slt, %add3A_493, %lt3A_498 : vector<16xi32>
    %lt3A_500 = arith.cmpi slt, %add3A_493, %broadcast_in_dim3A_5 : vector<16xi32>
    %and3A_501 = arith.andi %lt3A_499, %lt3A_500 : vector<16xi1>
    tpu.vector_store_idx %arg7[%add3A_493], %broadcast_in_dim3A_1 masked %and3A_501 : memref<32768xi32, #tpu.memory_space<vmem>>[vector<16xi32>], vector<16xi32>, vector<16xi1>
    %add3A_502 = arith.constant 6 : i32
    %add3A_503 = arith.addi %add3A_391, %add3A_502 : i32
    %mul3A_504 = arith.constant 16 : i32
    %mul3A_505 = arith.muli %add3A_503, %mul3A_504 : i32
    %add3A_506 = vector.broadcast %mul3A_505 : i32 to vector<16xi32>
    %add3A_507 = arith.addi %add3A_506, %iota3A : vector<16xi32>
    %mul3A_508 = arith.constant 16 : i32
    %mul3A_509 = arith.muli %select_n3A_417, %mul3A_508 : i32
    %mul3A_510 = arith.constant 16 : i32
    %mul3A_511 = arith.muli %mul3A_509, %mul3A_510 : i32
    %lt3A_512 = vector.broadcast %mul3A_511 : i32 to vector<16xi32>
    %lt3A_513 = arith.cmpi slt, %add3A_507, %lt3A_512 : vector<16xi32>
    %lt3A_514 = arith.cmpi slt, %add3A_507, %broadcast_in_dim3A_5 : vector<16xi32>
    %and3A_515 = arith.andi %lt3A_513, %lt3A_514 : vector<16xi1>
    tpu.vector_store_idx %arg7[%add3A_507], %broadcast_in_dim3A_1 masked %and3A_515 : memref<32768xi32, #tpu.memory_space<vmem>>[vector<16xi32>], vector<16xi32>, vector<16xi1>
    %add3A_516 = arith.constant 7 : i32
    %add3A_517 = arith.addi %add3A_391, %add3A_516 : i32
    %mul3A_518 = arith.constant 16 : i32
    %mul3A_519 = arith.muli %add3A_517, %mul3A_518 : i32
    %add3A_520 = vector.broadcast %mul3A_519 : i32 to vector<16xi32>
    %add3A_521 = arith.addi %add3A_520, %iota3A : vector<16xi32>
    %mul3A_522 = arith.constant 16 : i32
    %mul3A_523 = arith.muli %select_n3A_417, %mul3A_522 : i32
    %mul3A_524 = arith.constant 16 : i32
    %mul3A_525 = arith.muli %mul3A_523, %mul3A_524 : i32
    %lt3A_526 = vector.broadcast %mul3A_525 : i32 to vector<16xi32>
    %lt3A_527 = arith.cmpi slt, %add3A_521, %lt3A_526 : vector<16xi32>
    %lt3A_528 = arith.cmpi slt, %add3A_521, %broadcast_in_dim3A_5 : vector<16xi32>
    %and3A_529 = arith.andi %lt3A_527, %lt3A_528 : vector<16xi1>
    tpu.vector_store_idx %arg7[%add3A_521], %broadcast_in_dim3A_1 masked %and3A_529 : memref<32768xi32, #tpu.memory_space<vmem>>[vector<16xi32>], vector<16xi32>, vector<16xi1>
    %add3A_530 = arith.constant 8 : i32
    %add3A_531 = arith.addi %add3A_391, %add3A_530 : i32
    %mul3A_532 = arith.constant 16 : i32
    %mul3A_533 = arith.muli %add3A_531, %mul3A_532 : i32
    %add3A_534 = vector.broadcast %mul3A_533 : i32 to vector<16xi32>
    %add3A_535 = arith.addi %add3A_534, %iota3A : vector<16xi32>
    %mul3A_536 = arith.constant 16 : i32
    %mul3A_537 = arith.muli %select_n3A_417, %mul3A_536 : i32
    %mul3A_538 = arith.constant 16 : i32
    %mul3A_539 = arith.muli %mul3A_537, %mul3A_538 : i32
    %lt3A_540 = vector.broadcast %mul3A_539 : i32 to vector<16xi32>
    %lt3A_541 = arith.cmpi slt, %add3A_535, %lt3A_540 : vector<16xi32>
    %lt3A_542 = arith.cmpi slt, %add3A_535, %broadcast_in_dim3A_5 : vector<16xi32>
    %and3A_543 = arith.andi %lt3A_541, %lt3A_542 : vector<16xi1>
    tpu.vector_store_idx %arg7[%add3A_535], %broadcast_in_dim3A_1 masked %and3A_543 : memref<32768xi32, #tpu.memory_space<vmem>>[vector<16xi32>], vector<16xi32>, vector<16xi1>
    %add3A_544 = arith.constant 9 : i32
    %add3A_545 = arith.addi %add3A_391, %add3A_544 : i32
    %mul3A_546 = arith.constant 16 : i32
    %mul3A_547 = arith.muli %add3A_545, %mul3A_546 : i32
    %add3A_548 = vector.broadcast %mul3A_547 : i32 to vector<16xi32>
    %add3A_549 = arith.addi %add3A_548, %iota3A : vector<16xi32>
    %mul3A_550 = arith.constant 16 : i32
    %mul3A_551 = arith.muli %select_n3A_417, %mul3A_550 : i32
    %mul3A_552 = arith.constant 16 : i32
    %mul3A_553 = arith.muli %mul3A_551, %mul3A_552 : i32
    %lt3A_554 = vector.broadcast %mul3A_553 : i32 to vector<16xi32>
    %lt3A_555 = arith.cmpi slt, %add3A_549, %lt3A_554 : vector<16xi32>
    %lt3A_556 = arith.cmpi slt, %add3A_549, %broadcast_in_dim3A_5 : vector<16xi32>
    %and3A_557 = arith.andi %lt3A_555, %lt3A_556 : vector<16xi1>
    tpu.vector_store_idx %arg7[%add3A_549], %broadcast_in_dim3A_1 masked %and3A_557 : memref<32768xi32, #tpu.memory_space<vmem>>[vector<16xi32>], vector<16xi32>, vector<16xi1>
    %add3A_558 = arith.constant 10 : i32
    %add3A_559 = arith.addi %add3A_391, %add3A_558 : i32
    %mul3A_560 = arith.constant 16 : i32
    %mul3A_561 = arith.muli %add3A_559, %mul3A_560 : i32
    %add3A_562 = vector.broadcast %mul3A_561 : i32 to vector<16xi32>
    %add3A_563 = arith.addi %add3A_562, %iota3A : vector<16xi32>
    %mul3A_564 = arith.constant 16 : i32
    %mul3A_565 = arith.muli %select_n3A_417, %mul3A_564 : i32
    %mul3A_566 = arith.constant 16 : i32
    %mul3A_567 = arith.muli %mul3A_565, %mul3A_566 : i32
    %lt3A_568 = vector.broadcast %mul3A_567 : i32 to vector<16xi32>
    %lt3A_569 = arith.cmpi slt, %add3A_563, %lt3A_568 : vector<16xi32>
    %lt3A_570 = arith.cmpi slt, %add3A_563, %broadcast_in_dim3A_5 : vector<16xi32>
    %and3A_571 = arith.andi %lt3A_569, %lt3A_570 : vector<16xi1>
    tpu.vector_store_idx %arg7[%add3A_563], %broadcast_in_dim3A_1 masked %and3A_571 : memref<32768xi32, #tpu.memory_space<vmem>>[vector<16xi32>], vector<16xi32>, vector<16xi1>
    %add3A_572 = arith.constant 11 : i32
    %add3A_573 = arith.addi %add3A_391, %add3A_572 : i32
    %mul3A_574 = arith.constant 16 : i32
    %mul3A_575 = arith.muli %add3A_573, %mul3A_574 : i32
    %add3A_576 = vector.broadcast %mul3A_575 : i32 to vector<16xi32>
    %add3A_577 = arith.addi %add3A_576, %iota3A : vector<16xi32>
    %mul3A_578 = arith.constant 16 : i32
    %mul3A_579 = arith.muli %select_n3A_417, %mul3A_578 : i32
    %mul3A_580 = arith.constant 16 : i32
    %mul3A_581 = arith.muli %mul3A_579, %mul3A_580 : i32
    %lt3A_582 = vector.broadcast %mul3A_581 : i32 to vector<16xi32>
    %lt3A_583 = arith.cmpi slt, %add3A_577, %lt3A_582 : vector<16xi32>
    %lt3A_584 = arith.cmpi slt, %add3A_577, %broadcast_in_dim3A_5 : vector<16xi32>
    %and3A_585 = arith.andi %lt3A_583, %lt3A_584 : vector<16xi1>
    tpu.vector_store_idx %arg7[%add3A_577], %broadcast_in_dim3A_1 masked %and3A_585 : memref<32768xi32, #tpu.memory_space<vmem>>[vector<16xi32>], vector<16xi32>, vector<16xi1>
    %add3A_586 = arith.constant 12 : i32
    %add3A_587 = arith.addi %add3A_391, %add3A_586 : i32
    %mul3A_588 = arith.constant 16 : i32
    %mul3A_589 = arith.muli %add3A_587, %mul3A_588 : i32
    %add3A_590 = vector.broadcast %mul3A_589 : i32 to vector<16xi32>
    %add3A_591 = arith.addi %add3A_590, %iota3A : vector<16xi32>
    %mul3A_592 = arith.constant 16 : i32
    %mul3A_593 = arith.muli %select_n3A_417, %mul3A_592 : i32
    %mul3A_594 = arith.constant 16 : i32
    %mul3A_595 = arith.muli %mul3A_593, %mul3A_594 : i32
    %lt3A_596 = vector.broadcast %mul3A_595 : i32 to vector<16xi32>
    %lt3A_597 = arith.cmpi slt, %add3A_591, %lt3A_596 : vector<16xi32>
    %lt3A_598 = arith.cmpi slt, %add3A_591, %broadcast_in_dim3A_5 : vector<16xi32>
    %and3A_599 = arith.andi %lt3A_597, %lt3A_598 : vector<16xi1>
    tpu.vector_store_idx %arg7[%add3A_591], %broadcast_in_dim3A_1 masked %and3A_599 : memref<32768xi32, #tpu.memory_space<vmem>>[vector<16xi32>], vector<16xi32>, vector<16xi1>
    %add3A_600 = arith.constant 13 : i32
    %add3A_601 = arith.addi %add3A_391, %add3A_600 : i32
    %mul3A_602 = arith.constant 16 : i32
    %mul3A_603 = arith.muli %add3A_601, %mul3A_602 : i32
    %add3A_604 = vector.broadcast %mul3A_603 : i32 to vector<16xi32>
    %add3A_605 = arith.addi %add3A_604, %iota3A : vector<16xi32>
    %mul3A_606 = arith.constant 16 : i32
    %mul3A_607 = arith.muli %select_n3A_417, %mul3A_606 : i32
    %mul3A_608 = arith.constant 16 : i32
    %mul3A_609 = arith.muli %mul3A_607, %mul3A_608 : i32
    %lt3A_610 = vector.broadcast %mul3A_609 : i32 to vector<16xi32>
    %lt3A_611 = arith.cmpi slt, %add3A_605, %lt3A_610 : vector<16xi32>
    %lt3A_612 = arith.cmpi slt, %add3A_605, %broadcast_in_dim3A_5 : vector<16xi32>
    %and3A_613 = arith.andi %lt3A_611, %lt3A_612 : vector<16xi1>
    tpu.vector_store_idx %arg7[%add3A_605], %broadcast_in_dim3A_1 masked %and3A_613 : memref<32768xi32, #tpu.memory_space<vmem>>[vector<16xi32>], vector<16xi32>, vector<16xi1>
    %add3A_614 = arith.constant 14 : i32
    %add3A_615 = arith.addi %add3A_391, %add3A_614 : i32
    %mul3A_616 = arith.constant 16 : i32
    %mul3A_617 = arith.muli %add3A_615, %mul3A_616 : i32
    %add3A_618 = vector.broadcast %mul3A_617 : i32 to vector<16xi32>
    %add3A_619 = arith.addi %add3A_618, %iota3A : vector<16xi32>
    %mul3A_620 = arith.constant 16 : i32
    %mul3A_621 = arith.muli %select_n3A_417, %mul3A_620 : i32
    %mul3A_622 = arith.constant 16 : i32
    %mul3A_623 = arith.muli %mul3A_621, %mul3A_622 : i32
    %lt3A_624 = vector.broadcast %mul3A_623 : i32 to vector<16xi32>
    %lt3A_625 = arith.cmpi slt, %add3A_619, %lt3A_624 : vector<16xi32>
    %lt3A_626 = arith.cmpi slt, %add3A_619, %broadcast_in_dim3A_5 : vector<16xi32>
    %and3A_627 = arith.andi %lt3A_625, %lt3A_626 : vector<16xi1>
    tpu.vector_store_idx %arg7[%add3A_619], %broadcast_in_dim3A_1 masked %and3A_627 : memref<32768xi32, #tpu.memory_space<vmem>>[vector<16xi32>], vector<16xi32>, vector<16xi1>
    %while3A_628 = arith.constant 0 : i32
    %while3A_629 = arith.constant 84 : i32
    %while3A_630 = arith.subi %while3A_629, %select_n3A_417 : i32
    %while3A_631 = arith.addi %select_n3A_417, %while3A_630 : i32
    %while3A_632 = arith.constant 1 : i32
    %while3A_633 = arith.divsi %while3A_630, %while3A_632 : i32
    %while3A_634 = arith.muli %while3A_633, %while3A_632 : i32
    %while3A_635 = arith.addi %select_n3A_417, %while3A_634 : i32
    %while3A_636 = arith.constant 1 : i32
    scf.for %while3A_656 = %select_n3A_417 to %while3A_635 step %while3A_636  : i32 {
      %mul3A_657 = arith.constant 16 : i32
      %mul3A_658 = arith.muli %while3A_656, %mul3A_657 : i32
      %add3A_659 = arith.constant 0 : i32
      %add3A_660 = arith.addi %mul3A_658, %add3A_659 : i32
      %mul3A_661 = arith.constant 16 : i32
      %mul3A_662 = arith.muli %add3A_660, %mul3A_661 : i32
      %swap3A = arith.index_cast %mul3A_662 : i32 to index
      %swap3A_663 = tpu.vector_load %arg7[%swap3A] {strides = array<i32>} : memref<32768xi32, #tpu.memory_space<vmem>>, vector<16xi32>,
      tpu.vector_store %arg7[%swap3A], %broadcast_in_dim3A_1 {strides = array<i32>} : memref<32768xi32, #tpu.memory_space<vmem>>, vector<16xi32>,
      %mul3A_664 = arith.constant 16 : i32
      %mul3A_665 = arith.muli %while3A_656, %mul3A_664 : i32
      %add3A_666 = arith.constant 1 : i32
      %add3A_667 = arith.addi %mul3A_665, %add3A_666 : i32
      %mul3A_668 = arith.constant 16 : i32
      %mul3A_669 = arith.muli %add3A_667, %mul3A_668 : i32
      %swap3A_670 = arith.index_cast %mul3A_669 : i32 to index
      %swap3A_671 = tpu.vector_load %arg7[%swap3A_670] {strides = array<i32>} : memref<32768xi32, #tpu.memory_space<vmem>>, vector<16xi32>,
      tpu.vector_store %arg7[%swap3A_670], %broadcast_in_dim3A_1 {strides = array<i32>} : memref<32768xi32, #tpu.memory_space<vmem>>, vector<16xi32>,
      %mul3A_672 = arith.constant 16 : i32
      %mul3A_673 = arith.muli %while3A_656, %mul3A_672 : i32
      %add3A_674 = arith.constant 2 : i32
      %add3A_675 = arith.addi %mul3A_673, %add3A_674 : i32
      %mul3A_676 = arith.constant 16 : i32
      %mul3A_677 = arith.muli %add3A_675, %mul3A_676 : i32
      %swap3A_678 = arith.index_cast %mul3A_677 : i32 to index
      %swap3A_679 = tpu.vector_load %arg7[%swap3A_678] {strides = array<i32>} : memref<32768xi32, #tpu.memory_space<vmem>>, vector<16xi32>,
      tpu.vector_store %arg7[%swap3A_678], %broadcast_in_dim3A_1 {strides = array<i32>} : memref<32768xi32, #tpu.memory_space<vmem>>, vector<16xi32>,
      %mul3A_680 = arith.constant 16 : i32
      %mul3A_681 = arith.muli %while3A_656, %mul3A_680 : i32
      %add3A_682 = arith.constant 3 : i32
      %add3A_683 = arith.addi %mul3A_681, %add3A_682 : i32
      %mul3A_684 = arith.constant 16 : i32
      %mul3A_685 = arith.muli %add3A_683, %mul3A_684 : i32
      %swap3A_686 = arith.index_cast %mul3A_685 : i32 to index
      %swap3A_687 = tpu.vector_load %arg7[%swap3A_686] {strides = array<i32>} : memref<32768xi32, #tpu.memory_space<vmem>>, vector<16xi32>,
      tpu.vector_store %arg7[%swap3A_686], %broadcast_in_dim3A_1 {strides = array<i32>} : memref<32768xi32, #tpu.memory_space<vmem>>, vector<16xi32>,
      %mul3A_688 = arith.constant 16 : i32
      %mul3A_689 = arith.muli %while3A_656, %mul3A_688 : i32
      %add3A_690 = arith.constant 4 : i32
      %add3A_691 = arith.addi %mul3A_689, %add3A_690 : i32
      %mul3A_692 = arith.constant 16 : i32
      %mul3A_693 = arith.muli %add3A_691, %mul3A_692 : i32
      %swap3A_694 = arith.index_cast %mul3A_693 : i32 to index
      %swap3A_695 = tpu.vector_load %arg7[%swap3A_694] {strides = array<i32>} : memref<32768xi32, #tpu.memory_space<vmem>>, vector<16xi32>,
      tpu.vector_store %arg7[%swap3A_694], %broadcast_in_dim3A_1 {strides = array<i32>} : memref<32768xi32, #tpu.memory_space<vmem>>, vector<16xi32>,
      %mul3A_696 = arith.constant 16 : i32
      %mul3A_697 = arith.muli %while3A_656, %mul3A_696 : i32
      %add3A_698 = arith.constant 5 : i32
      %add3A_699 = arith.addi %mul3A_697, %add3A_698 : i32
      %mul3A_700 = arith.constant 16 : i32
      %mul3A_701 = arith.muli %add3A_699, %mul3A_700 : i32
      %swap3A_702 = arith.index_cast %mul3A_701 : i32 to index
      %swap3A_703 = tpu.vector_load %arg7[%swap3A_702] {strides = array<i32>} : memref<32768xi32, #tpu.memory_space<vmem>>, vector<16xi32>,
      tpu.vector_store %arg7[%swap3A_702], %broadcast_in_dim3A_1 {strides = array<i32>} : memref<32768xi32, #tpu.memory_space<vmem>>, vector<16xi32>,
      %mul3A_704 = arith.constant 16 : i32
      %mul3A_705 = arith.muli %while3A_656, %mul3A_704 : i32
      %add3A_706 = arith.constant 6 : i32
      %add3A_707 = arith.addi %mul3A_705, %add3A_706 : i32
      %mul3A_708 = arith.constant 16 : i32
      %mul3A_709 = arith.muli %add3A_707, %mul3A_708 : i32
      %swap3A_710 = arith.index_cast %mul3A_709 : i32 to index
      %swap3A_711 = tpu.vector_load %arg7[%swap3A_710] {strides = array<i32>} : memref<32768xi32, #tpu.memory_space<vmem>>, vector<16xi32>,
      tpu.vector_store %arg7[%swap3A_710], %broadcast_in_dim3A_1 {strides = array<i32>} : memref<32768xi32, #tpu.memory_space<vmem>>, vector<16xi32>,
      %mul3A_712 = arith.constant 16 : i32
      %mul3A_713 = arith.muli %while3A_656, %mul3A_712 : i32
      %add3A_714 = arith.constant 7 : i32
      %add3A_715 = arith.addi %mul3A_713, %add3A_714 : i32
      %mul3A_716 = arith.constant 16 : i32
      %mul3A_717 = arith.muli %add3A_715, %mul3A_716 : i32
      %swap3A_718 = arith.index_cast %mul3A_717 : i32 to index
      %swap3A_719 = tpu.vector_load %arg7[%swap3A_718] {strides = array<i32>} : memref<32768xi32, #tpu.memory_space<vmem>>, vector<16xi32>,
      tpu.vector_store %arg7[%swap3A_718], %broadcast_in_dim3A_1 {strides = array<i32>} : memref<32768xi32, #tpu.memory_space<vmem>>, vector<16xi32>,
      %mul3A_720 = arith.constant 16 : i32
      %mul3A_721 = arith.muli %while3A_656, %mul3A_720 : i32
      %add3A_722 = arith.constant 8 : i32
      %add3A_723 = arith.addi %mul3A_721, %add3A_722 : i32
      %mul3A_724 = arith.constant 16 : i32
      %mul3A_725 = arith.muli %add3A_723, %mul3A_724 : i32
      %swap3A_726 = arith.index_cast %mul3A_725 : i32 to index
      %swap3A_727 = tpu.vector_load %arg7[%swap3A_726] {strides = array<i32>} : memref<32768xi32, #tpu.memory_space<vmem>>, vector<16xi32>,
      tpu.vector_store %arg7[%swap3A_726], %broadcast_in_dim3A_1 {strides = array<i32>} : memref<32768xi32, #tpu.memory_space<vmem>>, vector<16xi32>,
      %mul3A_728 = arith.constant 16 : i32
      %mul3A_729 = arith.muli %while3A_656, %mul3A_728 : i32
      %add3A_730 = arith.constant 9 : i32
      %add3A_731 = arith.addi %mul3A_729, %add3A_730 : i32
      %mul3A_732 = arith.constant 16 : i32
      %mul3A_733 = arith.muli %add3A_731, %mul3A_732 : i32
      %swap3A_734 = arith.index_cast %mul3A_733 : i32 to index
      %swap3A_735 = tpu.vector_load %arg7[%swap3A_734] {strides = array<i32>} : memref<32768xi32, #tpu.memory_space<vmem>>, vector<16xi32>,
      tpu.vector_store %arg7[%swap3A_734], %broadcast_in_dim3A_1 {strides = array<i32>} : memref<32768xi32, #tpu.memory_space<vmem>>, vector<16xi32>,
      %mul3A_736 = arith.constant 16 : i32
      %mul3A_737 = arith.muli %while3A_656, %mul3A_736 : i32
      %add3A_738 = arith.constant 10 : i32
      %add3A_739 = arith.addi %mul3A_737, %add3A_738 : i32
      %mul3A_740 = arith.constant 16 : i32
      %mul3A_741 = arith.muli %add3A_739, %mul3A_740 : i32
      %swap3A_742 = arith.index_cast %mul3A_741 : i32 to index
      %swap3A_743 = tpu.vector_load %arg7[%swap3A_742] {strides = array<i32>} : memref<32768xi32, #tpu.memory_space<vmem>>, vector<16xi32>,
      tpu.vector_store %arg7[%swap3A_742], %broadcast_in_dim3A_1 {strides = array<i32>} : memref<32768xi32, #tpu.memory_space<vmem>>, vector<16xi32>,
      %mul3A_744 = arith.constant 16 : i32
      %mul3A_745 = arith.muli %while3A_656, %mul3A_744 : i32
      %add3A_746 = arith.constant 11 : i32
      %add3A_747 = arith.addi %mul3A_745, %add3A_746 : i32
      %mul3A_748 = arith.constant 16 : i32
      %mul3A_749 = arith.muli %add3A_747, %mul3A_748 : i32
      %swap3A_750 = arith.index_cast %mul3A_749 : i32 to index
      %swap3A_751 = tpu.vector_load %arg7[%swap3A_750] {strides = array<i32>} : memref<32768xi32, #tpu.memory_space<vmem>>, vector<16xi32>,
      tpu.vector_store %arg7[%swap3A_750], %broadcast_in_dim3A_1 {strides = array<i32>} : memref<32768xi32, #tpu.memory_space<vmem>>, vector<16xi32>,
      %mul3A_752 = arith.constant 16 : i32
      %mul3A_753 = arith.muli %while3A_656, %mul3A_752 : i32
      %add3A_754 = arith.constant 12 : i32
      %add3A_755 = arith.addi %mul3A_753, %add3A_754 : i32
      %mul3A_756 = arith.constant 16 : i32
      %mul3A_757 = arith.muli %add3A_755, %mul3A_756 : i32
      %swap3A_758 = arith.index_cast %mul3A_757 : i32 to index
      %swap3A_759 = tpu.vector_load %arg7[%swap3A_758] {strides = array<i32>} : memref<32768xi32, #tpu.memory_space<vmem>>, vector<16xi32>,
      tpu.vector_store %arg7[%swap3A_758], %broadcast_in_dim3A_1 {strides = array<i32>} : memref<32768xi32, #tpu.memory_space<vmem>>, vector<16xi32>,
      %mul3A_760 = arith.constant 16 : i32
      %mul3A_761 = arith.muli %while3A_656, %mul3A_760 : i32
      %add3A_762 = arith.constant 13 : i32
      %add3A_763 = arith.addi %mul3A_761, %add3A_762 : i32
      %mul3A_764 = arith.constant 16 : i32
      %mul3A_765 = arith.muli %add3A_763, %mul3A_764 : i32
      %swap3A_766 = arith.index_cast %mul3A_765 : i32 to index
      %swap3A_767 = tpu.vector_load %arg7[%swap3A_766] {strides = array<i32>} : memref<32768xi32, #tpu.memory_space<vmem>>, vector<16xi32>,
      tpu.vector_store %arg7[%swap3A_766], %broadcast_in_dim3A_1 {strides = array<i32>} : memref<32768xi32, #tpu.memory_space<vmem>>, vector<16xi32>,
      %mul3A_768 = arith.constant 16 : i32
      %mul3A_769 = arith.muli %while3A_656, %mul3A_768 : i32
      %add3A_770 = arith.constant 14 : i32
      %add3A_771 = arith.addi %mul3A_769, %add3A_770 : i32
      %mul3A_772 = arith.constant 16 : i32
      %mul3A_773 = arith.muli %add3A_771, %mul3A_772 : i32
      %swap3A_774 = arith.index_cast %mul3A_773 : i32 to index
      %swap3A_775 = tpu.vector_load %arg7[%swap3A_774] {strides = array<i32>} : memref<32768xi32, #tpu.memory_space<vmem>>, vector<16xi32>,
      tpu.vector_store %arg7[%swap3A_774], %broadcast_in_dim3A_1 {strides = array<i32>} : memref<32768xi32, #tpu.memory_space<vmem>>, vector<16xi32>,
      %mul3A_776 = arith.constant 16 : i32
      %mul3A_777 = arith.muli %while3A_656, %mul3A_776 : i32
      %add3A_778 = arith.constant 15 : i32
      %add3A_779 = arith.addi %mul3A_777, %add3A_778 : i32
      %mul3A_780 = arith.constant 16 : i32
      %mul3A_781 = arith.muli %add3A_779, %mul3A_780 : i32
      %swap3A_782 = arith.index_cast %mul3A_781 : i32 to index
      %swap3A_783 = tpu.vector_load %arg7[%swap3A_782] {strides = array<i32>} : memref<32768xi32, #tpu.memory_space<vmem>>, vector<16xi32>,
      tpu.vector_store %arg7[%swap3A_782], %broadcast_in_dim3A_1 {strides = array<i32>} : memref<32768xi32, #tpu.memory_space<vmem>>, vector<16xi32>,
    }
    %while3A_637 = arith.constant 1 : i32
    scf.for %while3A_656 = %while3A_635 to %while3A_631 step %while3A_637  : i32 {
      %mul3A_657 = arith.constant 16 : i32
      %mul3A_658 = arith.muli %while3A_656, %mul3A_657 : i32
      %add3A_659 = arith.constant 0 : i32
      %add3A_660 = arith.addi %mul3A_658, %add3A_659 : i32
      %mul3A_661 = arith.constant 16 : i32
      %mul3A_662 = arith.muli %add3A_660, %mul3A_661 : i32
      %swap3A = arith.index_cast %mul3A_662 : i32 to index
      %swap3A_663 = tpu.vector_load %arg7[%swap3A] {strides = array<i32>} : memref<32768xi32, #tpu.memory_space<vmem>>, vector<16xi32>,
      tpu.vector_store %arg7[%swap3A], %broadcast_in_dim3A_1 {strides = array<i32>} : memref<32768xi32, #tpu.memory_space<vmem>>, vector<16xi32>,
      %mul3A_664 = arith.constant 16 : i32
      %mul3A_665 = arith.muli %while3A_656, %mul3A_664 : i32
      %add3A_666 = arith.constant 1 : i32
      %add3A_667 = arith.addi %mul3A_665, %add3A_666 : i32
      %mul3A_668 = arith.constant 16 : i32
      %mul3A_669 = arith.muli %add3A_667, %mul3A_668 : i32
      %swap3A_670 = arith.index_cast %mul3A_669 : i32 to index
      %swap3A_671 = tpu.vector_load %arg7[%swap3A_670] {strides = array<i32>} : memref<32768xi32, #tpu.memory_space<vmem>>, vector<16xi32>,
      tpu.vector_store %arg7[%swap3A_670], %broadcast_in_dim3A_1 {strides = array<i32>} : memref<32768xi32, #tpu.memory_space<vmem>>, vector<16xi32>,
      %mul3A_672 = arith.constant 16 : i32
      %mul3A_673 = arith.muli %while3A_656, %mul3A_672 : i32
      %add3A_674 = arith.constant 2 : i32
      %add3A_675 = arith.addi %mul3A_673, %add3A_674 : i32
      %mul3A_676 = arith.constant 16 : i32
      %mul3A_677 = arith.muli %add3A_675, %mul3A_676 : i32
      %swap3A_678 = arith.index_cast %mul3A_677 : i32 to index
      %swap3A_679 = tpu.vector_load %arg7[%swap3A_678] {strides = array<i32>} : memref<32768xi32, #tpu.memory_space<vmem>>, vector<16xi32>,
      tpu.vector_store %arg7[%swap3A_678], %broadcast_in_dim3A_1 {strides = array<i32>} : memref<32768xi32, #tpu.memory_space<vmem>>, vector<16xi32>,
      %mul3A_680 = arith.constant 16 : i32
      %mul3A_681 = arith.muli %while3A_656, %mul3A_680 : i32
      %add3A_682 = arith.constant 3 : i32
      %add3A_683 = arith.addi %mul3A_681, %add3A_682 : i32
      %mul3A_684 = arith.constant 16 : i32
      %mul3A_685 = arith.muli %add3A_683, %mul3A_684 : i32
      %swap3A_686 = arith.index_cast %mul3A_685 : i32 to index
      %swap3A_687 = tpu.vector_load %arg7[%swap3A_686] {strides = array<i32>} : memref<32768xi32, #tpu.memory_space<vmem>>, vector<16xi32>,
      tpu.vector_store %arg7[%swap3A_686], %broadcast_in_dim3A_1 {strides = array<i32>} : memref<32768xi32, #tpu.memory_space<vmem>>, vector<16xi32>,
      %mul3A_688 = arith.constant 16 : i32
      %mul3A_689 = arith.muli %while3A_656, %mul3A_688 : i32
      %add3A_690 = arith.constant 4 : i32
      %add3A_691 = arith.addi %mul3A_689, %add3A_690 : i32
      %mul3A_692 = arith.constant 16 : i32
      %mul3A_693 = arith.muli %add3A_691, %mul3A_692 : i32
      %swap3A_694 = arith.index_cast %mul3A_693 : i32 to index
      %swap3A_695 = tpu.vector_load %arg7[%swap3A_694] {strides = array<i32>} : memref<32768xi32, #tpu.memory_space<vmem>>, vector<16xi32>,
      tpu.vector_store %arg7[%swap3A_694], %broadcast_in_dim3A_1 {strides = array<i32>} : memref<32768xi32, #tpu.memory_space<vmem>>, vector<16xi32>,
      %mul3A_696 = arith.constant 16 : i32
      %mul3A_697 = arith.muli %while3A_656, %mul3A_696 : i32
      %add3A_698 = arith.constant 5 : i32
      %add3A_699 = arith.addi %mul3A_697, %add3A_698 : i32
      %mul3A_700 = arith.constant 16 : i32
      %mul3A_701 = arith.muli %add3A_699, %mul3A_700 : i32
      %swap3A_702 = arith.index_cast %mul3A_701 : i32 to index
      %swap3A_703 = tpu.vector_load %arg7[%swap3A_702] {strides = array<i32>} : memref<32768xi32, #tpu.memory_space<vmem>>, vector<16xi32>,
      tpu.vector_store %arg7[%swap3A_702], %broadcast_in_dim3A_1 {strides = array<i32>} : memref<32768xi32, #tpu.memory_space<vmem>>, vector<16xi32>,
      %mul3A_704 = arith.constant 16 : i32
      %mul3A_705 = arith.muli %while3A_656, %mul3A_704 : i32
      %add3A_706 = arith.constant 6 : i32
      %add3A_707 = arith.addi %mul3A_705, %add3A_706 : i32
      %mul3A_708 = arith.constant 16 : i32
      %mul3A_709 = arith.muli %add3A_707, %mul3A_708 : i32
      %swap3A_710 = arith.index_cast %mul3A_709 : i32 to index
      %swap3A_711 = tpu.vector_load %arg7[%swap3A_710] {strides = array<i32>} : memref<32768xi32, #tpu.memory_space<vmem>>, vector<16xi32>,
      tpu.vector_store %arg7[%swap3A_710], %broadcast_in_dim3A_1 {strides = array<i32>} : memref<32768xi32, #tpu.memory_space<vmem>>, vector<16xi32>,
      %mul3A_712 = arith.constant 16 : i32
      %mul3A_713 = arith.muli %while3A_656, %mul3A_712 : i32
      %add3A_714 = arith.constant 7 : i32
      %add3A_715 = arith.addi %mul3A_713, %add3A_714 : i32
      %mul3A_716 = arith.constant 16 : i32
      %mul3A_717 = arith.muli %add3A_715, %mul3A_716 : i32
      %swap3A_718 = arith.index_cast %mul3A_717 : i32 to index
      %swap3A_719 = tpu.vector_load %arg7[%swap3A_718] {strides = array<i32>} : memref<32768xi32, #tpu.memory_space<vmem>>, vector<16xi32>,
      tpu.vector_store %arg7[%swap3A_718], %broadcast_in_dim3A_1 {strides = array<i32>} : memref<32768xi32, #tpu.memory_space<vmem>>, vector<16xi32>,
      %mul3A_720 = arith.constant 16 : i32
      %mul3A_721 = arith.muli %while3A_656, %mul3A_720 : i32
      %add3A_722 = arith.constant 8 : i32
      %add3A_723 = arith.addi %mul3A_721, %add3A_722 : i32
      %mul3A_724 = arith.constant 16 : i32
      %mul3A_725 = arith.muli %add3A_723, %mul3A_724 : i32
      %swap3A_726 = arith.index_cast %mul3A_725 : i32 to index
      %swap3A_727 = tpu.vector_load %arg7[%swap3A_726] {strides = array<i32>} : memref<32768xi32, #tpu.memory_space<vmem>>, vector<16xi32>,
      tpu.vector_store %arg7[%swap3A_726], %broadcast_in_dim3A_1 {strides = array<i32>} : memref<32768xi32, #tpu.memory_space<vmem>>, vector<16xi32>,
      %mul3A_728 = arith.constant 16 : i32
      %mul3A_729 = arith.muli %while3A_656, %mul3A_728 : i32
      %add3A_730 = arith.constant 9 : i32
      %add3A_731 = arith.addi %mul3A_729, %add3A_730 : i32
      %mul3A_732 = arith.constant 16 : i32
      %mul3A_733 = arith.muli %add3A_731, %mul3A_732 : i32
      %swap3A_734 = arith.index_cast %mul3A_733 : i32 to index
      %swap3A_735 = tpu.vector_load %arg7[%swap3A_734] {strides = array<i32>} : memref<32768xi32, #tpu.memory_space<vmem>>, vector<16xi32>,
      tpu.vector_store %arg7[%swap3A_734], %broadcast_in_dim3A_1 {strides = array<i32>} : memref<32768xi32, #tpu.memory_space<vmem>>, vector<16xi32>,
      %mul3A_736 = arith.constant 16 : i32
      %mul3A_737 = arith.muli %while3A_656, %mul3A_736 : i32
      %add3A_738 = arith.constant 10 : i32
      %add3A_739 = arith.addi %mul3A_737, %add3A_738 : i32
      %mul3A_740 = arith.constant 16 : i32
      %mul3A_741 = arith.muli %add3A_739, %mul3A_740 : i32
      %swap3A_742 = arith.index_cast %mul3A_741 : i32 to index
      %swap3A_743 = tpu.vector_load %arg7[%swap3A_742] {strides = array<i32>} : memref<32768xi32, #tpu.memory_space<vmem>>, vector<16xi32>,
      tpu.vector_store %arg7[%swap3A_742], %broadcast_in_dim3A_1 {strides = array<i32>} : memref<32768xi32, #tpu.memory_space<vmem>>, vector<16xi32>,
      %mul3A_744 = arith.constant 16 : i32
      %mul3A_745 = arith.muli %while3A_656, %mul3A_744 : i32
      %add3A_746 = arith.constant 11 : i32
      %add3A_747 = arith.addi %mul3A_745, %add3A_746 : i32
      %mul3A_748 = arith.constant 16 : i32
      %mul3A_749 = arith.muli %add3A_747, %mul3A_748 : i32
      %swap3A_750 = arith.index_cast %mul3A_749 : i32 to index
      %swap3A_751 = tpu.vector_load %arg7[%swap3A_750] {strides = array<i32>} : memref<32768xi32, #tpu.memory_space<vmem>>, vector<16xi32>,
      tpu.vector_store %arg7[%swap3A_750], %broadcast_in_dim3A_1 {strides = array<i32>} : memref<32768xi32, #tpu.memory_space<vmem>>, vector<16xi32>,
      %mul3A_752 = arith.constant 16 : i32
      %mul3A_753 = arith.muli %while3A_656, %mul3A_752 : i32
      %add3A_754 = arith.constant 12 : i32
      %add3A_755 = arith.addi %mul3A_753, %add3A_754 : i32
      %mul3A_756 = arith.constant 16 : i32
      %mul3A_757 = arith.muli %add3A_755, %mul3A_756 : i32
      %swap3A_758 = arith.index_cast %mul3A_757 : i32 to index
      %swap3A_759 = tpu.vector_load %arg7[%swap3A_758] {strides = array<i32>} : memref<32768xi32, #tpu.memory_space<vmem>>, vector<16xi32>,
      tpu.vector_store %arg7[%swap3A_758], %broadcast_in_dim3A_1 {strides = array<i32>} : memref<32768xi32, #tpu.memory_space<vmem>>, vector<16xi32>,
      %mul3A_760 = arith.constant 16 : i32
      %mul3A_761 = arith.muli %while3A_656, %mul3A_760 : i32
      %add3A_762 = arith.constant 13 : i32
      %add3A_763 = arith.addi %mul3A_761, %add3A_762 : i32
      %mul3A_764 = arith.constant 16 : i32
      %mul3A_765 = arith.muli %add3A_763, %mul3A_764 : i32
      %swap3A_766 = arith.index_cast %mul3A_765 : i32 to index
      %swap3A_767 = tpu.vector_load %arg7[%swap3A_766] {strides = array<i32>} : memref<32768xi32, #tpu.memory_space<vmem>>, vector<16xi32>,
      tpu.vector_store %arg7[%swap3A_766], %broadcast_in_dim3A_1 {strides = array<i32>} : memref<32768xi32, #tpu.memory_space<vmem>>, vector<16xi32>,
      %mul3A_768 = arith.constant 16 : i32
      %mul3A_769 = arith.muli %while3A_656, %mul3A_768 : i32
      %add3A_770 = arith.constant 14 : i32
      %add3A_771 = arith.addi %mul3A_769, %add3A_770 : i32
      %mul3A_772 = arith.constant 16 : i32
      %mul3A_773 = arith.muli %add3A_771, %mul3A_772 : i32
      %swap3A_774 = arith.index_cast %mul3A_773 : i32 to index
      %swap3A_775 = tpu.vector_load %arg7[%swap3A_774] {strides = array<i32>} : memref<32768xi32, #tpu.memory_space<vmem>>, vector<16xi32>,
      tpu.vector_store %arg7[%swap3A_774], %broadcast_in_dim3A_1 {strides = array<i32>} : memref<32768xi32, #tpu.memory_space<vmem>>, vector<16xi32>,
      %mul3A_776 = arith.constant 16 : i32
      %mul3A_777 = arith.muli %while3A_656, %mul3A_776 : i32
      %add3A_778 = arith.constant 15 : i32
      %add3A_779 = arith.addi %mul3A_777, %add3A_778 : i32
      %mul3A_780 = arith.constant 16 : i32
      %mul3A_781 = arith.muli %add3A_779, %mul3A_780 : i32
      %swap3A_782 = arith.index_cast %mul3A_781 : i32 to index
      %swap3A_783 = tpu.vector_load %arg7[%swap3A_782] {strides = array<i32>} : memref<32768xi32, #tpu.memory_space<vmem>>, vector<16xi32>,
      tpu.vector_store %arg7[%swap3A_782], %broadcast_in_dim3A_1 {strides = array<i32>} : memref<32768xi32, #tpu.memory_space<vmem>>, vector<16xi32>,
    }
    %dma_start3A_638 = arith.constant 0 : i32
    %dma_start3A_639 = tpu.memref_slice %arg3[%add3A_11, %dma_start3A_638] : memref<64x32768xi32, #tpu.memory_space<hbm>> -> memref<1x32768xi32, #tpu.memory_space<hbm>>
    %dma_start3A_640 = tpu.memref_squeeze %dma_start3A_639 : memref<1x32768xi32, #tpu.memory_space<hbm>> -> memref<32768xi32, #tpu.memory_space<hbm>>
    %dma_start3A_641 = arith.constant 0 : i32
    %dma_start3A_642 = tpu.memref_slice %arg3[%add3A_11, %dma_start3A_641] : memref<64x32768xi32, #tpu.memory_space<hbm>> -> memref<1x32768xi32, #tpu.memory_space<hbm>>
    %dma_start3A_643 = tpu.memref_squeeze %dma_start3A_642 : memref<1x32768xi32, #tpu.memory_space<hbm>> -> memref<32768xi32, #tpu.memory_space<hbm>>
    tpu.enqueue_dma source(%arg7 : memref<32768xi32, #tpu.memory_space<vmem>>) target(%dma_start3A_643 : memref<32768xi32, #tpu.memory_space<hbm>>) target_semaphore(%arg11 : memref<!tpu.dma_semaphore, #tpu.memory_space<semaphore_mem>>)
    %dma_wait3A_644 = arith.constant 0 : i32
    %dma_wait3A_645 = tpu.memref_slice %arg3[%mul3A_7, %dma_wait3A_644] : memref<64x32768xi32, #tpu.memory_space<hbm>> -> memref<1x32768xi32, #tpu.memory_space<hbm>>
    %dma_wait3A_646 = tpu.memref_squeeze %dma_wait3A_645 : memref<1x32768xi32, #tpu.memory_space<hbm>> -> memref<32768xi32, #tpu.memory_space<hbm>>
    %dma_wait3A_647 = arith.constant 0 : i32
    %dma_wait3A_648 = tpu.memref_slice %arg3[%mul3A_7, %dma_wait3A_647] : memref<64x32768xi32, #tpu.memory_space<hbm>> -> memref<1x32768xi32, #tpu.memory_space<hbm>>
    %dma_wait3A_649 = tpu.memref_squeeze %dma_wait3A_648 : memref<1x32768xi32, #tpu.memory_space<hbm>> -> memref<32768xi32, #tpu.memory_space<hbm>>
    tpu.wait_dma2 semaphore(%arg10 : memref<!tpu.dma_semaphore, #tpu.memory_space<semaphore_mem>>) src(%arg6 : memref<32768xi32, #tpu.memory_space<vmem>>) dst(%dma_wait3A_649 : memref<32768xi32, #tpu.memory_space<hbm>>)
    %dma_wait3A_650 = arith.constant 0 : i32
    %dma_wait3A_651 = tpu.memref_slice %arg3[%add3A_11, %dma_wait3A_650] : memref<64x32768xi32, #tpu.memory_space<hbm>> -> memref<1x32768xi32, #tpu.memory_space<hbm>>
    %dma_wait3A_652 = tpu.memref_squeeze %dma_wait3A_651 : memref<1x32768xi32, #tpu.memory_space<hbm>> -> memref<32768xi32, #tpu.memory_space<hbm>>
    %dma_wait3A_653 = arith.constant 0 : i32
    %dma_wait3A_654 = tpu.memref_slice %arg3[%add3A_11, %dma_wait3A_653] : memref<64x32768xi32, #tpu.memory_space<hbm>> -> memref<1x32768xi32, #tpu.memory_space<hbm>>
    %dma_wait3A_655 = tpu.memref_squeeze %dma_wait3A_654 : memref<1x32768xi32, #tpu.memory_space<hbm>> -> memref<32768xi32, #tpu.memory_space<hbm>>
    tpu.wait_dma2 semaphore(%arg11 : memref<!tpu.dma_semaphore, #tpu.memory_space<semaphore_mem>>) src(%arg7 : memref<32768xi32, #tpu.memory_space<vmem>>) dst(%dma_wait3A_655 : memref<32768xi32, #tpu.memory_space<hbm>>)
    return
  }
}

</mosaic_0001>

<sc_bundles>
// kernel: kernel.3.cloned.1.call-start
scs
__scs_entry_jumppad:
0x0: {  	(pc) =	sbr.rel $0x88, $3  }
0x1: {  	(tag) =	ssettag $0x0;
	lr =	simm.s32 $0x1  }
0x2: {  	[smem:$0x3FA0] =	sst lr;
	_ =	strace $0xD0000000  }
0x3: {  	_ = 	snop  }
0x4: {  	_ = 	snop  }
0x5: {  	_ = 	snop  }
0x6: {  	_ = 	snop  }
0x7: {  	_ = 	snop  }
__scs_overlays_trampoline_lowered:
0x8: {  	[smem:$0x3FAF] =	sst s0  }
0x9: {  	[smem:$0x3FB0] =	sst s1  }
0xa: {  	[smem:$0x3FB1] =	sst s2  }
0xb: {  	[smem:$0x3FB2] =	sst s3  }
0xc: {  	[smem:$0x3FB3] =	sst s4  }
0xd: {  	[smem:$0x3FB4] =	sst s5  }
0xe: {  	[smem:$0x3FB5] =	sst s6  }
0xf: {  	[smem:$0x3FB6] =	sst s7  }
0x10: {  	[smem:$0x3FB7] =	sst s8  }
0x11: {  	[smem:$0x3FB8] =	sst s9;
	s0 =	simm.s32 @!p0 $0x0  }
0x12: {  	s1 =	sld [smem:$0x3F9E];
	s0 =	simm.s32 @p0 $0x1  }
0x13: {  	[smem:$0x3FB9] =	sst s0;
	s0 =	simm.s32 @!p1 $0x0  }
0x14: {  	s2 =	sld [smem:$0x3F9D];
	s0 =	simm.s32 @p1 $0x1  }
0x15: {  	[smem:$0x3FBA] =	sst s0;
	s0 =	simm.s32 @!p2 $0x0  }
0x16: {  	s3 =	sld [smem:$0x3FDB];
	s0 =	simm.s32 @p2 $0x1  }
0x17: {  	s4 =	simm.s32 $0x1BF5;
	[smem:$0x3FBC] =	sst s0  }
0x18: {  	s0 =	sld [smem:$0x3F9F];
	_ =	swait.ge [sflag:s4], $0x0  }
0x19: {  	s7 =	sld [smem:$0x3FA0]  }
0x1a: {  	s8 =	sadd.s32 $0xFFFFE003, lr  }
0x1b: {  	s9 =	sadd.s32 $0xFFFFFEF7, lr;
	s5 =	simm.s32 $0xFFFFFFFF;
	p2 =	slt.u32 s8, $0xFFFFF086  }
0x1c: {  	p1 =	slt.u32 s9, $0xF7A;
	s5 =	simm.s32 @!p2 $0x0  }
0x1d: {  	s5 =	simm.s32 @p1 $0x1;
	p0 =	seq.s32 s7, s2  }
0x1e: {  	s7 =	smul.u32 @!p0 $0xF7A, s2;
	p2 =	seq.s32 @!p0 s5, $0x0  }
0x1f: {  	s9 =	smul.u32 $0xF7A, s1;
	s8 =	simm.s32 @!p0 $0x1BF5;
	p2 =	por !p2, p0  }
0x20: {  	[sflag:s8] =	ssyncset.s32 @!p0 $0xFFFFF086;
	s6 =	sadd.s32 @!p0 s3, s7;
	s7 =	simm.s32 @!p0 $0x108  }
0x21: {  	s3 =	sadd.s32 s3, s9;
	s6 =	sadd.s32 @!p0 $0x88, s6;
	s7 =	simm.s32 @p2 $0x1082  }
0x22: {  	[simem:s7], [sflag:s8] =	dma.local @!p0 [hbm:s6], $0xF7A  }
0x23: {  	s9 =	sor.u32 $0xD0000000, s2;
	s6 =	simm.s32 $0x108;
	_ =	swait.ge @!p0 [sflag:s8], $0x0  }
0x24: {  	s3 =	sadd.s32 $0x88, s3;
	s6 =	simm.s32 @!p1 $0x1082;
	[sflag:s4] =	ssyncset.s32 $0xFFFFF086  }
0x25: {  	[simem:s6], [sflag:s4] =	dma.local [hbm:s3], $0xF7A  }
0x26: {  	[smem:$0x3FA0] =	sst s1;
	(tag) =	ssettag s2;
	_ =	strace s9  }
0x27: {  	s1 =	sld [smem:$0x3FB0]  }
0x28: {  	s2 =	sld [smem:$0x3FB1]  }
0x29: {  	s4 =	sld [smem:$0x3FB3]  }
0x2a: {  	p0 =	seq.s32 s5, $0x0;
	s5 =	sld [smem:$0x3FB4]  }
0x2b: {  	s6 =	sld [smem:$0x3FB5]  }
0x2c: {  	s7 =	sld [smem:$0x3FB6]  }
0x2d: {  	s3 =	simm.s32 $0x108;
	s8 =	sld [smem:$0x3FB7]  }
0x2e: {  	s3 =	simm.s32 @!p0 $0x1082;
	s9 =	sld [smem:$0x3FB8]  }
0x2f: {  	lr =	sadd.s32 s0, s3;
	s0 =	sld [smem:$0x3FAF]  }
0x30: {  	s3 =	sld [smem:$0x3FB2]  }
0x31: {  	[smem:$0x3FBB] =	sst s10  }
0x32: {  	s10 =	sld [smem:$0x3FB9];
	_ =	sdelay $0x3  }
0x33: {  	p0 =	seq.s32 s10, $0x1;
	s10 =	sld [smem:$0x3FBB];
	_ =	sdelay $0x3  }
0x34: {  	[smem:$0x3FBB] =	sst s10  }
0x35: {  	s10 =	sld [smem:$0x3FBA];
	_ =	sdelay $0x3  }
0x36: {  	p1 =	seq.s32 s10, $0x1;
	s10 =	sld [smem:$0x3FBB];
	_ =	sdelay $0x3  }
0x37: {  	[smem:$0x3FBB] =	sst s10  }
0x38: {  	s10 =	sld [smem:$0x3FBC]  }
0x39: {  	_ = 	snop;
	(pc) =	sbr.ind lr, $3  }
0x3a: {  	_ = 	snop  }
0x3b: {  	_ = 	snop  }
0x3c: {  	p2 =	seq.s32 s10, $0x1;
	s10 =	sld [smem:$0x3FBB]  }
0x3d: {  	_ =	shalt  }
0x3e: {  	_ =	shalt  }
0x3f: {  	_ =	shalt  }
0x40: {  	_ =	shalt  }
0x41: {  	_ =	shalt  }
0x42: {  	_ =	shalt  }
0x43: {  	_ =	shalt  }
0x44: {  	_ =	shalt  }
0x45: {  	_ =	shalt  }
0x46: {  	_ =	shalt  }
0x47: {  	_ =	shalt  }
0x48: {  	_ =	shalt  }
0x49: {  	_ =	shalt  }
0x4a: {  	_ =	shalt  }
0x4b: {  	_ =	shalt  }
0x4c: {  	_ =	shalt  }
0x4d: {  	_ =	shalt  }
0x4e: {  	_ =	shalt  }
0x4f: {  	_ =	shalt  }
0x50: {  	_ =	shalt  }
0x51: {  	_ =	shalt  }
0x52: {  	_ =	shalt  }
0x53: {  	_ =	shalt  }
0x54: {  	_ =	shalt  }
0x55: {  	_ =	shalt  }
0x56: {  	_ =	shalt  }
0x57: {  	_ =	shalt  }
0x58: {  	_ =	shalt  }
0x59: {  	_ =	shalt  }
0x5a: {  	_ =	shalt  }
0x5b: {  	_ =	shalt  }
0x5c: {  	_ =	shalt  }
0x5d: {  	_ =	shalt  }
0x5e: {  	_ =	shalt  }
0x5f: {  	_ =	shalt  }
0x60: {  	_ =	shalt  }
0x61: {  	_ =	shalt  }
0x62: {  	_ =	shalt  }
0x63: {  	_ =	shalt  }
0x64: {  	_ =	shalt  }
0x65: {  	_ =	shalt  }
0x66: {  	_ =	shalt  }
0x67: {  	_ =	shalt  }
0x68: {  	_ =	shalt  }
0x69: {  	_ =	shalt  }
0x6a: {  	_ =	shalt  }
0x6b: {  	_ =	shalt  }
0x6c: {  	_ =	shalt  }
0x6d: {  	_ =	shalt  }
0x6e: {  	_ =	shalt  }
0x6f: {  	_ =	shalt  }
0x70: {  	_ =	shalt  }
0x71: {  	_ =	shalt  }
0x72: {  	_ =	shalt  }
0x73: {  	_ =	shalt  }
0x74: {  	_ =	shalt  }
0x75: {  	_ =	shalt  }
0x76: {  	_ =	shalt  }
0x77: {  	_ =	shalt  }
0x78: {  	_ =	shalt  }
0x79: {  	_ =	shalt  }
0x7a: {  	_ =	shalt  }
0x7b: {  	_ =	shalt  }
0x7c: {  	_ =	shalt  }
0x7d: {  	_ =	shalt  }
0x7e: {  	_ =	shalt  }
0x7f: {  	_ =	shalt  }
0x80: {  	_ =	shalt  }
0x81: {  	_ =	shalt  }
0x82: {  	_ =	shalt  }
0x83: {  	_ =	shalt  }
0x84: {  	_ =	shalt  }
0x85: {  	_ =	shalt  }
0x86: {  	_ =	shalt  }
0x87: {  	_ =	shalt  }
.Lfunc_end0:
.L_simem_size_0:
called_computation_lowered:
.L_overlay_start_0:
0x88: {  	s2 =	sld [smem:$0x3FD9]  }
0x89: {  	s3 =	sld [smem:$0x3FFE];
	_ =	sdelay $0x1  }
0x8a: {  	s1 =	srdreg.scid  }
0x8b: {  	s0 =	sand.u32 $0x1, s1  }
0x8c: {  	s18 =	sshll.u32 s0, $0xA;
	s2 =	sadd.s32 s3, s2  }
0x8d: {  	s2 =	sadd.s32 s2, s18  }
0x8e: {  	[smem:$0x3FC7] =	sst s2  }
0x8f: {  	_ = 	snop  }
0x90: {  	s2 =	sld [smem:$0x3FC9]  }
0x91: {  	s19 =	sld [smem:$0x3FD0];
	(tm) =	ssettm $0x1  }
0x92: {  	s4 =	sld [smem:$0x3FFB];
	_ =	sdelay $0x3  }
0x93: {  	_ =	strace s4  }
0x94: {  	s4 =	sld [smem:$0x3FFC];
	_ =	sdelay $0x3  }
0x95: {  	_ =	strace s4  }
0x96: {  	s4 =	sld [smem:$0x3FFD];
	_ =	sdelay $0x3  }
0x97: {  	_ =	strace s4  }
0x98: {  	_ =	strace $0x8FFFFFFF  }
0x99: {  	s20 =	sld [smem:$0x3FDB];
	_ =	sdelay $0x1  }
0x9a: {  	s5 =	simm.s32 $_scs_section_size  }
0x9b: {  	s6 =	simm.s32 $_size__tile_overlayer_lowered;
	s7 =	simm.s32 $_tile_overlayer_lowered  }
0x9c: {  	s23 =	simm.s32 $0x1BFF;
	s22 =	sshll.u32 s7, $0x1;
	s4 =	sadd.s32 s5, s20  }
0x9d: {  	s8 =	simm.s32 $0x0;
	s21 =	sshll.u32 s6, $0x1;
	s6 =	sadd.s32 s22, s4  }
0x9e: {  	[timem:s8], [sflag:s23] =	dma.local [hbm:s6], s21  }
0x9f: {  	_ =	swait.ge [sflag:s23], s21  }
0xa0: {  	s5 =	ssub.s32 $0x0, s21;
	[sflag:s23] =	ssyncset.done $0x0  }
0xa1: {  	[sflag:s23] =	ssyncadd.s32 s5;
	_ =	sdelay $0x1  }
0xa2: {  	s24 =	simm.s32 $0x1B8B  }
0xa3: {  	_ =	swait.ge [sflag:s24], $0x1  }
0xa4: {  	[sflag:s24] =	ssyncset.done $0x0  }
0xa5: {  	s25 =	simm.s32 $0x1B8E;
	[sflag:s24] =	ssyncadd.s32 $0xFFFFFFFF  }
0xa6: {  	s26 =	simm.s32 $execute0_lowered;
	[smem:$0x3FD2] =	sst s25  }
0xa7: {  	s5 =	sshll.u32 s26, $0x1;
	_ =	strace $0x80000046;
	[dreg:$0x1] =	wrdreg $0xFFFFFFFF  }
0xa8: {  	s28 =	simm.s32 $_size_execute0_lowered;
	s4 =	sadd.s32 s4, s5;
	[dreg:$0x0] =	wrdreg $0x0  }
0xa9: {  	s5 =	sshll.u32 s28, $0x1;
	[dreg:$0x2] =	wrdreg s4  }
0xaa: {  	[dreg:$0x3] =	wrdreg s5  }
0xab: {  	[dreg:$0x4] =	wrdreg $0xC0  }
0xac: {  	_ =	task [dreg:s8], $0x5FFFF  }
0xad: {  	[dreg:$0x1] =	wrdreg $0xFFFFFFFF  }
0xae: {  	[dreg:$0x0] =	wrdreg $0x60  }
0xaf: {  	[dreg:$0x2] =	wrdreg s2  }
0xb0: {  	[dreg:$0x3] =	wrdreg s19  }
0xb1: {  	[dreg:$0x4] =	wrdreg $0x9  }
0xb2: {  	_ =	task.clear_ibuf [dreg:s8], $0x5FFFF;
	_ =	strace $0x90000046  }
0xb3: {  	s29 =	simm.s32 $0x9;
	_ =	strace $0x80000048  }
0xb4: {  	_ =	swait.ge [sflag:s29], $0x1  }
0xb5: {  	[sflag:s29] =	ssyncadd.s32 $0xFFFFFFFF  }
0xb6: {  	_ =	strace $0x90000048  }
0xb7: {  	_ =	sfence  }
0xb8: {  	s30 =	sld [smem:$0x0];
	_ =	sdelay $0x2  }
0xb9: {  	s31 =	sshll.u32 s1, $0xD;
	s1 =	sshrl.u32 s1, $0x2  }
0xba: {  	s3 =	sand.u32 $0x4000, s31;
	s1 =	sadd.s32 s1, s30  }
0xbb: {  	s0 =	sor.u32 s3, s0;
	s1 =	sshll.u32 s1, $0x11  }
0xbc: {  	s0 =	sor.u32 s1, s0  }
0xbd: {  	s0 =	sadd.s32 $0x8F2B, s0  }
0xbe: {  	[sflag:s0] =	ssyncadd.remote.s32 $0x1  }
0xbf: {  	_ =	sfence.sel $0xFFFF  }
0xc0: {  	[dreg:$0x0] =	wrdreg $0xFFFFFFFF;
	(pc) =	sbr.abs _section_cstart, $3  }
0xc1: {  	[dreg:$0x1] =	wrdreg $0xFFFFFFFF  }
0xc2: {  	_ =	task.clear_ibuf [dreg:s8], $0x2FFFF;
	_ =	strace $0x9FFFFFFF  }
0xc3: {  	(tm) =	ssettm $0x7FFFFFFF  }
tec
execute0_lowered:
.L_overlay_start_1:
0x0: {  	(tag) =	ssettag $0x1  }
0x1: {  	s5 =	rddreg [dreg:$0x0]  }
0x2: {  	s8 =	rddreg [dreg:$0x1]  }
0x3: {  	s0 =	rddreg [dreg:$0x2]  }
0x4: {  	s2 =	simm.s32 $0x0;
	s3 =	srdreg.scid;
	s1 =	stileid.u32  }
0x5: {  	s11 =	simm.s32 $0x4000;
	s12 =	simm.s32 $0x1;
	s13 =	simm.s32 $0x8000  }
0x6: {  	s14 =	simm.s32 $0x80;
	s15 =	simm.s32 $0x2;
	s16 =	simm.s32 $0x10000  }
0x7: {  	s17 =	simm.s32 $0x3;
	s18 =	simm.s32 $0x4;
	s19 =	simm.s32 $0x0  }
0x8: {  	[smem:$0x7FF] =	sst s2;
	s3 =	sand.u32 $0x1, s3;
	s6 =	sshll.u32 s1, $0x6  }
0x9: {  	s7 =	sshll.u32 s1, $0xE;
	s31 =	sadd.s32 $0x4000, s5;
	s4 =	ssub.s32 $0x2, s3  }
0xa: {  	s3 =	sshll.u32 s3, $0x5;
	s6 =	sand.u32 $0x40, s6;
	s7 =	sand.u32 $0x38000, s7  }
.Ltmp0:
0xb: {  	s9 =	sshrl.u32 s4, $0x1;
	s3 =	sor.u32 s3, s6;
	(pc) =	sbr.rel .LBB2_1-.Ltmp0, $4  }
0xc: {  	_ =	strace $0x80000047;
	s9 =	ssub.s32 s4, s9;
	s7 =	sor.u32 s7, s3  }
0xd: {  	s3 =	sadd.s32 s5, s7;
	s4 =	sadd.s32 s7, s31;
	s10 =	sor.u32 $0x10, s7  }
0xe: {  	s7 =	sadd.s32 s8, s7;
	s9 =	smax.u32 s9, $0x1;
	s5 =	sadd.s32 s5, s10  }
0xf: {  	v0 =	vimm.s32 $0xFFFFFFFF;
	v1 =	vlaneseq.u32;
	s6 =	sadd.s32 s10, s31;
	s8 =	sadd.s32 s8, s10;
	s10 =	simm.s32 $0x400  }
.LBB2_16:
0x10: {  	[tilespmem:s21+$0xFFFFFF90] =	vst v0  }
.LBB2_17:
0x11: {  	[hbm4b:s8+s14] =	stream.strided.scatter [tilespmem:s16], [sflag:$0x4], $0x8000, s10, s14, $0x38;
	[tilespmem:$0x18000] =	vst v63  }
0x12: {  	s19 =	sadd.s32 $0x1, s19  }
0x13: {  	_ =	swait.ge [sflag:s17], $0x8000;
	p0 =	sne.s32 s19, s9  }
.Ltmp1:
0x14: {  	[sflag:s17] =	ssyncset.done $0x0;
	(pc) =	sbr.rel @!p0 .LBB2_18-.Ltmp1, $4  }
0x15: {  	[sflag:s17] =	ssyncadd.s32 $0xFFFF8000  }
0x16: {  	_ =	swait.ge [sflag:s18], $0x8000  }
0x17: {  	[sflag:s18] =	ssyncset.done $0x0  }
0x18: {  	[sflag:s18] =	ssyncadd.s32 $0xFFFF8000  }
.LBB2_1:
0x19: {  	[tilespmem:s2], [sflag:$0x1] =	stream.strided.gather [hbm4b:s3+s14], $0x4000, s10, s14, $0x38;
	[tilespmem:$0x18000] =	vst v63  }
0x1a: {  	_ = 	snop  }
0x1b: {  	[tilespmem:s11], [sflag:$0x2] =	stream.strided.gather [hbm4b:s4+s14], $0x4000, s10, s14, $0x38;
	[tilespmem:$0x18000] =	vst v63  }
0x1c: {  	_ =	swait.ge [sflag:s12], $0x4000  }
0x1d: {  	[sflag:s12] =	ssyncset.done $0x0  }
0x1e: {  	s20 =	simm.s32 $0x0;
	[sflag:s12] =	ssyncadd.s32 $0xFFFFC000  }
0x1f: {  	[tilespmem:s20+$0xFF90] =	vst v0  }
0x20: {  	[tilespmem:s20+$0xFFA0] =	vst v0  }
0x21: {  	[tilespmem:s20+$0xFFB0] =	vst v0  }
0x22: {  	[tilespmem:s20+$0xFFC0] =	vst v0  }
0x23: {  	[tilespmem:s20+$0xFFD0] =	vst v0  }
0x24: {  	[tilespmem:s20+$0xFFF0] =	vst v0  }
0x25: {  	s21 =	sand.u32 $0xFFFFFFF0, s2;
	[tilespmem:s20+$0xFFE0] =	vst v0  }
0x26: {  	[tilespmem:s21+$0xFF80] =	vst v0  }
0x27: {  	[tilespmem:s20+$0xFF70] =	vst v0  }
0x28: {  	[tilespmem:s20+$0xFF60] =	vst v0  }
0x29: {  	[tilespmem:s20+$0xFF50] =	vst v0  }
0x2a: {  	v2 =	vld [tilespmem:s14+$0xFFFFFF80]  }
0x2b: {  	v3 =	vld [tilespmem:s14+$0xFFFFFF90]  }
0x2c: {  	v4 =	vld [tilespmem:s14+$0xFFFFFFA0]  }
0x2d: {  	v7 =	vld [tilespmem:s14+$0xFFFFFFB0]  }
0x2e: {  	v11 =	vld [tilespmem:s14+$0xFFFFFFC0]  }
0x2f: {  	v14 =	vld [tilespmem:s14+$0xFFFFFFD0]  }
0x30: {  	v56 =	vld [tilespmem:s14+$0x0]  }
0x31: {  	v5 =	vadd.s32 $0x90, v1;
	v6 =	vadd.s32 $0xD0, v1;
	v8 =	vadd.s32 $0xE0, v1;
	v57 =	vld [tilespmem:s14+$0x10]  }
0x32: {  	v9 =	vadd.s32 $0x60, v1;
	v10 =	vadd.s32 $0x70, v1;
	v12 =	vadd.s32 $0x80, v1;
	v58 =	vld [tilespmem:s14+$0x20]  }
0x33: {  	v13 =	vadd.s32 $0x30, v1;
	v16 =	vadd.s32 $0x20, v1;
	vm1 =	vge.f32 v2, $5.000000000e-01  }
0x34: {  	v2 =	vadd.s32 $0x10, v1;
	vm2 =	vge.f32 v3, $5.000000000e-01;
	vm4 =	vge.f32 v4, $5.000000000e-01  }
0x35: {  	v15 =	vld [tilespmem:s14+$0xFFFFFFE0];
	vm0 =	vge.f32 v7, $5.000000000e-01;
	vm5 =	vge.f32 v11, $5.000000000e-01;
	v3 =	vnsel vm1, $0xFFFFFFFF, v1  }
0x36: {  	v4 =	vld [tilespmem:s14+$0xFFFFFFF0];
	vm3 =	vge.f32 v14, $5.000000000e-01;
	vm7 =	vge.f32 v56, $5.000000000e-01;
	v2 =	vnsel vm2, $0xFFFFFFFF, v2;
	(xrf1) =	vsort.ascd.msk.u32 $0xffff, v3, v3  }
0x37: {  	vm6 =	vge.f32 v57, $5.000000000e-01;
	vm14 =	vge.f32 v58, $5.000000000e-01;
	v7 =	vnsel vm4, $0xFFFFFFFF, v16;
	(xrf1) =	vsort.ascd.msk.u32 $0xffff, v2, v2  }
0x38: {  	v11 =	vnsel vm0, $0xFFFFFFFF, v13;
	v3 =	vadd.s32 $0x40, v1;
	(xrf1) =	vsort.ascd.msk.u32 $0xffff, v7, v7;
	v7 =	vmpcnt.ones.xlane vm1  }
0x39: {  	v17 =	vld [tilespmem:s14+$0x40];
	v12 =	vnsel vm7, $0xFFFFFFFF, v12;
	v2 =	vadd.s32 $0x50, v1;
	v3 =	vnsel vm5, $0xFFFFFFFF, v3  }
0x3a: {  	vm1 =	vge.f32 v15, $5.000000000e-01;
	v2 =	vnsel vm3, $0xFFFFFFFF, v2;
	(xrf1) =	vsort.ascd.msk.u32 $0xffff, v11, v11;
	v59 =	vadd.s32 v1, v7;
	v7 =	vld [tilespmem:s14+$0x30]  }
0x3b: {  	v11 =	vmpcnt.ones.xlane vm2;
	v9 =	vnsel vm1, $0xFFFFFFFF, v9;
	vm2 =	vge.f32 v4, $5.000000000e-01;
	(xrf1) =	vsort.ascd.msk.u32 $0xffff, v3, v3  }
0x3c: {  	v4 =	vld [tilespmem:s14+$0x50];
	v3 =	vmpcnt.ones.xlane vm4;
	v10 =	vnsel vm2, $0xFFFFFFFF, v10;
	v60 =	vmpcnt.ones.xlane vm2;
	(xrf1) =	vsort.ascd.msk.u32 $0xffff, v2, v2  }
0x3d: {  	v18 =	vld [tilespmem:s14+$0x60];
	v2 =	vmpcnt.ones.xlane vm5;
	v11 =	vadd.s32 v11, v59;
	(xrf1) =	vsort.ascd.msk.u32 $0xffff, v9, v9;
	v9 =	vmpcnt.ones.xlane vm1  }
0x3e: {  	v61 =	vadd.s32 v3, v11;
	v3 =	vnsel vm6, $0xFFFFFFFF, v5;
	v5 =	vld [tilespmem:s14+$0x70];
	vm1 =	vge.f32 v17, $5.000000000e-01;
	(xrf1) =	vsort.ascd.msk.u32 $0xffff, v10, v10  }
0x3f: {  	v10 =	vadd.s32 $0xA0, v1;
	(xrf1) =	vsort.ascd.msk.u32 $0xffff, v12, v12;
	vm15 =	vge.f32 v7, $5.000000000e-01;
	v7 =	vadd.s32 $0xB0, v1  }
0x40: {  	v10 =	vnsel vm14, $0xFFFFFFFF, v10;
	(xrf1) =	vsort.ascd.msk.u32 $0xffff, v3, v3;
	v3 =	vnsel vm15, $0xFFFFFFFF, v7;
	v7 =	vadd.s32 $0xC0, v1  }
0x41: {  	vm2 =	vge.f32 v4, $5.000000000e-01;
	(xrf1) =	vsort.ascd.msk.u32 $0xffff, v10, v10;
	v10 =	vmpcnt.ones.xlane vm0;
	v7 =	vnsel vm1, $0xFFFFFFFF, v7  }
0x42: {  	v4 =	vmpcnt.ones.xlane vm1;
	(xrf1) =	vsort.ascd.msk.u32 $0xffff, v3, v3;
	vm1 =	vge.f32 v18, $5.000000000e-01;
	v3 =	vnsel vm2, $0xFFFFFFFF, v6  }
0x43: {  	v6 =	vmpcnt.ones.xlane vm3;
	vm0 =	vge.f32 v5, $5.000000000e-01;
	(xrf1) =	vsort.ascd.msk.u32 $0xffff, v7, v7;
	v62 =	vadd.s32 v10, v61  }
0x44: {  	v8 =	vnsel vm1, $0xFFFFFFFF, v8;
	v10 =	vadd.s32 $0xF0, v1;
	v2 =	vadd.s32 v2, v62;
	v7, _, _ =	vpop (xrf1);
	(xrf1) =	vsort.ascd.msk.u32 $0xffff, v3, v3  }
0x45: {  	[tilespmem:v1+s13+$0x0] =	vst.idx.msk $0xffff, v7;
	v5, _, _ =	vpop (xrf1);
	v7 =	vadd.s32 v6, v2;
	v6 =	vnsel vm0, $0xFFFFFFFF, v10;
	(xrf1) =	vsort.ascd.msk.u32 $0xffff, v8, v8  }
0x46: {  	v3, _, _ =	vpop (xrf1);
	(xrf1) =	vsort.ascd.msk.u32 $0xffff, v6, v6  }
0x47: {  	[tilespmem:v59+s13+$0x0] =	vst.idx.msk $0xffff, v5  }
0x48: {  	v63 =	vmpcnt.ones.xlane vm7;
	v5 =	vadd.s32 v9, v7;
	[tilespmem:v11+s13+$0x0] =	vst.idx.msk $0xffff, v3;
	v9, _, _ =	vpop (xrf1)  }
0x49: {  	v8 =	vmpcnt.ones.xlane vm6;
	v3 =	vadd.s32 v60, v5;
	[tilespmem:v61+s13+$0x0] =	vst.idx.msk $0xffff, v9;
	v9, _, _ =	vpop (xrf1)  }
0x4a: {  	v10 =	vmpcnt.ones.xlane vm14;
	v6 =	vadd.s32 v63, v3;
	[tilespmem:v62+s13+$0x0] =	vst.idx.msk $0xffff, v9;
	v11, _, _ =	vpop (xrf1)  }
0x4b: {  	s22 =	simm.s32 $0x80;
	s21 =	simm.s32 $0x0;
	s20 =	simm.s32 $0xFFFFFD40;
	v9 =	vmpcnt.ones.xlane vm15;
	v8 =	vadd.s32 v8, v6;
	[tilespmem:v2+s13+$0x0] =	vst.idx.msk $0xffff, v11;
	v11, _, _ =	vpop (xrf1);
	v2 =	vlaneseq.u32  }
.LBB2_2:
0x4c: {  	p0 =	sne.s32 s20, $0xFFFF52C0;
	v10 =	vadd.s32 v10, v8;
	[tilespmem:v7+s13+$0x0] =	vst.idx.msk $0xffff, v11;
	v2 =	vadd.s32 $0x100, v2;
	s21 =	sadd.s32 $0xFFFFFF50, s21;
	s22 =	sadd.s32 $0x100, s22;
	v7, _, _ =	vpop (xrf1)  }
0x4d: {  	v11 =	vmpcnt.ones.xlane vm2;
	s23 =	smov.u32 s20;
	s20 =	sadd.s32 $0xFFFFFD40, s20;
	v9 =	vadd.s32 v9, v10;
	[tilespmem:v5+s13+$0x0] =	vst.idx.msk $0xffff, v7;
	v5, _, _ =	vpop (xrf1)  }
0x4e: {  	v12 =	vmpcnt.ones.xlane vm1;
	v4 =	vadd.s32 v4, v9;
	[tilespmem:v3+s13+$0x0] =	vst.idx.msk $0xffff, v5;
	v3, _, _ =	vpop (xrf1)  }
0x4f: {  	v13 =	vmpcnt.ones.xlane vm0;
	v11 =	vadd.s32 v11, v4;
	[tilespmem:v6+s13+$0x0] =	vst.idx.msk $0xffff, v3;
	v3, _, _ =	vpop (xrf1)  }
0x50: {  	v6 =	vadd.s32 v12, v11;
	[tilespmem:v8+s13+$0x0] =	vst.idx.msk $0xffff, v3;
	v7, _, _ =	vpop (xrf1)  }
0x51: {  	v3 =	vadd.s32 v13, v6;
	[tilespmem:v10+s13+$0x0] =	vst.idx.msk $0xffff, v7;
	v5, _, _ =	vpop (xrf1)  }
0x52: {  	[tilespmem:v9+s13+$0x0] =	vst.idx.msk $0xffff, v5;
	v5, _, _ =	vpop (xrf1)  }
0x53: {  	[tilespmem:v4+s13+$0x0] =	vst.idx.msk $0xffff, v5;
	v4, _, _ =	vpop (xrf1)  }
0x54: {  	s23 =	sshra.s32 s23, $0x2;
	[tilespmem:v11+s13+$0x0] =	vst.idx.msk $0xffff, v4;
	v4, _, _ =	vpop (xrf1)  }
0x55: {  	[tilespmem:v6+s13+$0x0] =	vst.idx.msk $0xffff, v4  }
0x56: {  	[tilespmem:s23+$0xFF90] =	vst v0  }
0x57: {  	[tilespmem:s23+$0xFFA0] =	vst v0  }
0x58: {  	[tilespmem:s23+$0xFFB0] =	vst v0  }
0x59: {  	[tilespmem:s23+$0xFFC0] =	vst v0  }
0x5a: {  	[tilespmem:s23+$0xFFD0] =	vst v0  }
0x5b: {  	[tilespmem:s23+$0xFFF0] =	vst v0  }
0x5c: {  	s24 =	sand.u32 $0xFFFFFFF0, s21;
	[tilespmem:s23+$0xFFE0] =	vst v0  }
0x5d: {  	[tilespmem:s24+$0xFF80] =	vst v0  }
0x5e: {  	[tilespmem:s23+$0xFF70] =	vst v0  }
0x5f: {  	[tilespmem:s23+$0xFF60] =	vst v0  }
0x60: {  	[tilespmem:s23+$0xFF50] =	vst v0  }
0x61: {  	v4 =	vld [tilespmem:s22+$0xFFFFFF80]  }
0x62: {  	v5 =	vld [tilespmem:s22+$0xFFFFFF90]  }
0x63: {  	v8 =	vadd.s32 $0xD0, v2;
	v7 =	vadd.s32 $0x90, v2;
	v9 =	vadd.s32 $0xE0, v2;
	v6 =	vld [tilespmem:s22+$0xFFFFFFA0]  }
0x64: {  	v12 =	vadd.s32 $0x70, v2;
	v13 =	vadd.s32 $0x80, v2;
	v11 =	vadd.s32 $0x60, v2;
	v10 =	vld [tilespmem:s22+$0xFFFFFFB0]  }
0x65: {  	v15 =	vadd.s32 $0x30, v2;
	v16 =	vadd.s32 $0x40, v2;
	v17 =	vadd.s32 $0x50, v2;
	v14 =	vld [tilespmem:s22+$0xFFFFFFC0]  }
0x66: {  	v19 =	vadd.s32 $0x20, v2;
	v18 =	vld [tilespmem:s22+$0xFFFFFFD0];
	vm0 =	vge.f32 v4, $5.000000000e-01;
	v4 =	vadd.s32 $0x10, v2  }
0x67: {  	v20 =	vld [tilespmem:s22+$0xFFFFFFE0];
	vm1 =	vge.f32 v5, $5.000000000e-01;
	v5 =	vnsel vm0, $0xFFFFFFFF, v2;
	v21 =	vmpcnt.ones.xlane vm0  }
0x68: {  	v22 =	vld [tilespmem:s22+$0xFFFFFFF0];
	vm2 =	vge.f32 v6, $5.000000000e-01;
	v4 =	vnsel vm1, $0xFFFFFFFF, v4;
	v6 =	vmpcnt.ones.xlane vm1;
	(xrf1) =	vsort.ascd.msk.u32 $0xffff, v5, v5  }
0x69: {  	v5 =	vld [tilespmem:s22+$0x0];
	vm0 =	vge.f32 v10, $5.000000000e-01;
	v10 =	vnsel vm2, $0xFFFFFFFF, v19;
	v19 =	vmpcnt.ones.xlane vm2;
	(xrf1) =	vsort.ascd.msk.u32 $0xffff, v4, v4  }
0x6a: {  	v4 =	vld [tilespmem:s22+$0x10];
	vm1 =	vge.f32 v14, $5.000000000e-01;
	v14 =	vnsel vm0, $0xFFFFFFFF, v15;
	v15 =	vadd.s32 v3, v21;
	(xrf1) =	vsort.ascd.msk.u32 $0xffff, v10, v10  }
0x6b: {  	v10 =	vld [tilespmem:s22+$0x20];
	vm3 =	vge.f32 v18, $5.000000000e-01;
	v16 =	vnsel vm1, $0xFFFFFFFF, v16;
	v18 =	vmpcnt.ones.xlane vm1;
	(xrf1) =	vsort.ascd.msk.u32 $0xffff, v14, v14  }
0x6c: {  	v6 =	vadd.s32 v6, v15;
	v14 =	vld [tilespmem:s22+$0x30];
	vm1 =	vge.f32 v20, $5.000000000e-01;
	v17 =	vnsel vm3, $0xFFFFFFFF, v17;
	(xrf1) =	vsort.ascd.msk.u32 $0xffff, v16, v16  }
0x6d: {  	v16 =	vld [tilespmem:s22+$0x40];
	vm2 =	vge.f32 v22, $5.000000000e-01;
	v11 =	vnsel vm1, $0xFFFFFFFF, v11;
	v20 =	vmpcnt.ones.xlane vm1;
	(xrf1) =	vsort.ascd.msk.u32 $0xffff, v17, v17  }
0x6e: {  	v17 =	vld [tilespmem:s22+$0x50];
	vm4 =	vge.f32 v5, $5.000000000e-01;
	v5 =	vnsel vm2, $0xFFFFFFFF, v12;
	v12 =	vmpcnt.ones.xlane vm2;
	(xrf1) =	vsort.ascd.msk.u32 $0xffff, v11, v11  }
0x6f: {  	v11 =	vld [tilespmem:s22+$0x60];
	vm5 =	vge.f32 v4, $5.000000000e-01;
	v4 =	vnsel vm4, $0xFFFFFFFF, v13;
	v13 =	vadd.s32 v19, v6;
	(xrf1) =	vsort.ascd.msk.u32 $0xffff, v5, v5  }
0x70: {  	v5 =	vld [tilespmem:s22+$0x70];
	vm6 =	vge.f32 v10, $5.000000000e-01;
	v7 =	vnsel vm5, $0xFFFFFFFF, v7;
	v10 =	vadd.s32 $0xA0, v2;
	(xrf1) =	vsort.ascd.msk.u32 $0xffff, v4, v4  }
0x71: {  	vm7 =	vge.f32 v14, $5.000000000e-01;
	v4 =	vnsel vm6, $0xFFFFFFFF, v10;
	v10 =	vadd.s32 $0xB0, v2;
	(xrf1) =	vsort.ascd.msk.u32 $0xffff, v7, v7  }
0x72: {  	vm1 =	vge.f32 v16, $5.000000000e-01;
	v7 =	vnsel vm7, $0xFFFFFFFF, v10;
	v10 =	vadd.s32 $0xC0, v2;
	(xrf1) =	vsort.ascd.msk.u32 $0xffff, v4, v4  }
0x73: {  	vm2 =	vge.f32 v17, $5.000000000e-01;
	v10 =	vnsel vm1, $0xFFFFFFFF, v10;
	v4 =	vmpcnt.ones.xlane vm1;
	(xrf1) =	vsort.ascd.msk.u32 $0xffff, v7, v7  }
0x74: {  	vm1 =	vge.f32 v11, $5.000000000e-01;
	v7 =	vnsel vm2, $0xFFFFFFFF, v8;
	v8 =	vmpcnt.ones.xlane vm0;
	(xrf1) =	vsort.ascd.msk.u32 $0xffff, v10, v10  }
0x75: {  	vm0 =	vge.f32 v5, $5.000000000e-01;
	v5 =	vnsel vm1, $0xFFFFFFFF, v9;
	v9 =	vadd.s32 $0xF0, v2;
	(xrf1) =	vsort.ascd.msk.u32 $0xffff, v7, v7  }
0x76: {  	v7 =	vnsel vm0, $0xFFFFFFFF, v9;
	v9 =	vmpcnt.ones.xlane vm3;
	v8 =	vadd.s32 v8, v13;
	v10, _, _ =	vpop (xrf1);
	(xrf1) =	vsort.ascd.msk.u32 $0xffff, v5, v5  }
0x77: {  	v11 =	vadd.s32 v18, v8;
	[tilespmem:v3+s13+$0x0] =	vst.idx.msk $0xffff, v10;
	v3, _, _ =	vpop (xrf1);
	(xrf1) =	vsort.ascd.msk.u32 $0xffff, v7, v7  }
.Ltmp2:
0x78: {  	v7 =	vadd.s32 v9, v11;
	[tilespmem:v15+s13+$0x0] =	vst.idx.msk $0xffff, v3;
	v3, _, _ =	vpop (xrf1);
	(pc) =	sbr.rel @p0 .LBB2_2-.Ltmp2, $4  }
0x79: {  	v9 =	vmpcnt.ones.xlane vm4;
	v5 =	vadd.s32 v20, v7;
	[tilespmem:v6+s13+$0x0] =	vst.idx.msk $0xffff, v3;
	v6, _, _ =	vpop (xrf1)  }
0x7a: {  	v14 =	vmpcnt.ones.xlane vm5;
	v3 =	vadd.s32 v12, v5;
	[tilespmem:v13+s13+$0x0] =	vst.idx.msk $0xffff, v6;
	v12, _, _ =	vpop (xrf1)  }
0x7b: {  	v10 =	vmpcnt.ones.xlane vm6;
	v6 =	vadd.s32 v9, v3;
	[tilespmem:v8+s13+$0x0] =	vst.idx.msk $0xffff, v12;
	v12, _, _ =	vpop (xrf1)  }
0x7c: {  	v9 =	vmpcnt.ones.xlane vm7;
	v8 =	vadd.s32 v14, v6;
	[tilespmem:v11+s13+$0x0] =	vst.idx.msk $0xffff, v12;
	v11, _, _ =	vpop (xrf1)  }
0x7d: {  	_ =	sdelay $0x3  }
0x7e: {  	v10 =	vadd.s32 v10, v8;
	[tilespmem:v7+s13+$0x0] =	vst.idx.msk $0xffff, v11;
	v7, _, _ =	vpop (xrf1)  }
0x7f: {  	v31 =	vmpcnt.ones.xlane vm2;
	v9 =	vadd.s32 v9, v10;
	[tilespmem:v5+s13+$0x0] =	vst.idx.msk $0xffff, v7;
	v5, _, _ =	vpop (xrf1)  }
0x80: {  	v7 =	vmpcnt.ones.xlane vm1;
	v4 =	vadd.s32 v4, v9;
	[tilespmem:v3+s13+$0x0] =	vst.idx.msk $0xffff, v5;
	v3, _, _ =	vpop (xrf1)  }
0x81: {  	v5 =	vadd.s32 v31, v4;
	[tilespmem:v6+s13+$0x0] =	vst.idx.msk $0xffff, v3;
	v3, _, _ =	vpop (xrf1)  }
0x82: {  	v6 =	vadd.s32 v7, v5;
	[tilespmem:v8+s13+$0x0] =	vst.idx.msk $0xffff, v3;
	v3, _, _ =	vpop (xrf1)  }
0x83: {  	[tilespmem:v10+s13+$0x0] =	vst.idx.msk $0xffff, v3;
	v3, _, _ =	vpop (xrf1)  }
0x84: {  	[tilespmem:v9+s13+$0x0] =	vst.idx.msk $0xffff, v3;
	v3, _, _ =	vpop (xrf1)  }
0x85: {  	[tilespmem:v4+s13+$0x0] =	vst.idx.msk $0xffff, v3;
	v3, _, _ =	vpop (xrf1)  }
0x86: {  	[tilespmem:v5+s13+$0x0] =	vst.idx.msk $0xffff, v3;
	v3, _, _ =	vpop (xrf1)  }
0x87: {  	s20 =	simm.s32 $0x0;
	[tilespmem:v6+s13+$0x0] =	vst.idx.msk $0xffff, v3  }
0x88: {  	[tilespmem:s20], [sflag:$0x1] =	stream.strided.gather [hbm4b:s5+s14], $0x4000, s10, s14, $0x38;
	[tilespmem:$0x18000] =	vst v63  }
0x89: {  	_ =	swait.ge [sflag:s15], $0x4000  }
0x8a: {  	[sflag:s15] =	ssyncset.done $0x0  }
0x8b: {  	s31 =	simm.s32 $0x0;
	[sflag:s15] =	ssyncadd.s32 $0xFFFFC000  }
0x8c: {  	v3 =	vmpcnt.ones.xlane vm0;
	v4 =	vld [tilespmem:s31+$0x4000]  }
0x8d: {  	v5 =	vld [tilespmem:s31+$0x4010]  }
0x8e: {  	v3 =	vadd.s32 v3, v6;
	v6 =	vld [tilespmem:s31+$0x4020]  }
0x8f: {  	v32 =	vld [tilespmem:s31+$0x4030]  }
0x90: {  	v2 =	vadd.s32 $0x100, v2;
	v12 =	vld [tilespmem:s31+$0x4040]  }
0x91: {  	v33 =	vadd.s32 $0x70, v2;
	v34 =	vadd.s32 $0xD0, v2;
	v35 =	vadd.s32 $0xE0, v2;
	v16 =	vld [tilespmem:s31+$0x4050]  }
0x92: {  	v13 =	vadd.s32 $0x30, v2;
	v14 =	vadd.s32 $0x40, v2;
	v15 =	vadd.s32 $0x50, v2;
	v18 =	vld [tilespmem:s31+$0x4060]  }
0x93: {  	v17 =	vadd.s32 $0x20, v2;
	v42 =	vadd.s32 $0x60, v2;
	v20 =	vld [tilespmem:s31+$0x4070];
	vm8 =	vge.f32 v4, $5.000000000e-01  }
0x94: {  	v37 =	vld [tilespmem:s31+$0x4090];
	v4 =	vadd.s32 $0x10, v2;
	vm9 =	vge.f32 v5, $5.000000000e-01;
	v5 =	vnsel vm8, $0xFFFFFFFF, v2  }
0x95: {  	v46 =	vadd.s32 $0x80, v2;
	v40 =	vld [tilespmem:s31+$0x40A0];
	vm10 =	vge.f32 v6, $5.000000000e-01;
	v4 =	vnsel vm9, $0xFFFFFFFF, v4;
	(xrf1) =	vsort.ascd.msk.u32 $0xffff, v5, v5  }
0x96: {  	v48 =	vadd.s32 $0x90, v2;
	v6 =	vld [tilespmem:s31+$0x4080];
	vm11 =	vge.f32 v32, $5.000000000e-01;
	v36 =	vnsel vm10, $0xFFFFFFFF, v17;
	(xrf1) =	vsort.ascd.msk.u32 $0xffff, v4, v4  }
0x97: {  	v50 =	vadd.s32 $0xA0, v2;
	v47 =	vld [tilespmem:s31+$0x40E0];
	vm12 =	vge.f32 v12, $5.000000000e-01;
	v38 =	vnsel vm11, $0xFFFFFFFF, v13;
	(xrf1) =	vsort.ascd.msk.u32 $0xffff, v36, v36  }
0x98: {  	v52 =	vadd.s32 $0xB0, v2;
	vm3 =	vge.f32 v16, $5.000000000e-01;
	v14 =	vnsel vm12, $0xFFFFFFFF, v14;
	(xrf1) =	vsort.ascd.msk.u32 $0xffff, v38, v38  }
0x99: {  	v53 =	vadd.s32 $0xC0, v2;
	vm13 =	vge.f32 v18, $5.000000000e-01;
	v15 =	vnsel vm3, $0xFFFFFFFF, v15;
	(xrf1) =	vsort.ascd.msk.u32 $0xffff, v14, v14  }
0x9a: {  	v7 =	vadd.s32 $0xF0, v2;
	v41 =	vld [tilespmem:s31+$0x40B0];
	vm4 =	vge.f32 v20, $5.000000000e-01;
	v16 =	vnsel vm13, $0xFFFFFFFF, v42;
	(xrf1) =	vsort.ascd.msk.u32 $0xffff, v15, v15  }
0x9b: {  	v44 =	vld [tilespmem:s31+$0x40C0];
	vm6 =	vge.f32 v37, $5.000000000e-01;
	vm5 =	vge.f32 v6, $5.000000000e-01;
	v6 =	vnsel vm4, $0xFFFFFFFF, v33;
	(xrf1) =	vsort.ascd.msk.u32 $0xffff, v16, v16  }
0x9c: {  	v45 =	vld [tilespmem:s31+$0x40D0];
	vm7 =	vge.f32 v40, $5.000000000e-01;
	vm14 =	vge.f32 v47, $5.000000000e-01;
	v9 =	vnsel vm5, $0xFFFFFFFF, v46;
	(xrf1) =	vsort.ascd.msk.u32 $0xffff, v6, v6  }
0x9d: {  	v19 =	vmpcnt.ones.xlane vm8;
	v39 =	vmpcnt.ones.xlane vm11;
	v49 =	vnsel vm6, $0xFFFFFFFF, v48;
	(xrf1) =	vsort.ascd.msk.u32 $0xffff, v9, v9  }
0x9e: {  	v43 =	vmpcnt.ones.xlane vm12;
	v51 =	vnsel vm7, $0xFFFFFFFF, v50;
	v5 =	vmpcnt.ones.xlane vm9;
	v6 =	vld [tilespmem:s31+$0x40F0];
	(xrf1) =	vsort.ascd.msk.u32 $0xffff, v49, v49  }
0x9f: {  	vm8 =	vge.f32 v41, $5.000000000e-01;
	v4 =	vmpcnt.ones.xlane vm10;
	v55 =	vadd.s32 v3, v19;
	(xrf1) =	vsort.ascd.msk.u32 $0xffff, v51, v51  }
0xa0: {  	vm9 =	vge.f32 v44, $5.000000000e-01;
	v12 =	vnsel vm8, $0xFFFFFFFF, v52;
	v5 =	vadd.s32 v5, v55  }
0xa1: {  	vm10 =	vge.f32 v45, $5.000000000e-01;
	v54 =	vnsel vm9, $0xFFFFFFFF, v53;
	v4 =	vadd.s32 v4, v5;
	(xrf1) =	vsort.ascd.msk.u32 $0xffff, v12, v12  }
0xa2: {  	v56 =	vmpcnt.ones.xlane vm3;
	v10 =	vnsel vm10, $0xFFFFFFFF, v34;
	v8 =	vadd.s32 v39, v4;
	(xrf1) =	vsort.ascd.msk.u32 $0xffff, v54, v54  }
0xa3: {  	v58 =	vadd.s32 v43, v8;
	vm15 =	vge.f32 v6, $5.000000000e-01;
	v6 =	vnsel vm14, $0xFFFFFFFF, v35;
	(xrf1) =	vsort.ascd.msk.u32 $0xffff, v10, v10;
	v57, _, _ =	vpop (xrf1)  }
0xa4: {  	v7 =	vnsel vm15, $0xFFFFFFFF, v7;
	(xrf1) =	vsort.ascd.msk.u32 $0xffff, v6, v6;
	v6 =	vmpcnt.ones.xlane vm13;
	[tilespmem:v3+s13+$0x0] =	vst.idx.msk $0xffff, v57;
	v3, _, _ =	vpop (xrf1)  }
0xa5: {  	v9 =	vadd.s32 v56, v58;
	(xrf1) =	vsort.ascd.msk.u32 $0xffff, v7, v7;
	v7 =	vmpcnt.ones.xlane vm4;
	[tilespmem:v55+s13+$0x0] =	vst.idx.msk $0xffff, v3;
	v3, _, _ =	vpop (xrf1)  }
0xa6: {  	v59 =	vmpcnt.ones.xlane vm5;
	v6 =	vadd.s32 v6, v9;
	[tilespmem:v5+s13+$0x0] =	vst.idx.msk $0xffff, v3;
	v3, _, _ =	vpop (xrf1)  }
0xa7: {  	v5 =	vmpcnt.ones.xlane vm6;
	v7 =	vadd.s32 v7, v6;
	[tilespmem:v4+s13+$0x0] =	vst.idx.msk $0xffff, v3;
	v3, _, _ =	vpop (xrf1)  }
0xa8: {  	v10 =	vadd.s32 v59, v7;
	[tilespmem:v8+s13+$0x0] =	vst.idx.msk $0xffff, v3;
	v3, _, _ =	vpop (xrf1)  }
0xa9: {  	v4 =	vmpcnt.ones.xlane vm7;
	v5 =	vadd.s32 v5, v10;
	[tilespmem:v58+s13+$0x0] =	vst.idx.msk $0xffff, v3;
	v3, _, _ =	vpop (xrf1)  }
0xaa: {  	v60 =	vmpcnt.ones.xlane vm8;
	[tilespmem:v9+s13+$0x0] =	vst.idx.msk $0xffff, v3;
	v3, _, _ =	vpop (xrf1)  }
0xab: {  	v61 =	vmpcnt.ones.xlane vm9;
	v4 =	vadd.s32 v4, v5;
	[tilespmem:v6+s13+$0x0] =	vst.idx.msk $0xffff, v3;
	v3, _, _ =	vpop (xrf1)  }
0xac: {  	v62 =	vmpcnt.ones.xlane vm10;
	v8 =	vadd.s32 v60, v4;
	[tilespmem:v7+s13+$0x0] =	vst.idx.msk $0xffff, v3;
	v3, _, _ =	vpop (xrf1)  }
0xad: {  	v6 =	vadd.s32 v61, v8;
	[tilespmem:v10+s13+$0x0] =	vst.idx.msk $0xffff, v3;
	v3, _, _ =	vpop (xrf1)  }
0xae: {  	v7 =	vadd.s32 v62, v6;
	[tilespmem:v5+s13+$0x0] =	vst.idx.msk $0xffff, v3;
	v5 =	vmpcnt.ones.xlane vm14  }
0xaf: {  	v3, _, _ =	vpop (xrf1)  }
0xb0: {  	[tilespmem:v4+s13+$0x0] =	vst.idx.msk $0xffff, v3;
	v3, _, _ =	vpop (xrf1);
	v4 =	vadd.s32 v5, v7  }
0xb1: {  	v63 =	vmpcnt.ones.xlane vm15;
	[tilespmem:v8+s13+$0x0] =	vst.idx.msk $0xffff, v3;
	v3, _, _ =	vpop (xrf1)  }
0xb2: {  	[tilespmem:v6+s13+$0x0] =	vst.idx.msk $0xffff, v3;
	v5, _, _ =	vpop (xrf1)  }
0xb3: {  	s21 =	simm.s32 $0x400;
	s20 =	simm.s32 $0x800;
	v3 =	vadd.s32 v63, v4;
	[tilespmem:v7+s13+$0x0] =	vst.idx.msk $0xffff, v5;
	v5, _, _ =	vpop (xrf1)  }
.LBB2_4:
0xb4: {  	p0 =	sne.s32 s20, $0xFC00  }
0xb5: {  	s22 =	sshra.s32 s21, $0x2;
	[tilespmem:v4+s13+$0x0] =	vst.idx.msk $0xffff, v5;
	v2 =	vadd.s32 $0x100, v2;
	s21 =	smov.u32 s20;
	s20 =	sadd.s32 $0x400, s20  }
0xb6: {  	v4 =	vld [tilespmem:s22+$0x4000]  }
0xb7: {  	v5 =	vld [tilespmem:s22+$0x4010]  }
0xb8: {  	v7 =	vadd.s32 $0xF0, v2;
	v6 =	vld [tilespmem:s22+$0x4020]  }
0xb9: {  	v9 =	vadd.s32 $0x70, v2;
	v10 =	vadd.s32 $0xD0, v2;
	v11 =	vadd.s32 $0xE0, v2;
	v8 =	vld [tilespmem:s22+$0x4030]  }
0xba: {  	v13 =	vadd.s32 $0x30, v2;
	v14 =	vadd.s32 $0x40, v2;
	v15 =	vadd.s32 $0x50, v2;
	v12 =	vld [tilespmem:s22+$0x4040]  }
0xbb: {  	v17 =	vadd.s32 $0x20, v2;
	v16 =	vld [tilespmem:s22+$0x4050];
	vm0 =	vge.f32 v4, $5.000000000e-01;
	v4 =	vadd.s32 $0x10, v2  }
0xbc: {  	v18 =	vld [tilespmem:s22+$0x4060];
	vm1 =	vge.f32 v5, $5.000000000e-01;
	v5 =	vnsel vm0, $0xFFFFFFFF, v2;
	v19 =	vmpcnt.ones.xlane vm0  }
0xbd: {  	v20 =	vld [tilespmem:s22+$0x4070];
	vm0 =	vge.f32 v6, $5.000000000e-01;
	v4 =	vnsel vm1, $0xFFFFFFFF, v4;
	v6 =	vmpcnt.ones.xlane vm1;
	(xrf1) =	vsort.ascd.msk.u32 $0xffff, v5, v5  }
0xbe: {  	v5 =	vld [tilespmem:s22+$0x4080];
	vm1 =	vge.f32 v8, $5.000000000e-01;
	v8 =	vnsel vm0, $0xFFFFFFFF, v17;
	v17 =	vmpcnt.ones.xlane vm0;
	(xrf1) =	vsort.ascd.msk.u32 $0xffff, v4, v4  }
0xbf: {  	v4 =	vld [tilespmem:s22+$0x4090];
	vm2 =	vge.f32 v12, $5.000000000e-01;
	v12 =	vnsel vm1, $0xFFFFFFFF, v13;
	v13 =	vmpcnt.ones.xlane vm1;
	(xrf1) =	vsort.ascd.msk.u32 $0xffff, v8, v8  }
0xc0: {  	v8 =	vld [tilespmem:s22+$0x40A0];
	vm0 =	vge.f32 v16, $5.000000000e-01;
	v14 =	vnsel vm2, $0xFFFFFFFF, v14;
	v16 =	vmpcnt.ones.xlane vm2;
	(xrf1) =	vsort.ascd.msk.u32 $0xffff, v12, v12  }
0xc1: {  	v12 =	vld [tilespmem:s22+$0x40B0];
	vm2 =	vge.f32 v18, $5.000000000e-01;
	v15 =	vnsel vm0, $0xFFFFFFFF, v15;
	v18 =	vadd.s32 $0x60, v2;
	(xrf1) =	vsort.ascd.msk.u32 $0xffff, v14, v14  }
0xc2: {  	v14 =	vld [tilespmem:s22+$0x40C0];
	vm1 =	vge.f32 v20, $5.000000000e-01;
	v18 =	vnsel vm2, $0xFFFFFFFF, v18;
	v20 =	vmpcnt.ones.xlane vm2;
	(xrf1) =	vsort.ascd.msk.u32 $0xffff, v15, v15  }
0xc3: {  	v15 =	vld [tilespmem:s22+$0x40D0];
	vm2 =	vge.f32 v5, $5.000000000e-01;
	v5 =	vnsel vm1, $0xFFFFFFFF, v9;
	v9 =	vadd.s32 $0x80, v2;
	(xrf1) =	vsort.ascd.msk.u32 $0xffff, v18, v18  }
0xc4: {  	v18 =	vld [tilespmem:s22+$0x40E0];
	vm3 =	vge.f32 v4, $5.000000000e-01;
	v4 =	vnsel vm2, $0xFFFFFFFF, v9;
	v9 =	vadd.s32 $0x90, v2;
	(xrf1) =	vsort.ascd.msk.u32 $0xffff, v5, v5  }
0xc5: {  	v5 =	vld [tilespmem:s22+$0x40F0];
	vm4 =	vge.f32 v8, $5.000000000e-01;
	v8 =	vnsel vm3, $0xFFFFFFFF, v9;
	v9 =	vadd.s32 $0xA0, v2;
	(xrf1) =	vsort.ascd.msk.u32 $0xffff, v4, v4  }
0xc6: {  	vm5 =	vge.f32 v12, $5.000000000e-01;
	v4 =	vnsel vm4, $0xFFFFFFFF, v9;
	v9 =	vadd.s32 $0xB0, v2;
	(xrf1) =	vsort.ascd.msk.u32 $0xffff, v8, v8  }
0xc7: {  	vm6 =	vge.f32 v14, $5.000000000e-01;
	v8 =	vnsel vm5, $0xFFFFFFFF, v9;
	v9 =	vadd.s32 $0xC0, v2;
	(xrf1) =	vsort.ascd.msk.u32 $0xffff, v4, v4  }
0xc8: {  	vm7 =	vge.f32 v15, $5.000000000e-01;
	v4 =	vnsel vm6, $0xFFFFFFFF, v9;
	v9 =	vadd.s32 v3, v19;
	(xrf1) =	vsort.ascd.msk.u32 $0xffff, v8, v8  }
0xc9: {  	vm8 =	vge.f32 v18, $5.000000000e-01;
	v8 =	vnsel vm7, $0xFFFFFFFF, v10;
	v6 =	vadd.s32 v6, v9;
	(xrf1) =	vsort.ascd.msk.u32 $0xffff, v4, v4  }
0xca: {  	vm9 =	vge.f32 v5, $5.000000000e-01;
	v4 =	vnsel vm8, $0xFFFFFFFF, v11;
	v5 =	vadd.s32 v17, v6;
	(xrf1) =	vsort.ascd.msk.u32 $0xffff, v8, v8  }
0xcb: {  	v8 =	vmpcnt.ones.xlane vm0;
	v7 =	vnsel vm9, $0xFFFFFFFF, v7;
	v10 =	vadd.s32 v13, v5;
	v11, _, _ =	vpop (xrf1);
	(xrf1) =	vsort.ascd.msk.u32 $0xffff, v4, v4  }
0xcc: {  	v4 =	vadd.s32 v16, v10;
	[tilespmem:v3+s13+$0x0] =	vst.idx.msk $0xffff, v11;
	v3, _, _ =	vpop (xrf1);
	(xrf1) =	vsort.ascd.msk.u32 $0xffff, v7, v7  }
0xcd: {  	v7 =	vmpcnt.ones.xlane vm1;
	v8 =	vadd.s32 v8, v4;
	[tilespmem:v9+s13+$0x0] =	vst.idx.msk $0xffff, v3;
	v3, _, _ =	vpop (xrf1)  }
0xce: {  	v9 =	vmpcnt.ones.xlane vm2;
	v11 =	vadd.s32 v20, v8;
	[tilespmem:v6+s13+$0x0] =	vst.idx.msk $0xffff, v3;
	v3, _, _ =	vpop (xrf1)  }
0xcf: {  	v6 =	vmpcnt.ones.xlane vm3;
	v7 =	vadd.s32 v7, v11;
	[tilespmem:v5+s13+$0x0] =	vst.idx.msk $0xffff, v3;
	v3, _, _ =	vpop (xrf1)  }
0xd0: {  	v5 =	vmpcnt.ones.xlane vm4;
	v9 =	vadd.s32 v9, v7;
	[tilespmem:v10+s13+$0x0] =	vst.idx.msk $0xffff, v3;
	v3, _, _ =	vpop (xrf1)  }
0xd1: {  	v10 =	vmpcnt.ones.xlane vm5;
	v6 =	vadd.s32 v6, v9;
	[tilespmem:v4+s13+$0x0] =	vst.idx.msk $0xffff, v3;
	v3, _, _ =	vpop (xrf1)  }
0xd2: {  	v4 =	vmpcnt.ones.xlane vm6;
	v5 =	vadd.s32 v5, v6;
	[tilespmem:v8+s13+$0x0] =	vst.idx.msk $0xffff, v3;
	v3, _, _ =	vpop (xrf1)  }
0xd3: {  	v8 =	vmpcnt.ones.xlane vm7;
	v10 =	vadd.s32 v10, v5;
	[tilespmem:v11+s13+$0x0] =	vst.idx.msk $0xffff, v3;
	v3, _, _ =	vpop (xrf1)  }
0xd4: {  	v11 =	vmpcnt.ones.xlane vm8;
	v12 =	vadd.s32 v4, v10;
	[tilespmem:v7+s13+$0x0] =	vst.idx.msk $0xffff, v3;
	v3, _, _ =	vpop (xrf1)  }
0xd5: {  	v7 =	vmpcnt.ones.xlane vm9;
	v8 =	vadd.s32 v8, v12;
	[tilespmem:v9+s13+$0x0] =	vst.idx.msk $0xffff, v3;
	v3, _, _ =	vpop (xrf1)  }
.Ltmp3:
0xd6: {  	v4 =	vadd.s32 v11, v8;
	[tilespmem:v6+s13+$0x0] =	vst.idx.msk $0xffff, v3;
	v6, _, _ =	vpop (xrf1);
	(pc) =	sbr.rel @p0 .LBB2_4-.Ltmp3, $4  }
0xd7: {  	v3 =	vadd.s32 v7, v4;
	[tilespmem:v5+s13+$0x0] =	vst.idx.msk $0xffff, v6;
	v5, _, _ =	vpop (xrf1)  }
0xd8: {  	[tilespmem:v10+s13+$0x0] =	vst.idx.msk $0xffff, v5;
	v5, _, _ =	vpop (xrf1)  }
0xd9: {  	[tilespmem:v12+s13+$0x0] =	vst.idx.msk $0xffff, v5;
	v5, _, _ =	vpop (xrf1)  }
0xda: {  	[tilespmem:v8+s13+$0x0] =	vst.idx.msk $0xffff, v5;
	v5, _, _ =	vpop (xrf1)  }
0xdb: {  	_ =	sdelay $0x3  }
0xdc: {  	s20 =	sshra.s32 s21, $0x2;
	[tilespmem:v4+s13+$0x0] =	vst.idx.msk $0xffff, v5  }
0xdd: {  	v4 =	vld [tilespmem:s20+$0x4000]  }
0xde: {  	v5 =	vld [tilespmem:s20+$0x4010]  }
0xdf: {  	v6 =	vld [tilespmem:s20+$0x4020]  }
0xe0: {  	v7 =	vld [tilespmem:s20+$0x4030]  }
0xe1: {  	v8 =	vld [tilespmem:s20+$0x4040]  }
0xe2: {  	v9 =	vld [tilespmem:s20+$0x4050];
	vm1 =	vge.f32 v4, $5.000000000e-01  }
0xe3: {  	v50 =	vld [tilespmem:s20+$0x4060];
	vm2 =	vge.f32 v5, $5.000000000e-01;
	v51 =	vmpcnt.ones.xlane vm1  }
0xe4: {  	v10 =	vld [tilespmem:s20+$0x4070];
	vm3 =	vge.f32 v6, $5.000000000e-01;
	v52 =	vmpcnt.ones.xlane vm2  }
0xe5: {  	v11 =	vld [tilespmem:s20+$0x4080];
	vm4 =	vge.f32 v7, $5.000000000e-01;
	v53 =	vmpcnt.ones.xlane vm3;
	v12 =	vadd.s32 v3, v51  }
0xe6: {  	v54 =	vld [tilespmem:s20+$0x4090];
	vm5 =	vge.f32 v8, $5.000000000e-01;
	v55 =	vmpcnt.ones.xlane vm4;
	v13 =	vadd.s32 v52, v12  }
0xe7: {  	v56 =	vld [tilespmem:s20+$0x40A0];
	vm7 =	vge.f32 v9, $5.000000000e-01;
	v57 =	vmpcnt.ones.xlane vm5;
	v14 =	vadd.s32 v53, v13  }
0xe8: {  	v58 =	vld [tilespmem:s20+$0x40B0];
	vm8 =	vge.f32 v50, $5.000000000e-01;
	v59 =	vmpcnt.ones.xlane vm7;
	v15 =	vadd.s32 v55, v14  }
0xe9: {  	v60 =	vld [tilespmem:s20+$0x40C0];
	vm10 =	vge.f32 v10, $5.000000000e-01;
	v61 =	vmpcnt.ones.xlane vm8;
	v9 =	vadd.s32 v57, v15  }
0xea: {  	v16 =	vld [tilespmem:s20+$0x40D0];
	vm12 =	vge.f32 v11, $5.000000000e-01;
	v62 =	vmpcnt.ones.xlane vm10;
	v17 =	vadd.s32 v59, v9  }
0xeb: {  	v63 =	vld [tilespmem:s20+$0x40E0];
	vm13 =	vge.f32 v54, $5.000000000e-01;
	v24 =	vmpcnt.ones.xlane vm12;
	v10 =	vadd.s32 v61, v17  }
0xec: {  	v18 =	vld [tilespmem:s20+$0x40F0];
	vm14 =	vge.f32 v56, $5.000000000e-01;
	v25 =	vmpcnt.ones.xlane vm13;
	v11 =	vadd.s32 v62, v10  }
0xed: {  	vm15 =	vge.f32 v58, $5.000000000e-01;
	v26 =	vmpcnt.ones.xlane vm14;
	v19 =	vadd.s32 v24, v11  }
0xee: {  	vm11 =	vge.f32 v60, $5.000000000e-01;
	v27 =	vmpcnt.ones.xlane vm15;
	v20 =	vadd.s32 v25, v19  }
0xef: {  	vm9 =	vge.f32 v16, $5.000000000e-01;
	v28 =	vmpcnt.ones.xlane vm11;
	v29 =	vadd.s32 v26, v20  }
0xf0: {  	vm6 =	vge.f32 v63, $5.000000000e-01;
	v30 =	vmpcnt.ones.xlane vm9;
	v7 =	vadd.s32 v27, v29  }
0xf1: {  	vm0 =	vge.f32 v18, $5.000000000e-01;
	v31 =	vmpcnt.ones.xlane vm6;
	v6 =	vadd.s32 v28, v7  }
0xf2: {  	v18 =	vmpcnt.ones.xlane vm0;
	v32 =	vadd.s32 v30, v6  }
0xf3: {  	v2 =	vadd.s32 $0x100, v2;
	v4 =	vadd.s32 v31, v32  }
0xf4: {  	v21 =	vadd.s32 $0x10, v2;
	v33 =	vnsel vm1, $0xFFFFFFFF, v2;
	v16 =	vadd.s32 v18, v4  }
0xf5: {  	v34 =	vadd.s32 $0x20, v2;
	v21 =	vnsel vm2, $0xFFFFFFFF, v21;
	(xrf1) =	vsort.ascd.msk.u32 $0xffff, v33, v33;
	(v2sf) =	vpush v16, $0x0  }
0xf6: {  	v35 =	vadd.s32 $0x30, v2;
	(xrf1) =	vsort.ascd.msk.u32 $0xffff, v21, v21;
	v18 =	vnsel vm3, $0xFFFFFFFF, v34  }
0xf7: {  	v36 =	vadd.s32 $0x40, v2;
	v21 =	vnsel vm4, $0xFFFFFFFF, v35;
	(xrf1) =	vsort.ascd.msk.u32 $0xffff, v18, v18  }
0xf8: {  	v37 =	vadd.s32 $0x50, v2;
	v18 =	vnsel vm5, $0xFFFFFFFF, v36;
	(xrf1) =	vsort.ascd.msk.u32 $0xffff, v21, v21  }
0xf9: {  	v38 =	vadd.s32 $0x60, v2;
	v21 =	vnsel vm7, $0xFFFFFFFF, v37;
	(xrf1) =	vsort.ascd.msk.u32 $0xffff, v18, v18  }
0xfa: {  	v39 =	vadd.s32 $0x70, v2;
	v18 =	vnsel vm8, $0xFFFFFFFF, v38;
	(xrf1) =	vsort.ascd.msk.u32 $0xffff, v21, v21  }
0xfb: {  	v40 =	vadd.s32 $0x80, v2;
	v21 =	vnsel vm10, $0xFFFFFFFF, v39;
	(xrf1) =	vsort.ascd.msk.u32 $0xffff, v18, v18  }
0xfc: {  	v41 =	vadd.s32 $0x90, v2;
	v18 =	vnsel vm12, $0xFFFFFFFF, v40;
	(xrf1) =	vsort.ascd.msk.u32 $0xffff, v21, v21  }
0xfd: {  	v42 =	vadd.s32 $0xA0, v2;
	v21 =	vnsel vm13, $0xFFFFFFFF, v41;
	(xrf1) =	vsort.ascd.msk.u32 $0xffff, v18, v18  }
0xfe: {  	v43 =	vadd.s32 $0xB0, v2;
	v18 =	vnsel vm14, $0xFFFFFFFF, v42;
	(xrf1) =	vsort.ascd.msk.u32 $0xffff, v21, v21  }
0xff: {  	v44 =	vadd.s32 $0xC0, v2;
	v21 =	vnsel vm15, $0xFFFFFFFF, v43;
	(xrf1) =	vsort.ascd.msk.u32 $0xffff, v18, v18  }
0x100: {  	v45 =	vadd.s32 $0xD0, v2;
	v18 =	vnsel vm11, $0xFFFFFFFF, v44;
	(xrf1) =	vsort.ascd.msk.u32 $0xffff, v21, v21  }
0x101: {  	v46 =	vadd.s32 $0xE0, v2;
	v2 =	vadd.s32 $0xF0, v2;
	v21 =	vnsel vm9, $0xFFFFFFFF, v45;
	(xrf1) =	vsort.ascd.msk.u32 $0xffff, v18, v18  }
0x102: {  	v2 =	vnsel vm0, $0xFFFFFFFF, v2;
	v18 =	vnsel vm6, $0xFFFFFFFF, v46;
	(xrf1) =	vsort.ascd.msk.u32 $0xffff, v21, v21  }
0x103: {  	v47, _, _ =	vpop (xrf1);
	(xrf1) =	vsort.ascd.msk.u32 $0xffff, v18, v18  }
0x104: {  	[tilespmem:v3+s13+$0x0] =	vst.idx.msk $0xffff, v47;
	v3, _, _ =	vpop (xrf1);
	(xrf1) =	vsort.ascd.msk.u32 $0xffff, v2, v2;
	s25 =	spop (v2sf)  }
0x105: {  	[tilespmem:v12+s13+$0x0] =	vst.idx.msk $0xffff, v3;
	v2, _, _ =	vpop (xrf1);
	s26 =	sand.u32 $0xF, s25  }
0x106: {  	[tilespmem:v13+s13+$0x0] =	vst.idx.msk $0xffff, v2;
	v3, _, _ =	vpop (xrf1);
	s22 =	sshra.s32 s25, $0x1F;
	p0 =	slt.s32 s25, $0x1;
	p1 =	sne.s32 s26, $0x0  }
0x107: {  	[tilespmem:v14+s13+$0x0] =	vst.idx.msk $0xffff, v3;
	v3, _, _ =	vpop (xrf1);
	s28 =	sshrl.u32 s22, $0x1C;
	p0 =	por !p0, !p1  }
0x108: {  	s21 =	simm.s32 $0x1;
	[tilespmem:v15+s13+$0x0] =	vst.idx.msk $0xffff, v3;
	v3, _, _ =	vpop (xrf1);
	s20 =	sadd.s32 s28, s25;
	p0 =	por !p0, !p0  }
0x109: {  	[tilespmem:v9+s13+$0x0] =	vst.idx.msk $0xffff, v3;
	v3, _, _ =	vpop (xrf1);
	s20 =	sshra.s32 s20, $0x4;
	s21 =	simm.s32 @!p0 $0x0  }
0x10a: {  	v2 =	vmul.u32 $0xFFFFFFFF, v1;
	[tilespmem:v17+s13+$0x0] =	vst.idx.msk $0xffff, v3;
	v3, _, _ =	vpop (xrf1);
	s20 =	ssub.s32 s20, s21  }
0x10b: {  	[tilespmem:v10+s13+$0x0] =	vst.idx.msk $0xffff, v3;
	v3, _, _ =	vpop (xrf1);
	s21 =	sadd.s32 $0x10, s20;
	s29 =	sand.u32 $0xF, s20  }
0x10c: {  	v48 =	vadd.s32 v2, v16;
	[tilespmem:v11+s13+$0x0] =	vst.idx.msk $0xffff, v3;
	v3, _, _ =	vpop (xrf1);
	p5 =	slt.s32 s20, $0xFFFFFFF1;
	s23 =	sshra.s32 s21, $0x1F;
	p6 =	sne.s32 s29, $0x0  }
0x10d: {  	v49 =	vand.u32 $0xFFFFFFF0, v48;
	[tilespmem:v19+s13+$0x0] =	vst.idx.msk $0xffff, v3;
	v3, _, _ =	vpop (xrf1);
	s30 =	sshrl.u32 s23, $0x1C;
	p0 =	por !p5, !p6  }
0x10e: {  	s22 =	simm.s32 $0x1;
	v9 =	vor.u32 v1, v49;
	[tilespmem:v20+s13+$0x0] =	vst.idx.msk $0xffff, v3;
	v3, _, _ =	vpop (xrf1);
	s21 =	sadd.s32 s30, s21;
	p0 =	por !p0, !p0  }
0x10f: {  	vm7 =	vge.s32 v9, v48;
	vm8 =	vlt.s32 v9, $0x8000;
	[tilespmem:v29+s13+$0x0] =	vst.idx.msk $0xffff, v3;
	v3, _, _ =	vpop (xrf1);
	s31 =	sshra.s32 s21, $0x4;
	s22 =	simm.s32 @!p0 $0x0;
	s21 =	sshll.u32 s20, $0x4  }
0x110: {  	v50 =	vand.u32 $0xFFFFFF80, v48;
	v9 =	vand.u32 $0x7F, v9;
	vm0 =	vmand vm7, vm8;
	[tilespmem:v7+s13+$0x0] =	vst.idx.msk $0xffff, v3;
	v3, _, _ =	vpop (xrf1);
	s20 =	ssub.s32 s31, s22;
	s24 =	sadd.s32 $0x10, s21;
	s25 =	sadd.s32 $0x20, s21  }
0x111: {  	v9 =	vor.u32 v50, v9;
	[tilespmem:v6+s13+$0x0] =	vst.idx.msk $0xffff, v3;
	v3, _, _ =	vpop (xrf1);
	s26 =	sadd.s32 $0x30, s21;
	s28 =	sadd.s32 $0x40, s21;
	s29 =	sadd.s32 $0x50, s21;
	v51 =	vor.u32 s24, v1;
	v52 =	vor.u32 s25, v1  }
0x112: {  	[tilespmem:v32+s13+$0x0] =	vst.idx.msk $0xffff, v3;
	v3, _, _ =	vpop (xrf1);
	s30 =	sadd.s32 $0x60, s21;
	s31 =	sadd.s32 $0x70, s21;
	s22 =	sshll.u32 s20, $0x8;
	v53 =	vor.u32 s26, v1;
	v54 =	vor.u32 s28, v1;
	v55 =	vor.u32 s29, v1  }
0x113: {  	[tilespmem:v4+s13+$0x0] =	vst.idx.msk $0xffff, v3;
	v3 =	vor.u32 s30, v1;
	v56 =	vor.u32 s31, v1;
	vm9 =	vlt.s32 v51, s22  }
0x114: {  	vm10 =	vlt.s32 v51, $0x8000;
	vm11 =	vlt.s32 v52, s22;
	vm12 =	vlt.s32 v52, $0x8000  }
0x115: {  	s24 =	sadd.s32 $0x80, s21;
	s25 =	sadd.s32 $0x90, s21;
	s26 =	sadd.s32 $0xA0, s21;
	vm13 =	vlt.s32 v53, s22;
	vm14 =	vlt.s32 v53, $0x8000;
	vm15 =	vlt.s32 v54, s22  }
0x116: {  	s28 =	sadd.s32 $0xB0, s21;
	s29 =	sadd.s32 $0xC0, s21;
	v57 =	vor.u32 s24, v1;
	v58 =	vor.u32 s25, v1;
	v59 =	vor.u32 s26, v1  }
0x117: {  	s30 =	sadd.s32 $0xD0, s21;
	v60 =	vor.u32 s28, v1;
	v61 =	vor.u32 s29, v1;
	vm1 =	vmand vm10, vm9  }
0x118: {  	v62 =	vor.u32 s30, v1;
	vm2 =	vmand vm12, vm11;
	vm9 =	vlt.s32 v54, $0x8000  }
0x119: {  	vm5 =	vmand vm14, vm13;
	vm10 =	vlt.s32 v55, s22;
	vm11 =	vlt.s32 v55, $0x8000  }
0x11a: {  	vm12 =	vlt.s32 v3, s22;
	vm13 =	vlt.s32 v3, $0x8000;
	vm3 =	vmand vm9, vm15  }
0x11b: {  	[tilespmem:s11], [sflag:$0x2] =	stream.strided.gather [hbm4b:s6+s14], $0x4000, s10, s14, $0x38;
	vm14 =	vlt.s32 v56, s22;
	vm6 =	vmand vm11, vm10;
	vm15 =	vlt.s32 v56, $0x8000;
	[tilespmem:$0x18000] =	vst v63  }
0x11c: {  	[tilespmem:v9+s13+$0x0] =	vst.idx.msk vm0, v0;
	vm7 =	vmand vm13, vm12;
	vm12 =	vlt.s32 v57, s22;
	vm13 =	vlt.s32 v57, $0x8000  }
0x11d: {  	vm4 =	vmand vm15, vm14;
	vm0 =	vmand vm13, vm12;
	vm14 =	vlt.s32 v58, s22;
	[tilespmem:v51+s13+$0x0] =	vst.idx.msk vm1, v0  }
0x11e: {  	vm15 =	vlt.s32 v58, $0x8000;
	vm12 =	vlt.s32 v59, s22;
	vm13 =	vlt.s32 v59, $0x8000;
	[tilespmem:v52+s13+$0x0] =	vst.idx.msk vm2, v0  }
0x11f: {  	vm1 =	vmand vm15, vm14;
	vm14 =	vlt.s32 v60, s22;
	vm15 =	vlt.s32 v60, $0x8000;
	[tilespmem:v53+s13+$0x0] =	vst.idx.msk vm5, v0  }
0x120: {  	s31 =	sadd.s32 $0xE0, s21;
	s21 =	sadd.s32 $0xF0, s21;
	vm2 =	vmand vm13, vm12;
	vm12 =	vlt.s32 v61, s22;
	vm13 =	vlt.s32 v61, $0x8000;
	[tilespmem:v54+s13+$0x0] =	vst.idx.msk vm3, v0  }
0x121: {  	v63 =	vor.u32 s21, v1;
	vm5 =	vmand vm13, vm12;
	vm3 =	vmand vm15, vm14;
	[tilespmem:v55+s13+$0x0] =	vst.idx.msk vm6, v0  }
0x122: {  	vm14 =	vlt.s32 v62, s22;
	vm15 =	vlt.s32 v62, $0x8000;
	[tilespmem:v3+s13+$0x0] =	vst.idx.msk vm7, v0;
	v3 =	vor.u32 s31, v1  }
0x123: {  	vm9 =	vmand vm15, vm14;
	[tilespmem:v56+s13+$0x0] =	vst.idx.msk vm4, v0;
	vm10 =	vlt.s32 v3, s22;
	vm11 =	vlt.s32 v3, $0x8000  }
0x124: {  	vm13 =	vlt.s32 v63, s22;
	vm14 =	vlt.s32 v63, $0x8000;
	[tilespmem:v57+s13+$0x0] =	vst.idx.msk vm0, v0;
	vm12 =	vmand vm11, vm10  }
0x125: {  	vm15 =	vmand vm14, vm13;
	[tilespmem:v58+s13+$0x0] =	vst.idx.msk vm1, v0  }
0x126: {  	p0 =	sgt.s32 s20, $0x53;
	[tilespmem:v59+s13+$0x0] =	vst.idx.msk vm2, v0  }
.Ltmp4:
0x127: {  	[tilespmem:v60+s13+$0x0] =	vst.idx.msk vm3, v0;
	(pc) =	sbr.rel @p0 .LBB2_9-.Ltmp4, $4  }
0x128: {  	[tilespmem:v61+s13+$0x0] =	vst.idx.msk vm5, v0  }
0x129: {  	[tilespmem:v62+s13+$0x0] =	vst.idx.msk vm9, v0  }
0x12a: {  	[tilespmem:v3+s13+$0x0] =	vst.idx.msk vm12, v0  }
0x12b: {  	[tilespmem:v63+s13+$0x0] =	vst.idx.msk vm15, v0  }
0x12c: {  	s21 =	sshll.u32 s20, $0xA  }
0x12d: {  	s21 =	sshra.s32 s21, $0x2  }
0x12e: {  	s21 =	sadd.s32 $0x8080, s21  }
0x12f: {  	[tilespmem:s21+$0xFFFFFF80] =	vst v0  }
0x130: {  	[tilespmem:s21+$0x70] =	vst v0  }
0x131: {  	[tilespmem:s21+$0x60] =	vst v0  }
0x132: {  	[tilespmem:s21+$0x50] =	vst v0  }
0x133: {  	[tilespmem:s21+$0x40] =	vst v0  }
0x134: {  	[tilespmem:s21+$0x30] =	vst v0  }
0x135: {  	[tilespmem:s21+$0x20] =	vst v0  }
0x136: {  	[tilespmem:s21+$0x10] =	vst v0  }
0x137: {  	s31 =	ssub.s32 $0x54, s20;
	[tilespmem:s21+$0x0] =	vst v0  }
0x138: {  	p0 =	sne.s32 s31, $0x1;
	[tilespmem:s21+$0xFFFFFFF0] =	vst v0  }
.Ltmp5:
0x139: {  	[tilespmem:s21+$0xFFFFFFE0] =	vst v0;
	(pc) =	sbr.rel @!p0 .LBB2_8-.Ltmp5, $4  }
0x13a: {  	[tilespmem:s21+$0xFFFFFFD0] =	vst v0  }
0x13b: {  	[tilespmem:s21+$0xFFFFFFC0] =	vst v0  }
0x13c: {  	[tilespmem:s21+$0xFFFFFFB0] =	vst v0  }
0x13d: {  	s20 =	sadd.s32 $0xFFFFFFFF, s31;
	[tilespmem:s21+$0xFFFFFFA0] =	vst v0  }
.LBB2_7:
0x13e: {  	p0 =	sne.s32 s20, $0x1;
	s20 =	sadd.s32 $0xFFFFFFFF, s20;
	[tilespmem:s21+$0xFFFFFF90] =	vst v0;
	s21 =	sadd.s32 $0x100, s21  }
0x13f: {  	[tilespmem:s21+$0xFFFFFF80] =	vst v0  }
0x140: {  	[tilespmem:s21+$0x70] =	vst v0  }
0x141: {  	[tilespmem:s21+$0x60] =	vst v0  }
0x142: {  	[tilespmem:s21+$0x50] =	vst v0  }
0x143: {  	[tilespmem:s21+$0x40] =	vst v0  }
0x144: {  	[tilespmem:s21+$0x30] =	vst v0  }
0x145: {  	[tilespmem:s21+$0x20] =	vst v0  }
0x146: {  	[tilespmem:s21+$0x10] =	vst v0  }
0x147: {  	[tilespmem:s21+$0x0] =	vst v0  }
0x148: {  	[tilespmem:s21+$0xFFFFFFF0] =	vst v0  }
.Ltmp6:
0x149: {  	[tilespmem:s21+$0xFFFFFFE0] =	vst v0;
	(pc) =	sbr.rel @p0 .LBB2_7-.Ltmp6, $4  }
0x14a: {  	[tilespmem:s21+$0xFFFFFFD0] =	vst v0  }
0x14b: {  	[tilespmem:s21+$0xFFFFFFC0] =	vst v0  }
0x14c: {  	[tilespmem:s21+$0xFFFFFFB0] =	vst v0  }
0x14d: {  	[tilespmem:s21+$0xFFFFFFA0] =	vst v0  }
.LBB2_8:
0x14e: {  	[tilespmem:s21+$0xFFFFFF90] =	vst v0  }
.LBB2_9:
0x14f: {  	s20 =	simm.s32 $0x80  }
0x150: {  	[hbm4b:s7+s20] =	stream.strided.scatter [tilespmem:s13], [sflag:$0x3], $0x8000, s10, s20, $0x38;
	[tilespmem:$0x18000] =	vst v63  }
0x151: {  	_ =	swait.ge [sflag:s12], $0x4000  }
0x152: {  	[sflag:s12] =	ssyncset.done $0x0  }
0x153: {  	s22 =	simm.s32 $0x0;
	[sflag:s12] =	ssyncadd.s32 $0xFFFFC000  }
0x154: {  	[tilespmem:s22+$0x17F90] =	vst v0  }
0x155: {  	[tilespmem:s22+$0x17FA0] =	vst v0  }
0x156: {  	[tilespmem:s22+$0x17FB0] =	vst v0  }
0x157: {  	[tilespmem:s22+$0x17FC0] =	vst v0  }
0x158: {  	[tilespmem:s22+$0x17FD0] =	vst v0  }
0x159: {  	s21 =	simm.s32 $0x0;
	[tilespmem:s22+$0x17FF0] =	vst v0  }
0x15a: {  	s23 =	sand.u32 $0xFFFFFFF0, s21;
	[tilespmem:s22+$0x17FE0] =	vst v0  }
0x15b: {  	[tilespmem:s23+$0x17F80] =	vst v0  }
0x15c: {  	[tilespmem:s22+$0x17F70] =	vst v0  }
0x15d: {  	[tilespmem:s22+$0x17F60] =	vst v0  }
0x15e: {  	[tilespmem:s22+$0x17F50] =	vst v0  }
0x15f: {  	v4 =	vld [tilespmem:s20+$0xFFFFFF80]  }
0x160: {  	v5 =	vld [tilespmem:s20+$0xFFFFFF90]  }
0x161: {  	v6 =	vld [tilespmem:s20+$0xFFFFFFA0]  }
0x162: {  	v8 =	vld [tilespmem:s20+$0xFFFFFFB0]  }
0x163: {  	v12 =	vld [tilespmem:s20+$0xFFFFFFC0]  }
0x164: {  	v3 =	vlaneseq.u32;
	v15 =	vld [tilespmem:s20+$0xFFFFFFD0]  }
0x165: {  	v7 =	vadd.s32 $0x90, v3;
	v9 =	vadd.s32 $0xD0, v3;
	v10 =	vadd.s32 $0xE0, v3;
	v61 =	vld [tilespmem:s20+$0x0]  }
0x166: {  	v11 =	vadd.s32 $0x60, v3;
	v13 =	vadd.s32 $0x70, v3;
	v14 =	vadd.s32 $0x30, v3;
	v19 =	vld [tilespmem:s20+$0x40]  }
0x167: {  	v17 =	vadd.s32 $0x20, v3;
	vm1 =	vge.f32 v4, $5.000000000e-01;
	v4 =	vadd.s32 $0x10, v3  }
0x168: {  	v16 =	vld [tilespmem:s20+$0xFFFFFFE0];
	vm2 =	vge.f32 v5, $5.000000000e-01;
	vm4 =	vge.f32 v6, $5.000000000e-01;
	v5 =	vnsel vm1, $0xFFFFFFFF, v3  }
0x169: {  	v6 =	vld [tilespmem:s20+$0xFFFFFFF0];
	vm0 =	vge.f32 v8, $5.000000000e-01;
	vm5 =	vge.f32 v12, $5.000000000e-01;
	v4 =	vnsel vm2, $0xFFFFFFFF, v4;
	(xrf1) =	vsort.ascd.msk.u32 $0xffff, v5, v5  }
0x16a: {  	vm3 =	vge.f32 v15, $5.000000000e-01;
	v15 =	vld [tilespmem:s20+$0x20];
	vm7 =	vge.f32 v61, $5.000000000e-01;
	v8 =	vnsel vm4, $0xFFFFFFFF, v17;
	(xrf1) =	vsort.ascd.msk.u32 $0xffff, v4, v4  }
0x16b: {  	vm8 =	vge.f32 v19, $5.000000000e-01;
	v12 =	vnsel vm0, $0xFFFFFFFF, v14;
	v14 =	vld [tilespmem:s20+$0x10];
	v5 =	vadd.s32 $0x40, v3;
	(xrf1) =	vsort.ascd.msk.u32 $0xffff, v8, v8  }
0x16c: {  	v4 =	vadd.s32 $0x50, v3;
	v5 =	vnsel vm5, $0xFFFFFFFF, v5;
	v8 =	vmpcnt.ones.xlane vm1;
	(xrf1) =	vsort.ascd.msk.u32 $0xffff, v12, v12  }
0x16d: {  	vm1 =	vge.f32 v16, $5.000000000e-01;
	v4 =	vnsel vm3, $0xFFFFFFFF, v4;
	v12 =	vmpcnt.ones.xlane vm2;
	(xrf1) =	vsort.ascd.msk.u32 $0xffff, v5, v5  }
0x16e: {  	v11 =	vnsel vm1, $0xFFFFFFFF, v11;
	vm2 =	vge.f32 v6, $5.000000000e-01;
	v62 =	vadd.s32 v3, v8;
	v8 =	vld [tilespmem:s20+$0x30];
	(xrf1) =	vsort.ascd.msk.u32 $0xffff, v4, v4  }
0x16f: {  	vm14 =	vge.f32 v15, $5.000000000e-01;
	v5 =	vadd.s32 $0x80, v3;
	v13 =	vnsel vm2, $0xFFFFFFFF, v13;
	(xrf1) =	vsort.ascd.msk.u32 $0xffff, v11, v11  }
0x170: {  	vm6 =	vge.f32 v14, $5.000000000e-01;
	v4 =	vmpcnt.ones.xlane vm4;
	v5 =	vnsel vm7, $0xFFFFFFFF, v5;
	v11 =	vld [tilespmem:s20+$0x50];
	(xrf1) =	vsort.ascd.msk.u32 $0xffff, v13, v13  }
0x171: {  	v20 =	vld [tilespmem:s20+$0x60];
	v12 =	vadd.s32 v12, v62;
	v7 =	vnsel vm6, $0xFFFFFFFF, v7;
	v13 =	vadd.s32 $0xA0, v3;
	(xrf1) =	vsort.ascd.msk.u32 $0xffff, v5, v5  }
0x172: {  	v18 =	vmpcnt.ones.xlane vm5;
	v14 =	vadd.s32 v4, v12;
	v4 =	vld [tilespmem:s20+$0x70];
	v5 =	vnsel vm14, $0xFFFFFFFF, v13;
	(xrf1) =	vsort.ascd.msk.u32 $0xffff, v7, v7  }
0x173: {  	vm15 =	vge.f32 v8, $5.000000000e-01;
	v8 =	vadd.s32 $0xB0, v3;
	(xrf1) =	vsort.ascd.msk.u32 $0xffff, v5, v5;
	v5 =	vmpcnt.ones.xlane vm0  }
0x174: {  	v6 =	vmpcnt.ones.xlane vm1;
	v7 =	vnsel vm15, $0xFFFFFFFF, v8;
	v8 =	vadd.s32 $0xC0, v3  }
0x175: {  	v63 =	vmpcnt.ones.xlane vm2;
	vm2 =	vge.f32 v11, $5.000000000e-01;
	v8 =	vnsel vm8, $0xFFFFFFFF, v8;
	(xrf1) =	vsort.ascd.msk.u32 $0xffff, v7, v7  }
0x176: {  	vm1 =	vge.f32 v20, $5.000000000e-01;
	v7 =	vnsel vm2, $0xFFFFFFFF, v9;
	(xrf1) =	vsort.ascd.msk.u32 $0xffff, v8, v8;
	v9 =	vadd.s32 v5, v14  }
0x177: {  	vm0 =	vge.f32 v4, $5.000000000e-01;
	v4 =	vnsel vm1, $0xFFFFFFFF, v10;
	v10 =	vadd.s32 $0xF0, v3;
	v5, _, _ =	vpop (xrf1);
	(xrf1) =	vsort.ascd.msk.u32 $0xffff, v7, v7  }
0x178: {  	v8 =	vmpcnt.ones.xlane vm3;
	v7 =	vnsel vm0, $0xFFFFFFFF, v10;
	[tilespmem:v3+s16+$0x0] =	vst.idx.msk $0xffff, v5;
	v5, _, _ =	vpop (xrf1);
	(xrf1) =	vsort.ascd.msk.u32 $0xffff, v4, v4  }
0x179: {  	v13 =	vadd.s32 v18, v9;
	[tilespmem:v62+s16+$0x0] =	vst.idx.msk $0xffff, v5;
	v5, _, _ =	vpop (xrf1);
	(xrf1) =	vsort.ascd.msk.u32 $0xffff, v7, v7  }
0x17a: {  	v8 =	vadd.s32 v8, v13;
	[tilespmem:v12+s16+$0x0] =	vst.idx.msk $0xffff, v5;
	v12 =	vmpcnt.ones.xlane vm6  }
0x17b: {  	v10 =	vmpcnt.ones.xlane vm7;
	v6 =	vadd.s32 v6, v8;
	v5, _, _ =	vpop (xrf1)  }
0x17c: {  	v4 =	vadd.s32 v63, v6;
	[tilespmem:v14+s16+$0x0] =	vst.idx.msk $0xffff, v5;
	v11, _, _ =	vpop (xrf1)  }
0x17d: {  	v7 =	vadd.s32 v10, v4;
	[tilespmem:v9+s16+$0x0] =	vst.idx.msk $0xffff, v11;
	v14, _, _ =	vpop (xrf1);
	v11 =	vmpcnt.ones.xlane vm14  }
0x17e: {  	s22 =	simm.s32 $0xFFFFFD40;
	v10 =	vmpcnt.ones.xlane vm15;
	v5 =	vmpcnt.ones.xlane vm8;
	v9 =	vadd.s32 v12, v7;
	[tilespmem:v13+s16+$0x0] =	vst.idx.msk $0xffff, v14;
	v12, _, _ =	vpop (xrf1)  }
.LBB2_10:
0x17f: {  	p0 =	sne.s32 s22, $0xFFFF52C0;
	v11 =	vadd.s32 v11, v9;
	[tilespmem:v8+s16+$0x0] =	vst.idx.msk $0xffff, v12;
	v3 =	vadd.s32 $0x100, v3;
	s21 =	sadd.s32 $0xFFFFFF50, s21;
	s20 =	sadd.s32 $0x100, s20;
	v8, _, _ =	vpop (xrf1)  }
0x180: {  	v12 =	vmpcnt.ones.xlane vm2;
	s23 =	smov.u32 s22;
	s22 =	sadd.s32 $0xFFFFFD40, s22;
	v10 =	vadd.s32 v10, v11;
	[tilespmem:v6+s16+$0x0] =	vst.idx.msk $0xffff, v8;
	v6, _, _ =	vpop (xrf1)  }
0x181: {  	v13 =	vmpcnt.ones.xlane vm1;
	v5 =	vadd.s32 v5, v10;
	[tilespmem:v4+s16+$0x0] =	vst.idx.msk $0xffff, v6;
	v4, _, _ =	vpop (xrf1)  }
0x182: {  	v14 =	vmpcnt.ones.xlane vm0;
	v12 =	vadd.s32 v12, v5;
	[tilespmem:v7+s16+$0x0] =	vst.idx.msk $0xffff, v4;
	v4, _, _ =	vpop (xrf1)  }
0x183: {  	v7 =	vadd.s32 v13, v12;
	[tilespmem:v9+s16+$0x0] =	vst.idx.msk $0xffff, v4;
	v8, _, _ =	vpop (xrf1)  }
0x184: {  	v4 =	vadd.s32 v14, v7;
	[tilespmem:v11+s16+$0x0] =	vst.idx.msk $0xffff, v8;
	v6, _, _ =	vpop (xrf1)  }
0x185: {  	[tilespmem:v10+s16+$0x0] =	vst.idx.msk $0xffff, v6;
	v6, _, _ =	vpop (xrf1)  }
0x186: {  	[tilespmem:v5+s16+$0x0] =	vst.idx.msk $0xffff, v6;
	v5, _, _ =	vpop (xrf1)  }
0x187: {  	s23 =	sshra.s32 s23, $0x2;
	[tilespmem:v12+s16+$0x0] =	vst.idx.msk $0xffff, v5;
	v5, _, _ =	vpop (xrf1)  }
0x188: {  	[tilespmem:v7+s16+$0x0] =	vst.idx.msk $0xffff, v5  }
0x189: {  	[tilespmem:s23+$0x17F90] =	vst v0  }
0x18a: {  	[tilespmem:s23+$0x17FA0] =	vst v0  }
0x18b: {  	[tilespmem:s23+$0x17FB0] =	vst v0  }
0x18c: {  	[tilespmem:s23+$0x17FC0] =	vst v0  }
0x18d: {  	[tilespmem:s23+$0x17FD0] =	vst v0  }
0x18e: {  	[tilespmem:s23+$0x17FF0] =	vst v0  }
0x18f: {  	s24 =	sand.u32 $0xFFFFFFF0, s21;
	[tilespmem:s23+$0x17FE0] =	vst v0  }
0x190: {  	[tilespmem:s24+$0x17F80] =	vst v0  }
0x191: {  	[tilespmem:s23+$0x17F70] =	vst v0  }
0x192: {  	[tilespmem:s23+$0x17F60] =	vst v0  }
0x193: {  	[tilespmem:s23+$0x17F50] =	vst v0  }
0x194: {  	v5 =	vld [tilespmem:s20+$0xFFFFFF80]  }
0x195: {  	v6 =	vld [tilespmem:s20+$0xFFFFFF90]  }
0x196: {  	v9 =	vadd.s32 $0xD0, v3;
	v8 =	vadd.s32 $0x90, v3;
	v10 =	vadd.s32 $0xE0, v3;
	v7 =	vld [tilespmem:s20+$0xFFFFFFA0]  }
0x197: {  	v13 =	vadd.s32 $0x70, v3;
	v14 =	vadd.s32 $0x80, v3;
	v12 =	vadd.s32 $0x60, v3;
	v11 =	vld [tilespmem:s20+$0xFFFFFFB0]  }
0x198: {  	v16 =	vadd.s32 $0x30, v3;
	v17 =	vadd.s32 $0x40, v3;
	v18 =	vadd.s32 $0x50, v3;
	v15 =	vld [tilespmem:s20+$0xFFFFFFC0]  }
0x199: {  	v20 =	vadd.s32 $0x20, v3;
	v19 =	vld [tilespmem:s20+$0xFFFFFFD0];
	vm0 =	vge.f32 v5, $5.000000000e-01;
	v5 =	vadd.s32 $0x10, v3  }
0x19a: {  	v21 =	vld [tilespmem:s20+$0xFFFFFFE0];
	vm1 =	vge.f32 v6, $5.000000000e-01;
	v6 =	vnsel vm0, $0xFFFFFFFF, v3;
	v22 =	vmpcnt.ones.xlane vm0  }
0x19b: {  	v23 =	vld [tilespmem:s20+$0xFFFFFFF0];
	vm2 =	vge.f32 v7, $5.000000000e-01;
	v5 =	vnsel vm1, $0xFFFFFFFF, v5;
	v7 =	vmpcnt.ones.xlane vm1;
	(xrf1) =	vsort.ascd.msk.u32 $0xffff, v6, v6  }
0x19c: {  	v6 =	vld [tilespmem:s20+$0x0];
	vm0 =	vge.f32 v11, $5.000000000e-01;
	v11 =	vnsel vm2, $0xFFFFFFFF, v20;
	v20 =	vmpcnt.ones.xlane vm2;
	(xrf1) =	vsort.ascd.msk.u32 $0xffff, v5, v5  }
0x19d: {  	v5 =	vld [tilespmem:s20+$0x10];
	vm1 =	vge.f32 v15, $5.000000000e-01;
	v15 =	vnsel vm0, $0xFFFFFFFF, v16;
	v16 =	vadd.s32 v4, v22;
	(xrf1) =	vsort.ascd.msk.u32 $0xffff, v11, v11  }
0x19e: {  	v11 =	vld [tilespmem:s20+$0x20];
	vm3 =	vge.f32 v19, $5.000000000e-01;
	v17 =	vnsel vm1, $0xFFFFFFFF, v17;
	v19 =	vmpcnt.ones.xlane vm1;
	(xrf1) =	vsort.ascd.msk.u32 $0xffff, v15, v15  }
0x19f: {  	v7 =	vadd.s32 v7, v16;
	v15 =	vld [tilespmem:s20+$0x30];
	vm1 =	vge.f32 v21, $5.000000000e-01;
	v18 =	vnsel vm3, $0xFFFFFFFF, v18;
	(xrf1) =	vsort.ascd.msk.u32 $0xffff, v17, v17  }
0x1a0: {  	v17 =	vld [tilespmem:s20+$0x40];
	vm2 =	vge.f32 v23, $5.000000000e-01;
	v12 =	vnsel vm1, $0xFFFFFFFF, v12;
	v21 =	vmpcnt.ones.xlane vm1;
	(xrf1) =	vsort.ascd.msk.u32 $0xffff, v18, v18  }
0x1a1: {  	v18 =	vld [tilespmem:s20+$0x50];
	vm4 =	vge.f32 v6, $5.000000000e-01;
	v6 =	vnsel vm2, $0xFFFFFFFF, v13;
	v13 =	vmpcnt.ones.xlane vm2;
	(xrf1) =	vsort.ascd.msk.u32 $0xffff, v12, v12  }
0x1a2: {  	v12 =	vld [tilespmem:s20+$0x60];
	vm5 =	vge.f32 v5, $5.000000000e-01;
	v5 =	vnsel vm4, $0xFFFFFFFF, v14;
	v14 =	vadd.s32 v20, v7;
	(xrf1) =	vsort.ascd.msk.u32 $0xffff, v6, v6  }
0x1a3: {  	v6 =	vld [tilespmem:s20+$0x70];
	vm6 =	vge.f32 v11, $5.000000000e-01;
	v8 =	vnsel vm5, $0xFFFFFFFF, v8;
	v11 =	vadd.s32 $0xA0, v3;
	(xrf1) =	vsort.ascd.msk.u32 $0xffff, v5, v5  }
0x1a4: {  	vm7 =	vge.f32 v15, $5.000000000e-01;
	v5 =	vnsel vm6, $0xFFFFFFFF, v11;
	v11 =	vadd.s32 $0xB0, v3;
	(xrf1) =	vsort.ascd.msk.u32 $0xffff, v8, v8  }
0x1a5: {  	vm1 =	vge.f32 v17, $5.000000000e-01;
	v8 =	vnsel vm7, $0xFFFFFFFF, v11;
	v11 =	vadd.s32 $0xC0, v3;
	(xrf1) =	vsort.ascd.msk.u32 $0xffff, v5, v5  }
0x1a6: {  	vm2 =	vge.f32 v18, $5.000000000e-01;
	v11 =	vnsel vm1, $0xFFFFFFFF, v11;
	v5 =	vmpcnt.ones.xlane vm1;
	(xrf1) =	vsort.ascd.msk.u32 $0xffff, v8, v8  }
0x1a7: {  	vm1 =	vge.f32 v12, $5.000000000e-01;
	v8 =	vnsel vm2, $0xFFFFFFFF, v9;
	v9 =	vmpcnt.ones.xlane vm0;
	(xrf1) =	vsort.ascd.msk.u32 $0xffff, v11, v11  }
0x1a8: {  	vm0 =	vge.f32 v6, $5.000000000e-01;
	v6 =	vnsel vm1, $0xFFFFFFFF, v10;
	v10 =	vadd.s32 $0xF0, v3;
	(xrf1) =	vsort.ascd.msk.u32 $0xffff, v8, v8  }
0x1a9: {  	v8 =	vnsel vm0, $0xFFFFFFFF, v10;
	v10 =	vmpcnt.ones.xlane vm3;
	v9 =	vadd.s32 v9, v14;
	v11, _, _ =	vpop (xrf1);
	(xrf1) =	vsort.ascd.msk.u32 $0xffff, v6, v6  }
0x1aa: {  	v12 =	vadd.s32 v19, v9;
	[tilespmem:v4+s16+$0x0] =	vst.idx.msk $0xffff, v11;
	v4, _, _ =	vpop (xrf1);
	(xrf1) =	vsort.ascd.msk.u32 $0xffff, v8, v8  }
.Ltmp7:
0x1ab: {  	v8 =	vadd.s32 v10, v12;
	[tilespmem:v16+s16+$0x0] =	vst.idx.msk $0xffff, v4;
	v4, _, _ =	vpop (xrf1);
	(pc) =	sbr.rel @p0 .LBB2_10-.Ltmp7, $4  }
0x1ac: {  	v10 =	vmpcnt.ones.xlane vm4;
	v6 =	vadd.s32 v21, v8;
	[tilespmem:v7+s16+$0x0] =	vst.idx.msk $0xffff, v4;
	v7, _, _ =	vpop (xrf1)  }
0x1ad: {  	v15 =	vmpcnt.ones.xlane vm5;
	v4 =	vadd.s32 v13, v6;
	[tilespmem:v14+s16+$0x0] =	vst.idx.msk $0xffff, v7;
	v13, _, _ =	vpop (xrf1)  }
0x1ae: {  	v11 =	vmpcnt.ones.xlane vm6;
	v7 =	vadd.s32 v10, v4;
	[tilespmem:v9+s16+$0x0] =	vst.idx.msk $0xffff, v13;
	v13, _, _ =	vpop (xrf1)  }
0x1af: {  	v10 =	vmpcnt.ones.xlane vm7;
	v9 =	vadd.s32 v15, v7;
	[tilespmem:v12+s16+$0x0] =	vst.idx.msk $0xffff, v13;
	v12, _, _ =	vpop (xrf1)  }
0x1b0: {  	_ =	sdelay $0x3  }
0x1b1: {  	v11 =	vadd.s32 v11, v9;
	[tilespmem:v8+s16+$0x0] =	vst.idx.msk $0xffff, v12;
	v8, _, _ =	vpop (xrf1)  }
0x1b2: {  	v31 =	vmpcnt.ones.xlane vm2;
	v10 =	vadd.s32 v10, v11;
	[tilespmem:v6+s16+$0x0] =	vst.idx.msk $0xffff, v8;
	v6, _, _ =	vpop (xrf1)  }
0x1b3: {  	v8 =	vmpcnt.ones.xlane vm1;
	v5 =	vadd.s32 v5, v10;
	[tilespmem:v4+s16+$0x0] =	vst.idx.msk $0xffff, v6;
	v4, _, _ =	vpop (xrf1)  }
0x1b4: {  	v6 =	vadd.s32 v31, v5;
	[tilespmem:v7+s16+$0x0] =	vst.idx.msk $0xffff, v4;
	v4, _, _ =	vpop (xrf1)  }
0x1b5: {  	v7 =	vadd.s32 v8, v6;
	[tilespmem:v9+s16+$0x0] =	vst.idx.msk $0xffff, v4;
	v4, _, _ =	vpop (xrf1)  }
0x1b6: {  	[tilespmem:v11+s16+$0x0] =	vst.idx.msk $0xffff, v4;
	v4, _, _ =	vpop (xrf1)  }
0x1b7: {  	[tilespmem:v10+s16+$0x0] =	vst.idx.msk $0xffff, v4;
	v4, _, _ =	vpop (xrf1)  }
0x1b8: {  	[tilespmem:v5+s16+$0x0] =	vst.idx.msk $0xffff, v4;
	v4, _, _ =	vpop (xrf1)  }
0x1b9: {  	[tilespmem:v6+s16+$0x0] =	vst.idx.msk $0xffff, v4;
	v4, _, _ =	vpop (xrf1)  }
0x1ba: {  	[tilespmem:v7+s16+$0x0] =	vst.idx.msk $0xffff, v4  }
0x1bb: {  	_ =	swait.ge [sflag:s15], $0x4000  }
0x1bc: {  	[sflag:s15] =	ssyncset.done $0x0  }
0x1bd: {  	s20 =	simm.s32 $0x0;
	[sflag:s15] =	ssyncadd.s32 $0xFFFFC000  }
0x1be: {  	v4 =	vmpcnt.ones.xlane vm0;
	v5 =	vld [tilespmem:s20+$0x4000]  }
0x1bf: {  	v6 =	vld [tilespmem:s20+$0x4010]  }
0x1c0: {  	v4 =	vadd.s32 v4, v7;
	v7 =	vld [tilespmem:s20+$0x4020]  }
0x1c1: {  	v32 =	vld [tilespmem:s20+$0x4030]  }
0x1c2: {  	v3 =	vadd.s32 $0x100, v3;
	v13 =	vld [tilespmem:s20+$0x4040]  }
0x1c3: {  	v33 =	vadd.s32 $0x70, v3;
	v34 =	vadd.s32 $0xD0, v3;
	v35 =	vadd.s32 $0xE0, v3;
	v17 =	vld [tilespmem:s20+$0x4050]  }
0x1c4: {  	v14 =	vadd.s32 $0x30, v3;
	v15 =	vadd.s32 $0x40, v3;
	v16 =	vadd.s32 $0x50, v3;
	v19 =	vld [tilespmem:s20+$0x4060]  }
0x1c5: {  	v18 =	vadd.s32 $0x20, v3;
	v42 =	vadd.s32 $0x60, v3;
	v21 =	vld [tilespmem:s20+$0x4070];
	vm8 =	vge.f32 v5, $5.000000000e-01  }
0x1c6: {  	v37 =	vld [tilespmem:s20+$0x4090];
	v5 =	vadd.s32 $0x10, v3;
	vm9 =	vge.f32 v6, $5.000000000e-01;
	v6 =	vnsel vm8, $0xFFFFFFFF, v3  }
0x1c7: {  	v46 =	vadd.s32 $0x80, v3;
	v40 =	vld [tilespmem:s20+$0x40A0];
	vm10 =	vge.f32 v7, $5.000000000e-01;
	v5 =	vnsel vm9, $0xFFFFFFFF, v5;
	(xrf1) =	vsort.ascd.msk.u32 $0xffff, v6, v6  }
0x1c8: {  	v48 =	vadd.s32 $0x90, v3;
	v7 =	vld [tilespmem:s20+$0x4080];
	vm11 =	vge.f32 v32, $5.000000000e-01;
	v36 =	vnsel vm10, $0xFFFFFFFF, v18;
	(xrf1) =	vsort.ascd.msk.u32 $0xffff, v5, v5  }
0x1c9: {  	v50 =	vadd.s32 $0xA0, v3;
	v47 =	vld [tilespmem:s20+$0x40E0];
	vm12 =	vge.f32 v13, $5.000000000e-01;
	v38 =	vnsel vm11, $0xFFFFFFFF, v14;
	(xrf1) =	vsort.ascd.msk.u32 $0xffff, v36, v36  }
0x1ca: {  	v52 =	vadd.s32 $0xB0, v3;
	vm3 =	vge.f32 v17, $5.000000000e-01;
	v15 =	vnsel vm12, $0xFFFFFFFF, v15;
	(xrf1) =	vsort.ascd.msk.u32 $0xffff, v38, v38  }
0x1cb: {  	v53 =	vadd.s32 $0xC0, v3;
	vm13 =	vge.f32 v19, $5.000000000e-01;
	v16 =	vnsel vm3, $0xFFFFFFFF, v16;
	(xrf1) =	vsort.ascd.msk.u32 $0xffff, v15, v15  }
0x1cc: {  	v8 =	vadd.s32 $0xF0, v3;
	v41 =	vld [tilespmem:s20+$0x40B0];
	vm4 =	vge.f32 v21, $5.000000000e-01;
	v17 =	vnsel vm13, $0xFFFFFFFF, v42;
	(xrf1) =	vsort.ascd.msk.u32 $0xffff, v16, v16  }
0x1cd: {  	v44 =	vld [tilespmem:s20+$0x40C0];
	vm6 =	vge.f32 v37, $5.000000000e-01;
	vm5 =	vge.f32 v7, $5.000000000e-01;
	v7 =	vnsel vm4, $0xFFFFFFFF, v33;
	(xrf1) =	vsort.ascd.msk.u32 $0xffff, v17, v17  }
0x1ce: {  	v45 =	vld [tilespmem:s20+$0x40D0];
	vm7 =	vge.f32 v40, $5.000000000e-01;
	vm14 =	vge.f32 v47, $5.000000000e-01;
	v10 =	vnsel vm5, $0xFFFFFFFF, v46;
	(xrf1) =	vsort.ascd.msk.u32 $0xffff, v7, v7  }
0x1cf: {  	v20 =	vmpcnt.ones.xlane vm8;
	v39 =	vmpcnt.ones.xlane vm11;
	v49 =	vnsel vm6, $0xFFFFFFFF, v48;
	(xrf1) =	vsort.ascd.msk.u32 $0xffff, v10, v10  }
0x1d0: {  	v43 =	vmpcnt.ones.xlane vm12;
	v51 =	vnsel vm7, $0xFFFFFFFF, v50;
	v6 =	vmpcnt.ones.xlane vm9;
	v7 =	vld [tilespmem:s20+$0x40F0];
	(xrf1) =	vsort.ascd.msk.u32 $0xffff, v49, v49  }
0x1d1: {  	vm8 =	vge.f32 v41, $5.000000000e-01;
	v5 =	vmpcnt.ones.xlane vm10;
	v55 =	vadd.s32 v4, v20;
	(xrf1) =	vsort.ascd.msk.u32 $0xffff, v51, v51  }
0x1d2: {  	vm9 =	vge.f32 v44, $5.000000000e-01;
	v13 =	vnsel vm8, $0xFFFFFFFF, v52;
	v6 =	vadd.s32 v6, v55  }
0x1d3: {  	vm10 =	vge.f32 v45, $5.000000000e-01;
	v54 =	vnsel vm9, $0xFFFFFFFF, v53;
	v5 =	vadd.s32 v5, v6;
	(xrf1) =	vsort.ascd.msk.u32 $0xffff, v13, v13  }
0x1d4: {  	v56 =	vmpcnt.ones.xlane vm3;
	v11 =	vnsel vm10, $0xFFFFFFFF, v34;
	v9 =	vadd.s32 v39, v5;
	(xrf1) =	vsort.ascd.msk.u32 $0xffff, v54, v54  }
0x1d5: {  	v58 =	vadd.s32 v43, v9;
	vm15 =	vge.f32 v7, $5.000000000e-01;
	v7 =	vnsel vm14, $0xFFFFFFFF, v35;
	(xrf1) =	vsort.ascd.msk.u32 $0xffff, v11, v11;
	v57, _, _ =	vpop (xrf1)  }
0x1d6: {  	v8 =	vnsel vm15, $0xFFFFFFFF, v8;
	(xrf1) =	vsort.ascd.msk.u32 $0xffff, v7, v7;
	v7 =	vmpcnt.ones.xlane vm13;
	[tilespmem:v4+s16+$0x0] =	vst.idx.msk $0xffff, v57;
	v4, _, _ =	vpop (xrf1)  }
0x1d7: {  	v10 =	vadd.s32 v56, v58;
	(xrf1) =	vsort.ascd.msk.u32 $0xffff, v8, v8;
	v8 =	vmpcnt.ones.xlane vm4;
	[tilespmem:v55+s16+$0x0] =	vst.idx.msk $0xffff, v4;
	v4, _, _ =	vpop (xrf1)  }
0x1d8: {  	v59 =	vmpcnt.ones.xlane vm5;
	v7 =	vadd.s32 v7, v10;
	[tilespmem:v6+s16+$0x0] =	vst.idx.msk $0xffff, v4;
	v4, _, _ =	vpop (xrf1)  }
0x1d9: {  	v6 =	vmpcnt.ones.xlane vm6;
	v8 =	vadd.s32 v8, v7;
	[tilespmem:v5+s16+$0x0] =	vst.idx.msk $0xffff, v4;
	v4, _, _ =	vpop (xrf1)  }
0x1da: {  	v11 =	vadd.s32 v59, v8;
	[tilespmem:v9+s16+$0x0] =	vst.idx.msk $0xffff, v4;
	v4, _, _ =	vpop (xrf1)  }
0x1db: {  	v5 =	vmpcnt.ones.xlane vm7;
	v6 =	vadd.s32 v6, v11;
	[tilespmem:v58+s16+$0x0] =	vst.idx.msk $0xffff, v4;
	v4, _, _ =	vpop (xrf1)  }
0x1dc: {  	v60 =	vmpcnt.ones.xlane vm8;
	[tilespmem:v10+s16+$0x0] =	vst.idx.msk $0xffff, v4;
	v4, _, _ =	vpop (xrf1)  }
0x1dd: {  	v61 =	vmpcnt.ones.xlane vm9;
	v5 =	vadd.s32 v5, v6;
	[tilespmem:v7+s16+$0x0] =	vst.idx.msk $0xffff, v4;
	v4, _, _ =	vpop (xrf1)  }
0x1de: {  	v62 =	vmpcnt.ones.xlane vm10;
	v9 =	vadd.s32 v60, v5;
	[tilespmem:v8+s16+$0x0] =	vst.idx.msk $0xffff, v4;
	v4, _, _ =	vpop (xrf1)  }
0x1df: {  	v7 =	vadd.s32 v61, v9;
	[tilespmem:v11+s16+$0x0] =	vst.idx.msk $0xffff, v4;
	v4, _, _ =	vpop (xrf1)  }
0x1e0: {  	v8 =	vadd.s32 v62, v7;
	[tilespmem:v6+s16+$0x0] =	vst.idx.msk $0xffff, v4;
	v6 =	vmpcnt.ones.xlane vm14  }
0x1e1: {  	v4, _, _ =	vpop (xrf1)  }
0x1e2: {  	[tilespmem:v5+s16+$0x0] =	vst.idx.msk $0xffff, v4;
	v4, _, _ =	vpop (xrf1);
	v5 =	vadd.s32 v6, v8  }
0x1e3: {  	v63 =	vmpcnt.ones.xlane vm15;
	[tilespmem:v9+s16+$0x0] =	vst.idx.msk $0xffff, v4;
	v4, _, _ =	vpop (xrf1)  }
0x1e4: {  	[tilespmem:v7+s16+$0x0] =	vst.idx.msk $0xffff, v4;
	v6, _, _ =	vpop (xrf1)  }
0x1e5: {  	s21 =	simm.s32 $0x400;
	s20 =	simm.s32 $0x800;
	v4 =	vadd.s32 v63, v5;
	[tilespmem:v8+s16+$0x0] =	vst.idx.msk $0xffff, v6;
	v6, _, _ =	vpop (xrf1)  }
.LBB2_12:
0x1e6: {  	p0 =	sne.s32 s20, $0xFC00  }
0x1e7: {  	s22 =	sshra.s32 s21, $0x2;
	[tilespmem:v5+s16+$0x0] =	vst.idx.msk $0xffff, v6;
	v3 =	vadd.s32 $0x100, v3;
	s21 =	smov.u32 s20;
	s20 =	sadd.s32 $0x400, s20  }
0x1e8: {  	v5 =	vld [tilespmem:s22+$0x4000]  }
0x1e9: {  	v6 =	vld [tilespmem:s22+$0x4010]  }
0x1ea: {  	v8 =	vadd.s32 $0xF0, v3;
	v7 =	vld [tilespmem:s22+$0x4020]  }
0x1eb: {  	v10 =	vadd.s32 $0x70, v3;
	v11 =	vadd.s32 $0xD0, v3;
	v12 =	vadd.s32 $0xE0, v3;
	v9 =	vld [tilespmem:s22+$0x4030]  }
0x1ec: {  	v14 =	vadd.s32 $0x30, v3;
	v15 =	vadd.s32 $0x40, v3;
	v16 =	vadd.s32 $0x50, v3;
	v13 =	vld [tilespmem:s22+$0x4040]  }
0x1ed: {  	v18 =	vadd.s32 $0x20, v3;
	v17 =	vld [tilespmem:s22+$0x4050];
	vm0 =	vge.f32 v5, $5.000000000e-01;
	v5 =	vadd.s32 $0x10, v3  }
0x1ee: {  	v19 =	vld [tilespmem:s22+$0x4060];
	vm1 =	vge.f32 v6, $5.000000000e-01;
	v6 =	vnsel vm0, $0xFFFFFFFF, v3;
	v20 =	vmpcnt.ones.xlane vm0  }
0x1ef: {  	v21 =	vld [tilespmem:s22+$0x4070];
	vm0 =	vge.f32 v7, $5.000000000e-01;
	v5 =	vnsel vm1, $0xFFFFFFFF, v5;
	v7 =	vmpcnt.ones.xlane vm1;
	(xrf1) =	vsort.ascd.msk.u32 $0xffff, v6, v6  }
0x1f0: {  	v6 =	vld [tilespmem:s22+$0x4080];
	vm1 =	vge.f32 v9, $5.000000000e-01;
	v9 =	vnsel vm0, $0xFFFFFFFF, v18;
	v18 =	vmpcnt.ones.xlane vm0;
	(xrf1) =	vsort.ascd.msk.u32 $0xffff, v5, v5  }
0x1f1: {  	v5 =	vld [tilespmem:s22+$0x4090];
	vm2 =	vge.f32 v13, $5.000000000e-01;
	v13 =	vnsel vm1, $0xFFFFFFFF, v14;
	v14 =	vmpcnt.ones.xlane vm1;
	(xrf1) =	vsort.ascd.msk.u32 $0xffff, v9, v9  }
0x1f2: {  	v9 =	vld [tilespmem:s22+$0x40A0];
	vm0 =	vge.f32 v17, $5.000000000e-01;
	v15 =	vnsel vm2, $0xFFFFFFFF, v15;
	v17 =	vmpcnt.ones.xlane vm2;
	(xrf1) =	vsort.ascd.msk.u32 $0xffff, v13, v13  }
0x1f3: {  	v13 =	vld [tilespmem:s22+$0x40B0];
	vm2 =	vge.f32 v19, $5.000000000e-01;
	v16 =	vnsel vm0, $0xFFFFFFFF, v16;
	v19 =	vadd.s32 $0x60, v3;
	(xrf1) =	vsort.ascd.msk.u32 $0xffff, v15, v15  }
0x1f4: {  	v15 =	vld [tilespmem:s22+$0x40C0];
	vm1 =	vge.f32 v21, $5.000000000e-01;
	v19 =	vnsel vm2, $0xFFFFFFFF, v19;
	v21 =	vmpcnt.ones.xlane vm2;
	(xrf1) =	vsort.ascd.msk.u32 $0xffff, v16, v16  }
0x1f5: {  	v16 =	vld [tilespmem:s22+$0x40D0];
	vm2 =	vge.f32 v6, $5.000000000e-01;
	v6 =	vnsel vm1, $0xFFFFFFFF, v10;
	v10 =	vadd.s32 $0x80, v3;
	(xrf1) =	vsort.ascd.msk.u32 $0xffff, v19, v19  }
0x1f6: {  	v19 =	vld [tilespmem:s22+$0x40E0];
	vm3 =	vge.f32 v5, $5.000000000e-01;
	v5 =	vnsel vm2, $0xFFFFFFFF, v10;
	v10 =	vadd.s32 $0x90, v3;
	(xrf1) =	vsort.ascd.msk.u32 $0xffff, v6, v6  }
0x1f7: {  	v6 =	vld [tilespmem:s22+$0x40F0];
	vm4 =	vge.f32 v9, $5.000000000e-01;
	v9 =	vnsel vm3, $0xFFFFFFFF, v10;
	v10 =	vadd.s32 $0xA0, v3;
	(xrf1) =	vsort.ascd.msk.u32 $0xffff, v5, v5  }
0x1f8: {  	vm5 =	vge.f32 v13, $5.000000000e-01;
	v5 =	vnsel vm4, $0xFFFFFFFF, v10;
	v10 =	vadd.s32 $0xB0, v3;
	(xrf1) =	vsort.ascd.msk.u32 $0xffff, v9, v9  }
0x1f9: {  	vm6 =	vge.f32 v15, $5.000000000e-01;
	v9 =	vnsel vm5, $0xFFFFFFFF, v10;
	v10 =	vadd.s32 $0xC0, v3;
	(xrf1) =	vsort.ascd.msk.u32 $0xffff, v5, v5  }
0x1fa: {  	vm7 =	vge.f32 v16, $5.000000000e-01;
	v5 =	vnsel vm6, $0xFFFFFFFF, v10;
	v10 =	vadd.s32 v4, v20;
	(xrf1) =	vsort.ascd.msk.u32 $0xffff, v9, v9  }
0x1fb: {  	vm8 =	vge.f32 v19, $5.000000000e-01;
	v9 =	vnsel vm7, $0xFFFFFFFF, v11;
	v7 =	vadd.s32 v7, v10;
	(xrf1) =	vsort.ascd.msk.u32 $0xffff, v5, v5  }
0x1fc: {  	vm9 =	vge.f32 v6, $5.000000000e-01;
	v5 =	vnsel vm8, $0xFFFFFFFF, v12;
	v6 =	vadd.s32 v18, v7;
	(xrf1) =	vsort.ascd.msk.u32 $0xffff, v9, v9  }
0x1fd: {  	v9 =	vmpcnt.ones.xlane vm0;
	v8 =	vnsel vm9, $0xFFFFFFFF, v8;
	v11 =	vadd.s32 v14, v6;
	v12, _, _ =	vpop (xrf1);
	(xrf1) =	vsort.ascd.msk.u32 $0xffff, v5, v5  }
0x1fe: {  	v5 =	vadd.s32 v17, v11;
	[tilespmem:v4+s16+$0x0] =	vst.idx.msk $0xffff, v12;
	v4, _, _ =	vpop (xrf1);
	(xrf1) =	vsort.ascd.msk.u32 $0xffff, v8, v8  }
0x1ff: {  	v8 =	vmpcnt.ones.xlane vm1;
	v9 =	vadd.s32 v9, v5;
	[tilespmem:v10+s16+$0x0] =	vst.idx.msk $0xffff, v4;
	v4, _, _ =	vpop (xrf1)  }
0x200: {  	v10 =	vmpcnt.ones.xlane vm2;
	v12 =	vadd.s32 v21, v9;
	[tilespmem:v7+s16+$0x0] =	vst.idx.msk $0xffff, v4;
	v4, _, _ =	vpop (xrf1)  }
0x201: {  	v7 =	vmpcnt.ones.xlane vm3;
	v8 =	vadd.s32 v8, v12;
	[tilespmem:v6+s16+$0x0] =	vst.idx.msk $0xffff, v4;
	v4, _, _ =	vpop (xrf1)  }
0x202: {  	v6 =	vmpcnt.ones.xlane vm4;
	v10 =	vadd.s32 v10, v8;
	[tilespmem:v11+s16+$0x0] =	vst.idx.msk $0xffff, v4;
	v4, _, _ =	vpop (xrf1)  }
0x203: {  	v11 =	vmpcnt.ones.xlane vm5;
	v7 =	vadd.s32 v7, v10;
	[tilespmem:v5+s16+$0x0] =	vst.idx.msk $0xffff, v4;
	v4, _, _ =	vpop (xrf1)  }
0x204: {  	v5 =	vmpcnt.ones.xlane vm6;
	v6 =	vadd.s32 v6, v7;
	[tilespmem:v9+s16+$0x0] =	vst.idx.msk $0xffff, v4;
	v4, _, _ =	vpop (xrf1)  }
0x205: {  	v9 =	vmpcnt.ones.xlane vm7;
	v11 =	vadd.s32 v11, v6;
	[tilespmem:v12+s16+$0x0] =	vst.idx.msk $0xffff, v4;
	v4, _, _ =	vpop (xrf1)  }
0x206: {  	v12 =	vmpcnt.ones.xlane vm8;
	v13 =	vadd.s32 v5, v11;
	[tilespmem:v8+s16+$0x0] =	vst.idx.msk $0xffff, v4;
	v4, _, _ =	vpop (xrf1)  }
0x207: {  	v8 =	vmpcnt.ones.xlane vm9;
	v9 =	vadd.s32 v9, v13;
	[tilespmem:v10+s16+$0x0] =	vst.idx.msk $0xffff, v4;
	v4, _, _ =	vpop (xrf1)  }
.Ltmp8:
0x208: {  	v5 =	vadd.s32 v12, v9;
	[tilespmem:v7+s16+$0x0] =	vst.idx.msk $0xffff, v4;
	v7, _, _ =	vpop (xrf1);
	(pc) =	sbr.rel @p0 .LBB2_12-.Ltmp8, $4  }
0x209: {  	v4 =	vadd.s32 v8, v5;
	[tilespmem:v6+s16+$0x0] =	vst.idx.msk $0xffff, v7;
	v6, _, _ =	vpop (xrf1)  }
0x20a: {  	[tilespmem:v11+s16+$0x0] =	vst.idx.msk $0xffff, v6;
	v6, _, _ =	vpop (xrf1)  }
0x20b: {  	[tilespmem:v13+s16+$0x0] =	vst.idx.msk $0xffff, v6;
	v6, _, _ =	vpop (xrf1)  }
0x20c: {  	[tilespmem:v9+s16+$0x0] =	vst.idx.msk $0xffff, v6;
	v6, _, _ =	vpop (xrf1)  }
0x20d: {  	_ =	sdelay $0x3  }
0x20e: {  	s20 =	sshra.s32 s21, $0x2;
	[tilespmem:v5+s16+$0x0] =	vst.idx.msk $0xffff, v6  }
0x20f: {  	v5 =	vld [tilespmem:s20+$0x4000]  }
0x210: {  	v6 =	vld [tilespmem:s20+$0x4010]  }
0x211: {  	v7 =	vld [tilespmem:s20+$0x4020]  }
0x212: {  	v8 =	vld [tilespmem:s20+$0x4030]  }
0x213: {  	v9 =	vld [tilespmem:s20+$0x4040]  }
0x214: {  	v10 =	vld [tilespmem:s20+$0x4050];
	vm4 =	vge.f32 v5, $5.000000000e-01  }
0x215: {  	v49 =	vld [tilespmem:s20+$0x4060];
	vm5 =	vge.f32 v6, $5.000000000e-01;
	v50 =	vmpcnt.ones.xlane vm4  }
0x216: {  	v11 =	vld [tilespmem:s20+$0x4070];
	vm6 =	vge.f32 v7, $5.000000000e-01;
	v51 =	vmpcnt.ones.xlane vm5  }
0x217: {  	v12 =	vld [tilespmem:s20+$0x4080];
	vm7 =	vge.f32 v8, $5.000000000e-01;
	v52 =	vmpcnt.ones.xlane vm6;
	v16 =	vadd.s32 v4, v50  }
0x218: {  	v53 =	vld [tilespmem:s20+$0x4090];
	vm9 =	vge.f32 v9, $5.000000000e-01;
	v54 =	vmpcnt.ones.xlane vm7;
	v17 =	vadd.s32 v51, v16  }
0x219: {  	v55 =	vld [tilespmem:s20+$0x40A0];
	vm10 =	vge.f32 v10, $5.000000000e-01;
	v56 =	vmpcnt.ones.xlane vm9;
	v18 =	vadd.s32 v52, v17  }
0x21a: {  	v57 =	vld [tilespmem:s20+$0x40B0];
	vm12 =	vge.f32 v49, $5.000000000e-01;
	v58 =	vmpcnt.ones.xlane vm10;
	v19 =	vadd.s32 v54, v18  }
0x21b: {  	v59 =	vld [tilespmem:s20+$0x40C0];
	vm13 =	vge.f32 v11, $5.000000000e-01;
	v60 =	vmpcnt.ones.xlane vm12;
	v15 =	vadd.s32 v56, v19  }
0x21c: {  	v20 =	vld [tilespmem:s20+$0x40D0];
	vm14 =	vge.f32 v12, $5.000000000e-01;
	v61 =	vmpcnt.ones.xlane vm13;
	v14 =	vadd.s32 v58, v15  }
0x21d: {  	v62 =	vld [tilespmem:s20+$0x40E0];
	vm15 =	vge.f32 v53, $5.000000000e-01;
	v63 =	vmpcnt.ones.xlane vm14;
	v13 =	vadd.s32 v60, v14  }
0x21e: {  	v21 =	vld [tilespmem:s20+$0x40F0];
	vm11 =	vge.f32 v55, $5.000000000e-01;
	v23 =	vmpcnt.ones.xlane vm15;
	v24 =	vadd.s32 v61, v13  }
0x21f: {  	vm8 =	vge.f32 v57, $5.000000000e-01;
	v25 =	vmpcnt.ones.xlane vm11;
	v26 =	vadd.s32 v63, v24  }
0x220: {  	vm3 =	vge.f32 v59, $5.000000000e-01;
	v27 =	vmpcnt.ones.xlane vm8;
	v28 =	vadd.s32 v23, v26  }
0x221: {  	vm1 =	vge.f32 v20, $5.000000000e-01;
	v29 =	vmpcnt.ones.xlane vm3;
	v30 =	vadd.s32 v25, v28  }
0x222: {  	vm2 =	vge.f32 v62, $5.000000000e-01;
	v31 =	vmpcnt.ones.xlane vm1;
	v8 =	vadd.s32 v27, v30  }
0x223: {  	vm0 =	vge.f32 v21, $5.000000000e-01;
	v32 =	vmpcnt.ones.xlane vm2;
	v7 =	vadd.s32 v29, v8  }
0x224: {  	v21 =	vmpcnt.ones.xlane vm0;
	v33 =	vadd.s32 v31, v7  }
0x225: {  	v5 =	vadd.s32 v32, v33  }
0x226: {  	v20 =	vadd.s32 v21, v5  }
0x227: {  	v3 =	vadd.s32 $0x100, v3;
	(v2sf) =	vpush v20, $0x0  }
0x228: {  	v22 =	vadd.s32 $0x10, v3;
	v34 =	vnsel vm4, $0xFFFFFFFF, v3  }
0x229: {  	v35 =	vadd.s32 $0x20, v3;
	v22 =	vnsel vm5, $0xFFFFFFFF, v22;
	(xrf1) =	vsort.ascd.msk.u32 $0xffff, v34, v34  }
0x22a: {  	v36 =	vadd.s32 $0x30, v3;
	(xrf1) =	vsort.ascd.msk.u32 $0xffff, v22, v22;
	v21 =	vnsel vm6, $0xFFFFFFFF, v35  }
0x22b: {  	v37 =	vadd.s32 $0x40, v3;
	v22 =	vnsel vm7, $0xFFFFFFFF, v36;
	(xrf1) =	vsort.ascd.msk.u32 $0xffff, v21, v21  }
0x22c: {  	v38 =	vadd.s32 $0x50, v3;
	v21 =	vnsel vm9, $0xFFFFFFFF, v37;
	(xrf1) =	vsort.ascd.msk.u32 $0xffff, v22, v22  }
0x22d: {  	v39 =	vadd.s32 $0x60, v3;
	v22 =	vnsel vm10, $0xFFFFFFFF, v38;
	(xrf1) =	vsort.ascd.msk.u32 $0xffff, v21, v21  }
0x22e: {  	v40 =	vadd.s32 $0x70, v3;
	v21 =	vnsel vm12, $0xFFFFFFFF, v39;
	(xrf1) =	vsort.ascd.msk.u32 $0xffff, v22, v22  }
0x22f: {  	v41 =	vadd.s32 $0x80, v3;
	v22 =	vnsel vm13, $0xFFFFFFFF, v40;
	(xrf1) =	vsort.ascd.msk.u32 $0xffff, v21, v21  }
0x230: {  	v42 =	vadd.s32 $0x90, v3;
	v21 =	vnsel vm14, $0xFFFFFFFF, v41;
	(xrf1) =	vsort.ascd.msk.u32 $0xffff, v22, v22  }
0x231: {  	v43 =	vadd.s32 $0xA0, v3;
	v22 =	vnsel vm15, $0xFFFFFFFF, v42;
	(xrf1) =	vsort.ascd.msk.u32 $0xffff, v21, v21  }
0x232: {  	v44 =	vadd.s32 $0xB0, v3;
	v21 =	vnsel vm11, $0xFFFFFFFF, v43;
	(xrf1) =	vsort.ascd.msk.u32 $0xffff, v22, v22  }
0x233: {  	v45 =	vadd.s32 $0xC0, v3;
	v22 =	vnsel vm8, $0xFFFFFFFF, v44;
	(xrf1) =	vsort.ascd.msk.u32 $0xffff, v21, v21  }
0x234: {  	v46 =	vadd.s32 $0xD0, v3;
	v21 =	vnsel vm3, $0xFFFFFFFF, v45;
	(xrf1) =	vsort.ascd.msk.u32 $0xffff, v22, v22  }
0x235: {  	v47 =	vadd.s32 $0xE0, v3;
	v3 =	vadd.s32 $0xF0, v3;
	v22 =	vnsel vm1, $0xFFFFFFFF, v46;
	(xrf1) =	vsort.ascd.msk.u32 $0xffff, v21, v21  }
0x236: {  	v3 =	vnsel vm0, $0xFFFFFFFF, v3;
	v21 =	vnsel vm2, $0xFFFFFFFF, v47;
	(xrf1) =	vsort.ascd.msk.u32 $0xffff, v22, v22;
	s25 =	spop (v2sf)  }
0x237: {  	v48, _, _ =	vpop (xrf1);
	(xrf1) =	vsort.ascd.msk.u32 $0xffff, v21, v21;
	s26 =	sand.u32 $0xF, s25  }
0x238: {  	[tilespmem:v4+s16+$0x0] =	vst.idx.msk $0xffff, v48;
	v49, _, _ =	vpop (xrf1);
	(xrf1) =	vsort.ascd.msk.u32 $0xffff, v3, v3;
	s22 =	sshra.s32 s25, $0x1F;
	p0 =	slt.s32 s25, $0x1;
	p1 =	sne.s32 s26, $0x0  }
0x239: {  	[tilespmem:v16+s16+$0x0] =	vst.idx.msk $0xffff, v49;
	v3, _, _ =	vpop (xrf1);
	s28 =	sshrl.u32 s22, $0x1C;
	p0 =	por !p0, !p1  }
0x23a: {  	s21 =	simm.s32 $0x1;
	[tilespmem:v17+s16+$0x0] =	vst.idx.msk $0xffff, v3;
	v3, _, _ =	vpop (xrf1);
	s20 =	sadd.s32 s28, s25;
	p0 =	por !p0, !p0  }
0x23b: {  	[tilespmem:v18+s16+$0x0] =	vst.idx.msk $0xffff, v3;
	v3, _, _ =	vpop (xrf1);
	s20 =	sshra.s32 s20, $0x4;
	s21 =	simm.s32 @!p0 $0x0  }
0x23c: {  	[tilespmem:v19+s16+$0x0] =	vst.idx.msk $0xffff, v3;
	v3, _, _ =	vpop (xrf1);
	s20 =	ssub.s32 s20, s21  }
0x23d: {  	[tilespmem:v15+s16+$0x0] =	vst.idx.msk $0xffff, v3;
	v3, _, _ =	vpop (xrf1);
	s21 =	sadd.s32 $0x10, s20;
	s29 =	sand.u32 $0xF, s20  }
0x23e: {  	v2 =	vadd.s32 v2, v20;
	[tilespmem:v14+s16+$0x0] =	vst.idx.msk $0xffff, v3;
	v3, _, _ =	vpop (xrf1);
	p5 =	slt.s32 s20, $0xFFFFFFF1;
	s23 =	sshra.s32 s21, $0x1F;
	p6 =	sne.s32 s29, $0x0  }
0x23f: {  	v50 =	vand.u32 $0xFFFFFFF0, v2;
	[tilespmem:v13+s16+$0x0] =	vst.idx.msk $0xffff, v3;
	v3, _, _ =	vpop (xrf1);
	s30 =	sshrl.u32 s23, $0x1C;
	p0 =	por !p5, !p6  }
0x240: {  	v4 =	vor.u32 v1, v50;
	s22 =	simm.s32 $0x1;
	[tilespmem:v24+s16+$0x0] =	vst.idx.msk $0xffff, v3;
	v3, _, _ =	vpop (xrf1);
	s21 =	sadd.s32 s30, s21;
	p0 =	por !p0, !p0  }
0x241: {  	vm7 =	vge.s32 v4, v2;
	vm8 =	vlt.s32 v4, $0x8000;
	[tilespmem:v26+s16+$0x0] =	vst.idx.msk $0xffff, v3;
	v3, _, _ =	vpop (xrf1);
	s31 =	sshra.s32 s21, $0x4;
	s22 =	simm.s32 @!p0 $0x0;
	s21 =	sshll.u32 s20, $0x4  }
0x242: {  	v2 =	vand.u32 $0xFFFFFF80, v2;
	v4 =	vand.u32 $0x7F, v4;
	vm0 =	vmand vm7, vm8;
	[tilespmem:v28+s16+$0x0] =	vst.idx.msk $0xffff, v3;
	v3, _, _ =	vpop (xrf1);
	s20 =	ssub.s32 s31, s22;
	s24 =	sadd.s32 $0x10, s21;
	s25 =	sadd.s32 $0x20, s21  }
0x243: {  	v2 =	vor.u32 v2, v4;
	[tilespmem:v30+s16+$0x0] =	vst.idx.msk $0xffff, v3;
	v3, _, _ =	vpop (xrf1);
	s26 =	sadd.s32 $0x30, s21;
	s28 =	sadd.s32 $0x40, s21;
	s29 =	sadd.s32 $0x50, s21;
	v51 =	vor.u32 s24, v1;
	v52 =	vor.u32 s25, v1  }
0x244: {  	[tilespmem:v8+s16+$0x0] =	vst.idx.msk $0xffff, v3;
	v3, _, _ =	vpop (xrf1);
	s30 =	sadd.s32 $0x60, s21;
	s31 =	sadd.s32 $0x70, s21;
	s22 =	sshll.u32 s20, $0x8;
	v53 =	vor.u32 s26, v1;
	v54 =	vor.u32 s28, v1;
	v55 =	vor.u32 s29, v1  }
0x245: {  	[tilespmem:v7+s16+$0x0] =	vst.idx.msk $0xffff, v3;
	v3, _, _ =	vpop (xrf1);
	v56 =	vor.u32 s30, v1;
	v57 =	vor.u32 s31, v1;
	vm9 =	vlt.s32 v51, s22  }
0x246: {  	[tilespmem:v33+s16+$0x0] =	vst.idx.msk $0xffff, v3;
	v3, _, _ =	vpop (xrf1);
	vm10 =	vlt.s32 v51, $0x8000;
	vm11 =	vlt.s32 v52, s22;
	vm12 =	vlt.s32 v52, $0x8000  }
0x247: {  	s24 =	sadd.s32 $0x80, s21;
	s25 =	sadd.s32 $0x90, s21;
	[tilespmem:v5+s16+$0x0] =	vst.idx.msk $0xffff, v3;
	s26 =	sadd.s32 $0xA0, s21;
	vm13 =	vlt.s32 v53, s22;
	vm14 =	vlt.s32 v53, $0x8000;
	vm15 =	vlt.s32 v54, s22  }
0x248: {  	s28 =	sadd.s32 $0xB0, s21;
	s29 =	sadd.s32 $0xC0, s21;
	v58 =	vor.u32 s24, v1;
	v3 =	vor.u32 s25, v1;
	[tilespmem:v2+s16+$0x0] =	vst.idx.msk vm0, v0;
	v2 =	vor.u32 s26, v1  }
0x249: {  	s30 =	sadd.s32 $0xD0, s21;
	s31 =	sadd.s32 $0xE0, s21;
	v59 =	vor.u32 s28, v1;
	v60 =	vor.u32 s29, v1;
	vm1 =	vmand vm10, vm9  }
0x24a: {  	s21 =	sadd.s32 $0xF0, s21;
	v61 =	vor.u32 s30, v1;
	v62 =	vor.u32 s31, v1;
	vm2 =	vmand vm12, vm11  }
0x24b: {  	v63 =	vor.u32 s21, v1;
	vm9 =	vlt.s32 v54, $0x8000;
	vm4 =	vmand vm14, vm13  }
0x24c: {  	vm10 =	vlt.s32 v55, s22;
	vm11 =	vlt.s32 v55, $0x8000;
	vm3 =	vmand vm9, vm15  }
0x24d: {  	vm12 =	vlt.s32 v56, s22;
	vm13 =	vlt.s32 v56, $0x8000;
	vm5 =	vmand vm11, vm10  }
0x24e: {  	vm14 =	vlt.s32 v57, s22;
	vm15 =	vlt.s32 v57, $0x8000;
	vm7 =	vmand vm13, vm12  }
0x24f: {  	vm12 =	vlt.s32 v58, s22;
	vm13 =	vlt.s32 v58, $0x8000;
	vm6 =	vmand vm15, vm14;
	[tilespmem:v51+s16+$0x0] =	vst.idx.msk vm1, v0  }
0x250: {  	vm0 =	vmand vm13, vm12;
	vm14 =	vlt.s32 v3, s22;
	vm15 =	vlt.s32 v3, $0x8000;
	[tilespmem:v52+s16+$0x0] =	vst.idx.msk vm2, v0  }
0x251: {  	vm12 =	vlt.s32 v2, s22;
	vm13 =	vlt.s32 v2, $0x8000;
	vm1 =	vmand vm15, vm14;
	[tilespmem:v53+s16+$0x0] =	vst.idx.msk vm4, v0  }
0x252: {  	vm14 =	vlt.s32 v59, s22;
	vm15 =	vlt.s32 v59, $0x8000;
	vm2 =	vmand vm13, vm12;
	[tilespmem:v54+s16+$0x0] =	vst.idx.msk vm3, v0  }
0x253: {  	vm12 =	vlt.s32 v60, s22;
	vm13 =	vlt.s32 v60, $0x8000;
	vm3 =	vmand vm15, vm14;
	[tilespmem:v55+s16+$0x0] =	vst.idx.msk vm5, v0  }
0x254: {  	vm4 =	vmand vm13, vm12;
	vm14 =	vlt.s32 v61, s22;
	vm15 =	vlt.s32 v61, $0x8000;
	[tilespmem:v56+s16+$0x0] =	vst.idx.msk vm7, v0  }
0x255: {  	vm10 =	vlt.s32 v62, s22;
	vm11 =	vlt.s32 v62, $0x8000;
	vm9 =	vmand vm15, vm14;
	[tilespmem:v57+s16+$0x0] =	vst.idx.msk vm6, v0  }
0x256: {  	vm12 =	vmand vm11, vm10;
	vm13 =	vlt.s32 v63, s22;
	vm14 =	vlt.s32 v63, $0x8000;
	[tilespmem:v58+s16+$0x0] =	vst.idx.msk vm0, v0  }
0x257: {  	vm15 =	vmand vm14, vm13;
	[tilespmem:v3+s16+$0x0] =	vst.idx.msk vm1, v0  }
0x258: {  	p0 =	sgt.s32 s20, $0x53;
	[tilespmem:v2+s16+$0x0] =	vst.idx.msk vm2, v0  }
.Ltmp9:
0x259: {  	[tilespmem:v59+s16+$0x0] =	vst.idx.msk vm3, v0;
	(pc) =	sbr.rel @p0 .LBB2_17-.Ltmp9, $4  }
0x25a: {  	[tilespmem:v60+s16+$0x0] =	vst.idx.msk vm4, v0  }
0x25b: {  	[tilespmem:v61+s16+$0x0] =	vst.idx.msk vm9, v0  }
0x25c: {  	[tilespmem:v62+s16+$0x0] =	vst.idx.msk vm12, v0  }
0x25d: {  	[tilespmem:v63+s16+$0x0] =	vst.idx.msk vm15, v0  }
0x25e: {  	s21 =	sshll.u32 s20, $0xA  }
0x25f: {  	s21 =	sshra.s32 s21, $0x2  }
0x260: {  	s21 =	sadd.s32 $0x10080, s21  }
0x261: {  	[tilespmem:s21+$0xFFFFFF80] =	vst v0  }
0x262: {  	[tilespmem:s21+$0x70] =	vst v0  }
0x263: {  	[tilespmem:s21+$0x60] =	vst v0  }
0x264: {  	[tilespmem:s21+$0x50] =	vst v0  }
0x265: {  	[tilespmem:s21+$0x40] =	vst v0  }
0x266: {  	[tilespmem:s21+$0x30] =	vst v0  }
0x267: {  	[tilespmem:s21+$0x20] =	vst v0  }
0x268: {  	[tilespmem:s21+$0x10] =	vst v0  }
0x269: {  	s31 =	ssub.s32 $0x54, s20;
	[tilespmem:s21+$0x0] =	vst v0  }
0x26a: {  	p0 =	sne.s32 s31, $0x1;
	[tilespmem:s21+$0xFFFFFFF0] =	vst v0  }
.Ltmp10:
0x26b: {  	[tilespmem:s21+$0xFFFFFFE0] =	vst v0;
	(pc) =	sbr.rel @!p0 .LBB2_16-.Ltmp10, $4  }
0x26c: {  	[tilespmem:s21+$0xFFFFFFD0] =	vst v0  }
0x26d: {  	[tilespmem:s21+$0xFFFFFFC0] =	vst v0  }
0x26e: {  	[tilespmem:s21+$0xFFFFFFB0] =	vst v0  }
0x26f: {  	s20 =	sadd.s32 $0xFFFFFFFF, s31;
	[tilespmem:s21+$0xFFFFFFA0] =	vst v0  }
.LBB2_15:
0x270: {  	p0 =	sne.s32 s20, $0x1;
	s20 =	sadd.s32 $0xFFFFFFFF, s20;
	[tilespmem:s21+$0xFFFFFF90] =	vst v0;
	s21 =	sadd.s32 $0x100, s21  }
0x271: {  	[tilespmem:s21+$0xFFFFFF80] =	vst v0  }
0x272: {  	[tilespmem:s21+$0x70] =	vst v0  }
0x273: {  	[tilespmem:s21+$0x60] =	vst v0  }
0x274: {  	[tilespmem:s21+$0x50] =	vst v0  }
0x275: {  	[tilespmem:s21+$0x40] =	vst v0  }
0x276: {  	[tilespmem:s21+$0x30] =	vst v0  }
0x277: {  	[tilespmem:s21+$0x20] =	vst v0  }
0x278: {  	[tilespmem:s21+$0x10] =	vst v0  }
0x279: {  	[tilespmem:s21+$0x0] =	vst v0  }
0x27a: {  	[tilespmem:s21+$0xFFFFFFF0] =	vst v0  }
.Ltmp11:
0x27b: {  	[tilespmem:s21+$0xFFFFFFE0] =	vst v0;
	(pc) =	sbr.rel @p0 .LBB2_15-.Ltmp11, $4  }
0x27c: {  	[tilespmem:s21+$0xFFFFFFD0] =	vst v0  }
0x27d: {  	[tilespmem:s21+$0xFFFFFFC0] =	vst v0  }
0x27e: {  	[tilespmem:s21+$0xFFFFFFB0] =	vst v0  }
0x27f: {  	[tilespmem:s21+$0xFFFFFFA0] =	vst v0  }
.Ltmp12:
0x280: {  	_ = 	snop;
	(pc) =	sbr.rel .LBB2_16-.Ltmp12, $1  }
0x281: {  	_ =	sdelay $0x3  }
.LBB2_18:
0x282: {  	_ =	sfence.sel $0x180000  }
0x283: {  	[bflag:$0x0] =	sbarrier.arrive $0xFFFF  }
0x284: {  	p0 =	sne.s32 s1, $0x0;
	_ =	strace $0x90000047  }
0x285: {  	s0 =	sadd.s32 @!p0 $0x100000, s0;
	[bflag:$0x2] =	sbarrier.arrive $0xFFFF  }
0x286: {  	[sflag:s0] =	ssyncadd.tile.s32 @!p0 $0x1;
	_ =	shalt  }
.Lfunc_end2:
_tile_overlayer_lowered:
.L_overlay_start_2:
0x287: {  	(tag) =	ssettag $0x2  }
0x288: {  	s0 =	rddreg [dreg:$0x0];
	s2 =	stileid.u32  }
0x289: {  	s1 =	rddreg [dreg:$0x1];
	p0 =	sne.s32 s2, $0x0  }
0x28a: {  	s3 =	rddreg [dreg:$0x2];
	[bflag:$0x3] =	sbarrier.arrive $0xFFFF;
	s2 =	simm.s32 @!p0 $0x1C05  }
0x28b: {  	[timem:s3], [sflag:s2] =	dma.local @!p0 [hbm:s0], s1  }
0x28c: {  	s0 =	simm.s32 @!p0 $0x5  }
0x28d: {  	_ =	swait.ge @!p0 [sflag:s0], s1  }
0x28e: {  	s1 =	ssub.s32 @!p0 $0x0, s1;
	[sflag:s0] =	ssyncset.done @!p0 $0x0  }
0x28f: {  	[sflag:s0] =	ssyncadd.s32 @!p0 s1  }
0x290: {  	[bflag:$0x3] =	sbarrier.arrive $0xFFFF  }
0x291: {  	_ =	shalt  }

</sc_bundles>
